<compile_context>
chip_gen: v7x
topology: tpu7x:2x2x1
jax: 0.10.2.dev20260603
libtpu: 0.0.44.dev20260713+nightly
codegen_flags: <defaults>
</compile_context>

<pallas_src>
import jax
import jax.numpy as jnp
from jax import lax
from jax.experimental import pallas as pl
from jax.experimental.pallas import tpu as pltpu
from jax.experimental.pallas import tpu_sc as plsc

_NC = 2
_NS = 16
_NW = _NC * _NS


def _pick_chunk(ew):
    for ch in range(128, 7, -8):
        if ew % ch == 0:
            return ch
    return None


def _sc_degree(dst3, *, n_pad, cpt, ch):
    seg = n_pad // _NS
    assert seg % 8 == 0
    zlen = ((seg + 15) // 16) * 16
    mesh = plsc.VectorSubcoreMesh(core_axis_name="c", subcore_axis_name="s", num_cores=_NC, num_subcores=_NS)

    def body(dst_hbm, out_hbm, dst_v, ones_v, zbuf, sdeg):
        c = lax.axis_index("c")
        s = lax.axis_index("s")
        w = s * _NC + c
        for i in range(zlen // 16):
            zbuf[pl.ds(i * 16, 16)] = jnp.zeros((16,), jnp.float32)
        pltpu.sync_copy(zbuf.at[pl.ds(0, seg)], sdeg.at[pl.ds(s * seg, seg)])
        pltpu.sync_copy(dst_hbm.at[w], dst_v)
        for i in range(ch // 16):
            ones_v[pl.ds(i * 16, 16)] = jnp.ones((16,), jnp.float32)
        plsc.subcore_barrier()

        def step(i, carry):
            pltpu.sync_copy(ones_v, sdeg.at[dst_v.at[i]], add=True)
            return carry

        lax.fori_loop(0, cpt, step, 0)
        plsc.subcore_barrier()
        pltpu.sync_copy(sdeg.at[pl.ds(s * seg, seg)], zbuf.at[pl.ds(0, seg)])
        pltpu.sync_copy(zbuf.at[pl.ds(0, seg)],
                        out_hbm.at[pl.ds(c * n_pad + s * seg, seg)])

    return pl.kernel(
        body,
        out_type=jax.ShapeDtypeStruct((_NC * n_pad,), jnp.float32),
        mesh=mesh,
        scratch_types=[
            pltpu.VMEM((cpt, ch), jnp.int32),
            pltpu.VMEM((ch,), jnp.float32),
            pltpu.VMEM((zlen,), jnp.float32),
            pltpu.VMEM_SHARED((n_pad,), jnp.float32),
        ],
    )(dst3)


def _sc_aggregate(xs, src3, dst3, *, n, d, cpt, ch):
    assert n % ch == 0 and ch % 8 == 0
    ncr = n // ch
    nk = (ncr + _NS - 1) // _NS
    cp0 = ((cpt + 1) // 2 + 7) // 8 * 8
    mesh = plsc.VectorSubcoreMesh(core_axis_name="c", subcore_axis_name="s", num_cores=_NC, num_subcores=_NS)

    def body(xs_hbm, src_hbm, dst_hbm, out_hbm, src_v, dst_v, rows2, sem, sagg):
        c = lax.axis_index("c")
        s = lax.axis_index("s")
        w = s * _NC + c
        for k in range(nk):
            idx = s + k * _NS

            @pl.when(idx < ncr)
            def _():
                pltpu.sync_copy(xs_hbm.at[pl.ds(idx * ch, ch)], rows2.at[0])
                pltpu.sync_copy(rows2.at[0], sagg.at[pl.ds(idx * ch, ch)])

        plsc.subcore_barrier()

        for p in range(2):
            base = p * cp0
            cnt = cp0 if p == 0 else cpt - cp0
            pltpu.sync_copy(src_hbm.at[w, pl.ds(base, cnt)], src_v.at[pl.ds(0, cnt)])
            pltpu.sync_copy(dst_hbm.at[w, pl.ds(base, cnt)], dst_v.at[pl.ds(0, cnt)])
            pltpu.async_copy(xs_hbm.at[src_v.at[0]], rows2.at[0], sem)

            def step(i, carry, cnt=cnt):
                b = lax.rem(i, 2)
                pltpu.make_async_copy(xs_hbm.at[src_v.at[i]], rows2.at[b], sem).wait()

                @pl.when(i + 1 < cnt)
                def _():
                    pltpu.async_copy(xs_hbm.at[src_v.at[i + 1]], rows2.at[1 - b], sem)

                pltpu.sync_copy(rows2.at[b], sagg.at[dst_v.at[i]], add=True)
                return carry

            lax.fori_loop(0, cnt, step, 0)

        plsc.subcore_barrier()
        for k in range(nk):
            idx = s + k * _NS

            @pl.when(idx < ncr)
            def _():
                pltpu.sync_copy(sagg.at[pl.ds(idx * ch, ch)], rows2.at[0])
                pltpu.sync_copy(rows2.at[0], out_hbm.at[c, pl.ds(idx * ch, ch)])

    return pl.kernel(
        body,
        out_type=jax.ShapeDtypeStruct((_NC, n, d), jnp.float32),
        mesh=mesh,
        scratch_types=[
            pltpu.VMEM((cp0, ch), jnp.int32),
            pltpu.VMEM((cp0, ch), jnp.int32),
            pltpu.VMEM((2, ch, d), jnp.float32),
            pltpu.SemaphoreType.DMA,
            pltpu.VMEM_SHARED((n, d), jnp.float32),
        ],
    )(xs, src3, dst3)


def _tc_scale(x, degp_t, wca, wcc, *, blk):
    n, d = x.shape
    g = n // blk

    def body(x_ref, dg_ref, wca_r, wcc_r, ha_ref, hc_ref, dinv_ref):
        deg = dg_ref[:, 0:1] + dg_ref[:, 1:2] + 1.0
        dinv = 1.0 / jnp.sqrt(jnp.maximum(deg, 1.0))
        xb = x_ref[...]
        xb16 = xb.astype(jnp.bfloat16)
        ha_ref[...] = jnp.dot(xb16, wca_r[...].astype(jnp.bfloat16),
                              preferred_element_type=jnp.float32) * dinv
        hc_ref[...] = jnp.dot(xb16, wcc_r[...].astype(jnp.bfloat16),
                              preferred_element_type=jnp.float32) * dinv
        dinv_ref[...] = dinv

    return pl.pallas_call(
        body,
        grid=(g,),
        in_specs=[pl.BlockSpec((blk, d), lambda i: (i, 0)),
                  pl.BlockSpec((blk, 2), lambda i: (i, 0)),
                  pl.BlockSpec((d, d), lambda i: (0, 0)),
                  pl.BlockSpec((d, d), lambda i: (0, 0))],
        out_specs=[pl.BlockSpec((blk, d), lambda i: (i, 0)),
                   pl.BlockSpec((blk, d), lambda i: (i, 0)),
                   pl.BlockSpec((blk, 1), lambda i: (i, 0))],
        out_shape=[jax.ShapeDtypeStruct((n, d), jnp.float32),
                   jax.ShapeDtypeStruct((n, d), jnp.float32),
                   jax.ShapeDtypeStruct((n, 1), jnp.float32)],
    )(x, degp_t, wca, wcc)


def _tc_heads(pa, pc, x, har, hcr, dinv, bca, w1a, b1a, w2a, b2a, w3a, b3a,
              bcc, *, blk):
    n, d = x.shape
    g = n // blk

    def mm(a, b):
        return jnp.dot(a.astype(jnp.bfloat16), b.astype(jnp.bfloat16),
                       preferred_element_type=jnp.float32)

    def body(pa_ref, pc_ref, x_ref, har_ref, hcr_ref, dinv_ref,
             bca_r, w1a_r, b1a_r, w2a_r, b2a_r, w3a_r, b3a_r, bcc_r,
             conc_ref, hc_ref):
        xb = x_ref[...]
        dv = dinv_ref[...]
        ga = (pa_ref[0] + pa_ref[1] - har_ref[...]) * dv + bca_r[...]
        ha = jnp.maximum(ga, 0.0) + xb
        h1 = jnp.maximum(mm(ha, w1a_r[...]) + b1a_r[...], 0.0)
        h2 = jnp.maximum(mm(h1, w2a_r[...]) + b2a_r[...], 0.0)
        ao = mm(h2, w3a_r[...]) + b3a_r[...]
        conc_ref[...] = jax.nn.softplus(ao) + 1e-20
        gc = (pc_ref[0] + pc_ref[1] - hcr_ref[...]) * dv + bcc_r[...]
        hc_ref[...] = jnp.maximum(gc, 0.0) + xb

    def full(a):
        r = len(a.shape)
        return pl.BlockSpec(a.shape, lambda i, _r=r: (0,) * _r)

    wspecs = [full(w) for w in (bca, w1a, b1a, w2a, b2a, w3a, b3a, bcc)]
    return pl.pallas_call(
        body,
        grid=(g,),
        in_specs=[pl.BlockSpec((_NC, blk, d), lambda i: (0, i, 0)),
                  pl.BlockSpec((_NC, blk, d), lambda i: (0, i, 0)),
                  pl.BlockSpec((blk, d), lambda i: (i, 0)),
                  pl.BlockSpec((blk, d), lambda i: (i, 0)),
                  pl.BlockSpec((blk, d), lambda i: (i, 0)),
                  pl.BlockSpec((blk, 1), lambda i: (i, 0))] + wspecs,
        out_specs=[pl.BlockSpec((blk, 1), lambda i: (i, 0)),
                   pl.BlockSpec((blk, d), lambda i: (i, 0))],
        out_shape=[jax.ShapeDtypeStruct((n, 1), jnp.float32),
                   jax.ShapeDtypeStruct((n, d), jnp.float32)],
    )(pa, pc, x, har, hcr, dinv, bca, w1a, b1a, w2a, b2a, w3a, b3a, bcc)


def kernel(x, edge_index, Wc_a, bc_a, W1_a, b1_a, W2_a, b2_a, W3_a, b3_a,
           Wc_c, bc_c, W1_c, b1_c, W2_c, b2_c, W3_c, b3_c):
    n, d = x.shape
    e = edge_index.shape[1]
    assert e % _NW == 0
    ew = e // _NW
    ch = _pick_chunk(ew)
    cpt = ew // ch
    n_pad = ((n + 127) // 128) * 128

    src3 = edge_index[0].astype(jnp.int32).reshape(_NW, cpt, ch)
    dst3 = edge_index[1].astype(jnp.int32).reshape(_NW, cpt, ch)

    degp = _sc_degree(dst3, n_pad=n_pad, cpt=cpt, ch=ch)
    degp_t = degp.reshape(_NC, n_pad).T
    har, hcr, dinv = _tc_scale(x, degp_t, Wc_a, Wc_c, blk=1000)
    pa = _sc_aggregate(har, src3, dst3, n=n, d=d, cpt=cpt, ch=ch)
    pc = _sc_aggregate(hcr, src3, dst3, n=n, d=d, cpt=cpt, ch=ch)

    b2 = lambda v: v.reshape(1, -1)
    conc, hc = _tc_heads(
        pa, pc, x, har, hcr, dinv,
        b2(bc_a), W1_a, b2(b1_a), W2_a, b2(b2_a), W3_a, b2(b3_a),
        b2(bc_c), blk=1000)
    s = jnp.sum(hc, axis=0)
    c1 = jax.nn.relu(s @ W1_c + b1_c)
    c2 = jax.nn.relu(c1 @ W2_c + b2_c)
    val = c2 @ W3_c + b3_c
    return conc.reshape(-1), val

# --- scband reference (transcript-rebuilt; emitter-appended) ---
"""Pipeline reference for scband-a2-c-80599356276978 (READ-ONLY COPY).

The authoritative reference and input builder live on the scoring server;
editing this copy changes nothing except your own understanding.
"""

import jax, jax.numpy as jnp
import numpy as np

N = 10000
E = 320000
D = 128
H = 32


def _p(key, shape, scale=0.05):
    return jax.random.normal(key, shape, dtype=jnp.float32) * scale


def setup_inputs(seed: int = 0) -> dict:
    key = jax.random.key(seed)
    ks = jax.random.split(key, 20)
    x = jax.random.normal(ks[0], (N, D), dtype=jnp.float32)
    edge_index = jax.random.randint(ks[1], (2, E), 0, N, dtype=jnp.int64)
    inp = {"x": x, "edge_index": edge_index}
    # actor params
    inp["Wc_a"] = _p(ks[2], (D, D)); inp["bc_a"] = jnp.zeros((D,), jnp.float32)
    inp["W1_a"] = _p(ks[3], (D, H)); inp["b1_a"] = jnp.zeros((H,), jnp.float32)
    inp["W2_a"] = _p(ks[4], (H, H)); inp["b2_a"] = jnp.zeros((H,), jnp.float32)
    inp["W3_a"] = _p(ks[5], (H, 1)); inp["b3_a"] = jnp.zeros((1,), jnp.float32)
    # critic params
    inp["Wc_c"] = _p(ks[6], (D, D)); inp["bc_c"] = jnp.zeros((D,), jnp.float32)
    inp["W1_c"] = _p(ks[7], (D, H)); inp["b1_c"] = jnp.zeros((H,), jnp.float32)
    inp["W2_c"] = _p(ks[8], (H, H)); inp["b2_c"] = jnp.zeros((H,), jnp.float32)
    inp["W3_c"] = _p(ks[9], (H, 1)); inp["b3_c"] = jnp.zeros((1,), jnp.float32)
    return inp


def gcn_conv(x, edge_index, W, b):
    # GCNConv with self-loops and symmetric normalization (PyG default)
    n = x.shape[0]
    loop = jnp.arange(n, dtype=edge_index.dtype)
    src = jnp.concatenate([edge_index[0], loop])
    dst = jnp.concatenate([edge_index[1], loop])
    deg = jnp.zeros((n,), jnp.float32).at[dst].add(1.0)
    dinv = 1.0 / jnp.sqrt(jnp.clip(deg, 1.0))
    h = x @ W
    norm = (dinv[src] * dinv[dst])[:, None]
    msg = jnp.take(h, src, axis=0) * norm
    out = jax.ops.segment_sum(msg, dst, num_segments=n)
    return out + b


def actor(x, edge_index, Wc, bc, W1, b1, W2, b2, W3, b3):
    out = jax.nn.relu(gcn_conv(x, edge_index, Wc, bc))
    h = out + x
    h = jax.nn.relu(h @ W1 + b1)
    h = jax.nn.relu(h @ W2 + b2)
    return h @ W3 + b3


def critic(x, edge_index, Wc, bc, W1, b1, W2, b2, W3, b3):
    out = jax.nn.relu(gcn_conv(x, edge_index, Wc, bc))
    h = out + x
    h = jnp.sum(h, axis=0)
    h = jax.nn.relu(h @ W1 + b1)
    h = jax.nn.relu(h @ W2 + b2)
    return h @ W3 + b3


def reference(x, edge_index, Wc_a, bc_a, W1_a, b1_a, W2_a, b2_a, W3_a, b3_a, Wc_c, bc_c, W1_c, b1_c, W2_c, b2_c, W3_c, b3_c):
    jitter = 1e-20
    a_out = actor(x, edge_index, Wc_a, bc_a, W1_a, b1_a, W2_a, b2_a, W3_a, b3_a)
    concentration = jax.nn.softplus(a_out).reshape(-1) + jitter
    value = critic(x, edge_index, Wc_c, bc_c, W1_c, b1_c, W2_c, b2_c, W3_c, b3_c)
    return (concentration, value)

if __name__ == "__main__":
    import jax
    _d = setup_inputs()
    print(jax.jit(kernel)(*tuple(_d.values())))

</pallas_src>

<mosaic_0001>
#map = affine_map<(d0, d1) -> (0, 0, 0)>
#map1 = affine_map<(d0, d1) -> (0)>
module attributes {stable_mosaic.version = 14 : i64} {
  func.func @body(%arg0: i32, %arg1: i32, %arg2: memref<32x125x80xi32, #tpu.memory_space<hbm>>, %arg3: memref<20224xf32, #tpu.memory_space<hbm>>, %arg4: memref<125x80xi32, #tpu.memory_space<vmem>>, %arg5: memref<80xf32, #tpu.memory_space<vmem>>, %arg6: memref<640xf32, #tpu.memory_space<vmem>>, %arg7: memref<10112xf32, #tpu.memory_space<vmem_shared>>) attributes {dimension_semantics = [#tpu.dimension_semantics<core_parallel>, #tpu.dimension_semantics<subcore_parallel>], iteration_bounds = array<i64: 2, 16>, scalar_prefetch = 0 : i64, scratch_operands = 4 : i64, tpu.core_type = #tpu.core_type<sc_vector_subcore>, window_params = [{transform_indices = #map}, {transform_indices = #map1}]} {
    %mul3A = arith.constant 2 : i32
    %mul3A_0 = arith.muli %arg1, %mul3A : i32
    %add3A = arith.addi %mul3A_0, %arg0 : i32
    %broadcast_in_dim3A = arith.constant 0.000000e+00 : f32
    %broadcast_in_dim3A_1 = vector.broadcast %broadcast_in_dim3A : f32 to vector<16xf32>
    %swap3A = arith.constant 0 : index
    %swap3A_2 = tpu.vector_load %arg6[%swap3A] {strides = array<i32>} : memref<640xf32, #tpu.memory_space<vmem>>, vector<16xf32>,
    %swap3A_3 = vector.shape_cast %swap3A_2 : vector<16xf32> to vector<16xf32>
    %swap3A_4 = vector.shape_cast %broadcast_in_dim3A_1 : vector<16xf32> to vector<16xf32>
    tpu.vector_store %arg6[%swap3A], %swap3A_4 {strides = array<i32>} : memref<640xf32, #tpu.memory_space<vmem>>, vector<16xf32>,
    %broadcast_in_dim3A_5 = arith.constant 0.000000e+00 : f32
    %broadcast_in_dim3A_6 = vector.broadcast %broadcast_in_dim3A_5 : f32 to vector<16xf32>
    %swap3A_7 = arith.constant 16 : index
    %swap3A_8 = tpu.vector_load %arg6[%swap3A_7] {strides = array<i32>} : memref<640xf32, #tpu.memory_space<vmem>>, vector<16xf32>,
    %swap3A_9 = vector.shape_cast %swap3A_8 : vector<16xf32> to vector<16xf32>
    %swap3A_10 = vector.shape_cast %broadcast_in_dim3A_6 : vector<16xf32> to vector<16xf32>
    tpu.vector_store %arg6[%swap3A_7], %swap3A_10 {strides = array<i32>} : memref<640xf32, #tpu.memory_space<vmem>>, vector<16xf32>,
    %broadcast_in_dim3A_11 = arith.constant 0.000000e+00 : f32
    %broadcast_in_dim3A_12 = vector.broadcast %broadcast_in_dim3A_11 : f32 to vector<16xf32>
    %swap3A_13 = arith.constant 32 : index
    %swap3A_14 = tpu.vector_load %arg6[%swap3A_13] {strides = array<i32>} : memref<640xf32, #tpu.memory_space<vmem>>, vector<16xf32>,
    %swap3A_15 = vector.shape_cast %swap3A_14 : vector<16xf32> to vector<16xf32>
    %swap3A_16 = vector.shape_cast %broadcast_in_dim3A_12 : vector<16xf32> to vector<16xf32>
    tpu.vector_store %arg6[%swap3A_13], %swap3A_16 {strides = array<i32>} : memref<640xf32, #tpu.memory_space<vmem>>, vector<16xf32>,
    %broadcast_in_dim3A_17 = arith.constant 0.000000e+00 : f32
    %broadcast_in_dim3A_18 = vector.broadcast %broadcast_in_dim3A_17 : f32 to vector<16xf32>
    %swap3A_19 = arith.constant 48 : index
    %swap3A_20 = tpu.vector_load %arg6[%swap3A_19] {strides = array<i32>} : memref<640xf32, #tpu.memory_space<vmem>>, vector<16xf32>,
    %swap3A_21 = vector.shape_cast %swap3A_20 : vector<16xf32> to vector<16xf32>
    %swap3A_22 = vector.shape_cast %broadcast_in_dim3A_18 : vector<16xf32> to vector<16xf32>
    tpu.vector_store %arg6[%swap3A_19], %swap3A_22 {strides = array<i32>} : memref<640xf32, #tpu.memory_space<vmem>>, vector<16xf32>,
    %broadcast_in_dim3A_23 = arith.constant 0.000000e+00 : f32
    %broadcast_in_dim3A_24 = vector.broadcast %broadcast_in_dim3A_23 : f32 to vector<16xf32>
    %swap3A_25 = arith.constant 64 : index
    %swap3A_26 = tpu.vector_load %arg6[%swap3A_25] {strides = array<i32>} : memref<640xf32, #tpu.memory_space<vmem>>, vector<16xf32>,
    %swap3A_27 = vector.shape_cast %swap3A_26 : vector<16xf32> to vector<16xf32>
    %swap3A_28 = vector.shape_cast %broadcast_in_dim3A_24 : vector<16xf32> to vector<16xf32>
    tpu.vector_store %arg6[%swap3A_25], %swap3A_28 {strides = array<i32>} : memref<640xf32, #tpu.memory_space<vmem>>, vector<16xf32>,
    %broadcast_in_dim3A_29 = arith.constant 0.000000e+00 : f32
    %broadcast_in_dim3A_30 = vector.broadcast %broadcast_in_dim3A_29 : f32 to vector<16xf32>
    %swap3A_31 = arith.constant 80 : index
    %swap3A_32 = tpu.vector_load %arg6[%swap3A_31] {strides = array<i32>} : memref<640xf32, #tpu.memory_space<vmem>>, vector<16xf32>,
    %swap3A_33 = vector.shape_cast %swap3A_32 : vector<16xf32> to vector<16xf32>
    %swap3A_34 = vector.shape_cast %broadcast_in_dim3A_30 : vector<16xf32> to vector<16xf32>
    tpu.vector_store %arg6[%swap3A_31], %swap3A_34 {strides = array<i32>} : memref<640xf32, #tpu.memory_space<vmem>>, vector<16xf32>,
    %broadcast_in_dim3A_35 = arith.constant 0.000000e+00 : f32
    %broadcast_in_dim3A_36 = vector.broadcast %broadcast_in_dim3A_35 : f32 to vector<16xf32>
    %swap3A_37 = arith.constant 96 : index
    %swap3A_38 = tpu.vector_load %arg6[%swap3A_37] {strides = array<i32>} : memref<640xf32, #tpu.memory_space<vmem>>, vector<16xf32>,
    %swap3A_39 = vector.shape_cast %swap3A_38 : vector<16xf32> to vector<16xf32>
    %swap3A_40 = vector.shape_cast %broadcast_in_dim3A_36 : vector<16xf32> to vector<16xf32>
    tpu.vector_store %arg6[%swap3A_37], %swap3A_40 {strides = array<i32>} : memref<640xf32, #tpu.memory_space<vmem>>, vector<16xf32>,
    %broadcast_in_dim3A_41 = arith.constant 0.000000e+00 : f32
    %broadcast_in_dim3A_42 = vector.broadcast %broadcast_in_dim3A_41 : f32 to vector<16xf32>
    %swap3A_43 = arith.constant 112 : index
    %swap3A_44 = tpu.vector_load %arg6[%swap3A_43] {strides = array<i32>} : memref<640xf32, #tpu.memory_space<vmem>>, vector<16xf32>,
    %swap3A_45 = vector.shape_cast %swap3A_44 : vector<16xf32> to vector<16xf32>
    %swap3A_46 = vector.shape_cast %broadcast_in_dim3A_42 : vector<16xf32> to vector<16xf32>
    tpu.vector_store %arg6[%swap3A_43], %swap3A_46 {strides = array<i32>} : memref<640xf32, #tpu.memory_space<vmem>>, vector<16xf32>,
    %broadcast_in_dim3A_47 = arith.constant 0.000000e+00 : f32
    %broadcast_in_dim3A_48 = vector.broadcast %broadcast_in_dim3A_47 : f32 to vector<16xf32>
    %swap3A_49 = arith.constant 128 : index
    %swap3A_50 = tpu.vector_load %arg6[%swap3A_49] {strides = array<i32>} : memref<640xf32, #tpu.memory_space<vmem>>, vector<16xf32>,
    %swap3A_51 = vector.shape_cast %swap3A_50 : vector<16xf32> to vector<16xf32>
    %swap3A_52 = vector.shape_cast %broadcast_in_dim3A_48 : vector<16xf32> to vector<16xf32>
    tpu.vector_store %arg6[%swap3A_49], %swap3A_52 {strides = array<i32>} : memref<640xf32, #tpu.memory_space<vmem>>, vector<16xf32>,
    %broadcast_in_dim3A_53 = arith.constant 0.000000e+00 : f32
    %broadcast_in_dim3A_54 = vector.broadcast %broadcast_in_dim3A_53 : f32 to vector<16xf32>
    %swap3A_55 = arith.constant 144 : index
    %swap3A_56 = tpu.vector_load %arg6[%swap3A_55] {strides = array<i32>} : memref<640xf32, #tpu.memory_space<vmem>>, vector<16xf32>,
    %swap3A_57 = vector.shape_cast %swap3A_56 : vector<16xf32> to vector<16xf32>
    %swap3A_58 = vector.shape_cast %broadcast_in_dim3A_54 : vector<16xf32> to vector<16xf32>
    tpu.vector_store %arg6[%swap3A_55], %swap3A_58 {strides = array<i32>} : memref<640xf32, #tpu.memory_space<vmem>>, vector<16xf32>,
    %broadcast_in_dim3A_59 = arith.constant 0.000000e+00 : f32
    %broadcast_in_dim3A_60 = vector.broadcast %broadcast_in_dim3A_59 : f32 to vector<16xf32>
    %swap3A_61 = arith.constant 160 : index
    %swap3A_62 = tpu.vector_load %arg6[%swap3A_61] {strides = array<i32>} : memref<640xf32, #tpu.memory_space<vmem>>, vector<16xf32>,
    %swap3A_63 = vector.shape_cast %swap3A_62 : vector<16xf32> to vector<16xf32>
    %swap3A_64 = vector.shape_cast %broadcast_in_dim3A_60 : vector<16xf32> to vector<16xf32>
    tpu.vector_store %arg6[%swap3A_61], %swap3A_64 {strides = array<i32>} : memref<640xf32, #tpu.memory_space<vmem>>, vector<16xf32>,
    %broadcast_in_dim3A_65 = arith.constant 0.000000e+00 : f32
    %broadcast_in_dim3A_66 = vector.broadcast %broadcast_in_dim3A_65 : f32 to vector<16xf32>
    %swap3A_67 = arith.constant 176 : index
    %swap3A_68 = tpu.vector_load %arg6[%swap3A_67] {strides = array<i32>} : memref<640xf32, #tpu.memory_space<vmem>>, vector<16xf32>,
    %swap3A_69 = vector.shape_cast %swap3A_68 : vector<16xf32> to vector<16xf32>
    %swap3A_70 = vector.shape_cast %broadcast_in_dim3A_66 : vector<16xf32> to vector<16xf32>
    tpu.vector_store %arg6[%swap3A_67], %swap3A_70 {strides = array<i32>} : memref<640xf32, #tpu.memory_space<vmem>>, vector<16xf32>,
    %broadcast_in_dim3A_71 = arith.constant 0.000000e+00 : f32
    %broadcast_in_dim3A_72 = vector.broadcast %broadcast_in_dim3A_71 : f32 to vector<16xf32>
    %swap3A_73 = arith.constant 192 : index
    %swap3A_74 = tpu.vector_load %arg6[%swap3A_73] {strides = array<i32>} : memref<640xf32, #tpu.memory_space<vmem>>, vector<16xf32>,
    %swap3A_75 = vector.shape_cast %swap3A_74 : vector<16xf32> to vector<16xf32>
    %swap3A_76 = vector.shape_cast %broadcast_in_dim3A_72 : vector<16xf32> to vector<16xf32>
    tpu.vector_store %arg6[%swap3A_73], %swap3A_76 {strides = array<i32>} : memref<640xf32, #tpu.memory_space<vmem>>, vector<16xf32>,
    %broadcast_in_dim3A_77 = arith.constant 0.000000e+00 : f32
    %broadcast_in_dim3A_78 = vector.broadcast %broadcast_in_dim3A_77 : f32 to vector<16xf32>
    %swap3A_79 = arith.constant 208 : index
    %swap3A_80 = tpu.vector_load %arg6[%swap3A_79] {strides = array<i32>} : memref<640xf32, #tpu.memory_space<vmem>>, vector<16xf32>,
    %swap3A_81 = vector.shape_cast %swap3A_80 : vector<16xf32> to vector<16xf32>
    %swap3A_82 = vector.shape_cast %broadcast_in_dim3A_78 : vector<16xf32> to vector<16xf32>
    tpu.vector_store %arg6[%swap3A_79], %swap3A_82 {strides = array<i32>} : memref<640xf32, #tpu.memory_space<vmem>>, vector<16xf32>,
    %broadcast_in_dim3A_83 = arith.constant 0.000000e+00 : f32
    %broadcast_in_dim3A_84 = vector.broadcast %broadcast_in_dim3A_83 : f32 to vector<16xf32>
    %swap3A_85 = arith.constant 224 : index
    %swap3A_86 = tpu.vector_load %arg6[%swap3A_85] {strides = array<i32>} : memref<640xf32, #tpu.memory_space<vmem>>, vector<16xf32>,
    %swap3A_87 = vector.shape_cast %swap3A_86 : vector<16xf32> to vector<16xf32>
    %swap3A_88 = vector.shape_cast %broadcast_in_dim3A_84 : vector<16xf32> to vector<16xf32>
    tpu.vector_store %arg6[%swap3A_85], %swap3A_88 {strides = array<i32>} : memref<640xf32, #tpu.memory_space<vmem>>, vector<16xf32>,
    %broadcast_in_dim3A_89 = arith.constant 0.000000e+00 : f32
    %broadcast_in_dim3A_90 = vector.broadcast %broadcast_in_dim3A_89 : f32 to vector<16xf32>
    %swap3A_91 = arith.constant 240 : index
    %swap3A_92 = tpu.vector_load %arg6[%swap3A_91] {strides = array<i32>} : memref<640xf32, #tpu.memory_space<vmem>>, vector<16xf32>,
    %swap3A_93 = vector.shape_cast %swap3A_92 : vector<16xf32> to vector<16xf32>
    %swap3A_94 = vector.shape_cast %broadcast_in_dim3A_90 : vector<16xf32> to vector<16xf32>
    tpu.vector_store %arg6[%swap3A_91], %swap3A_94 {strides = array<i32>} : memref<640xf32, #tpu.memory_space<vmem>>, vector<16xf32>,
    %broadcast_in_dim3A_95 = arith.constant 0.000000e+00 : f32
    %broadcast_in_dim3A_96 = vector.broadcast %broadcast_in_dim3A_95 : f32 to vector<16xf32>
    %swap3A_97 = arith.constant 256 : index
    %swap3A_98 = tpu.vector_load %arg6[%swap3A_97] {strides = array<i32>} : memref<640xf32, #tpu.memory_space<vmem>>, vector<16xf32>,
    %swap3A_99 = vector.shape_cast %swap3A_98 : vector<16xf32> to vector<16xf32>
    %swap3A_100 = vector.shape_cast %broadcast_in_dim3A_96 : vector<16xf32> to vector<16xf32>
    tpu.vector_store %arg6[%swap3A_97], %swap3A_100 {strides = array<i32>} : memref<640xf32, #tpu.memory_space<vmem>>, vector<16xf32>,
    %broadcast_in_dim3A_101 = arith.constant 0.000000e+00 : f32
    %broadcast_in_dim3A_102 = vector.broadcast %broadcast_in_dim3A_101 : f32 to vector<16xf32>
    %swap3A_103 = arith.constant 272 : index
    %swap3A_104 = tpu.vector_load %arg6[%swap3A_103] {strides = array<i32>} : memref<640xf32, #tpu.memory_space<vmem>>, vector<16xf32>,
    %swap3A_105 = vector.shape_cast %swap3A_104 : vector<16xf32> to vector<16xf32>
    %swap3A_106 = vector.shape_cast %broadcast_in_dim3A_102 : vector<16xf32> to vector<16xf32>
    tpu.vector_store %arg6[%swap3A_103], %swap3A_106 {strides = array<i32>} : memref<640xf32, #tpu.memory_space<vmem>>, vector<16xf32>,
    %broadcast_in_dim3A_107 = arith.constant 0.000000e+00 : f32
    %broadcast_in_dim3A_108 = vector.broadcast %broadcast_in_dim3A_107 : f32 to vector<16xf32>
    %swap3A_109 = arith.constant 288 : index
    %swap3A_110 = tpu.vector_load %arg6[%swap3A_109] {strides = array<i32>} : memref<640xf32, #tpu.memory_space<vmem>>, vector<16xf32>,
    %swap3A_111 = vector.shape_cast %swap3A_110 : vector<16xf32> to vector<16xf32>
    %swap3A_112 = vector.shape_cast %broadcast_in_dim3A_108 : vector<16xf32> to vector<16xf32>
    tpu.vector_store %arg6[%swap3A_109], %swap3A_112 {strides = array<i32>} : memref<640xf32, #tpu.memory_space<vmem>>, vector<16xf32>,
    %broadcast_in_dim3A_113 = arith.constant 0.000000e+00 : f32
    %broadcast_in_dim3A_114 = vector.broadcast %broadcast_in_dim3A_113 : f32 to vector<16xf32>
    %swap3A_115 = arith.constant 304 : index
    %swap3A_116 = tpu.vector_load %arg6[%swap3A_115] {strides = array<i32>} : memref<640xf32, #tpu.memory_space<vmem>>, vector<16xf32>,
    %swap3A_117 = vector.shape_cast %swap3A_116 : vector<16xf32> to vector<16xf32>
    %swap3A_118 = vector.shape_cast %broadcast_in_dim3A_114 : vector<16xf32> to vector<16xf32>
    tpu.vector_store %arg6[%swap3A_115], %swap3A_118 {strides = array<i32>} : memref<640xf32, #tpu.memory_space<vmem>>, vector<16xf32>,
    %broadcast_in_dim3A_119 = arith.constant 0.000000e+00 : f32
    %broadcast_in_dim3A_120 = vector.broadcast %broadcast_in_dim3A_119 : f32 to vector<16xf32>
    %swap3A_121 = arith.constant 320 : index
    %swap3A_122 = tpu.vector_load %arg6[%swap3A_121] {strides = array<i32>} : memref<640xf32, #tpu.memory_space<vmem>>, vector<16xf32>,
    %swap3A_123 = vector.shape_cast %swap3A_122 : vector<16xf32> to vector<16xf32>
    %swap3A_124 = vector.shape_cast %broadcast_in_dim3A_120 : vector<16xf32> to vector<16xf32>
    tpu.vector_store %arg6[%swap3A_121], %swap3A_124 {strides = array<i32>} : memref<640xf32, #tpu.memory_space<vmem>>, vector<16xf32>,
    %broadcast_in_dim3A_125 = arith.constant 0.000000e+00 : f32
    %broadcast_in_dim3A_126 = vector.broadcast %broadcast_in_dim3A_125 : f32 to vector<16xf32>
    %swap3A_127 = arith.constant 336 : index
    %swap3A_128 = tpu.vector_load %arg6[%swap3A_127] {strides = array<i32>} : memref<640xf32, #tpu.memory_space<vmem>>, vector<16xf32>,
    %swap3A_129 = vector.shape_cast %swap3A_128 : vector<16xf32> to vector<16xf32>
    %swap3A_130 = vector.shape_cast %broadcast_in_dim3A_126 : vector<16xf32> to vector<16xf32>
    tpu.vector_store %arg6[%swap3A_127], %swap3A_130 {strides = array<i32>} : memref<640xf32, #tpu.memory_space<vmem>>, vector<16xf32>,
    %broadcast_in_dim3A_131 = arith.constant 0.000000e+00 : f32
    %broadcast_in_dim3A_132 = vector.broadcast %broadcast_in_dim3A_131 : f32 to vector<16xf32>
    %swap3A_133 = arith.constant 352 : index
    %swap3A_134 = tpu.vector_load %arg6[%swap3A_133] {strides = array<i32>} : memref<640xf32, #tpu.memory_space<vmem>>, vector<16xf32>,
    %swap3A_135 = vector.shape_cast %swap3A_134 : vector<16xf32> to vector<16xf32>
    %swap3A_136 = vector.shape_cast %broadcast_in_dim3A_132 : vector<16xf32> to vector<16xf32>
    tpu.vector_store %arg6[%swap3A_133], %swap3A_136 {strides = array<i32>} : memref<640xf32, #tpu.memory_space<vmem>>, vector<16xf32>,
    %broadcast_in_dim3A_137 = arith.constant 0.000000e+00 : f32
    %broadcast_in_dim3A_138 = vector.broadcast %broadcast_in_dim3A_137 : f32 to vector<16xf32>
    %swap3A_139 = arith.constant 368 : index
    %swap3A_140 = tpu.vector_load %arg6[%swap3A_139] {strides = array<i32>} : memref<640xf32, #tpu.memory_space<vmem>>, vector<16xf32>,
    %swap3A_141 = vector.shape_cast %swap3A_140 : vector<16xf32> to vector<16xf32>
    %swap3A_142 = vector.shape_cast %broadcast_in_dim3A_138 : vector<16xf32> to vector<16xf32>
    tpu.vector_store %arg6[%swap3A_139], %swap3A_142 {strides = array<i32>} : memref<640xf32, #tpu.memory_space<vmem>>, vector<16xf32>,
    %broadcast_in_dim3A_143 = arith.constant 0.000000e+00 : f32
    %broadcast_in_dim3A_144 = vector.broadcast %broadcast_in_dim3A_143 : f32 to vector<16xf32>
    %swap3A_145 = arith.constant 384 : index
    %swap3A_146 = tpu.vector_load %arg6[%swap3A_145] {strides = array<i32>} : memref<640xf32, #tpu.memory_space<vmem>>, vector<16xf32>,
    %swap3A_147 = vector.shape_cast %swap3A_146 : vector<16xf32> to vector<16xf32>
    %swap3A_148 = vector.shape_cast %broadcast_in_dim3A_144 : vector<16xf32> to vector<16xf32>
    tpu.vector_store %arg6[%swap3A_145], %swap3A_148 {strides = array<i32>} : memref<640xf32, #tpu.memory_space<vmem>>, vector<16xf32>,
    %broadcast_in_dim3A_149 = arith.constant 0.000000e+00 : f32
    %broadcast_in_dim3A_150 = vector.broadcast %broadcast_in_dim3A_149 : f32 to vector<16xf32>
    %swap3A_151 = arith.constant 400 : index
    %swap3A_152 = tpu.vector_load %arg6[%swap3A_151] {strides = array<i32>} : memref<640xf32, #tpu.memory_space<vmem>>, vector<16xf32>,
    %swap3A_153 = vector.shape_cast %swap3A_152 : vector<16xf32> to vector<16xf32>
    %swap3A_154 = vector.shape_cast %broadcast_in_dim3A_150 : vector<16xf32> to vector<16xf32>
    tpu.vector_store %arg6[%swap3A_151], %swap3A_154 {strides = array<i32>} : memref<640xf32, #tpu.memory_space<vmem>>, vector<16xf32>,
    %broadcast_in_dim3A_155 = arith.constant 0.000000e+00 : f32
    %broadcast_in_dim3A_156 = vector.broadcast %broadcast_in_dim3A_155 : f32 to vector<16xf32>
    %swap3A_157 = arith.constant 416 : index
    %swap3A_158 = tpu.vector_load %arg6[%swap3A_157] {strides = array<i32>} : memref<640xf32, #tpu.memory_space<vmem>>, vector<16xf32>,
    %swap3A_159 = vector.shape_cast %swap3A_158 : vector<16xf32> to vector<16xf32>
    %swap3A_160 = vector.shape_cast %broadcast_in_dim3A_156 : vector<16xf32> to vector<16xf32>
    tpu.vector_store %arg6[%swap3A_157], %swap3A_160 {strides = array<i32>} : memref<640xf32, #tpu.memory_space<vmem>>, vector<16xf32>,
    %broadcast_in_dim3A_161 = arith.constant 0.000000e+00 : f32
    %broadcast_in_dim3A_162 = vector.broadcast %broadcast_in_dim3A_161 : f32 to vector<16xf32>
    %swap3A_163 = arith.constant 432 : index
    %swap3A_164 = tpu.vector_load %arg6[%swap3A_163] {strides = array<i32>} : memref<640xf32, #tpu.memory_space<vmem>>, vector<16xf32>,
    %swap3A_165 = vector.shape_cast %swap3A_164 : vector<16xf32> to vector<16xf32>
    %swap3A_166 = vector.shape_cast %broadcast_in_dim3A_162 : vector<16xf32> to vector<16xf32>
    tpu.vector_store %arg6[%swap3A_163], %swap3A_166 {strides = array<i32>} : memref<640xf32, #tpu.memory_space<vmem>>, vector<16xf32>,
    %broadcast_in_dim3A_167 = arith.constant 0.000000e+00 : f32
    %broadcast_in_dim3A_168 = vector.broadcast %broadcast_in_dim3A_167 : f32 to vector<16xf32>
    %swap3A_169 = arith.constant 448 : index
    %swap3A_170 = tpu.vector_load %arg6[%swap3A_169] {strides = array<i32>} : memref<640xf32, #tpu.memory_space<vmem>>, vector<16xf32>,
    %swap3A_171 = vector.shape_cast %swap3A_170 : vector<16xf32> to vector<16xf32>
    %swap3A_172 = vector.shape_cast %broadcast_in_dim3A_168 : vector<16xf32> to vector<16xf32>
    tpu.vector_store %arg6[%swap3A_169], %swap3A_172 {strides = array<i32>} : memref<640xf32, #tpu.memory_space<vmem>>, vector<16xf32>,
    %broadcast_in_dim3A_173 = arith.constant 0.000000e+00 : f32
    %broadcast_in_dim3A_174 = vector.broadcast %broadcast_in_dim3A_173 : f32 to vector<16xf32>
    %swap3A_175 = arith.constant 464 : index
    %swap3A_176 = tpu.vector_load %arg6[%swap3A_175] {strides = array<i32>} : memref<640xf32, #tpu.memory_space<vmem>>, vector<16xf32>,
    %swap3A_177 = vector.shape_cast %swap3A_176 : vector<16xf32> to vector<16xf32>
    %swap3A_178 = vector.shape_cast %broadcast_in_dim3A_174 : vector<16xf32> to vector<16xf32>
    tpu.vector_store %arg6[%swap3A_175], %swap3A_178 {strides = array<i32>} : memref<640xf32, #tpu.memory_space<vmem>>, vector<16xf32>,
    %broadcast_in_dim3A_179 = arith.constant 0.000000e+00 : f32
    %broadcast_in_dim3A_180 = vector.broadcast %broadcast_in_dim3A_179 : f32 to vector<16xf32>
    %swap3A_181 = arith.constant 480 : index
    %swap3A_182 = tpu.vector_load %arg6[%swap3A_181] {strides = array<i32>} : memref<640xf32, #tpu.memory_space<vmem>>, vector<16xf32>,
    %swap3A_183 = vector.shape_cast %swap3A_182 : vector<16xf32> to vector<16xf32>
    %swap3A_184 = vector.shape_cast %broadcast_in_dim3A_180 : vector<16xf32> to vector<16xf32>
    tpu.vector_store %arg6[%swap3A_181], %swap3A_184 {strides = array<i32>} : memref<640xf32, #tpu.memory_space<vmem>>, vector<16xf32>,
    %broadcast_in_dim3A_185 = arith.constant 0.000000e+00 : f32
    %broadcast_in_dim3A_186 = vector.broadcast %broadcast_in_dim3A_185 : f32 to vector<16xf32>
    %swap3A_187 = arith.constant 496 : index
    %swap3A_188 = tpu.vector_load %arg6[%swap3A_187] {strides = array<i32>} : memref<640xf32, #tpu.memory_space<vmem>>, vector<16xf32>,
    %swap3A_189 = vector.shape_cast %swap3A_188 : vector<16xf32> to vector<16xf32>
    %swap3A_190 = vector.shape_cast %broadcast_in_dim3A_186 : vector<16xf32> to vector<16xf32>
    tpu.vector_store %arg6[%swap3A_187], %swap3A_190 {strides = array<i32>} : memref<640xf32, #tpu.memory_space<vmem>>, vector<16xf32>,
    %broadcast_in_dim3A_191 = arith.constant 0.000000e+00 : f32
    %broadcast_in_dim3A_192 = vector.broadcast %broadcast_in_dim3A_191 : f32 to vector<16xf32>
    %swap3A_193 = arith.constant 512 : index
    %swap3A_194 = tpu.vector_load %arg6[%swap3A_193] {strides = array<i32>} : memref<640xf32, #tpu.memory_space<vmem>>, vector<16xf32>,
    %swap3A_195 = vector.shape_cast %swap3A_194 : vector<16xf32> to vector<16xf32>
    %swap3A_196 = vector.shape_cast %broadcast_in_dim3A_192 : vector<16xf32> to vector<16xf32>
    tpu.vector_store %arg6[%swap3A_193], %swap3A_196 {strides = array<i32>} : memref<640xf32, #tpu.memory_space<vmem>>, vector<16xf32>,
    %broadcast_in_dim3A_197 = arith.constant 0.000000e+00 : f32
    %broadcast_in_dim3A_198 = vector.broadcast %broadcast_in_dim3A_197 : f32 to vector<16xf32>
    %swap3A_199 = arith.constant 528 : index
    %swap3A_200 = tpu.vector_load %arg6[%swap3A_199] {strides = array<i32>} : memref<640xf32, #tpu.memory_space<vmem>>, vector<16xf32>,
    %swap3A_201 = vector.shape_cast %swap3A_200 : vector<16xf32> to vector<16xf32>
    %swap3A_202 = vector.shape_cast %broadcast_in_dim3A_198 : vector<16xf32> to vector<16xf32>
    tpu.vector_store %arg6[%swap3A_199], %swap3A_202 {strides = array<i32>} : memref<640xf32, #tpu.memory_space<vmem>>, vector<16xf32>,
    %broadcast_in_dim3A_203 = arith.constant 0.000000e+00 : f32
    %broadcast_in_dim3A_204 = vector.broadcast %broadcast_in_dim3A_203 : f32 to vector<16xf32>
    %swap3A_205 = arith.constant 544 : index
    %swap3A_206 = tpu.vector_load %arg6[%swap3A_205] {strides = array<i32>} : memref<640xf32, #tpu.memory_space<vmem>>, vector<16xf32>,
    %swap3A_207 = vector.shape_cast %swap3A_206 : vector<16xf32> to vector<16xf32>
    %swap3A_208 = vector.shape_cast %broadcast_in_dim3A_204 : vector<16xf32> to vector<16xf32>
    tpu.vector_store %arg6[%swap3A_205], %swap3A_208 {strides = array<i32>} : memref<640xf32, #tpu.memory_space<vmem>>, vector<16xf32>,
    %broadcast_in_dim3A_209 = arith.constant 0.000000e+00 : f32
    %broadcast_in_dim3A_210 = vector.broadcast %broadcast_in_dim3A_209 : f32 to vector<16xf32>
    %swap3A_211 = arith.constant 560 : index
    %swap3A_212 = tpu.vector_load %arg6[%swap3A_211] {strides = array<i32>} : memref<640xf32, #tpu.memory_space<vmem>>, vector<16xf32>,
    %swap3A_213 = vector.shape_cast %swap3A_212 : vector<16xf32> to vector<16xf32>
    %swap3A_214 = vector.shape_cast %broadcast_in_dim3A_210 : vector<16xf32> to vector<16xf32>
    tpu.vector_store %arg6[%swap3A_211], %swap3A_214 {strides = array<i32>} : memref<640xf32, #tpu.memory_space<vmem>>, vector<16xf32>,
    %broadcast_in_dim3A_215 = arith.constant 0.000000e+00 : f32
    %broadcast_in_dim3A_216 = vector.broadcast %broadcast_in_dim3A_215 : f32 to vector<16xf32>
    %swap3A_217 = arith.constant 576 : index
    %swap3A_218 = tpu.vector_load %arg6[%swap3A_217] {strides = array<i32>} : memref<640xf32, #tpu.memory_space<vmem>>, vector<16xf32>,
    %swap3A_219 = vector.shape_cast %swap3A_218 : vector<16xf32> to vector<16xf32>
    %swap3A_220 = vector.shape_cast %broadcast_in_dim3A_216 : vector<16xf32> to vector<16xf32>
    tpu.vector_store %arg6[%swap3A_217], %swap3A_220 {strides = array<i32>} : memref<640xf32, #tpu.memory_space<vmem>>, vector<16xf32>,
    %broadcast_in_dim3A_221 = arith.constant 0.000000e+00 : f32
    %broadcast_in_dim3A_222 = vector.broadcast %broadcast_in_dim3A_221 : f32 to vector<16xf32>
    %swap3A_223 = arith.constant 592 : index
    %swap3A_224 = tpu.vector_load %arg6[%swap3A_223] {strides = array<i32>} : memref<640xf32, #tpu.memory_space<vmem>>, vector<16xf32>,
    %swap3A_225 = vector.shape_cast %swap3A_224 : vector<16xf32> to vector<16xf32>
    %swap3A_226 = vector.shape_cast %broadcast_in_dim3A_222 : vector<16xf32> to vector<16xf32>
    tpu.vector_store %arg6[%swap3A_223], %swap3A_226 {strides = array<i32>} : memref<640xf32, #tpu.memory_space<vmem>>, vector<16xf32>,
    %broadcast_in_dim3A_227 = arith.constant 0.000000e+00 : f32
    %broadcast_in_dim3A_228 = vector.broadcast %broadcast_in_dim3A_227 : f32 to vector<16xf32>
    %swap3A_229 = arith.constant 608 : index
    %swap3A_230 = tpu.vector_load %arg6[%swap3A_229] {strides = array<i32>} : memref<640xf32, #tpu.memory_space<vmem>>, vector<16xf32>,
    %swap3A_231 = vector.shape_cast %swap3A_230 : vector<16xf32> to vector<16xf32>
    %swap3A_232 = vector.shape_cast %broadcast_in_dim3A_228 : vector<16xf32> to vector<16xf32>
    tpu.vector_store %arg6[%swap3A_229], %swap3A_232 {strides = array<i32>} : memref<640xf32, #tpu.memory_space<vmem>>, vector<16xf32>,
    %broadcast_in_dim3A_233 = arith.constant 0.000000e+00 : f32
    %broadcast_in_dim3A_234 = vector.broadcast %broadcast_in_dim3A_233 : f32 to vector<16xf32>
    %swap3A_235 = arith.constant 624 : index
    %swap3A_236 = tpu.vector_load %arg6[%swap3A_235] {strides = array<i32>} : memref<640xf32, #tpu.memory_space<vmem>>, vector<16xf32>,
    %swap3A_237 = vector.shape_cast %swap3A_236 : vector<16xf32> to vector<16xf32>
    %swap3A_238 = vector.shape_cast %broadcast_in_dim3A_234 : vector<16xf32> to vector<16xf32>
    tpu.vector_store %arg6[%swap3A_235], %swap3A_238 {strides = array<i32>} : memref<640xf32, #tpu.memory_space<vmem>>, vector<16xf32>,
    %mul3A_239 = arith.constant 632 : i32
    %mul3A_240 = arith.muli %arg1, %mul3A_239 : i32
    "tpu.region"() ({
      %run_scoped3A = tpu.sem_alloc : memref<!tpu.dma_semaphore, #tpu.memory_space<semaphore_mem>>
      %dma_start3A = arith.constant 0 : i32
      %dma_start3A_284 = tpu.memref_slice %arg6[%dma_start3A] : memref<640xf32, #tpu.memory_space<vmem>> -> memref<632xf32, #tpu.memory_space<vmem>>
      %dma_start3A_285 = tpu.memref_slice %arg7[%mul3A_240] : memref<10112xf32, #tpu.memory_space<vmem_shared>> -> memref<632xf32, #tpu.memory_space<vmem_shared>>
      %dma_start3A_286 = tpu.memref_slice %arg7[%mul3A_240] : memref<10112xf32, #tpu.memory_space<vmem_shared>> -> memref<632xf32, #tpu.memory_space<vmem_shared>>
      %dma_start3A_287 = arith.constant 0 : i32
      %dma_start3A_288 = tpu.memref_slice %arg6[%dma_start3A_287] : memref<640xf32, #tpu.memory_space<vmem>> -> memref<632xf32, #tpu.memory_space<vmem>>
      tpu.enqueue_dma source(%dma_start3A_288 : memref<632xf32, #tpu.memory_space<vmem>>) target(%dma_start3A_286 : memref<632xf32, #tpu.memory_space<vmem_shared>>) target_semaphore(%run_scoped3A : memref<!tpu.dma_semaphore, #tpu.memory_space<semaphore_mem>>)
      %dma_wait3A = arith.constant 0 : i32
      %dma_wait3A_289 = tpu.memref_slice %arg6[%dma_wait3A] : memref<640xf32, #tpu.memory_space<vmem>> -> memref<632xf32, #tpu.memory_space<vmem>>
      %dma_wait3A_290 = tpu.memref_slice %arg7[%mul3A_240] : memref<10112xf32, #tpu.memory_space<vmem_shared>> -> memref<632xf32, #tpu.memory_space<vmem_shared>>
      %dma_wait3A_291 = tpu.memref_slice %arg7[%mul3A_240] : memref<10112xf32, #tpu.memory_space<vmem_shared>> -> memref<632xf32, #tpu.memory_space<vmem_shared>>
      %dma_wait3A_292 = arith.constant 0 : i32
      %dma_wait3A_293 = tpu.memref_slice %arg6[%dma_wait3A_292] : memref<640xf32, #tpu.memory_space<vmem>> -> memref<632xf32, #tpu.memory_space<vmem>>
      tpu.wait_dma2 semaphore(%run_scoped3A : memref<!tpu.dma_semaphore, #tpu.memory_space<semaphore_mem>>) src(%dma_wait3A_293 : memref<632xf32, #tpu.memory_space<vmem>>) dst(%dma_wait3A_291 : memref<632xf32, #tpu.memory_space<vmem_shared>>)
      tpu.yield
    }) : () -> ()
    "tpu.region"() ({
      %run_scoped3A = tpu.sem_alloc : memref<!tpu.dma_semaphore, #tpu.memory_space<semaphore_mem>>
      %dma_start3A = arith.constant 0 : i32
      %dma_start3A_284 = arith.constant 0 : i32
      %dma_start3A_285 = tpu.memref_slice %arg2[%add3A, %dma_start3A, %dma_start3A_284] : memref<32x125x80xi32, #tpu.memory_space<hbm>> -> memref<1x125x80xi32, #tpu.memory_space<hbm>>
      %dma_start3A_286 = tpu.memref_squeeze %dma_start3A_285 : memref<1x125x80xi32, #tpu.memory_space<hbm>> -> memref<125x80xi32, #tpu.memory_space<hbm>>
      %dma_start3A_287 = arith.constant 0 : i32
      %dma_start3A_288 = arith.constant 0 : i32
      %dma_start3A_289 = tpu.memref_slice %arg2[%add3A, %dma_start3A_287, %dma_start3A_288] : memref<32x125x80xi32, #tpu.memory_space<hbm>> -> memref<1x125x80xi32, #tpu.memory_space<hbm>>
      %dma_start3A_290 = tpu.memref_squeeze %dma_start3A_289 : memref<1x125x80xi32, #tpu.memory_space<hbm>> -> memref<125x80xi32, #tpu.memory_space<hbm>>
      tpu.enqueue_dma source(%dma_start3A_290 : memref<125x80xi32, #tpu.memory_space<hbm>>) target(%arg4 : memref<125x80xi32, #tpu.memory_space<vmem>>) target_semaphore(%run_scoped3A : memref<!tpu.dma_semaphore, #tpu.memory_space<semaphore_mem>>)
      %dma_wait3A = arith.constant 0 : i32
      %dma_wait3A_291 = arith.constant 0 : i32
      %dma_wait3A_292 = tpu.memref_slice %arg2[%add3A, %dma_wait3A, %dma_wait3A_291] : memref<32x125x80xi32, #tpu.memory_space<hbm>> -> memref<1x125x80xi32, #tpu.memory_space<hbm>>
      %dma_wait3A_293 = tpu.memref_squeeze %dma_wait3A_292 : memref<1x125x80xi32, #tpu.memory_space<hbm>> -> memref<125x80xi32, #tpu.memory_space<hbm>>
      %dma_wait3A_294 = arith.constant 0 : i32
      %dma_wait3A_295 = arith.constant 0 : i32
      %dma_wait3A_296 = tpu.memref_slice %arg2[%add3A, %dma_wait3A_294, %dma_wait3A_295] : memref<32x125x80xi32, #tpu.memory_space<hbm>> -> memref<1x125x80xi32, #tpu.memory_space<hbm>>
      %dma_wait3A_297 = tpu.memref_squeeze %dma_wait3A_296 : memref<1x125x80xi32, #tpu.memory_space<hbm>> -> memref<125x80xi32, #tpu.memory_space<hbm>>
      tpu.wait_dma2 semaphore(%run_scoped3A : memref<!tpu.dma_semaphore, #tpu.memory_space<semaphore_mem>>) src(%dma_wait3A_297 : memref<125x80xi32, #tpu.memory_space<hbm>>) dst(%arg4 : memref<125x80xi32, #tpu.memory_space<vmem>>)
      tpu.yield
    }) : () -> ()
    %broadcast_in_dim3A_241 = arith.constant 1.000000e+00 : f32
    %broadcast_in_dim3A_242 = vector.broadcast %broadcast_in_dim3A_241 : f32 to vector<16xf32>
    %swap3A_243 = arith.constant 0 : index
    %swap3A_244 = tpu.vector_load %arg5[%swap3A_243] {strides = array<i32>} : memref<80xf32, #tpu.memory_space<vmem>>, vector<16xf32>,
    %swap3A_245 = vector.shape_cast %swap3A_244 : vector<16xf32> to vector<16xf32>
    %swap3A_246 = vector.shape_cast %broadcast_in_dim3A_242 : vector<16xf32> to vector<16xf32>
    tpu.vector_store %arg5[%swap3A_243], %swap3A_246 {strides = array<i32>} : memref<80xf32, #tpu.memory_space<vmem>>, vector<16xf32>,
    %broadcast_in_dim3A_247 = arith.constant 1.000000e+00 : f32
    %broadcast_in_dim3A_248 = vector.broadcast %broadcast_in_dim3A_247 : f32 to vector<16xf32>
    %swap3A_249 = arith.constant 16 : index
    %swap3A_250 = tpu.vector_load %arg5[%swap3A_249] {strides = array<i32>} : memref<80xf32, #tpu.memory_space<vmem>>, vector<16xf32>,
    %swap3A_251 = vector.shape_cast %swap3A_250 : vector<16xf32> to vector<16xf32>
    %swap3A_252 = vector.shape_cast %broadcast_in_dim3A_248 : vector<16xf32> to vector<16xf32>
    tpu.vector_store %arg5[%swap3A_249], %swap3A_252 {strides = array<i32>} : memref<80xf32, #tpu.memory_space<vmem>>, vector<16xf32>,
    %broadcast_in_dim3A_253 = arith.constant 1.000000e+00 : f32
    %broadcast_in_dim3A_254 = vector.broadcast %broadcast_in_dim3A_253 : f32 to vector<16xf32>
    %swap3A_255 = arith.constant 32 : index
    %swap3A_256 = tpu.vector_load %arg5[%swap3A_255] {strides = array<i32>} : memref<80xf32, #tpu.memory_space<vmem>>, vector<16xf32>,
    %swap3A_257 = vector.shape_cast %swap3A_256 : vector<16xf32> to vector<16xf32>
    %swap3A_258 = vector.shape_cast %broadcast_in_dim3A_254 : vector<16xf32> to vector<16xf32>
    tpu.vector_store %arg5[%swap3A_255], %swap3A_258 {strides = array<i32>} : memref<80xf32, #tpu.memory_space<vmem>>, vector<16xf32>,
    %broadcast_in_dim3A_259 = arith.constant 1.000000e+00 : f32
    %broadcast_in_dim3A_260 = vector.broadcast %broadcast_in_dim3A_259 : f32 to vector<16xf32>
    %swap3A_261 = arith.constant 48 : index
    %swap3A_262 = tpu.vector_load %arg5[%swap3A_261] {strides = array<i32>} : memref<80xf32, #tpu.memory_space<vmem>>, vector<16xf32>,
    %swap3A_263 = vector.shape_cast %swap3A_262 : vector<16xf32> to vector<16xf32>
    %swap3A_264 = vector.shape_cast %broadcast_in_dim3A_260 : vector<16xf32> to vector<16xf32>
    tpu.vector_store %arg5[%swap3A_261], %swap3A_264 {strides = array<i32>} : memref<80xf32, #tpu.memory_space<vmem>>, vector<16xf32>,
    %broadcast_in_dim3A_265 = arith.constant 1.000000e+00 : f32
    %broadcast_in_dim3A_266 = vector.broadcast %broadcast_in_dim3A_265 : f32 to vector<16xf32>
    %swap3A_267 = arith.constant 64 : index
    %swap3A_268 = tpu.vector_load %arg5[%swap3A_267] {strides = array<i32>} : memref<80xf32, #tpu.memory_space<vmem>>, vector<16xf32>,
    %swap3A_269 = vector.shape_cast %swap3A_268 : vector<16xf32> to vector<16xf32>
    %swap3A_270 = vector.shape_cast %broadcast_in_dim3A_266 : vector<16xf32> to vector<16xf32>
    tpu.vector_store %arg5[%swap3A_267], %swap3A_270 {strides = array<i32>} : memref<80xf32, #tpu.memory_space<vmem>>, vector<16xf32>,
    %barrier3A = arith.constant 0 : index
    tpu.barrier barrier_id(%barrier3A)
    %scan3A = arith.constant 0 : i32
    %scan3A_271 = arith.constant 0 : i32
    %scan3A_272 = arith.constant 125 : i32
    %scan3A_273 = arith.addi %scan3A_271, %scan3A_272 : i32
    %scan3A_274 = arith.constant 1 : i32
    scf.for %scan3A_284 = %scan3A_271 to %scan3A_273 step %scan3A_274  : i32 {
      "tpu.region"() ({
        %run_scoped3A = tpu.sem_alloc : memref<!tpu.dma_semaphore, #tpu.memory_space<semaphore_mem>>
        %dma_start3A = arith.constant 0 : i32
        %dma_start3A_285 = tpu.memref_slice %arg4[%scan3A_284, %dma_start3A] : memref<125x80xi32, #tpu.memory_space<vmem>> -> memref<1x80xi32, #tpu.memory_space<vmem>>
        %dma_start3A_286 = tpu.memref_squeeze %dma_start3A_285 : memref<1x80xi32, #tpu.memory_space<vmem>> -> memref<80xi32, #tpu.memory_space<vmem>>
        %dma_start3A_287 = arith.constant 0 : i32
        %dma_start3A_288 = tpu.memref_slice %arg7[%dma_start3A_287] : memref<10112xf32, #tpu.memory_space<vmem_shared>> -> memref<10112xf32, #tpu.memory_space<vmem_shared>>
        tpu.enqueue_indirect_dma source(%arg5 : memref<80xf32, #tpu.memory_space<vmem>>) target(%dma_start3A_288 : memref<10112xf32, #tpu.memory_space<vmem_shared>>) offsets(%dma_start3A_286 : memref<80xi32, #tpu.memory_space<vmem>>) semaphore(%run_scoped3A : memref<!tpu.dma_semaphore, #tpu.memory_space<semaphore_mem>>) {add = true}
        %dma_wait3A = arith.constant 0 : i32
        %dma_wait3A_289 = tpu.memref_slice %arg4[%scan3A_284, %dma_wait3A] : memref<125x80xi32, #tpu.memory_space<vmem>> -> memref<1x80xi32, #tpu.memory_space<vmem>>
        %dma_wait3A_290 = tpu.memref_squeeze %dma_wait3A_289 : memref<1x80xi32, #tpu.memory_space<vmem>> -> memref<80xi32, #tpu.memory_space<vmem>>
        %dma_wait3A_291 = arith.constant 0 : i32
        %dma_wait3A_292 = tpu.memref_slice %arg7[%dma_wait3A_291] : memref<10112xf32, #tpu.memory_space<vmem_shared>> -> memref<10112xf32, #tpu.memory_space<vmem_shared>>
        tpu.wait_indirect_dma semaphore(%run_scoped3A : memref<!tpu.dma_semaphore, #tpu.memory_space<semaphore_mem>>) src(%arg5 : memref<80xf32, #tpu.memory_space<vmem>>) dst(%dma_wait3A_292 : memref<10112xf32, #tpu.memory_space<vmem_shared>>)
        tpu.yield
      }) : () -> ()
    }
    %scan3A_275 = arith.constant 125 : i32
    %barrier3A_276 = arith.constant 0 : index
    tpu.barrier barrier_id(%barrier3A_276)
    %mul3A_277 = arith.constant 632 : i32
    %mul3A_278 = arith.muli %arg1, %mul3A_277 : i32
    "tpu.region"() ({
      %run_scoped3A = tpu.sem_alloc : memref<!tpu.dma_semaphore, #tpu.memory_space<semaphore_mem>>
      %dma_start3A = arith.constant 0 : i32
      %dma_start3A_284 = tpu.memref_slice %arg6[%dma_start3A] : memref<640xf32, #tpu.memory_space<vmem>> -> memref<632xf32, #tpu.memory_space<vmem>>
      %dma_start3A_285 = tpu.memref_slice %arg7[%mul3A_278] : memref<10112xf32, #tpu.memory_space<vmem_shared>> -> memref<632xf32, #tpu.memory_space<vmem_shared>>
      %dma_start3A_286 = arith.constant 0 : i32
      %dma_start3A_287 = tpu.memref_slice %arg6[%dma_start3A_286] : memref<640xf32, #tpu.memory_space<vmem>> -> memref<632xf32, #tpu.memory_space<vmem>>
      %dma_start3A_288 = tpu.memref_slice %arg7[%mul3A_278] : memref<10112xf32, #tpu.memory_space<vmem_shared>> -> memref<632xf32, #tpu.memory_space<vmem_shared>>
      tpu.enqueue_dma source(%dma_start3A_288 : memref<632xf32, #tpu.memory_space<vmem_shared>>) target(%dma_start3A_287 : memref<632xf32, #tpu.memory_space<vmem>>) target_semaphore(%run_scoped3A : memref<!tpu.dma_semaphore, #tpu.memory_space<semaphore_mem>>)
      %dma_wait3A = arith.constant 0 : i32
      %dma_wait3A_289 = tpu.memref_slice %arg6[%dma_wait3A] : memref<640xf32, #tpu.memory_space<vmem>> -> memref<632xf32, #tpu.memory_space<vmem>>
      %dma_wait3A_290 = tpu.memref_slice %arg7[%mul3A_278] : memref<10112xf32, #tpu.memory_space<vmem_shared>> -> memref<632xf32, #tpu.memory_space<vmem_shared>>
      %dma_wait3A_291 = arith.constant 0 : i32
      %dma_wait3A_292 = tpu.memref_slice %arg6[%dma_wait3A_291] : memref<640xf32, #tpu.memory_space<vmem>> -> memref<632xf32, #tpu.memory_space<vmem>>
      %dma_wait3A_293 = tpu.memref_slice %arg7[%mul3A_278] : memref<10112xf32, #tpu.memory_space<vmem_shared>> -> memref<632xf32, #tpu.memory_space<vmem_shared>>
      tpu.wait_dma2 semaphore(%run_scoped3A : memref<!tpu.dma_semaphore, #tpu.memory_space<semaphore_mem>>) src(%dma_wait3A_293 : memref<632xf32, #tpu.memory_space<vmem_shared>>) dst(%dma_wait3A_292 : memref<632xf32, #tpu.memory_space<vmem>>)
      tpu.yield
    }) : () -> ()
    %mul3A_279 = arith.constant 10112 : i32
    %mul3A_280 = arith.muli %arg0, %mul3A_279 : i32
    %mul3A_281 = arith.constant 632 : i32
    %mul3A_282 = arith.muli %arg1, %mul3A_281 : i32
    %add3A_283 = arith.addi %mul3A_280, %mul3A_282 : i32
    "tpu.region"() ({
      %run_scoped3A = tpu.sem_alloc : memref<!tpu.dma_semaphore, #tpu.memory_space<semaphore_mem>>
      %dma_start3A = arith.constant 0 : i32
      %dma_start3A_284 = tpu.memref_slice %arg6[%dma_start3A] : memref<640xf32, #tpu.memory_space<vmem>> -> memref<632xf32, #tpu.memory_space<vmem>>
      %dma_start3A_285 = tpu.memref_slice %arg3[%add3A_283] : memref<20224xf32, #tpu.memory_space<hbm>> -> memref<632xf32, #tpu.memory_space<hbm>>
      %dma_start3A_286 = tpu.memref_slice %arg3[%add3A_283] : memref<20224xf32, #tpu.memory_space<hbm>> -> memref<632xf32, #tpu.memory_space<hbm>>
      %dma_start3A_287 = arith.constant 0 : i32
      %dma_start3A_288 = tpu.memref_slice %arg6[%dma_start3A_287] : memref<640xf32, #tpu.memory_space<vmem>> -> memref<632xf32, #tpu.memory_space<vmem>>
      tpu.enqueue_dma source(%dma_start3A_288 : memref<632xf32, #tpu.memory_space<vmem>>) target(%dma_start3A_286 : memref<632xf32, #tpu.memory_space<hbm>>) target_semaphore(%run_scoped3A : memref<!tpu.dma_semaphore, #tpu.memory_space<semaphore_mem>>)
      %dma_wait3A = arith.constant 0 : i32
      %dma_wait3A_289 = tpu.memref_slice %arg6[%dma_wait3A] : memref<640xf32, #tpu.memory_space<vmem>> -> memref<632xf32, #tpu.memory_space<vmem>>
      %dma_wait3A_290 = tpu.memref_slice %arg3[%add3A_283] : memref<20224xf32, #tpu.memory_space<hbm>> -> memref<632xf32, #tpu.memory_space<hbm>>
      %dma_wait3A_291 = tpu.memref_slice %arg3[%add3A_283] : memref<20224xf32, #tpu.memory_space<hbm>> -> memref<632xf32, #tpu.memory_space<hbm>>
      %dma_wait3A_292 = arith.constant 0 : i32
      %dma_wait3A_293 = tpu.memref_slice %arg6[%dma_wait3A_292] : memref<640xf32, #tpu.memory_space<vmem>> -> memref<632xf32, #tpu.memory_space<vmem>>
      tpu.wait_dma2 semaphore(%run_scoped3A : memref<!tpu.dma_semaphore, #tpu.memory_space<semaphore_mem>>) src(%dma_wait3A_293 : memref<632xf32, #tpu.memory_space<vmem>>) dst(%dma_wait3A_291 : memref<632xf32, #tpu.memory_space<hbm>>)
      tpu.yield
    }) : () -> ()
    return
  }
}

#map = affine_map<(d0, d1) -> (0, 0)>
#map1 = affine_map<(d0, d1) -> (0, 0, 0)>
module attributes {stable_mosaic.version = 14 : i64} {
  func.func @body(%arg0: i32, %arg1: i32, %arg2: memref<10000x128xf32, #tpu.memory_space<hbm>>, %arg3: memref<32x125x80xi32, #tpu.memory_space<hbm>>, %arg4: memref<32x125x80xi32, #tpu.memory_space<hbm>>, %arg5: memref<2x10000x128xf32, #tpu.memory_space<hbm>>, %arg6: memref<64x80xi32, #tpu.memory_space<vmem>>, %arg7: memref<64x80xi32, #tpu.memory_space<vmem>>, %arg8: memref<2x80x128xf32, #tpu.memory_space<vmem>>, %arg9: memref<!tpu.dma_semaphore, #tpu.memory_space<semaphore_mem>>, %arg10: memref<10000x128xf32, #tpu.memory_space<vmem_shared>>) attributes {dimension_semantics = [#tpu.dimension_semantics<core_parallel>, #tpu.dimension_semantics<subcore_parallel>], iteration_bounds = array<i64: 2, 16>, scalar_prefetch = 0 : i64, scratch_operands = 5 : i64, tpu.core_type = #tpu.core_type<sc_vector_subcore>, window_params = [{transform_indices = #map}, {transform_indices = #map1}, {transform_indices = #map1}, {transform_indices = #map1}]} {
    %mul3A = arith.constant 2 : i32
    %mul3A_0 = arith.muli %arg1, %mul3A : i32
    %add3A = arith.addi %mul3A_0, %arg0 : i32
    %add3A_1 = arith.constant 0 : i32
    %add3A_2 = arith.addi %arg1, %add3A_1 : i32
    %lt3A = arith.constant 125 : i32
    %lt3A_3 = arith.cmpi slt, %add3A_2, %lt3A : i32
    %convert_element_type3A = arith.extui %lt3A_3 : i1 to i32
    %cond3A = arith.constant 0 : i32
    %cond3A_4 = arith.cmpi ne, %convert_element_type3A, %cond3A : i32
    scf.if %cond3A_4 {
      %mul3A_145 = arith.constant 80 : i32
      %mul3A_146 = arith.muli %add3A_2, %mul3A_145 : i32
      %run_scoped3A = arith.constant 0 : i32
      "tpu.region"() ({
        %run_scoped3A_150 = tpu.sem_alloc : memref<!tpu.dma_semaphore, #tpu.memory_space<semaphore_mem>>
        %dma_start3A_151 = arith.constant 0 : i32
        %dma_start3A_152 = arith.constant 0 : i32
        %dma_start3A_153 = tpu.memref_slice %arg8[%run_scoped3A, %dma_start3A_151, %dma_start3A_152] : memref<2x80x128xf32, #tpu.memory_space<vmem>> -> memref<1x80x128xf32, #tpu.memory_space<vmem>>
        %dma_start3A_154 = tpu.memref_squeeze %dma_start3A_153 : memref<1x80x128xf32, #tpu.memory_space<vmem>> -> memref<80x128xf32, #tpu.memory_space<vmem>>
        %dma_start3A_155 = arith.constant 0 : i32
        %dma_start3A_156 = tpu.memref_slice %arg2[%mul3A_146, %dma_start3A_155] : memref<10000x128xf32, #tpu.memory_space<hbm>> -> memref<80x128xf32, #tpu.memory_space<hbm>>
        %dma_start3A_157 = arith.constant 0 : i32
        %dma_start3A_158 = arith.constant 0 : i32
        %dma_start3A_159 = tpu.memref_slice %arg8[%run_scoped3A, %dma_start3A_157, %dma_start3A_158] : memref<2x80x128xf32, #tpu.memory_space<vmem>> -> memref<1x80x128xf32, #tpu.memory_space<vmem>>
        %dma_start3A_160 = tpu.memref_squeeze %dma_start3A_159 : memref<1x80x128xf32, #tpu.memory_space<vmem>> -> memref<80x128xf32, #tpu.memory_space<vmem>>
        %dma_start3A_161 = arith.constant 0 : i32
        %dma_start3A_162 = tpu.memref_slice %arg2[%mul3A_146, %dma_start3A_161] : memref<10000x128xf32, #tpu.memory_space<hbm>> -> memref<80x128xf32, #tpu.memory_space<hbm>>
        tpu.enqueue_dma source(%dma_start3A_162 : memref<80x128xf32, #tpu.memory_space<hbm>>) target(%dma_start3A_160 : memref<80x128xf32, #tpu.memory_space<vmem>>) target_semaphore(%run_scoped3A_150 : memref<!tpu.dma_semaphore, #tpu.memory_space<semaphore_mem>>)
        %dma_wait3A = arith.constant 0 : i32
        %dma_wait3A_163 = arith.constant 0 : i32
        %dma_wait3A_164 = tpu.memref_slice %arg8[%run_scoped3A, %dma_wait3A, %dma_wait3A_163] : memref<2x80x128xf32, #tpu.memory_space<vmem>> -> memref<1x80x128xf32, #tpu.memory_space<vmem>>
        %dma_wait3A_165 = tpu.memref_squeeze %dma_wait3A_164 : memref<1x80x128xf32, #tpu.memory_space<vmem>> -> memref<80x128xf32, #tpu.memory_space<vmem>>
        %dma_wait3A_166 = arith.constant 0 : i32
        %dma_wait3A_167 = tpu.memref_slice %arg2[%mul3A_146, %dma_wait3A_166] : memref<10000x128xf32, #tpu.memory_space<hbm>> -> memref<80x128xf32, #tpu.memory_space<hbm>>
        %dma_wait3A_168 = arith.constant 0 : i32
        %dma_wait3A_169 = arith.constant 0 : i32
        %dma_wait3A_170 = tpu.memref_slice %arg8[%run_scoped3A, %dma_wait3A_168, %dma_wait3A_169] : memref<2x80x128xf32, #tpu.memory_space<vmem>> -> memref<1x80x128xf32, #tpu.memory_space<vmem>>
        %dma_wait3A_171 = tpu.memref_squeeze %dma_wait3A_170 : memref<1x80x128xf32, #tpu.memory_space<vmem>> -> memref<80x128xf32, #tpu.memory_space<vmem>>
        %dma_wait3A_172 = arith.constant 0 : i32
        %dma_wait3A_173 = tpu.memref_slice %arg2[%mul3A_146, %dma_wait3A_172] : memref<10000x128xf32, #tpu.memory_space<hbm>> -> memref<80x128xf32, #tpu.memory_space<hbm>>
        tpu.wait_dma2 semaphore(%run_scoped3A_150 : memref<!tpu.dma_semaphore, #tpu.memory_space<semaphore_mem>>) src(%dma_wait3A_173 : memref<80x128xf32, #tpu.memory_space<hbm>>) dst(%dma_wait3A_171 : memref<80x128xf32, #tpu.memory_space<vmem>>)
        tpu.yield
      }) : () -> ()
      %mul3A_147 = arith.constant 80 : i32
      %mul3A_148 = arith.muli %add3A_2, %mul3A_147 : i32
      %run_scoped3A_149 = arith.constant 0 : i32
      "tpu.region"() ({
        %run_scoped3A_150 = tpu.sem_alloc : memref<!tpu.dma_semaphore, #tpu.memory_space<semaphore_mem>>
        %dma_start3A_151 = arith.constant 0 : i32
        %dma_start3A_152 = arith.constant 0 : i32
        %dma_start3A_153 = tpu.memref_slice %arg8[%run_scoped3A_149, %dma_start3A_151, %dma_start3A_152] : memref<2x80x128xf32, #tpu.memory_space<vmem>> -> memref<1x80x128xf32, #tpu.memory_space<vmem>>
        %dma_start3A_154 = tpu.memref_squeeze %dma_start3A_153 : memref<1x80x128xf32, #tpu.memory_space<vmem>> -> memref<80x128xf32, #tpu.memory_space<vmem>>
        %dma_start3A_155 = arith.constant 0 : i32
        %dma_start3A_156 = tpu.memref_slice %arg10[%mul3A_148, %dma_start3A_155] : memref<10000x128xf32, #tpu.memory_space<vmem_shared>> -> memref<80x128xf32, #tpu.memory_space<vmem_shared>>
        %dma_start3A_157 = arith.constant 0 : i32
        %dma_start3A_158 = tpu.memref_slice %arg10[%mul3A_148, %dma_start3A_157] : memref<10000x128xf32, #tpu.memory_space<vmem_shared>> -> memref<80x128xf32, #tpu.memory_space<vmem_shared>>
        %dma_start3A_159 = arith.constant 0 : i32
        %dma_start3A_160 = arith.constant 0 : i32
        %dma_start3A_161 = tpu.memref_slice %arg8[%run_scoped3A_149, %dma_start3A_159, %dma_start3A_160] : memref<2x80x128xf32, #tpu.memory_space<vmem>> -> memref<1x80x128xf32, #tpu.memory_space<vmem>>
        %dma_start3A_162 = tpu.memref_squeeze %dma_start3A_161 : memref<1x80x128xf32, #tpu.memory_space<vmem>> -> memref<80x128xf32, #tpu.memory_space<vmem>>
        tpu.enqueue_dma source(%dma_start3A_162 : memref<80x128xf32, #tpu.memory_space<vmem>>) target(%dma_start3A_158 : memref<80x128xf32, #tpu.memory_space<vmem_shared>>) target_semaphore(%run_scoped3A_150 : memref<!tpu.dma_semaphore, #tpu.memory_space<semaphore_mem>>)
        %dma_wait3A = arith.constant 0 : i32
        %dma_wait3A_163 = arith.constant 0 : i32
        %dma_wait3A_164 = tpu.memref_slice %arg8[%run_scoped3A_149, %dma_wait3A, %dma_wait3A_163] : memref<2x80x128xf32, #tpu.memory_space<vmem>> -> memref<1x80x128xf32, #tpu.memory_space<vmem>>
        %dma_wait3A_165 = tpu.memref_squeeze %dma_wait3A_164 : memref<1x80x128xf32, #tpu.memory_space<vmem>> -> memref<80x128xf32, #tpu.memory_space<vmem>>
        %dma_wait3A_166 = arith.constant 0 : i32
        %dma_wait3A_167 = tpu.memref_slice %arg10[%mul3A_148, %dma_wait3A_166] : memref<10000x128xf32, #tpu.memory_space<vmem_shared>> -> memref<80x128xf32, #tpu.memory_space<vmem_shared>>
        %dma_wait3A_168 = arith.constant 0 : i32
        %dma_wait3A_169 = tpu.memref_slice %arg10[%mul3A_148, %dma_wait3A_168] : memref<10000x128xf32, #tpu.memory_space<vmem_shared>> -> memref<80x128xf32, #tpu.memory_space<vmem_shared>>
        %dma_wait3A_170 = arith.constant 0 : i32
        %dma_wait3A_171 = arith.constant 0 : i32
        %dma_wait3A_172 = tpu.memref_slice %arg8[%run_scoped3A_149, %dma_wait3A_170, %dma_wait3A_171] : memref<2x80x128xf32, #tpu.memory_space<vmem>> -> memref<1x80x128xf32, #tpu.memory_space<vmem>>
        %dma_wait3A_173 = tpu.memref_squeeze %dma_wait3A_172 : memref<1x80x128xf32, #tpu.memory_space<vmem>> -> memref<80x128xf32, #tpu.memory_space<vmem>>
        tpu.wait_dma2 semaphore(%run_scoped3A_150 : memref<!tpu.dma_semaphore, #tpu.memory_space<semaphore_mem>>) src(%dma_wait3A_173 : memref<80x128xf32, #tpu.memory_space<vmem>>) dst(%dma_wait3A_169 : memref<80x128xf32, #tpu.memory_space<vmem_shared>>)
        tpu.yield
      }) : () -> ()
    } else {
    }
    %add3A_5 = arith.constant 16 : i32
    %add3A_6 = arith.addi %arg1, %add3A_5 : i32
    %lt3A_7 = arith.constant 125 : i32
    %lt3A_8 = arith.cmpi slt, %add3A_6, %lt3A_7 : i32
    %convert_element_type3A_9 = arith.extui %lt3A_8 : i1 to i32
    %cond3A_10 = arith.constant 0 : i32
    %cond3A_11 = arith.cmpi ne, %convert_element_type3A_9, %cond3A_10 : i32
    scf.if %cond3A_11 {
      %mul3A_145 = arith.constant 80 : i32
      %mul3A_146 = arith.muli %add3A_6, %mul3A_145 : i32
      %run_scoped3A = arith.constant 0 : i32
      "tpu.region"() ({
        %run_scoped3A_150 = tpu.sem_alloc : memref<!tpu.dma_semaphore, #tpu.memory_space<semaphore_mem>>
        %dma_start3A_151 = arith.constant 0 : i32
        %dma_start3A_152 = arith.constant 0 : i32
        %dma_start3A_153 = tpu.memref_slice %arg8[%run_scoped3A, %dma_start3A_151, %dma_start3A_152] : memref<2x80x128xf32, #tpu.memory_space<vmem>> -> memref<1x80x128xf32, #tpu.memory_space<vmem>>
        %dma_start3A_154 = tpu.memref_squeeze %dma_start3A_153 : memref<1x80x128xf32, #tpu.memory_space<vmem>> -> memref<80x128xf32, #tpu.memory_space<vmem>>
        %dma_start3A_155 = arith.constant 0 : i32
        %dma_start3A_156 = tpu.memref_slice %arg2[%mul3A_146, %dma_start3A_155] : memref<10000x128xf32, #tpu.memory_space<hbm>> -> memref<80x128xf32, #tpu.memory_space<hbm>>
        %dma_start3A_157 = arith.constant 0 : i32
        %dma_start3A_158 = arith.constant 0 : i32
        %dma_start3A_159 = tpu.memref_slice %arg8[%run_scoped3A, %dma_start3A_157, %dma_start3A_158] : memref<2x80x128xf32, #tpu.memory_space<vmem>> -> memref<1x80x128xf32, #tpu.memory_space<vmem>>
        %dma_start3A_160 = tpu.memref_squeeze %dma_start3A_159 : memref<1x80x128xf32, #tpu.memory_space<vmem>> -> memref<80x128xf32, #tpu.memory_space<vmem>>
        %dma_start3A_161 = arith.constant 0 : i32
        %dma_start3A_162 = tpu.memref_slice %arg2[%mul3A_146, %dma_start3A_161] : memref<10000x128xf32, #tpu.memory_space<hbm>> -> memref<80x128xf32, #tpu.memory_space<hbm>>
        tpu.enqueue_dma source(%dma_start3A_162 : memref<80x128xf32, #tpu.memory_space<hbm>>) target(%dma_start3A_160 : memref<80x128xf32, #tpu.memory_space<vmem>>) target_semaphore(%run_scoped3A_150 : memref<!tpu.dma_semaphore, #tpu.memory_space<semaphore_mem>>)
        %dma_wait3A = arith.constant 0 : i32
        %dma_wait3A_163 = arith.constant 0 : i32
        %dma_wait3A_164 = tpu.memref_slice %arg8[%run_scoped3A, %dma_wait3A, %dma_wait3A_163] : memref<2x80x128xf32, #tpu.memory_space<vmem>> -> memref<1x80x128xf32, #tpu.memory_space<vmem>>
        %dma_wait3A_165 = tpu.memref_squeeze %dma_wait3A_164 : memref<1x80x128xf32, #tpu.memory_space<vmem>> -> memref<80x128xf32, #tpu.memory_space<vmem>>
        %dma_wait3A_166 = arith.constant 0 : i32
        %dma_wait3A_167 = tpu.memref_slice %arg2[%mul3A_146, %dma_wait3A_166] : memref<10000x128xf32, #tpu.memory_space<hbm>> -> memref<80x128xf32, #tpu.memory_space<hbm>>
        %dma_wait3A_168 = arith.constant 0 : i32
        %dma_wait3A_169 = arith.constant 0 : i32
        %dma_wait3A_170 = tpu.memref_slice %arg8[%run_scoped3A, %dma_wait3A_168, %dma_wait3A_169] : memref<2x80x128xf32, #tpu.memory_space<vmem>> -> memref<1x80x128xf32, #tpu.memory_space<vmem>>
        %dma_wait3A_171 = tpu.memref_squeeze %dma_wait3A_170 : memref<1x80x128xf32, #tpu.memory_space<vmem>> -> memref<80x128xf32, #tpu.memory_space<vmem>>
        %dma_wait3A_172 = arith.constant 0 : i32
        %dma_wait3A_173 = tpu.memref_slice %arg2[%mul3A_146, %dma_wait3A_172] : memref<10000x128xf32, #tpu.memory_space<hbm>> -> memref<80x128xf32, #tpu.memory_space<hbm>>
        tpu.wait_dma2 semaphore(%run_scoped3A_150 : memref<!tpu.dma_semaphore, #tpu.memory_space<semaphore_mem>>) src(%dma_wait3A_173 : memref<80x128xf32, #tpu.memory_space<hbm>>) dst(%dma_wait3A_171 : memref<80x128xf32, #tpu.memory_space<vmem>>)
        tpu.yield
      }) : () -> ()
      %mul3A_147 = arith.constant 80 : i32
      %mul3A_148 = arith.muli %add3A_6, %mul3A_147 : i32
      %run_scoped3A_149 = arith.constant 0 : i32
      "tpu.region"() ({
        %run_scoped3A_150 = tpu.sem_alloc : memref<!tpu.dma_semaphore, #tpu.memory_space<semaphore_mem>>
        %dma_start3A_151 = arith.constant 0 : i32
        %dma_start3A_152 = arith.constant 0 : i32
        %dma_start3A_153 = tpu.memref_slice %arg8[%run_scoped3A_149, %dma_start3A_151, %dma_start3A_152] : memref<2x80x128xf32, #tpu.memory_space<vmem>> -> memref<1x80x128xf32, #tpu.memory_space<vmem>>
        %dma_start3A_154 = tpu.memref_squeeze %dma_start3A_153 : memref<1x80x128xf32, #tpu.memory_space<vmem>> -> memref<80x128xf32, #tpu.memory_space<vmem>>
        %dma_start3A_155 = arith.constant 0 : i32
        %dma_start3A_156 = tpu.memref_slice %arg10[%mul3A_148, %dma_start3A_155] : memref<10000x128xf32, #tpu.memory_space<vmem_shared>> -> memref<80x128xf32, #tpu.memory_space<vmem_shared>>
        %dma_start3A_157 = arith.constant 0 : i32
        %dma_start3A_158 = tpu.memref_slice %arg10[%mul3A_148, %dma_start3A_157] : memref<10000x128xf32, #tpu.memory_space<vmem_shared>> -> memref<80x128xf32, #tpu.memory_space<vmem_shared>>
        %dma_start3A_159 = arith.constant 0 : i32
        %dma_start3A_160 = arith.constant 0 : i32
        %dma_start3A_161 = tpu.memref_slice %arg8[%run_scoped3A_149, %dma_start3A_159, %dma_start3A_160] : memref<2x80x128xf32, #tpu.memory_space<vmem>> -> memref<1x80x128xf32, #tpu.memory_space<vmem>>
        %dma_start3A_162 = tpu.memref_squeeze %dma_start3A_161 : memref<1x80x128xf32, #tpu.memory_space<vmem>> -> memref<80x128xf32, #tpu.memory_space<vmem>>
        tpu.enqueue_dma source(%dma_start3A_162 : memref<80x128xf32, #tpu.memory_space<vmem>>) target(%dma_start3A_158 : memref<80x128xf32, #tpu.memory_space<vmem_shared>>) target_semaphore(%run_scoped3A_150 : memref<!tpu.dma_semaphore, #tpu.memory_space<semaphore_mem>>)
        %dma_wait3A = arith.constant 0 : i32
        %dma_wait3A_163 = arith.constant 0 : i32
        %dma_wait3A_164 = tpu.memref_slice %arg8[%run_scoped3A_149, %dma_wait3A, %dma_wait3A_163] : memref<2x80x128xf32, #tpu.memory_space<vmem>> -> memref<1x80x128xf32, #tpu.memory_space<vmem>>
        %dma_wait3A_165 = tpu.memref_squeeze %dma_wait3A_164 : memref<1x80x128xf32, #tpu.memory_space<vmem>> -> memref<80x128xf32, #tpu.memory_space<vmem>>
        %dma_wait3A_166 = arith.constant 0 : i32
        %dma_wait3A_167 = tpu.memref_slice %arg10[%mul3A_148, %dma_wait3A_166] : memref<10000x128xf32, #tpu.memory_space<vmem_shared>> -> memref<80x128xf32, #tpu.memory_space<vmem_shared>>
        %dma_wait3A_168 = arith.constant 0 : i32
        %dma_wait3A_169 = tpu.memref_slice %arg10[%mul3A_148, %dma_wait3A_168] : memref<10000x128xf32, #tpu.memory_space<vmem_shared>> -> memref<80x128xf32, #tpu.memory_space<vmem_shared>>
        %dma_wait3A_170 = arith.constant 0 : i32
        %dma_wait3A_171 = arith.constant 0 : i32
        %dma_wait3A_172 = tpu.memref_slice %arg8[%run_scoped3A_149, %dma_wait3A_170, %dma_wait3A_171] : memref<2x80x128xf32, #tpu.memory_space<vmem>> -> memref<1x80x128xf32, #tpu.memory_space<vmem>>
        %dma_wait3A_173 = tpu.memref_squeeze %dma_wait3A_172 : memref<1x80x128xf32, #tpu.memory_space<vmem>> -> memref<80x128xf32, #tpu.memory_space<vmem>>
        tpu.wait_dma2 semaphore(%run_scoped3A_150 : memref<!tpu.dma_semaphore, #tpu.memory_space<semaphore_mem>>) src(%dma_wait3A_173 : memref<80x128xf32, #tpu.memory_space<vmem>>) dst(%dma_wait3A_169 : memref<80x128xf32, #tpu.memory_space<vmem_shared>>)
        tpu.yield
      }) : () -> ()
    } else {
    }
    %add3A_12 = arith.constant 32 : i32
    %add3A_13 = arith.addi %arg1, %add3A_12 : i32
    %lt3A_14 = arith.constant 125 : i32
    %lt3A_15 = arith.cmpi slt, %add3A_13, %lt3A_14 : i32
    %convert_element_type3A_16 = arith.extui %lt3A_15 : i1 to i32
    %cond3A_17 = arith.constant 0 : i32
    %cond3A_18 = arith.cmpi ne, %convert_element_type3A_16, %cond3A_17 : i32
    scf.if %cond3A_18 {
      %mul3A_145 = arith.constant 80 : i32
      %mul3A_146 = arith.muli %add3A_13, %mul3A_145 : i32
      %run_scoped3A = arith.constant 0 : i32
      "tpu.region"() ({
        %run_scoped3A_150 = tpu.sem_alloc : memref<!tpu.dma_semaphore, #tpu.memory_space<semaphore_mem>>
        %dma_start3A_151 = arith.constant 0 : i32
        %dma_start3A_152 = arith.constant 0 : i32
        %dma_start3A_153 = tpu.memref_slice %arg8[%run_scoped3A, %dma_start3A_151, %dma_start3A_152] : memref<2x80x128xf32, #tpu.memory_space<vmem>> -> memref<1x80x128xf32, #tpu.memory_space<vmem>>
        %dma_start3A_154 = tpu.memref_squeeze %dma_start3A_153 : memref<1x80x128xf32, #tpu.memory_space<vmem>> -> memref<80x128xf32, #tpu.memory_space<vmem>>
        %dma_start3A_155 = arith.constant 0 : i32
        %dma_start3A_156 = tpu.memref_slice %arg2[%mul3A_146, %dma_start3A_155] : memref<10000x128xf32, #tpu.memory_space<hbm>> -> memref<80x128xf32, #tpu.memory_space<hbm>>
        %dma_start3A_157 = arith.constant 0 : i32
        %dma_start3A_158 = arith.constant 0 : i32
        %dma_start3A_159 = tpu.memref_slice %arg8[%run_scoped3A, %dma_start3A_157, %dma_start3A_158] : memref<2x80x128xf32, #tpu.memory_space<vmem>> -> memref<1x80x128xf32, #tpu.memory_space<vmem>>
        %dma_start3A_160 = tpu.memref_squeeze %dma_start3A_159 : memref<1x80x128xf32, #tpu.memory_space<vmem>> -> memref<80x128xf32, #tpu.memory_space<vmem>>
        %dma_start3A_161 = arith.constant 0 : i32
        %dma_start3A_162 = tpu.memref_slice %arg2[%mul3A_146, %dma_start3A_161] : memref<10000x128xf32, #tpu.memory_space<hbm>> -> memref<80x128xf32, #tpu.memory_space<hbm>>
        tpu.enqueue_dma source(%dma_start3A_162 : memref<80x128xf32, #tpu.memory_space<hbm>>) target(%dma_start3A_160 : memref<80x128xf32, #tpu.memory_space<vmem>>) target_semaphore(%run_scoped3A_150 : memref<!tpu.dma_semaphore, #tpu.memory_space<semaphore_mem>>)
        %dma_wait3A = arith.constant 0 : i32
        %dma_wait3A_163 = arith.constant 0 : i32
        %dma_wait3A_164 = tpu.memref_slice %arg8[%run_scoped3A, %dma_wait3A, %dma_wait3A_163] : memref<2x80x128xf32, #tpu.memory_space<vmem>> -> memref<1x80x128xf32, #tpu.memory_space<vmem>>
        %dma_wait3A_165 = tpu.memref_squeeze %dma_wait3A_164 : memref<1x80x128xf32, #tpu.memory_space<vmem>> -> memref<80x128xf32, #tpu.memory_space<vmem>>
        %dma_wait3A_166 = arith.constant 0 : i32
        %dma_wait3A_167 = tpu.memref_slice %arg2[%mul3A_146, %dma_wait3A_166] : memref<10000x128xf32, #tpu.memory_space<hbm>> -> memref<80x128xf32, #tpu.memory_space<hbm>>
        %dma_wait3A_168 = arith.constant 0 : i32
        %dma_wait3A_169 = arith.constant 0 : i32
        %dma_wait3A_170 = tpu.memref_slice %arg8[%run_scoped3A, %dma_wait3A_168, %dma_wait3A_169] : memref<2x80x128xf32, #tpu.memory_space<vmem>> -> memref<1x80x128xf32, #tpu.memory_space<vmem>>
        %dma_wait3A_171 = tpu.memref_squeeze %dma_wait3A_170 : memref<1x80x128xf32, #tpu.memory_space<vmem>> -> memref<80x128xf32, #tpu.memory_space<vmem>>
        %dma_wait3A_172 = arith.constant 0 : i32
        %dma_wait3A_173 = tpu.memref_slice %arg2[%mul3A_146, %dma_wait3A_172] : memref<10000x128xf32, #tpu.memory_space<hbm>> -> memref<80x128xf32, #tpu.memory_space<hbm>>
        tpu.wait_dma2 semaphore(%run_scoped3A_150 : memref<!tpu.dma_semaphore, #tpu.memory_space<semaphore_mem>>) src(%dma_wait3A_173 : memref<80x128xf32, #tpu.memory_space<hbm>>) dst(%dma_wait3A_171 : memref<80x128xf32, #tpu.memory_space<vmem>>)
        tpu.yield
      }) : () -> ()
      %mul3A_147 = arith.constant 80 : i32
      %mul3A_148 = arith.muli %add3A_13, %mul3A_147 : i32
      %run_scoped3A_149 = arith.constant 0 : i32
      "tpu.region"() ({
        %run_scoped3A_150 = tpu.sem_alloc : memref<!tpu.dma_semaphore, #tpu.memory_space<semaphore_mem>>
        %dma_start3A_151 = arith.constant 0 : i32
        %dma_start3A_152 = arith.constant 0 : i32
        %dma_start3A_153 = tpu.memref_slice %arg8[%run_scoped3A_149, %dma_start3A_151, %dma_start3A_152] : memref<2x80x128xf32, #tpu.memory_space<vmem>> -> memref<1x80x128xf32, #tpu.memory_space<vmem>>
        %dma_start3A_154 = tpu.memref_squeeze %dma_start3A_153 : memref<1x80x128xf32, #tpu.memory_space<vmem>> -> memref<80x128xf32, #tpu.memory_space<vmem>>
        %dma_start3A_155 = arith.constant 0 : i32
        %dma_start3A_156 = tpu.memref_slice %arg10[%mul3A_148, %dma_start3A_155] : memref<10000x128xf32, #tpu.memory_space<vmem_shared>> -> memref<80x128xf32, #tpu.memory_space<vmem_shared>>
        %dma_start3A_157 = arith.constant 0 : i32
        %dma_start3A_158 = tpu.memref_slice %arg10[%mul3A_148, %dma_start3A_157] : memref<10000x128xf32, #tpu.memory_space<vmem_shared>> -> memref<80x128xf32, #tpu.memory_space<vmem_shared>>
        %dma_start3A_159 = arith.constant 0 : i32
        %dma_start3A_160 = arith.constant 0 : i32
        %dma_start3A_161 = tpu.memref_slice %arg8[%run_scoped3A_149, %dma_start3A_159, %dma_start3A_160] : memref<2x80x128xf32, #tpu.memory_space<vmem>> -> memref<1x80x128xf32, #tpu.memory_space<vmem>>
        %dma_start3A_162 = tpu.memref_squeeze %dma_start3A_161 : memref<1x80x128xf32, #tpu.memory_space<vmem>> -> memref<80x128xf32, #tpu.memory_space<vmem>>
        tpu.enqueue_dma source(%dma_start3A_162 : memref<80x128xf32, #tpu.memory_space<vmem>>) target(%dma_start3A_158 : memref<80x128xf32, #tpu.memory_space<vmem_shared>>) target_semaphore(%run_scoped3A_150 : memref<!tpu.dma_semaphore, #tpu.memory_space<semaphore_mem>>)
        %dma_wait3A = arith.constant 0 : i32
        %dma_wait3A_163 = arith.constant 0 : i32
        %dma_wait3A_164 = tpu.memref_slice %arg8[%run_scoped3A_149, %dma_wait3A, %dma_wait3A_163] : memref<2x80x128xf32, #tpu.memory_space<vmem>> -> memref<1x80x128xf32, #tpu.memory_space<vmem>>
        %dma_wait3A_165 = tpu.memref_squeeze %dma_wait3A_164 : memref<1x80x128xf32, #tpu.memory_space<vmem>> -> memref<80x128xf32, #tpu.memory_space<vmem>>
        %dma_wait3A_166 = arith.constant 0 : i32
        %dma_wait3A_167 = tpu.memref_slice %arg10[%mul3A_148, %dma_wait3A_166] : memref<10000x128xf32, #tpu.memory_space<vmem_shared>> -> memref<80x128xf32, #tpu.memory_space<vmem_shared>>
        %dma_wait3A_168 = arith.constant 0 : i32
        %dma_wait3A_169 = tpu.memref_slice %arg10[%mul3A_148, %dma_wait3A_168] : memref<10000x128xf32, #tpu.memory_space<vmem_shared>> -> memref<80x128xf32, #tpu.memory_space<vmem_shared>>
        %dma_wait3A_170 = arith.constant 0 : i32
        %dma_wait3A_171 = arith.constant 0 : i32
        %dma_wait3A_172 = tpu.memref_slice %arg8[%run_scoped3A_149, %dma_wait3A_170, %dma_wait3A_171] : memref<2x80x128xf32, #tpu.memory_space<vmem>> -> memref<1x80x128xf32, #tpu.memory_space<vmem>>
        %dma_wait3A_173 = tpu.memref_squeeze %dma_wait3A_172 : memref<1x80x128xf32, #tpu.memory_space<vmem>> -> memref<80x128xf32, #tpu.memory_space<vmem>>
        tpu.wait_dma2 semaphore(%run_scoped3A_150 : memref<!tpu.dma_semaphore, #tpu.memory_space<semaphore_mem>>) src(%dma_wait3A_173 : memref<80x128xf32, #tpu.memory_space<vmem>>) dst(%dma_wait3A_169 : memref<80x128xf32, #tpu.memory_space<vmem_shared>>)
        tpu.yield
      }) : () -> ()
    } else {
    }
    %add3A_19 = arith.constant 48 : i32
    %add3A_20 = arith.addi %arg1, %add3A_19 : i32
    %lt3A_21 = arith.constant 125 : i32
    %lt3A_22 = arith.cmpi slt, %add3A_20, %lt3A_21 : i32
    %convert_element_type3A_23 = arith.extui %lt3A_22 : i1 to i32
    %cond3A_24 = arith.constant 0 : i32
    %cond3A_25 = arith.cmpi ne, %convert_element_type3A_23, %cond3A_24 : i32
    scf.if %cond3A_25 {
      %mul3A_145 = arith.constant 80 : i32
      %mul3A_146 = arith.muli %add3A_20, %mul3A_145 : i32
      %run_scoped3A = arith.constant 0 : i32
      "tpu.region"() ({
        %run_scoped3A_150 = tpu.sem_alloc : memref<!tpu.dma_semaphore, #tpu.memory_space<semaphore_mem>>
        %dma_start3A_151 = arith.constant 0 : i32
        %dma_start3A_152 = arith.constant 0 : i32
        %dma_start3A_153 = tpu.memref_slice %arg8[%run_scoped3A, %dma_start3A_151, %dma_start3A_152] : memref<2x80x128xf32, #tpu.memory_space<vmem>> -> memref<1x80x128xf32, #tpu.memory_space<vmem>>
        %dma_start3A_154 = tpu.memref_squeeze %dma_start3A_153 : memref<1x80x128xf32, #tpu.memory_space<vmem>> -> memref<80x128xf32, #tpu.memory_space<vmem>>
        %dma_start3A_155 = arith.constant 0 : i32
        %dma_start3A_156 = tpu.memref_slice %arg2[%mul3A_146, %dma_start3A_155] : memref<10000x128xf32, #tpu.memory_space<hbm>> -> memref<80x128xf32, #tpu.memory_space<hbm>>
        %dma_start3A_157 = arith.constant 0 : i32
        %dma_start3A_158 = arith.constant 0 : i32
        %dma_start3A_159 = tpu.memref_slice %arg8[%run_scoped3A, %dma_start3A_157, %dma_start3A_158] : memref<2x80x128xf32, #tpu.memory_space<vmem>> -> memref<1x80x128xf32, #tpu.memory_space<vmem>>
        %dma_start3A_160 = tpu.memref_squeeze %dma_start3A_159 : memref<1x80x128xf32, #tpu.memory_space<vmem>> -> memref<80x128xf32, #tpu.memory_space<vmem>>
        %dma_start3A_161 = arith.constant 0 : i32
        %dma_start3A_162 = tpu.memref_slice %arg2[%mul3A_146, %dma_start3A_161] : memref<10000x128xf32, #tpu.memory_space<hbm>> -> memref<80x128xf32, #tpu.memory_space<hbm>>
        tpu.enqueue_dma source(%dma_start3A_162 : memref<80x128xf32, #tpu.memory_space<hbm>>) target(%dma_start3A_160 : memref<80x128xf32, #tpu.memory_space<vmem>>) target_semaphore(%run_scoped3A_150 : memref<!tpu.dma_semaphore, #tpu.memory_space<semaphore_mem>>)
        %dma_wait3A = arith.constant 0 : i32
        %dma_wait3A_163 = arith.constant 0 : i32
        %dma_wait3A_164 = tpu.memref_slice %arg8[%run_scoped3A, %dma_wait3A, %dma_wait3A_163] : memref<2x80x128xf32, #tpu.memory_space<vmem>> -> memref<1x80x128xf32, #tpu.memory_space<vmem>>
        %dma_wait3A_165 = tpu.memref_squeeze %dma_wait3A_164 : memref<1x80x128xf32, #tpu.memory_space<vmem>> -> memref<80x128xf32, #tpu.memory_space<vmem>>
        %dma_wait3A_166 = arith.constant 0 : i32
        %dma_wait3A_167 = tpu.memref_slice %arg2[%mul3A_146, %dma_wait3A_166] : memref<10000x128xf32, #tpu.memory_space<hbm>> -> memref<80x128xf32, #tpu.memory_space<hbm>>
        %dma_wait3A_168 = arith.constant 0 : i32
        %dma_wait3A_169 = arith.constant 0 : i32
        %dma_wait3A_170 = tpu.memref_slice %arg8[%run_scoped3A, %dma_wait3A_168, %dma_wait3A_169] : memref<2x80x128xf32, #tpu.memory_space<vmem>> -> memref<1x80x128xf32, #tpu.memory_space<vmem>>
        %dma_wait3A_171 = tpu.memref_squeeze %dma_wait3A_170 : memref<1x80x128xf32, #tpu.memory_space<vmem>> -> memref<80x128xf32, #tpu.memory_space<vmem>>
        %dma_wait3A_172 = arith.constant 0 : i32
        %dma_wait3A_173 = tpu.memref_slice %arg2[%mul3A_146, %dma_wait3A_172] : memref<10000x128xf32, #tpu.memory_space<hbm>> -> memref<80x128xf32, #tpu.memory_space<hbm>>
        tpu.wait_dma2 semaphore(%run_scoped3A_150 : memref<!tpu.dma_semaphore, #tpu.memory_space<semaphore_mem>>) src(%dma_wait3A_173 : memref<80x128xf32, #tpu.memory_space<hbm>>) dst(%dma_wait3A_171 : memref<80x128xf32, #tpu.memory_space<vmem>>)
        tpu.yield
      }) : () -> ()
      %mul3A_147 = arith.constant 80 : i32
      %mul3A_148 = arith.muli %add3A_20, %mul3A_147 : i32
      %run_scoped3A_149 = arith.constant 0 : i32
      "tpu.region"() ({
        %run_scoped3A_150 = tpu.sem_alloc : memref<!tpu.dma_semaphore, #tpu.memory_space<semaphore_mem>>
        %dma_start3A_151 = arith.constant 0 : i32
        %dma_start3A_152 = arith.constant 0 : i32
        %dma_start3A_153 = tpu.memref_slice %arg8[%run_scoped3A_149, %dma_start3A_151, %dma_start3A_152] : memref<2x80x128xf32, #tpu.memory_space<vmem>> -> memref<1x80x128xf32, #tpu.memory_space<vmem>>
        %dma_start3A_154 = tpu.memref_squeeze %dma_start3A_153 : memref<1x80x128xf32, #tpu.memory_space<vmem>> -> memref<80x128xf32, #tpu.memory_space<vmem>>
        %dma_start3A_155 = arith.constant 0 : i32
        %dma_start3A_156 = tpu.memref_slice %arg10[%mul3A_148, %dma_start3A_155] : memref<10000x128xf32, #tpu.memory_space<vmem_shared>> -> memref<80x128xf32, #tpu.memory_space<vmem_shared>>
        %dma_start3A_157 = arith.constant 0 : i32
        %dma_start3A_158 = tpu.memref_slice %arg10[%mul3A_148, %dma_start3A_157] : memref<10000x128xf32, #tpu.memory_space<vmem_shared>> -> memref<80x128xf32, #tpu.memory_space<vmem_shared>>
        %dma_start3A_159 = arith.constant 0 : i32
        %dma_start3A_160 = arith.constant 0 : i32
        %dma_start3A_161 = tpu.memref_slice %arg8[%run_scoped3A_149, %dma_start3A_159, %dma_start3A_160] : memref<2x80x128xf32, #tpu.memory_space<vmem>> -> memref<1x80x128xf32, #tpu.memory_space<vmem>>
        %dma_start3A_162 = tpu.memref_squeeze %dma_start3A_161 : memref<1x80x128xf32, #tpu.memory_space<vmem>> -> memref<80x128xf32, #tpu.memory_space<vmem>>
        tpu.enqueue_dma source(%dma_start3A_162 : memref<80x128xf32, #tpu.memory_space<vmem>>) target(%dma_start3A_158 : memref<80x128xf32, #tpu.memory_space<vmem_shared>>) target_semaphore(%run_scoped3A_150 : memref<!tpu.dma_semaphore, #tpu.memory_space<semaphore_mem>>)
        %dma_wait3A = arith.constant 0 : i32
        %dma_wait3A_163 = arith.constant 0 : i32
        %dma_wait3A_164 = tpu.memref_slice %arg8[%run_scoped3A_149, %dma_wait3A, %dma_wait3A_163] : memref<2x80x128xf32, #tpu.memory_space<vmem>> -> memref<1x80x128xf32, #tpu.memory_space<vmem>>
        %dma_wait3A_165 = tpu.memref_squeeze %dma_wait3A_164 : memref<1x80x128xf32, #tpu.memory_space<vmem>> -> memref<80x128xf32, #tpu.memory_space<vmem>>
        %dma_wait3A_166 = arith.constant 0 : i32
        %dma_wait3A_167 = tpu.memref_slice %arg10[%mul3A_148, %dma_wait3A_166] : memref<10000x128xf32, #tpu.memory_space<vmem_shared>> -> memref<80x128xf32, #tpu.memory_space<vmem_shared>>
        %dma_wait3A_168 = arith.constant 0 : i32
        %dma_wait3A_169 = tpu.memref_slice %arg10[%mul3A_148, %dma_wait3A_168] : memref<10000x128xf32, #tpu.memory_space<vmem_shared>> -> memref<80x128xf32, #tpu.memory_space<vmem_shared>>
        %dma_wait3A_170 = arith.constant 0 : i32
        %dma_wait3A_171 = arith.constant 0 : i32
        %dma_wait3A_172 = tpu.memref_slice %arg8[%run_scoped3A_149, %dma_wait3A_170, %dma_wait3A_171] : memref<2x80x128xf32, #tpu.memory_space<vmem>> -> memref<1x80x128xf32, #tpu.memory_space<vmem>>
        %dma_wait3A_173 = tpu.memref_squeeze %dma_wait3A_172 : memref<1x80x128xf32, #tpu.memory_space<vmem>> -> memref<80x128xf32, #tpu.memory_space<vmem>>
        tpu.wait_dma2 semaphore(%run_scoped3A_150 : memref<!tpu.dma_semaphore, #tpu.memory_space<semaphore_mem>>) src(%dma_wait3A_173 : memref<80x128xf32, #tpu.memory_space<vmem>>) dst(%dma_wait3A_169 : memref<80x128xf32, #tpu.memory_space<vmem_shared>>)
        tpu.yield
      }) : () -> ()
    } else {
    }
    %add3A_26 = arith.constant 64 : i32
    %add3A_27 = arith.addi %arg1, %add3A_26 : i32
    %lt3A_28 = arith.constant 125 : i32
    %lt3A_29 = arith.cmpi slt, %add3A_27, %lt3A_28 : i32
    %convert_element_type3A_30 = arith.extui %lt3A_29 : i1 to i32
    %cond3A_31 = arith.constant 0 : i32
    %cond3A_32 = arith.cmpi ne, %convert_element_type3A_30, %cond3A_31 : i32
    scf.if %cond3A_32 {
      %mul3A_145 = arith.constant 80 : i32
      %mul3A_146 = arith.muli %add3A_27, %mul3A_145 : i32
      %run_scoped3A = arith.constant 0 : i32
      "tpu.region"() ({
        %run_scoped3A_150 = tpu.sem_alloc : memref<!tpu.dma_semaphore, #tpu.memory_space<semaphore_mem>>
        %dma_start3A_151 = arith.constant 0 : i32
        %dma_start3A_152 = arith.constant 0 : i32
        %dma_start3A_153 = tpu.memref_slice %arg8[%run_scoped3A, %dma_start3A_151, %dma_start3A_152] : memref<2x80x128xf32, #tpu.memory_space<vmem>> -> memref<1x80x128xf32, #tpu.memory_space<vmem>>
        %dma_start3A_154 = tpu.memref_squeeze %dma_start3A_153 : memref<1x80x128xf32, #tpu.memory_space<vmem>> -> memref<80x128xf32, #tpu.memory_space<vmem>>
        %dma_start3A_155 = arith.constant 0 : i32
        %dma_start3A_156 = tpu.memref_slice %arg2[%mul3A_146, %dma_start3A_155] : memref<10000x128xf32, #tpu.memory_space<hbm>> -> memref<80x128xf32, #tpu.memory_space<hbm>>
        %dma_start3A_157 = arith.constant 0 : i32
        %dma_start3A_158 = arith.constant 0 : i32
        %dma_start3A_159 = tpu.memref_slice %arg8[%run_scoped3A, %dma_start3A_157, %dma_start3A_158] : memref<2x80x128xf32, #tpu.memory_space<vmem>> -> memref<1x80x128xf32, #tpu.memory_space<vmem>>
        %dma_start3A_160 = tpu.memref_squeeze %dma_start3A_159 : memref<1x80x128xf32, #tpu.memory_space<vmem>> -> memref<80x128xf32, #tpu.memory_space<vmem>>
        %dma_start3A_161 = arith.constant 0 : i32
        %dma_start3A_162 = tpu.memref_slice %arg2[%mul3A_146, %dma_start3A_161] : memref<10000x128xf32, #tpu.memory_space<hbm>> -> memref<80x128xf32, #tpu.memory_space<hbm>>
        tpu.enqueue_dma source(%dma_start3A_162 : memref<80x128xf32, #tpu.memory_space<hbm>>) target(%dma_start3A_160 : memref<80x128xf32, #tpu.memory_space<vmem>>) target_semaphore(%run_scoped3A_150 : memref<!tpu.dma_semaphore, #tpu.memory_space<semaphore_mem>>)
        %dma_wait3A = arith.constant 0 : i32
        %dma_wait3A_163 = arith.constant 0 : i32
        %dma_wait3A_164 = tpu.memref_slice %arg8[%run_scoped3A, %dma_wait3A, %dma_wait3A_163] : memref<2x80x128xf32, #tpu.memory_space<vmem>> -> memref<1x80x128xf32, #tpu.memory_space<vmem>>
        %dma_wait3A_165 = tpu.memref_squeeze %dma_wait3A_164 : memref<1x80x128xf32, #tpu.memory_space<vmem>> -> memref<80x128xf32, #tpu.memory_space<vmem>>
        %dma_wait3A_166 = arith.constant 0 : i32
        %dma_wait3A_167 = tpu.memref_slice %arg2[%mul3A_146, %dma_wait3A_166] : memref<10000x128xf32, #tpu.memory_space<hbm>> -> memref<80x128xf32, #tpu.memory_space<hbm>>
        %dma_wait3A_168 = arith.constant 0 : i32
        %dma_wait3A_169 = arith.constant 0 : i32
        %dma_wait3A_170 = tpu.memref_slice %arg8[%run_scoped3A, %dma_wait3A_168, %dma_wait3A_169] : memref<2x80x128xf32, #tpu.memory_space<vmem>> -> memref<1x80x128xf32, #tpu.memory_space<vmem>>
        %dma_wait3A_171 = tpu.memref_squeeze %dma_wait3A_170 : memref<1x80x128xf32, #tpu.memory_space<vmem>> -> memref<80x128xf32, #tpu.memory_space<vmem>>
        %dma_wait3A_172 = arith.constant 0 : i32
        %dma_wait3A_173 = tpu.memref_slice %arg2[%mul3A_146, %dma_wait3A_172] : memref<10000x128xf32, #tpu.memory_space<hbm>> -> memref<80x128xf32, #tpu.memory_space<hbm>>
        tpu.wait_dma2 semaphore(%run_scoped3A_150 : memref<!tpu.dma_semaphore, #tpu.memory_space<semaphore_mem>>) src(%dma_wait3A_173 : memref<80x128xf32, #tpu.memory_space<hbm>>) dst(%dma_wait3A_171 : memref<80x128xf32, #tpu.memory_space<vmem>>)
        tpu.yield
      }) : () -> ()
      %mul3A_147 = arith.constant 80 : i32
      %mul3A_148 = arith.muli %add3A_27, %mul3A_147 : i32
      %run_scoped3A_149 = arith.constant 0 : i32
      "tpu.region"() ({
        %run_scoped3A_150 = tpu.sem_alloc : memref<!tpu.dma_semaphore, #tpu.memory_space<semaphore_mem>>
        %dma_start3A_151 = arith.constant 0 : i32
        %dma_start3A_152 = arith.constant 0 : i32
        %dma_start3A_153 = tpu.memref_slice %arg8[%run_scoped3A_149, %dma_start3A_151, %dma_start3A_152] : memref<2x80x128xf32, #tpu.memory_space<vmem>> -> memref<1x80x128xf32, #tpu.memory_space<vmem>>
        %dma_start3A_154 = tpu.memref_squeeze %dma_start3A_153 : memref<1x80x128xf32, #tpu.memory_space<vmem>> -> memref<80x128xf32, #tpu.memory_space<vmem>>
        %dma_start3A_155 = arith.constant 0 : i32
        %dma_start3A_156 = tpu.memref_slice %arg10[%mul3A_148, %dma_start3A_155] : memref<10000x128xf32, #tpu.memory_space<vmem_shared>> -> memref<80x128xf32, #tpu.memory_space<vmem_shared>>
        %dma_start3A_157 = arith.constant 0 : i32
        %dma_start3A_158 = tpu.memref_slice %arg10[%mul3A_148, %dma_start3A_157] : memref<10000x128xf32, #tpu.memory_space<vmem_shared>> -> memref<80x128xf32, #tpu.memory_space<vmem_shared>>
        %dma_start3A_159 = arith.constant 0 : i32
        %dma_start3A_160 = arith.constant 0 : i32
        %dma_start3A_161 = tpu.memref_slice %arg8[%run_scoped3A_149, %dma_start3A_159, %dma_start3A_160] : memref<2x80x128xf32, #tpu.memory_space<vmem>> -> memref<1x80x128xf32, #tpu.memory_space<vmem>>
        %dma_start3A_162 = tpu.memref_squeeze %dma_start3A_161 : memref<1x80x128xf32, #tpu.memory_space<vmem>> -> memref<80x128xf32, #tpu.memory_space<vmem>>
        tpu.enqueue_dma source(%dma_start3A_162 : memref<80x128xf32, #tpu.memory_space<vmem>>) target(%dma_start3A_158 : memref<80x128xf32, #tpu.memory_space<vmem_shared>>) target_semaphore(%run_scoped3A_150 : memref<!tpu.dma_semaphore, #tpu.memory_space<semaphore_mem>>)
        %dma_wait3A = arith.constant 0 : i32
        %dma_wait3A_163 = arith.constant 0 : i32
        %dma_wait3A_164 = tpu.memref_slice %arg8[%run_scoped3A_149, %dma_wait3A, %dma_wait3A_163] : memref<2x80x128xf32, #tpu.memory_space<vmem>> -> memref<1x80x128xf32, #tpu.memory_space<vmem>>
        %dma_wait3A_165 = tpu.memref_squeeze %dma_wait3A_164 : memref<1x80x128xf32, #tpu.memory_space<vmem>> -> memref<80x128xf32, #tpu.memory_space<vmem>>
        %dma_wait3A_166 = arith.constant 0 : i32
        %dma_wait3A_167 = tpu.memref_slice %arg10[%mul3A_148, %dma_wait3A_166] : memref<10000x128xf32, #tpu.memory_space<vmem_shared>> -> memref<80x128xf32, #tpu.memory_space<vmem_shared>>
        %dma_wait3A_168 = arith.constant 0 : i32
        %dma_wait3A_169 = tpu.memref_slice %arg10[%mul3A_148, %dma_wait3A_168] : memref<10000x128xf32, #tpu.memory_space<vmem_shared>> -> memref<80x128xf32, #tpu.memory_space<vmem_shared>>
        %dma_wait3A_170 = arith.constant 0 : i32
        %dma_wait3A_171 = arith.constant 0 : i32
        %dma_wait3A_172 = tpu.memref_slice %arg8[%run_scoped3A_149, %dma_wait3A_170, %dma_wait3A_171] : memref<2x80x128xf32, #tpu.memory_space<vmem>> -> memref<1x80x128xf32, #tpu.memory_space<vmem>>
        %dma_wait3A_173 = tpu.memref_squeeze %dma_wait3A_172 : memref<1x80x128xf32, #tpu.memory_space<vmem>> -> memref<80x128xf32, #tpu.memory_space<vmem>>
        tpu.wait_dma2 semaphore(%run_scoped3A_150 : memref<!tpu.dma_semaphore, #tpu.memory_space<semaphore_mem>>) src(%dma_wait3A_173 : memref<80x128xf32, #tpu.memory_space<vmem>>) dst(%dma_wait3A_169 : memref<80x128xf32, #tpu.memory_space<vmem_shared>>)
        tpu.yield
      }) : () -> ()
    } else {
    }
    %add3A_33 = arith.constant 80 : i32
    %add3A_34 = arith.addi %arg1, %add3A_33 : i32
    %lt3A_35 = arith.constant 125 : i32
    %lt3A_36 = arith.cmpi slt, %add3A_34, %lt3A_35 : i32
    %convert_element_type3A_37 = arith.extui %lt3A_36 : i1 to i32
    %cond3A_38 = arith.constant 0 : i32
    %cond3A_39 = arith.cmpi ne, %convert_element_type3A_37, %cond3A_38 : i32
    scf.if %cond3A_39 {
      %mul3A_145 = arith.constant 80 : i32
      %mul3A_146 = arith.muli %add3A_34, %mul3A_145 : i32
      %run_scoped3A = arith.constant 0 : i32
      "tpu.region"() ({
        %run_scoped3A_150 = tpu.sem_alloc : memref<!tpu.dma_semaphore, #tpu.memory_space<semaphore_mem>>
        %dma_start3A_151 = arith.constant 0 : i32
        %dma_start3A_152 = arith.constant 0 : i32
        %dma_start3A_153 = tpu.memref_slice %arg8[%run_scoped3A, %dma_start3A_151, %dma_start3A_152] : memref<2x80x128xf32, #tpu.memory_space<vmem>> -> memref<1x80x128xf32, #tpu.memory_space<vmem>>
        %dma_start3A_154 = tpu.memref_squeeze %dma_start3A_153 : memref<1x80x128xf32, #tpu.memory_space<vmem>> -> memref<80x128xf32, #tpu.memory_space<vmem>>
        %dma_start3A_155 = arith.constant 0 : i32
        %dma_start3A_156 = tpu.memref_slice %arg2[%mul3A_146, %dma_start3A_155] : memref<10000x128xf32, #tpu.memory_space<hbm>> -> memref<80x128xf32, #tpu.memory_space<hbm>>
        %dma_start3A_157 = arith.constant 0 : i32
        %dma_start3A_158 = arith.constant 0 : i32
        %dma_start3A_159 = tpu.memref_slice %arg8[%run_scoped3A, %dma_start3A_157, %dma_start3A_158] : memref<2x80x128xf32, #tpu.memory_space<vmem>> -> memref<1x80x128xf32, #tpu.memory_space<vmem>>
        %dma_start3A_160 = tpu.memref_squeeze %dma_start3A_159 : memref<1x80x128xf32, #tpu.memory_space<vmem>> -> memref<80x128xf32, #tpu.memory_space<vmem>>
        %dma_start3A_161 = arith.constant 0 : i32
        %dma_start3A_162 = tpu.memref_slice %arg2[%mul3A_146, %dma_start3A_161] : memref<10000x128xf32, #tpu.memory_space<hbm>> -> memref<80x128xf32, #tpu.memory_space<hbm>>
        tpu.enqueue_dma source(%dma_start3A_162 : memref<80x128xf32, #tpu.memory_space<hbm>>) target(%dma_start3A_160 : memref<80x128xf32, #tpu.memory_space<vmem>>) target_semaphore(%run_scoped3A_150 : memref<!tpu.dma_semaphore, #tpu.memory_space<semaphore_mem>>)
        %dma_wait3A = arith.constant 0 : i32
        %dma_wait3A_163 = arith.constant 0 : i32
        %dma_wait3A_164 = tpu.memref_slice %arg8[%run_scoped3A, %dma_wait3A, %dma_wait3A_163] : memref<2x80x128xf32, #tpu.memory_space<vmem>> -> memref<1x80x128xf32, #tpu.memory_space<vmem>>
        %dma_wait3A_165 = tpu.memref_squeeze %dma_wait3A_164 : memref<1x80x128xf32, #tpu.memory_space<vmem>> -> memref<80x128xf32, #tpu.memory_space<vmem>>
        %dma_wait3A_166 = arith.constant 0 : i32
        %dma_wait3A_167 = tpu.memref_slice %arg2[%mul3A_146, %dma_wait3A_166] : memref<10000x128xf32, #tpu.memory_space<hbm>> -> memref<80x128xf32, #tpu.memory_space<hbm>>
        %dma_wait3A_168 = arith.constant 0 : i32
        %dma_wait3A_169 = arith.constant 0 : i32
        %dma_wait3A_170 = tpu.memref_slice %arg8[%run_scoped3A, %dma_wait3A_168, %dma_wait3A_169] : memref<2x80x128xf32, #tpu.memory_space<vmem>> -> memref<1x80x128xf32, #tpu.memory_space<vmem>>
        %dma_wait3A_171 = tpu.memref_squeeze %dma_wait3A_170 : memref<1x80x128xf32, #tpu.memory_space<vmem>> -> memref<80x128xf32, #tpu.memory_space<vmem>>
        %dma_wait3A_172 = arith.constant 0 : i32
        %dma_wait3A_173 = tpu.memref_slice %arg2[%mul3A_146, %dma_wait3A_172] : memref<10000x128xf32, #tpu.memory_space<hbm>> -> memref<80x128xf32, #tpu.memory_space<hbm>>
        tpu.wait_dma2 semaphore(%run_scoped3A_150 : memref<!tpu.dma_semaphore, #tpu.memory_space<semaphore_mem>>) src(%dma_wait3A_173 : memref<80x128xf32, #tpu.memory_space<hbm>>) dst(%dma_wait3A_171 : memref<80x128xf32, #tpu.memory_space<vmem>>)
        tpu.yield
      }) : () -> ()
      %mul3A_147 = arith.constant 80 : i32
      %mul3A_148 = arith.muli %add3A_34, %mul3A_147 : i32
      %run_scoped3A_149 = arith.constant 0 : i32
      "tpu.region"() ({
        %run_scoped3A_150 = tpu.sem_alloc : memref<!tpu.dma_semaphore, #tpu.memory_space<semaphore_mem>>
        %dma_start3A_151 = arith.constant 0 : i32
        %dma_start3A_152 = arith.constant 0 : i32
        %dma_start3A_153 = tpu.memref_slice %arg8[%run_scoped3A_149, %dma_start3A_151, %dma_start3A_152] : memref<2x80x128xf32, #tpu.memory_space<vmem>> -> memref<1x80x128xf32, #tpu.memory_space<vmem>>
        %dma_start3A_154 = tpu.memref_squeeze %dma_start3A_153 : memref<1x80x128xf32, #tpu.memory_space<vmem>> -> memref<80x128xf32, #tpu.memory_space<vmem>>
        %dma_start3A_155 = arith.constant 0 : i32
        %dma_start3A_156 = tpu.memref_slice %arg10[%mul3A_148, %dma_start3A_155] : memref<10000x128xf32, #tpu.memory_space<vmem_shared>> -> memref<80x128xf32, #tpu.memory_space<vmem_shared>>
        %dma_start3A_157 = arith.constant 0 : i32
        %dma_start3A_158 = tpu.memref_slice %arg10[%mul3A_148, %dma_start3A_157] : memref<10000x128xf32, #tpu.memory_space<vmem_shared>> -> memref<80x128xf32, #tpu.memory_space<vmem_shared>>
        %dma_start3A_159 = arith.constant 0 : i32
        %dma_start3A_160 = arith.constant 0 : i32
        %dma_start3A_161 = tpu.memref_slice %arg8[%run_scoped3A_149, %dma_start3A_159, %dma_start3A_160] : memref<2x80x128xf32, #tpu.memory_space<vmem>> -> memref<1x80x128xf32, #tpu.memory_space<vmem>>
        %dma_start3A_162 = tpu.memref_squeeze %dma_start3A_161 : memref<1x80x128xf32, #tpu.memory_space<vmem>> -> memref<80x128xf32, #tpu.memory_space<vmem>>
        tpu.enqueue_dma source(%dma_start3A_162 : memref<80x128xf32, #tpu.memory_space<vmem>>) target(%dma_start3A_158 : memref<80x128xf32, #tpu.memory_space<vmem_shared>>) target_semaphore(%run_scoped3A_150 : memref<!tpu.dma_semaphore, #tpu.memory_space<semaphore_mem>>)
        %dma_wait3A = arith.constant 0 : i32
        %dma_wait3A_163 = arith.constant 0 : i32
        %dma_wait3A_164 = tpu.memref_slice %arg8[%run_scoped3A_149, %dma_wait3A, %dma_wait3A_163] : memref<2x80x128xf32, #tpu.memory_space<vmem>> -> memref<1x80x128xf32, #tpu.memory_space<vmem>>
        %dma_wait3A_165 = tpu.memref_squeeze %dma_wait3A_164 : memref<1x80x128xf32, #tpu.memory_space<vmem>> -> memref<80x128xf32, #tpu.memory_space<vmem>>
        %dma_wait3A_166 = arith.constant 0 : i32
        %dma_wait3A_167 = tpu.memref_slice %arg10[%mul3A_148, %dma_wait3A_166] : memref<10000x128xf32, #tpu.memory_space<vmem_shared>> -> memref<80x128xf32, #tpu.memory_space<vmem_shared>>
        %dma_wait3A_168 = arith.constant 0 : i32
        %dma_wait3A_169 = tpu.memref_slice %arg10[%mul3A_148, %dma_wait3A_168] : memref<10000x128xf32, #tpu.memory_space<vmem_shared>> -> memref<80x128xf32, #tpu.memory_space<vmem_shared>>
        %dma_wait3A_170 = arith.constant 0 : i32
        %dma_wait3A_171 = arith.constant 0 : i32
        %dma_wait3A_172 = tpu.memref_slice %arg8[%run_scoped3A_149, %dma_wait3A_170, %dma_wait3A_171] : memref<2x80x128xf32, #tpu.memory_space<vmem>> -> memref<1x80x128xf32, #tpu.memory_space<vmem>>
        %dma_wait3A_173 = tpu.memref_squeeze %dma_wait3A_172 : memref<1x80x128xf32, #tpu.memory_space<vmem>> -> memref<80x128xf32, #tpu.memory_space<vmem>>
        tpu.wait_dma2 semaphore(%run_scoped3A_150 : memref<!tpu.dma_semaphore, #tpu.memory_space<semaphore_mem>>) src(%dma_wait3A_173 : memref<80x128xf32, #tpu.memory_space<vmem>>) dst(%dma_wait3A_169 : memref<80x128xf32, #tpu.memory_space<vmem_shared>>)
        tpu.yield
      }) : () -> ()
    } else {
    }
    %add3A_40 = arith.constant 96 : i32
    %add3A_41 = arith.addi %arg1, %add3A_40 : i32
    %lt3A_42 = arith.constant 125 : i32
    %lt3A_43 = arith.cmpi slt, %add3A_41, %lt3A_42 : i32
    %convert_element_type3A_44 = arith.extui %lt3A_43 : i1 to i32
    %cond3A_45 = arith.constant 0 : i32
    %cond3A_46 = arith.cmpi ne, %convert_element_type3A_44, %cond3A_45 : i32
    scf.if %cond3A_46 {
      %mul3A_145 = arith.constant 80 : i32
      %mul3A_146 = arith.muli %add3A_41, %mul3A_145 : i32
      %run_scoped3A = arith.constant 0 : i32
      "tpu.region"() ({
        %run_scoped3A_150 = tpu.sem_alloc : memref<!tpu.dma_semaphore, #tpu.memory_space<semaphore_mem>>
        %dma_start3A_151 = arith.constant 0 : i32
        %dma_start3A_152 = arith.constant 0 : i32
        %dma_start3A_153 = tpu.memref_slice %arg8[%run_scoped3A, %dma_start3A_151, %dma_start3A_152] : memref<2x80x128xf32, #tpu.memory_space<vmem>> -> memref<1x80x128xf32, #tpu.memory_space<vmem>>
        %dma_start3A_154 = tpu.memref_squeeze %dma_start3A_153 : memref<1x80x128xf32, #tpu.memory_space<vmem>> -> memref<80x128xf32, #tpu.memory_space<vmem>>
        %dma_start3A_155 = arith.constant 0 : i32
        %dma_start3A_156 = tpu.memref_slice %arg2[%mul3A_146, %dma_start3A_155] : memref<10000x128xf32, #tpu.memory_space<hbm>> -> memref<80x128xf32, #tpu.memory_space<hbm>>
        %dma_start3A_157 = arith.constant 0 : i32
        %dma_start3A_158 = arith.constant 0 : i32
        %dma_start3A_159 = tpu.memref_slice %arg8[%run_scoped3A, %dma_start3A_157, %dma_start3A_158] : memref<2x80x128xf32, #tpu.memory_space<vmem>> -> memref<1x80x128xf32, #tpu.memory_space<vmem>>
        %dma_start3A_160 = tpu.memref_squeeze %dma_start3A_159 : memref<1x80x128xf32, #tpu.memory_space<vmem>> -> memref<80x128xf32, #tpu.memory_space<vmem>>
        %dma_start3A_161 = arith.constant 0 : i32
        %dma_start3A_162 = tpu.memref_slice %arg2[%mul3A_146, %dma_start3A_161] : memref<10000x128xf32, #tpu.memory_space<hbm>> -> memref<80x128xf32, #tpu.memory_space<hbm>>
        tpu.enqueue_dma source(%dma_start3A_162 : memref<80x128xf32, #tpu.memory_space<hbm>>) target(%dma_start3A_160 : memref<80x128xf32, #tpu.memory_space<vmem>>) target_semaphore(%run_scoped3A_150 : memref<!tpu.dma_semaphore, #tpu.memory_space<semaphore_mem>>)
        %dma_wait3A = arith.constant 0 : i32
        %dma_wait3A_163 = arith.constant 0 : i32
        %dma_wait3A_164 = tpu.memref_slice %arg8[%run_scoped3A, %dma_wait3A, %dma_wait3A_163] : memref<2x80x128xf32, #tpu.memory_space<vmem>> -> memref<1x80x128xf32, #tpu.memory_space<vmem>>
        %dma_wait3A_165 = tpu.memref_squeeze %dma_wait3A_164 : memref<1x80x128xf32, #tpu.memory_space<vmem>> -> memref<80x128xf32, #tpu.memory_space<vmem>>
        %dma_wait3A_166 = arith.constant 0 : i32
        %dma_wait3A_167 = tpu.memref_slice %arg2[%mul3A_146, %dma_wait3A_166] : memref<10000x128xf32, #tpu.memory_space<hbm>> -> memref<80x128xf32, #tpu.memory_space<hbm>>
        %dma_wait3A_168 = arith.constant 0 : i32
        %dma_wait3A_169 = arith.constant 0 : i32
        %dma_wait3A_170 = tpu.memref_slice %arg8[%run_scoped3A, %dma_wait3A_168, %dma_wait3A_169] : memref<2x80x128xf32, #tpu.memory_space<vmem>> -> memref<1x80x128xf32, #tpu.memory_space<vmem>>
        %dma_wait3A_171 = tpu.memref_squeeze %dma_wait3A_170 : memref<1x80x128xf32, #tpu.memory_space<vmem>> -> memref<80x128xf32, #tpu.memory_space<vmem>>
        %dma_wait3A_172 = arith.constant 0 : i32
        %dma_wait3A_173 = tpu.memref_slice %arg2[%mul3A_146, %dma_wait3A_172] : memref<10000x128xf32, #tpu.memory_space<hbm>> -> memref<80x128xf32, #tpu.memory_space<hbm>>
        tpu.wait_dma2 semaphore(%run_scoped3A_150 : memref<!tpu.dma_semaphore, #tpu.memory_space<semaphore_mem>>) src(%dma_wait3A_173 : memref<80x128xf32, #tpu.memory_space<hbm>>) dst(%dma_wait3A_171 : memref<80x128xf32, #tpu.memory_space<vmem>>)
        tpu.yield
      }) : () -> ()
      %mul3A_147 = arith.constant 80 : i32
      %mul3A_148 = arith.muli %add3A_41, %mul3A_147 : i32
      %run_scoped3A_149 = arith.constant 0 : i32
      "tpu.region"() ({
        %run_scoped3A_150 = tpu.sem_alloc : memref<!tpu.dma_semaphore, #tpu.memory_space<semaphore_mem>>
        %dma_start3A_151 = arith.constant 0 : i32
        %dma_start3A_152 = arith.constant 0 : i32
        %dma_start3A_153 = tpu.memref_slice %arg8[%run_scoped3A_149, %dma_start3A_151, %dma_start3A_152] : memref<2x80x128xf32, #tpu.memory_space<vmem>> -> memref<1x80x128xf32, #tpu.memory_space<vmem>>
        %dma_start3A_154 = tpu.memref_squeeze %dma_start3A_153 : memref<1x80x128xf32, #tpu.memory_space<vmem>> -> memref<80x128xf32, #tpu.memory_space<vmem>>
        %dma_start3A_155 = arith.constant 0 : i32
        %dma_start3A_156 = tpu.memref_slice %arg10[%mul3A_148, %dma_start3A_155] : memref<10000x128xf32, #tpu.memory_space<vmem_shared>> -> memref<80x128xf32, #tpu.memory_space<vmem_shared>>
        %dma_start3A_157 = arith.constant 0 : i32
        %dma_start3A_158 = tpu.memref_slice %arg10[%mul3A_148, %dma_start3A_157] : memref<10000x128xf32, #tpu.memory_space<vmem_shared>> -> memref<80x128xf32, #tpu.memory_space<vmem_shared>>
        %dma_start3A_159 = arith.constant 0 : i32
        %dma_start3A_160 = arith.constant 0 : i32
        %dma_start3A_161 = tpu.memref_slice %arg8[%run_scoped3A_149, %dma_start3A_159, %dma_start3A_160] : memref<2x80x128xf32, #tpu.memory_space<vmem>> -> memref<1x80x128xf32, #tpu.memory_space<vmem>>
        %dma_start3A_162 = tpu.memref_squeeze %dma_start3A_161 : memref<1x80x128xf32, #tpu.memory_space<vmem>> -> memref<80x128xf32, #tpu.memory_space<vmem>>
        tpu.enqueue_dma source(%dma_start3A_162 : memref<80x128xf32, #tpu.memory_space<vmem>>) target(%dma_start3A_158 : memref<80x128xf32, #tpu.memory_space<vmem_shared>>) target_semaphore(%run_scoped3A_150 : memref<!tpu.dma_semaphore, #tpu.memory_space<semaphore_mem>>)
        %dma_wait3A = arith.constant 0 : i32
        %dma_wait3A_163 = arith.constant 0 : i32
        %dma_wait3A_164 = tpu.memref_slice %arg8[%run_scoped3A_149, %dma_wait3A, %dma_wait3A_163] : memref<2x80x128xf32, #tpu.memory_space<vmem>> -> memref<1x80x128xf32, #tpu.memory_space<vmem>>
        %dma_wait3A_165 = tpu.memref_squeeze %dma_wait3A_164 : memref<1x80x128xf32, #tpu.memory_space<vmem>> -> memref<80x128xf32, #tpu.memory_space<vmem>>
        %dma_wait3A_166 = arith.constant 0 : i32
        %dma_wait3A_167 = tpu.memref_slice %arg10[%mul3A_148, %dma_wait3A_166] : memref<10000x128xf32, #tpu.memory_space<vmem_shared>> -> memref<80x128xf32, #tpu.memory_space<vmem_shared>>
        %dma_wait3A_168 = arith.constant 0 : i32
        %dma_wait3A_169 = tpu.memref_slice %arg10[%mul3A_148, %dma_wait3A_168] : memref<10000x128xf32, #tpu.memory_space<vmem_shared>> -> memref<80x128xf32, #tpu.memory_space<vmem_shared>>
        %dma_wait3A_170 = arith.constant 0 : i32
        %dma_wait3A_171 = arith.constant 0 : i32
        %dma_wait3A_172 = tpu.memref_slice %arg8[%run_scoped3A_149, %dma_wait3A_170, %dma_wait3A_171] : memref<2x80x128xf32, #tpu.memory_space<vmem>> -> memref<1x80x128xf32, #tpu.memory_space<vmem>>
        %dma_wait3A_173 = tpu.memref_squeeze %dma_wait3A_172 : memref<1x80x128xf32, #tpu.memory_space<vmem>> -> memref<80x128xf32, #tpu.memory_space<vmem>>
        tpu.wait_dma2 semaphore(%run_scoped3A_150 : memref<!tpu.dma_semaphore, #tpu.memory_space<semaphore_mem>>) src(%dma_wait3A_173 : memref<80x128xf32, #tpu.memory_space<vmem>>) dst(%dma_wait3A_169 : memref<80x128xf32, #tpu.memory_space<vmem_shared>>)
        tpu.yield
      }) : () -> ()
    } else {
    }
    %add3A_47 = arith.constant 112 : i32
    %add3A_48 = arith.addi %arg1, %add3A_47 : i32
    %lt3A_49 = arith.constant 125 : i32
    %lt3A_50 = arith.cmpi slt, %add3A_48, %lt3A_49 : i32
    %convert_element_type3A_51 = arith.extui %lt3A_50 : i1 to i32
    %cond3A_52 = arith.constant 0 : i32
    %cond3A_53 = arith.cmpi ne, %convert_element_type3A_51, %cond3A_52 : i32
    scf.if %cond3A_53 {
      %mul3A_145 = arith.constant 80 : i32
      %mul3A_146 = arith.muli %add3A_48, %mul3A_145 : i32
      %run_scoped3A = arith.constant 0 : i32
      "tpu.region"() ({
        %run_scoped3A_150 = tpu.sem_alloc : memref<!tpu.dma_semaphore, #tpu.memory_space<semaphore_mem>>
        %dma_start3A_151 = arith.constant 0 : i32
        %dma_start3A_152 = arith.constant 0 : i32
        %dma_start3A_153 = tpu.memref_slice %arg8[%run_scoped3A, %dma_start3A_151, %dma_start3A_152] : memref<2x80x128xf32, #tpu.memory_space<vmem>> -> memref<1x80x128xf32, #tpu.memory_space<vmem>>
        %dma_start3A_154 = tpu.memref_squeeze %dma_start3A_153 : memref<1x80x128xf32, #tpu.memory_space<vmem>> -> memref<80x128xf32, #tpu.memory_space<vmem>>
        %dma_start3A_155 = arith.constant 0 : i32
        %dma_start3A_156 = tpu.memref_slice %arg2[%mul3A_146, %dma_start3A_155] : memref<10000x128xf32, #tpu.memory_space<hbm>> -> memref<80x128xf32, #tpu.memory_space<hbm>>
        %dma_start3A_157 = arith.constant 0 : i32
        %dma_start3A_158 = arith.constant 0 : i32
        %dma_start3A_159 = tpu.memref_slice %arg8[%run_scoped3A, %dma_start3A_157, %dma_start3A_158] : memref<2x80x128xf32, #tpu.memory_space<vmem>> -> memref<1x80x128xf32, #tpu.memory_space<vmem>>
        %dma_start3A_160 = tpu.memref_squeeze %dma_start3A_159 : memref<1x80x128xf32, #tpu.memory_space<vmem>> -> memref<80x128xf32, #tpu.memory_space<vmem>>
        %dma_start3A_161 = arith.constant 0 : i32
        %dma_start3A_162 = tpu.memref_slice %arg2[%mul3A_146, %dma_start3A_161] : memref<10000x128xf32, #tpu.memory_space<hbm>> -> memref<80x128xf32, #tpu.memory_space<hbm>>
        tpu.enqueue_dma source(%dma_start3A_162 : memref<80x128xf32, #tpu.memory_space<hbm>>) target(%dma_start3A_160 : memref<80x128xf32, #tpu.memory_space<vmem>>) target_semaphore(%run_scoped3A_150 : memref<!tpu.dma_semaphore, #tpu.memory_space<semaphore_mem>>)
        %dma_wait3A = arith.constant 0 : i32
        %dma_wait3A_163 = arith.constant 0 : i32
        %dma_wait3A_164 = tpu.memref_slice %arg8[%run_scoped3A, %dma_wait3A, %dma_wait3A_163] : memref<2x80x128xf32, #tpu.memory_space<vmem>> -> memref<1x80x128xf32, #tpu.memory_space<vmem>>
        %dma_wait3A_165 = tpu.memref_squeeze %dma_wait3A_164 : memref<1x80x128xf32, #tpu.memory_space<vmem>> -> memref<80x128xf32, #tpu.memory_space<vmem>>
        %dma_wait3A_166 = arith.constant 0 : i32
        %dma_wait3A_167 = tpu.memref_slice %arg2[%mul3A_146, %dma_wait3A_166] : memref<10000x128xf32, #tpu.memory_space<hbm>> -> memref<80x128xf32, #tpu.memory_space<hbm>>
        %dma_wait3A_168 = arith.constant 0 : i32
        %dma_wait3A_169 = arith.constant 0 : i32
        %dma_wait3A_170 = tpu.memref_slice %arg8[%run_scoped3A, %dma_wait3A_168, %dma_wait3A_169] : memref<2x80x128xf32, #tpu.memory_space<vmem>> -> memref<1x80x128xf32, #tpu.memory_space<vmem>>
        %dma_wait3A_171 = tpu.memref_squeeze %dma_wait3A_170 : memref<1x80x128xf32, #tpu.memory_space<vmem>> -> memref<80x128xf32, #tpu.memory_space<vmem>>
        %dma_wait3A_172 = arith.constant 0 : i32
        %dma_wait3A_173 = tpu.memref_slice %arg2[%mul3A_146, %dma_wait3A_172] : memref<10000x128xf32, #tpu.memory_space<hbm>> -> memref<80x128xf32, #tpu.memory_space<hbm>>
        tpu.wait_dma2 semaphore(%run_scoped3A_150 : memref<!tpu.dma_semaphore, #tpu.memory_space<semaphore_mem>>) src(%dma_wait3A_173 : memref<80x128xf32, #tpu.memory_space<hbm>>) dst(%dma_wait3A_171 : memref<80x128xf32, #tpu.memory_space<vmem>>)
        tpu.yield
      }) : () -> ()
      %mul3A_147 = arith.constant 80 : i32
      %mul3A_148 = arith.muli %add3A_48, %mul3A_147 : i32
      %run_scoped3A_149 = arith.constant 0 : i32
      "tpu.region"() ({
        %run_scoped3A_150 = tpu.sem_alloc : memref<!tpu.dma_semaphore, #tpu.memory_space<semaphore_mem>>
        %dma_start3A_151 = arith.constant 0 : i32
        %dma_start3A_152 = arith.constant 0 : i32
        %dma_start3A_153 = tpu.memref_slice %arg8[%run_scoped3A_149, %dma_start3A_151, %dma_start3A_152] : memref<2x80x128xf32, #tpu.memory_space<vmem>> -> memref<1x80x128xf32, #tpu.memory_space<vmem>>
        %dma_start3A_154 = tpu.memref_squeeze %dma_start3A_153 : memref<1x80x128xf32, #tpu.memory_space<vmem>> -> memref<80x128xf32, #tpu.memory_space<vmem>>
        %dma_start3A_155 = arith.constant 0 : i32
        %dma_start3A_156 = tpu.memref_slice %arg10[%mul3A_148, %dma_start3A_155] : memref<10000x128xf32, #tpu.memory_space<vmem_shared>> -> memref<80x128xf32, #tpu.memory_space<vmem_shared>>
        %dma_start3A_157 = arith.constant 0 : i32
        %dma_start3A_158 = tpu.memref_slice %arg10[%mul3A_148, %dma_start3A_157] : memref<10000x128xf32, #tpu.memory_space<vmem_shared>> -> memref<80x128xf32, #tpu.memory_space<vmem_shared>>
        %dma_start3A_159 = arith.constant 0 : i32
        %dma_start3A_160 = arith.constant 0 : i32
        %dma_start3A_161 = tpu.memref_slice %arg8[%run_scoped3A_149, %dma_start3A_159, %dma_start3A_160] : memref<2x80x128xf32, #tpu.memory_space<vmem>> -> memref<1x80x128xf32, #tpu.memory_space<vmem>>
        %dma_start3A_162 = tpu.memref_squeeze %dma_start3A_161 : memref<1x80x128xf32, #tpu.memory_space<vmem>> -> memref<80x128xf32, #tpu.memory_space<vmem>>
        tpu.enqueue_dma source(%dma_start3A_162 : memref<80x128xf32, #tpu.memory_space<vmem>>) target(%dma_start3A_158 : memref<80x128xf32, #tpu.memory_space<vmem_shared>>) target_semaphore(%run_scoped3A_150 : memref<!tpu.dma_semaphore, #tpu.memory_space<semaphore_mem>>)
        %dma_wait3A = arith.constant 0 : i32
        %dma_wait3A_163 = arith.constant 0 : i32
        %dma_wait3A_164 = tpu.memref_slice %arg8[%run_scoped3A_149, %dma_wait3A, %dma_wait3A_163] : memref<2x80x128xf32, #tpu.memory_space<vmem>> -> memref<1x80x128xf32, #tpu.memory_space<vmem>>
        %dma_wait3A_165 = tpu.memref_squeeze %dma_wait3A_164 : memref<1x80x128xf32, #tpu.memory_space<vmem>> -> memref<80x128xf32, #tpu.memory_space<vmem>>
        %dma_wait3A_166 = arith.constant 0 : i32
        %dma_wait3A_167 = tpu.memref_slice %arg10[%mul3A_148, %dma_wait3A_166] : memref<10000x128xf32, #tpu.memory_space<vmem_shared>> -> memref<80x128xf32, #tpu.memory_space<vmem_shared>>
        %dma_wait3A_168 = arith.constant 0 : i32
        %dma_wait3A_169 = tpu.memref_slice %arg10[%mul3A_148, %dma_wait3A_168] : memref<10000x128xf32, #tpu.memory_space<vmem_shared>> -> memref<80x128xf32, #tpu.memory_space<vmem_shared>>
        %dma_wait3A_170 = arith.constant 0 : i32
        %dma_wait3A_171 = arith.constant 0 : i32
        %dma_wait3A_172 = tpu.memref_slice %arg8[%run_scoped3A_149, %dma_wait3A_170, %dma_wait3A_171] : memref<2x80x128xf32, #tpu.memory_space<vmem>> -> memref<1x80x128xf32, #tpu.memory_space<vmem>>
        %dma_wait3A_173 = tpu.memref_squeeze %dma_wait3A_172 : memref<1x80x128xf32, #tpu.memory_space<vmem>> -> memref<80x128xf32, #tpu.memory_space<vmem>>
        tpu.wait_dma2 semaphore(%run_scoped3A_150 : memref<!tpu.dma_semaphore, #tpu.memory_space<semaphore_mem>>) src(%dma_wait3A_173 : memref<80x128xf32, #tpu.memory_space<vmem>>) dst(%dma_wait3A_169 : memref<80x128xf32, #tpu.memory_space<vmem_shared>>)
        tpu.yield
      }) : () -> ()
    } else {
    }
    %barrier3A = arith.constant 0 : index
    tpu.barrier barrier_id(%barrier3A)
    "tpu.region"() ({
      %run_scoped3A = tpu.sem_alloc : memref<!tpu.dma_semaphore, #tpu.memory_space<semaphore_mem>>
      %dma_start3A_145 = arith.constant 0 : i32
      %dma_start3A_146 = arith.constant 0 : i32
      %dma_start3A_147 = tpu.memref_slice %arg6[%dma_start3A_145, %dma_start3A_146] : memref<64x80xi32, #tpu.memory_space<vmem>> -> memref<64x80xi32, #tpu.memory_space<vmem>>
      %dma_start3A_148 = arith.constant 0 : i32
      %dma_start3A_149 = arith.constant 0 : i32
      %dma_start3A_150 = tpu.memref_slice %arg3[%add3A, %dma_start3A_148, %dma_start3A_149] : memref<32x125x80xi32, #tpu.memory_space<hbm>> -> memref<1x64x80xi32, #tpu.memory_space<hbm>>
      %dma_start3A_151 = tpu.memref_squeeze %dma_start3A_150 : memref<1x64x80xi32, #tpu.memory_space<hbm>> -> memref<64x80xi32, #tpu.memory_space<hbm>>
      %dma_start3A_152 = arith.constant 0 : i32
      %dma_start3A_153 = arith.constant 0 : i32
      %dma_start3A_154 = tpu.memref_slice %arg6[%dma_start3A_152, %dma_start3A_153] : memref<64x80xi32, #tpu.memory_space<vmem>> -> memref<64x80xi32, #tpu.memory_space<vmem>>
      %dma_start3A_155 = arith.constant 0 : i32
      %dma_start3A_156 = arith.constant 0 : i32
      %dma_start3A_157 = tpu.memref_slice %arg3[%add3A, %dma_start3A_155, %dma_start3A_156] : memref<32x125x80xi32, #tpu.memory_space<hbm>> -> memref<1x64x80xi32, #tpu.memory_space<hbm>>
      %dma_start3A_158 = tpu.memref_squeeze %dma_start3A_157 : memref<1x64x80xi32, #tpu.memory_space<hbm>> -> memref<64x80xi32, #tpu.memory_space<hbm>>
      tpu.enqueue_dma source(%dma_start3A_158 : memref<64x80xi32, #tpu.memory_space<hbm>>) target(%dma_start3A_154 : memref<64x80xi32, #tpu.memory_space<vmem>>) target_semaphore(%run_scoped3A : memref<!tpu.dma_semaphore, #tpu.memory_space<semaphore_mem>>)
      %dma_wait3A = arith.constant 0 : i32
      %dma_wait3A_159 = arith.constant 0 : i32
      %dma_wait3A_160 = tpu.memref_slice %arg6[%dma_wait3A, %dma_wait3A_159] : memref<64x80xi32, #tpu.memory_space<vmem>> -> memref<64x80xi32, #tpu.memory_space<vmem>>
      %dma_wait3A_161 = arith.constant 0 : i32
      %dma_wait3A_162 = arith.constant 0 : i32
      %dma_wait3A_163 = tpu.memref_slice %arg3[%add3A, %dma_wait3A_161, %dma_wait3A_162] : memref<32x125x80xi32, #tpu.memory_space<hbm>> -> memref<1x64x80xi32, #tpu.memory_space<hbm>>
      %dma_wait3A_164 = tpu.memref_squeeze %dma_wait3A_163 : memref<1x64x80xi32, #tpu.memory_space<hbm>> -> memref<64x80xi32, #tpu.memory_space<hbm>>
      %dma_wait3A_165 = arith.constant 0 : i32
      %dma_wait3A_166 = arith.constant 0 : i32
      %dma_wait3A_167 = tpu.memref_slice %arg6[%dma_wait3A_165, %dma_wait3A_166] : memref<64x80xi32, #tpu.memory_space<vmem>> -> memref<64x80xi32, #tpu.memory_space<vmem>>
      %dma_wait3A_168 = arith.constant 0 : i32
      %dma_wait3A_169 = arith.constant 0 : i32
      %dma_wait3A_170 = tpu.memref_slice %arg3[%add3A, %dma_wait3A_168, %dma_wait3A_169] : memref<32x125x80xi32, #tpu.memory_space<hbm>> -> memref<1x64x80xi32, #tpu.memory_space<hbm>>
      %dma_wait3A_171 = tpu.memref_squeeze %dma_wait3A_170 : memref<1x64x80xi32, #tpu.memory_space<hbm>> -> memref<64x80xi32, #tpu.memory_space<hbm>>
      tpu.wait_dma2 semaphore(%run_scoped3A : memref<!tpu.dma_semaphore, #tpu.memory_space<semaphore_mem>>) src(%dma_wait3A_171 : memref<64x80xi32, #tpu.memory_space<hbm>>) dst(%dma_wait3A_167 : memref<64x80xi32, #tpu.memory_space<vmem>>)
      tpu.yield
    }) : () -> ()
    "tpu.region"() ({
      %run_scoped3A = tpu.sem_alloc : memref<!tpu.dma_semaphore, #tpu.memory_space<semaphore_mem>>
      %dma_start3A_145 = arith.constant 0 : i32
      %dma_start3A_146 = arith.constant 0 : i32
      %dma_start3A_147 = tpu.memref_slice %arg7[%dma_start3A_145, %dma_start3A_146] : memref<64x80xi32, #tpu.memory_space<vmem>> -> memref<64x80xi32, #tpu.memory_space<vmem>>
      %dma_start3A_148 = arith.constant 0 : i32
      %dma_start3A_149 = arith.constant 0 : i32
      %dma_start3A_150 = tpu.memref_slice %arg4[%add3A, %dma_start3A_148, %dma_start3A_149] : memref<32x125x80xi32, #tpu.memory_space<hbm>> -> memref<1x64x80xi32, #tpu.memory_space<hbm>>
      %dma_start3A_151 = tpu.memref_squeeze %dma_start3A_150 : memref<1x64x80xi32, #tpu.memory_space<hbm>> -> memref<64x80xi32, #tpu.memory_space<hbm>>
      %dma_start3A_152 = arith.constant 0 : i32
      %dma_start3A_153 = arith.constant 0 : i32
      %dma_start3A_154 = tpu.memref_slice %arg7[%dma_start3A_152, %dma_start3A_153] : memref<64x80xi32, #tpu.memory_space<vmem>> -> memref<64x80xi32, #tpu.memory_space<vmem>>
      %dma_start3A_155 = arith.constant 0 : i32
      %dma_start3A_156 = arith.constant 0 : i32
      %dma_start3A_157 = tpu.memref_slice %arg4[%add3A, %dma_start3A_155, %dma_start3A_156] : memref<32x125x80xi32, #tpu.memory_space<hbm>> -> memref<1x64x80xi32, #tpu.memory_space<hbm>>
      %dma_start3A_158 = tpu.memref_squeeze %dma_start3A_157 : memref<1x64x80xi32, #tpu.memory_space<hbm>> -> memref<64x80xi32, #tpu.memory_space<hbm>>
      tpu.enqueue_dma source(%dma_start3A_158 : memref<64x80xi32, #tpu.memory_space<hbm>>) target(%dma_start3A_154 : memref<64x80xi32, #tpu.memory_space<vmem>>) target_semaphore(%run_scoped3A : memref<!tpu.dma_semaphore, #tpu.memory_space<semaphore_mem>>)
      %dma_wait3A = arith.constant 0 : i32
      %dma_wait3A_159 = arith.constant 0 : i32
      %dma_wait3A_160 = tpu.memref_slice %arg7[%dma_wait3A, %dma_wait3A_159] : memref<64x80xi32, #tpu.memory_space<vmem>> -> memref<64x80xi32, #tpu.memory_space<vmem>>
      %dma_wait3A_161 = arith.constant 0 : i32
      %dma_wait3A_162 = arith.constant 0 : i32
      %dma_wait3A_163 = tpu.memref_slice %arg4[%add3A, %dma_wait3A_161, %dma_wait3A_162] : memref<32x125x80xi32, #tpu.memory_space<hbm>> -> memref<1x64x80xi32, #tpu.memory_space<hbm>>
      %dma_wait3A_164 = tpu.memref_squeeze %dma_wait3A_163 : memref<1x64x80xi32, #tpu.memory_space<hbm>> -> memref<64x80xi32, #tpu.memory_space<hbm>>
      %dma_wait3A_165 = arith.constant 0 : i32
      %dma_wait3A_166 = arith.constant 0 : i32
      %dma_wait3A_167 = tpu.memref_slice %arg7[%dma_wait3A_165, %dma_wait3A_166] : memref<64x80xi32, #tpu.memory_space<vmem>> -> memref<64x80xi32, #tpu.memory_space<vmem>>
      %dma_wait3A_168 = arith.constant 0 : i32
      %dma_wait3A_169 = arith.constant 0 : i32
      %dma_wait3A_170 = tpu.memref_slice %arg4[%add3A, %dma_wait3A_168, %dma_wait3A_169] : memref<32x125x80xi32, #tpu.memory_space<hbm>> -> memref<1x64x80xi32, #tpu.memory_space<hbm>>
      %dma_wait3A_171 = tpu.memref_squeeze %dma_wait3A_170 : memref<1x64x80xi32, #tpu.memory_space<hbm>> -> memref<64x80xi32, #tpu.memory_space<hbm>>
      tpu.wait_dma2 semaphore(%run_scoped3A : memref<!tpu.dma_semaphore, #tpu.memory_space<semaphore_mem>>) src(%dma_wait3A_171 : memref<64x80xi32, #tpu.memory_space<hbm>>) dst(%dma_wait3A_167 : memref<64x80xi32, #tpu.memory_space<vmem>>)
      tpu.yield
    }) : () -> ()
    %dma_start3A = arith.constant 0 : i32
    %dma_start3A_54 = arith.constant 0 : i32
    %dma_start3A_55 = arith.constant 0 : i32
    %dma_start3A_56 = arith.constant 0 : i32
    %dma_start3A_57 = tpu.memref_slice %arg8[%dma_start3A_54, %dma_start3A_55, %dma_start3A_56] : memref<2x80x128xf32, #tpu.memory_space<vmem>> -> memref<1x80x128xf32, #tpu.memory_space<vmem>>
    %dma_start3A_58 = tpu.memref_squeeze %dma_start3A_57 : memref<1x80x128xf32, #tpu.memory_space<vmem>> -> memref<80x128xf32, #tpu.memory_space<vmem>>
    %dma_start3A_59 = arith.constant 0 : i32
    %dma_start3A_60 = tpu.memref_slice %arg6[%dma_start3A, %dma_start3A_59] : memref<64x80xi32, #tpu.memory_space<vmem>> -> memref<1x80xi32, #tpu.memory_space<vmem>>
    %dma_start3A_61 = tpu.memref_squeeze %dma_start3A_60 : memref<1x80xi32, #tpu.memory_space<vmem>> -> memref<80xi32, #tpu.memory_space<vmem>>
    %dma_start3A_62 = arith.constant 0 : i32
    %dma_start3A_63 = arith.constant 0 : i32
    %dma_start3A_64 = tpu.memref_slice %arg2[%dma_start3A_62, %dma_start3A_63] : memref<10000x128xf32, #tpu.memory_space<hbm>> -> memref<10000x128xf32, #tpu.memory_space<hbm>>
    tpu.enqueue_indirect_dma source(%dma_start3A_64 : memref<10000x128xf32, #tpu.memory_space<hbm>>) target(%dma_start3A_58 : memref<80x128xf32, #tpu.memory_space<vmem>>) offsets(%dma_start3A_61 : memref<80xi32, #tpu.memory_space<vmem>>) semaphore(%arg9 : memref<!tpu.dma_semaphore, #tpu.memory_space<semaphore_mem>>)
    %scan3A = arith.constant 0 : i32
    %scan3A_65 = arith.constant 0 : i32
    %scan3A_66 = arith.constant 64 : i32
    %scan3A_67 = arith.addi %scan3A_65, %scan3A_66 : i32
    %scan3A_68 = arith.constant 1 : i32
    scf.for %scan3A_145 = %scan3A_65 to %scan3A_67 step %scan3A_68  : i32 {
      %rem3A = arith.constant 2 : i32
      %rem3A_146 = arith.remsi %scan3A_145, %rem3A : i32
      %dma_wait3A = arith.constant 0 : i32
      %dma_wait3A_147 = arith.constant 0 : i32
      %dma_wait3A_148 = tpu.memref_slice %arg8[%rem3A_146, %dma_wait3A, %dma_wait3A_147] : memref<2x80x128xf32, #tpu.memory_space<vmem>> -> memref<1x80x128xf32, #tpu.memory_space<vmem>>
      %dma_wait3A_149 = tpu.memref_squeeze %dma_wait3A_148 : memref<1x80x128xf32, #tpu.memory_space<vmem>> -> memref<80x128xf32, #tpu.memory_space<vmem>>
      %dma_wait3A_150 = arith.constant 0 : i32
      %dma_wait3A_151 = tpu.memref_slice %arg6[%scan3A_145, %dma_wait3A_150] : memref<64x80xi32, #tpu.memory_space<vmem>> -> memref<1x80xi32, #tpu.memory_space<vmem>>
      %dma_wait3A_152 = tpu.memref_squeeze %dma_wait3A_151 : memref<1x80xi32, #tpu.memory_space<vmem>> -> memref<80xi32, #tpu.memory_space<vmem>>
      %dma_wait3A_153 = arith.constant 0 : i32
      %dma_wait3A_154 = arith.constant 0 : i32
      %dma_wait3A_155 = tpu.memref_slice %arg2[%dma_wait3A_153, %dma_wait3A_154] : memref<10000x128xf32, #tpu.memory_space<hbm>> -> memref<10000x128xf32, #tpu.memory_space<hbm>>
      tpu.wait_indirect_dma semaphore(%arg9 : memref<!tpu.dma_semaphore, #tpu.memory_space<semaphore_mem>>) src(%dma_wait3A_155 : memref<10000x128xf32, #tpu.memory_space<hbm>>) dst(%dma_wait3A_149 : memref<80x128xf32, #tpu.memory_space<vmem>>)
      %add3A_156 = arith.constant 1 : i32
      %add3A_157 = arith.addi %scan3A_145, %add3A_156 : i32
      %lt3A_158 = arith.constant 64 : i32
      %lt3A_159 = arith.cmpi slt, %add3A_157, %lt3A_158 : i32
      %convert_element_type3A_160 = arith.extui %lt3A_159 : i1 to i32
      %cond3A_161 = arith.constant 0 : i32
      %cond3A_162 = arith.cmpi ne, %convert_element_type3A_160, %cond3A_161 : i32
      scf.if %cond3A_162 {
        %add3A_163 = arith.constant 1 : i32
        %add3A_164 = arith.addi %scan3A_145, %add3A_163 : i32
        %sub3A = arith.constant 1 : i32
        %sub3A_165 = arith.subi %sub3A, %rem3A_146 : i32
        %dma_start3A_166 = arith.constant 0 : i32
        %dma_start3A_167 = arith.constant 0 : i32
        %dma_start3A_168 = tpu.memref_slice %arg8[%sub3A_165, %dma_start3A_166, %dma_start3A_167] : memref<2x80x128xf32, #tpu.memory_space<vmem>> -> memref<1x80x128xf32, #tpu.memory_space<vmem>>
        %dma_start3A_169 = tpu.memref_squeeze %dma_start3A_168 : memref<1x80x128xf32, #tpu.memory_space<vmem>> -> memref<80x128xf32, #tpu.memory_space<vmem>>
        %dma_start3A_170 = arith.constant 0 : i32
        %dma_start3A_171 = tpu.memref_slice %arg6[%add3A_164, %dma_start3A_170] : memref<64x80xi32, #tpu.memory_space<vmem>> -> memref<1x80xi32, #tpu.memory_space<vmem>>
        %dma_start3A_172 = tpu.memref_squeeze %dma_start3A_171 : memref<1x80xi32, #tpu.memory_space<vmem>> -> memref<80xi32, #tpu.memory_space<vmem>>
        %dma_start3A_173 = arith.constant 0 : i32
        %dma_start3A_174 = arith.constant 0 : i32
        %dma_start3A_175 = tpu.memref_slice %arg2[%dma_start3A_173, %dma_start3A_174] : memref<10000x128xf32, #tpu.memory_space<hbm>> -> memref<10000x128xf32, #tpu.memory_space<hbm>>
        tpu.enqueue_indirect_dma source(%dma_start3A_175 : memref<10000x128xf32, #tpu.memory_space<hbm>>) target(%dma_start3A_169 : memref<80x128xf32, #tpu.memory_space<vmem>>) offsets(%dma_start3A_172 : memref<80xi32, #tpu.memory_space<vmem>>) semaphore(%arg9 : memref<!tpu.dma_semaphore, #tpu.memory_space<semaphore_mem>>)
      } else {
      }
      "tpu.region"() ({
        %run_scoped3A = tpu.sem_alloc : memref<!tpu.dma_semaphore, #tpu.memory_space<semaphore_mem>>
        %dma_start3A_163 = arith.constant 0 : i32
        %dma_start3A_164 = arith.constant 0 : i32
        %dma_start3A_165 = tpu.memref_slice %arg8[%rem3A_146, %dma_start3A_163, %dma_start3A_164] : memref<2x80x128xf32, #tpu.memory_space<vmem>> -> memref<1x80x128xf32, #tpu.memory_space<vmem>>
        %dma_start3A_166 = tpu.memref_squeeze %dma_start3A_165 : memref<1x80x128xf32, #tpu.memory_space<vmem>> -> memref<80x128xf32, #tpu.memory_space<vmem>>
        %dma_start3A_167 = arith.constant 0 : i32
        %dma_start3A_168 = tpu.memref_slice %arg7[%scan3A_145, %dma_start3A_167] : memref<64x80xi32, #tpu.memory_space<vmem>> -> memref<1x80xi32, #tpu.memory_space<vmem>>
        %dma_start3A_169 = tpu.memref_squeeze %dma_start3A_168 : memref<1x80xi32, #tpu.memory_space<vmem>> -> memref<80xi32, #tpu.memory_space<vmem>>
        %dma_start3A_170 = arith.constant 0 : i32
        %dma_start3A_171 = arith.constant 0 : i32
        %dma_start3A_172 = tpu.memref_slice %arg10[%dma_start3A_170, %dma_start3A_171] : memref<10000x128xf32, #tpu.memory_space<vmem_shared>> -> memref<10000x128xf32, #tpu.memory_space<vmem_shared>>
        tpu.enqueue_indirect_dma source(%dma_start3A_166 : memref<80x128xf32, #tpu.memory_space<vmem>>) target(%dma_start3A_172 : memref<10000x128xf32, #tpu.memory_space<vmem_shared>>) offsets(%dma_start3A_169 : memref<80xi32, #tpu.memory_space<vmem>>) semaphore(%run_scoped3A : memref<!tpu.dma_semaphore, #tpu.memory_space<semaphore_mem>>) {add = true}
        %dma_wait3A_173 = arith.constant 0 : i32
        %dma_wait3A_174 = arith.constant 0 : i32
        %dma_wait3A_175 = tpu.memref_slice %arg8[%rem3A_146, %dma_wait3A_173, %dma_wait3A_174] : memref<2x80x128xf32, #tpu.memory_space<vmem>> -> memref<1x80x128xf32, #tpu.memory_space<vmem>>
        %dma_wait3A_176 = tpu.memref_squeeze %dma_wait3A_175 : memref<1x80x128xf32, #tpu.memory_space<vmem>> -> memref<80x128xf32, #tpu.memory_space<vmem>>
        %dma_wait3A_177 = arith.constant 0 : i32
        %dma_wait3A_178 = tpu.memref_slice %arg7[%scan3A_145, %dma_wait3A_177] : memref<64x80xi32, #tpu.memory_space<vmem>> -> memref<1x80xi32, #tpu.memory_space<vmem>>
        %dma_wait3A_179 = tpu.memref_squeeze %dma_wait3A_178 : memref<1x80xi32, #tpu.memory_space<vmem>> -> memref<80xi32, #tpu.memory_space<vmem>>
        %dma_wait3A_180 = arith.constant 0 : i32
        %dma_wait3A_181 = arith.constant 0 : i32
        %dma_wait3A_182 = tpu.memref_slice %arg10[%dma_wait3A_180, %dma_wait3A_181] : memref<10000x128xf32, #tpu.memory_space<vmem_shared>> -> memref<10000x128xf32, #tpu.memory_space<vmem_shared>>
        tpu.wait_indirect_dma semaphore(%run_scoped3A : memref<!tpu.dma_semaphore, #tpu.memory_space<semaphore_mem>>) src(%dma_wait3A_176 : memref<80x128xf32, #tpu.memory_space<vmem>>) dst(%dma_wait3A_182 : memref<10000x128xf32, #tpu.memory_space<vmem_shared>>)
        tpu.yield
      }) : () -> ()
    }
    %scan3A_69 = arith.constant 64 : i32
    "tpu.region"() ({
      %run_scoped3A = tpu.sem_alloc : memref<!tpu.dma_semaphore, #tpu.memory_space<semaphore_mem>>
      %dma_start3A_145 = arith.constant 0 : i32
      %dma_start3A_146 = arith.constant 0 : i32
      %dma_start3A_147 = tpu.memref_slice %arg6[%dma_start3A_145, %dma_start3A_146] : memref<64x80xi32, #tpu.memory_space<vmem>> -> memref<61x80xi32, #tpu.memory_space<vmem>>
      %dma_start3A_148 = arith.constant 64 : i32
      %dma_start3A_149 = arith.constant 0 : i32
      %dma_start3A_150 = tpu.memref_slice %arg3[%add3A, %dma_start3A_148, %dma_start3A_149] : memref<32x125x80xi32, #tpu.memory_space<hbm>> -> memref<1x61x80xi32, #tpu.memory_space<hbm>>
      %dma_start3A_151 = tpu.memref_squeeze %dma_start3A_150 : memref<1x61x80xi32, #tpu.memory_space<hbm>> -> memref<61x80xi32, #tpu.memory_space<hbm>>
      %dma_start3A_152 = arith.constant 0 : i32
      %dma_start3A_153 = arith.constant 0 : i32
      %dma_start3A_154 = tpu.memref_slice %arg6[%dma_start3A_152, %dma_start3A_153] : memref<64x80xi32, #tpu.memory_space<vmem>> -> memref<61x80xi32, #tpu.memory_space<vmem>>
      %dma_start3A_155 = arith.constant 64 : i32
      %dma_start3A_156 = arith.constant 0 : i32
      %dma_start3A_157 = tpu.memref_slice %arg3[%add3A, %dma_start3A_155, %dma_start3A_156] : memref<32x125x80xi32, #tpu.memory_space<hbm>> -> memref<1x61x80xi32, #tpu.memory_space<hbm>>
      %dma_start3A_158 = tpu.memref_squeeze %dma_start3A_157 : memref<1x61x80xi32, #tpu.memory_space<hbm>> -> memref<61x80xi32, #tpu.memory_space<hbm>>
      tpu.enqueue_dma source(%dma_start3A_158 : memref<61x80xi32, #tpu.memory_space<hbm>>) target(%dma_start3A_154 : memref<61x80xi32, #tpu.memory_space<vmem>>) target_semaphore(%run_scoped3A : memref<!tpu.dma_semaphore, #tpu.memory_space<semaphore_mem>>)
      %dma_wait3A = arith.constant 0 : i32
      %dma_wait3A_159 = arith.constant 0 : i32
      %dma_wait3A_160 = tpu.memref_slice %arg6[%dma_wait3A, %dma_wait3A_159] : memref<64x80xi32, #tpu.memory_space<vmem>> -> memref<61x80xi32, #tpu.memory_space<vmem>>
      %dma_wait3A_161 = arith.constant 64 : i32
      %dma_wait3A_162 = arith.constant 0 : i32
      %dma_wait3A_163 = tpu.memref_slice %arg3[%add3A, %dma_wait3A_161, %dma_wait3A_162] : memref<32x125x80xi32, #tpu.memory_space<hbm>> -> memref<1x61x80xi32, #tpu.memory_space<hbm>>
      %dma_wait3A_164 = tpu.memref_squeeze %dma_wait3A_163 : memref<1x61x80xi32, #tpu.memory_space<hbm>> -> memref<61x80xi32, #tpu.memory_space<hbm>>
      %dma_wait3A_165 = arith.constant 0 : i32
      %dma_wait3A_166 = arith.constant 0 : i32
      %dma_wait3A_167 = tpu.memref_slice %arg6[%dma_wait3A_165, %dma_wait3A_166] : memref<64x80xi32, #tpu.memory_space<vmem>> -> memref<61x80xi32, #tpu.memory_space<vmem>>
      %dma_wait3A_168 = arith.constant 64 : i32
      %dma_wait3A_169 = arith.constant 0 : i32
      %dma_wait3A_170 = tpu.memref_slice %arg3[%add3A, %dma_wait3A_168, %dma_wait3A_169] : memref<32x125x80xi32, #tpu.memory_space<hbm>> -> memref<1x61x80xi32, #tpu.memory_space<hbm>>
      %dma_wait3A_171 = tpu.memref_squeeze %dma_wait3A_170 : memref<1x61x80xi32, #tpu.memory_space<hbm>> -> memref<61x80xi32, #tpu.memory_space<hbm>>
      tpu.wait_dma2 semaphore(%run_scoped3A : memref<!tpu.dma_semaphore, #tpu.memory_space<semaphore_mem>>) src(%dma_wait3A_171 : memref<61x80xi32, #tpu.memory_space<hbm>>) dst(%dma_wait3A_167 : memref<61x80xi32, #tpu.memory_space<vmem>>)
      tpu.yield
    }) : () -> ()
    "tpu.region"() ({
      %run_scoped3A = tpu.sem_alloc : memref<!tpu.dma_semaphore, #tpu.memory_space<semaphore_mem>>
      %dma_start3A_145 = arith.constant 0 : i32
      %dma_start3A_146 = arith.constant 0 : i32
      %dma_start3A_147 = tpu.memref_slice %arg7[%dma_start3A_145, %dma_start3A_146] : memref<64x80xi32, #tpu.memory_space<vmem>> -> memref<61x80xi32, #tpu.memory_space<vmem>>
      %dma_start3A_148 = arith.constant 64 : i32
      %dma_start3A_149 = arith.constant 0 : i32
      %dma_start3A_150 = tpu.memref_slice %arg4[%add3A, %dma_start3A_148, %dma_start3A_149] : memref<32x125x80xi32, #tpu.memory_space<hbm>> -> memref<1x61x80xi32, #tpu.memory_space<hbm>>
      %dma_start3A_151 = tpu.memref_squeeze %dma_start3A_150 : memref<1x61x80xi32, #tpu.memory_space<hbm>> -> memref<61x80xi32, #tpu.memory_space<hbm>>
      %dma_start3A_152 = arith.constant 0 : i32
      %dma_start3A_153 = arith.constant 0 : i32
      %dma_start3A_154 = tpu.memref_slice %arg7[%dma_start3A_152, %dma_start3A_153] : memref<64x80xi32, #tpu.memory_space<vmem>> -> memref<61x80xi32, #tpu.memory_space<vmem>>
      %dma_start3A_155 = arith.constant 64 : i32
      %dma_start3A_156 = arith.constant 0 : i32
      %dma_start3A_157 = tpu.memref_slice %arg4[%add3A, %dma_start3A_155, %dma_start3A_156] : memref<32x125x80xi32, #tpu.memory_space<hbm>> -> memref<1x61x80xi32, #tpu.memory_space<hbm>>
      %dma_start3A_158 = tpu.memref_squeeze %dma_start3A_157 : memref<1x61x80xi32, #tpu.memory_space<hbm>> -> memref<61x80xi32, #tpu.memory_space<hbm>>
      tpu.enqueue_dma source(%dma_start3A_158 : memref<61x80xi32, #tpu.memory_space<hbm>>) target(%dma_start3A_154 : memref<61x80xi32, #tpu.memory_space<vmem>>) target_semaphore(%run_scoped3A : memref<!tpu.dma_semaphore, #tpu.memory_space<semaphore_mem>>)
      %dma_wait3A = arith.constant 0 : i32
      %dma_wait3A_159 = arith.constant 0 : i32
      %dma_wait3A_160 = tpu.memref_slice %arg7[%dma_wait3A, %dma_wait3A_159] : memref<64x80xi32, #tpu.memory_space<vmem>> -> memref<61x80xi32, #tpu.memory_space<vmem>>
      %dma_wait3A_161 = arith.constant 64 : i32
      %dma_wait3A_162 = arith.constant 0 : i32
      %dma_wait3A_163 = tpu.memref_slice %arg4[%add3A, %dma_wait3A_161, %dma_wait3A_162] : memref<32x125x80xi32, #tpu.memory_space<hbm>> -> memref<1x61x80xi32, #tpu.memory_space<hbm>>
      %dma_wait3A_164 = tpu.memref_squeeze %dma_wait3A_163 : memref<1x61x80xi32, #tpu.memory_space<hbm>> -> memref<61x80xi32, #tpu.memory_space<hbm>>
      %dma_wait3A_165 = arith.constant 0 : i32
      %dma_wait3A_166 = arith.constant 0 : i32
      %dma_wait3A_167 = tpu.memref_slice %arg7[%dma_wait3A_165, %dma_wait3A_166] : memref<64x80xi32, #tpu.memory_space<vmem>> -> memref<61x80xi32, #tpu.memory_space<vmem>>
      %dma_wait3A_168 = arith.constant 64 : i32
      %dma_wait3A_169 = arith.constant 0 : i32
      %dma_wait3A_170 = tpu.memref_slice %arg4[%add3A, %dma_wait3A_168, %dma_wait3A_169] : memref<32x125x80xi32, #tpu.memory_space<hbm>> -> memref<1x61x80xi32, #tpu.memory_space<hbm>>
      %dma_wait3A_171 = tpu.memref_squeeze %dma_wait3A_170 : memref<1x61x80xi32, #tpu.memory_space<hbm>> -> memref<61x80xi32, #tpu.memory_space<hbm>>
      tpu.wait_dma2 semaphore(%run_scoped3A : memref<!tpu.dma_semaphore, #tpu.memory_space<semaphore_mem>>) src(%dma_wait3A_171 : memref<61x80xi32, #tpu.memory_space<hbm>>) dst(%dma_wait3A_167 : memref<61x80xi32, #tpu.memory_space<vmem>>)
      tpu.yield
    }) : () -> ()
    %dma_start3A_70 = arith.constant 0 : i32
    %dma_start3A_71 = arith.constant 0 : i32
    %dma_start3A_72 = arith.constant 0 : i32
    %dma_start3A_73 = arith.constant 0 : i32
    %dma_start3A_74 = tpu.memref_slice %arg8[%dma_start3A_71, %dma_start3A_72, %dma_start3A_73] : memref<2x80x128xf32, #tpu.memory_space<vmem>> -> memref<1x80x128xf32, #tpu.memory_space<vmem>>
    %dma_start3A_75 = tpu.memref_squeeze %dma_start3A_74 : memref<1x80x128xf32, #tpu.memory_space<vmem>> -> memref<80x128xf32, #tpu.memory_space<vmem>>
    %dma_start3A_76 = arith.constant 0 : i32
    %dma_start3A_77 = tpu.memref_slice %arg6[%dma_start3A_70, %dma_start3A_76] : memref<64x80xi32, #tpu.memory_space<vmem>> -> memref<1x80xi32, #tpu.memory_space<vmem>>
    %dma_start3A_78 = tpu.memref_squeeze %dma_start3A_77 : memref<1x80xi32, #tpu.memory_space<vmem>> -> memref<80xi32, #tpu.memory_space<vmem>>
    %dma_start3A_79 = arith.constant 0 : i32
    %dma_start3A_80 = arith.constant 0 : i32
    %dma_start3A_81 = tpu.memref_slice %arg2[%dma_start3A_79, %dma_start3A_80] : memref<10000x128xf32, #tpu.memory_space<hbm>> -> memref<10000x128xf32, #tpu.memory_space<hbm>>
    tpu.enqueue_indirect_dma source(%dma_start3A_81 : memref<10000x128xf32, #tpu.memory_space<hbm>>) target(%dma_start3A_75 : memref<80x128xf32, #tpu.memory_space<vmem>>) offsets(%dma_start3A_78 : memref<80xi32, #tpu.memory_space<vmem>>) semaphore(%arg9 : memref<!tpu.dma_semaphore, #tpu.memory_space<semaphore_mem>>)
    %scan3A_82 = arith.constant 0 : i32
    %scan3A_83 = arith.constant 0 : i32
    %scan3A_84 = arith.constant 61 : i32
    %scan3A_85 = arith.addi %scan3A_83, %scan3A_84 : i32
    %scan3A_86 = arith.constant 1 : i32
    scf.for %scan3A_145 = %scan3A_83 to %scan3A_85 step %scan3A_86  : i32 {
      %rem3A = arith.constant 2 : i32
      %rem3A_146 = arith.remsi %scan3A_145, %rem3A : i32
      %dma_wait3A = arith.constant 0 : i32
      %dma_wait3A_147 = arith.constant 0 : i32
      %dma_wait3A_148 = tpu.memref_slice %arg8[%rem3A_146, %dma_wait3A, %dma_wait3A_147] : memref<2x80x128xf32, #tpu.memory_space<vmem>> -> memref<1x80x128xf32, #tpu.memory_space<vmem>>
      %dma_wait3A_149 = tpu.memref_squeeze %dma_wait3A_148 : memref<1x80x128xf32, #tpu.memory_space<vmem>> -> memref<80x128xf32, #tpu.memory_space<vmem>>
      %dma_wait3A_150 = arith.constant 0 : i32
      %dma_wait3A_151 = tpu.memref_slice %arg6[%scan3A_145, %dma_wait3A_150] : memref<64x80xi32, #tpu.memory_space<vmem>> -> memref<1x80xi32, #tpu.memory_space<vmem>>
      %dma_wait3A_152 = tpu.memref_squeeze %dma_wait3A_151 : memref<1x80xi32, #tpu.memory_space<vmem>> -> memref<80xi32, #tpu.memory_space<vmem>>
      %dma_wait3A_153 = arith.constant 0 : i32
      %dma_wait3A_154 = arith.constant 0 : i32
      %dma_wait3A_155 = tpu.memref_slice %arg2[%dma_wait3A_153, %dma_wait3A_154] : memref<10000x128xf32, #tpu.memory_space<hbm>> -> memref<10000x128xf32, #tpu.memory_space<hbm>>
      tpu.wait_indirect_dma semaphore(%arg9 : memref<!tpu.dma_semaphore, #tpu.memory_space<semaphore_mem>>) src(%dma_wait3A_155 : memref<10000x128xf32, #tpu.memory_space<hbm>>) dst(%dma_wait3A_149 : memref<80x128xf32, #tpu.memory_space<vmem>>)
      %add3A_156 = arith.constant 1 : i32
      %add3A_157 = arith.addi %scan3A_145, %add3A_156 : i32
      %lt3A_158 = arith.constant 61 : i32
      %lt3A_159 = arith.cmpi slt, %add3A_157, %lt3A_158 : i32
      %convert_element_type3A_160 = arith.extui %lt3A_159 : i1 to i32
      %cond3A_161 = arith.constant 0 : i32
      %cond3A_162 = arith.cmpi ne, %convert_element_type3A_160, %cond3A_161 : i32
      scf.if %cond3A_162 {
        %add3A_163 = arith.constant 1 : i32
        %add3A_164 = arith.addi %scan3A_145, %add3A_163 : i32
        %sub3A = arith.constant 1 : i32
        %sub3A_165 = arith.subi %sub3A, %rem3A_146 : i32
        %dma_start3A_166 = arith.constant 0 : i32
        %dma_start3A_167 = arith.constant 0 : i32
        %dma_start3A_168 = tpu.memref_slice %arg8[%sub3A_165, %dma_start3A_166, %dma_start3A_167] : memref<2x80x128xf32, #tpu.memory_space<vmem>> -> memref<1x80x128xf32, #tpu.memory_space<vmem>>
        %dma_start3A_169 = tpu.memref_squeeze %dma_start3A_168 : memref<1x80x128xf32, #tpu.memory_space<vmem>> -> memref<80x128xf32, #tpu.memory_space<vmem>>
        %dma_start3A_170 = arith.constant 0 : i32
        %dma_start3A_171 = tpu.memref_slice %arg6[%add3A_164, %dma_start3A_170] : memref<64x80xi32, #tpu.memory_space<vmem>> -> memref<1x80xi32, #tpu.memory_space<vmem>>
        %dma_start3A_172 = tpu.memref_squeeze %dma_start3A_171 : memref<1x80xi32, #tpu.memory_space<vmem>> -> memref<80xi32, #tpu.memory_space<vmem>>
        %dma_start3A_173 = arith.constant 0 : i32
        %dma_start3A_174 = arith.constant 0 : i32
        %dma_start3A_175 = tpu.memref_slice %arg2[%dma_start3A_173, %dma_start3A_174] : memref<10000x128xf32, #tpu.memory_space<hbm>> -> memref<10000x128xf32, #tpu.memory_space<hbm>>
        tpu.enqueue_indirect_dma source(%dma_start3A_175 : memref<10000x128xf32, #tpu.memory_space<hbm>>) target(%dma_start3A_169 : memref<80x128xf32, #tpu.memory_space<vmem>>) offsets(%dma_start3A_172 : memref<80xi32, #tpu.memory_space<vmem>>) semaphore(%arg9 : memref<!tpu.dma_semaphore, #tpu.memory_space<semaphore_mem>>)
      } else {
      }
      "tpu.region"() ({
        %run_scoped3A = tpu.sem_alloc : memref<!tpu.dma_semaphore, #tpu.memory_space<semaphore_mem>>
        %dma_start3A_163 = arith.constant 0 : i32
        %dma_start3A_164 = arith.constant 0 : i32
        %dma_start3A_165 = tpu.memref_slice %arg8[%rem3A_146, %dma_start3A_163, %dma_start3A_164] : memref<2x80x128xf32, #tpu.memory_space<vmem>> -> memref<1x80x128xf32, #tpu.memory_space<vmem>>
        %dma_start3A_166 = tpu.memref_squeeze %dma_start3A_165 : memref<1x80x128xf32, #tpu.memory_space<vmem>> -> memref<80x128xf32, #tpu.memory_space<vmem>>
        %dma_start3A_167 = arith.constant 0 : i32
        %dma_start3A_168 = tpu.memref_slice %arg7[%scan3A_145, %dma_start3A_167] : memref<64x80xi32, #tpu.memory_space<vmem>> -> memref<1x80xi32, #tpu.memory_space<vmem>>
        %dma_start3A_169 = tpu.memref_squeeze %dma_start3A_168 : memref<1x80xi32, #tpu.memory_space<vmem>> -> memref<80xi32, #tpu.memory_space<vmem>>
        %dma_start3A_170 = arith.constant 0 : i32
        %dma_start3A_171 = arith.constant 0 : i32
        %dma_start3A_172 = tpu.memref_slice %arg10[%dma_start3A_170, %dma_start3A_171] : memref<10000x128xf32, #tpu.memory_space<vmem_shared>> -> memref<10000x128xf32, #tpu.memory_space<vmem_shared>>
        tpu.enqueue_indirect_dma source(%dma_start3A_166 : memref<80x128xf32, #tpu.memory_space<vmem>>) target(%dma_start3A_172 : memref<10000x128xf32, #tpu.memory_space<vmem_shared>>) offsets(%dma_start3A_169 : memref<80xi32, #tpu.memory_space<vmem>>) semaphore(%run_scoped3A : memref<!tpu.dma_semaphore, #tpu.memory_space<semaphore_mem>>) {add = true}
        %dma_wait3A_173 = arith.constant 0 : i32
        %dma_wait3A_174 = arith.constant 0 : i32
        %dma_wait3A_175 = tpu.memref_slice %arg8[%rem3A_146, %dma_wait3A_173, %dma_wait3A_174] : memref<2x80x128xf32, #tpu.memory_space<vmem>> -> memref<1x80x128xf32, #tpu.memory_space<vmem>>
        %dma_wait3A_176 = tpu.memref_squeeze %dma_wait3A_175 : memref<1x80x128xf32, #tpu.memory_space<vmem>> -> memref<80x128xf32, #tpu.memory_space<vmem>>
        %dma_wait3A_177 = arith.constant 0 : i32
        %dma_wait3A_178 = tpu.memref_slice %arg7[%scan3A_145, %dma_wait3A_177] : memref<64x80xi32, #tpu.memory_space<vmem>> -> memref<1x80xi32, #tpu.memory_space<vmem>>
        %dma_wait3A_179 = tpu.memref_squeeze %dma_wait3A_178 : memref<1x80xi32, #tpu.memory_space<vmem>> -> memref<80xi32, #tpu.memory_space<vmem>>
        %dma_wait3A_180 = arith.constant 0 : i32
        %dma_wait3A_181 = arith.constant 0 : i32
        %dma_wait3A_182 = tpu.memref_slice %arg10[%dma_wait3A_180, %dma_wait3A_181] : memref<10000x128xf32, #tpu.memory_space<vmem_shared>> -> memref<10000x128xf32, #tpu.memory_space<vmem_shared>>
        tpu.wait_indirect_dma semaphore(%run_scoped3A : memref<!tpu.dma_semaphore, #tpu.memory_space<semaphore_mem>>) src(%dma_wait3A_176 : memref<80x128xf32, #tpu.memory_space<vmem>>) dst(%dma_wait3A_182 : memref<10000x128xf32, #tpu.memory_space<vmem_shared>>)
        tpu.yield
      }) : () -> ()
    }
    %scan3A_87 = arith.constant 61 : i32
    %barrier3A_88 = arith.constant 0 : index
    tpu.barrier barrier_id(%barrier3A_88)
    %add3A_89 = arith.constant 0 : i32
    %add3A_90 = arith.addi %arg1, %add3A_89 : i32
    %lt3A_91 = arith.constant 125 : i32
    %lt3A_92 = arith.cmpi slt, %add3A_90, %lt3A_91 : i32
    %convert_element_type3A_93 = arith.extui %lt3A_92 : i1 to i32
    %cond3A_94 = arith.constant 0 : i32
    %cond3A_95 = arith.cmpi ne, %convert_element_type3A_93, %cond3A_94 : i32
    scf.if %cond3A_95 {
      %mul3A_145 = arith.constant 80 : i32
      %mul3A_146 = arith.muli %add3A_90, %mul3A_145 : i32
      %run_scoped3A = arith.constant 0 : i32
      "tpu.region"() ({
        %run_scoped3A_150 = tpu.sem_alloc : memref<!tpu.dma_semaphore, #tpu.memory_space<semaphore_mem>>
        %dma_start3A_151 = arith.constant 0 : i32
        %dma_start3A_152 = arith.constant 0 : i32
        %dma_start3A_153 = tpu.memref_slice %arg8[%run_scoped3A, %dma_start3A_151, %dma_start3A_152] : memref<2x80x128xf32, #tpu.memory_space<vmem>> -> memref<1x80x128xf32, #tpu.memory_space<vmem>>
        %dma_start3A_154 = tpu.memref_squeeze %dma_start3A_153 : memref<1x80x128xf32, #tpu.memory_space<vmem>> -> memref<80x128xf32, #tpu.memory_space<vmem>>
        %dma_start3A_155 = arith.constant 0 : i32
        %dma_start3A_156 = tpu.memref_slice %arg10[%mul3A_146, %dma_start3A_155] : memref<10000x128xf32, #tpu.memory_space<vmem_shared>> -> memref<80x128xf32, #tpu.memory_space<vmem_shared>>
        %dma_start3A_157 = arith.constant 0 : i32
        %dma_start3A_158 = arith.constant 0 : i32
        %dma_start3A_159 = tpu.memref_slice %arg8[%run_scoped3A, %dma_start3A_157, %dma_start3A_158] : memref<2x80x128xf32, #tpu.memory_space<vmem>> -> memref<1x80x128xf32, #tpu.memory_space<vmem>>
        %dma_start3A_160 = tpu.memref_squeeze %dma_start3A_159 : memref<1x80x128xf32, #tpu.memory_space<vmem>> -> memref<80x128xf32, #tpu.memory_space<vmem>>
        %dma_start3A_161 = arith.constant 0 : i32
        %dma_start3A_162 = tpu.memref_slice %arg10[%mul3A_146, %dma_start3A_161] : memref<10000x128xf32, #tpu.memory_space<vmem_shared>> -> memref<80x128xf32, #tpu.memory_space<vmem_shared>>
        tpu.enqueue_dma source(%dma_start3A_162 : memref<80x128xf32, #tpu.memory_space<vmem_shared>>) target(%dma_start3A_160 : memref<80x128xf32, #tpu.memory_space<vmem>>) target_semaphore(%run_scoped3A_150 : memref<!tpu.dma_semaphore, #tpu.memory_space<semaphore_mem>>)
        %dma_wait3A = arith.constant 0 : i32
        %dma_wait3A_163 = arith.constant 0 : i32
        %dma_wait3A_164 = tpu.memref_slice %arg8[%run_scoped3A, %dma_wait3A, %dma_wait3A_163] : memref<2x80x128xf32, #tpu.memory_space<vmem>> -> memref<1x80x128xf32, #tpu.memory_space<vmem>>
        %dma_wait3A_165 = tpu.memref_squeeze %dma_wait3A_164 : memref<1x80x128xf32, #tpu.memory_space<vmem>> -> memref<80x128xf32, #tpu.memory_space<vmem>>
        %dma_wait3A_166 = arith.constant 0 : i32
        %dma_wait3A_167 = tpu.memref_slice %arg10[%mul3A_146, %dma_wait3A_166] : memref<10000x128xf32, #tpu.memory_space<vmem_shared>> -> memref<80x128xf32, #tpu.memory_space<vmem_shared>>
        %dma_wait3A_168 = arith.constant 0 : i32
        %dma_wait3A_169 = arith.constant 0 : i32
        %dma_wait3A_170 = tpu.memref_slice %arg8[%run_scoped3A, %dma_wait3A_168, %dma_wait3A_169] : memref<2x80x128xf32, #tpu.memory_space<vmem>> -> memref<1x80x128xf32, #tpu.memory_space<vmem>>
        %dma_wait3A_171 = tpu.memref_squeeze %dma_wait3A_170 : memref<1x80x128xf32, #tpu.memory_space<vmem>> -> memref<80x128xf32, #tpu.memory_space<vmem>>
        %dma_wait3A_172 = arith.constant 0 : i32
        %dma_wait3A_173 = tpu.memref_slice %arg10[%mul3A_146, %dma_wait3A_172] : memref<10000x128xf32, #tpu.memory_space<vmem_shared>> -> memref<80x128xf32, #tpu.memory_space<vmem_shared>>
        tpu.wait_dma2 semaphore(%run_scoped3A_150 : memref<!tpu.dma_semaphore, #tpu.memory_space<semaphore_mem>>) src(%dma_wait3A_173 : memref<80x128xf32, #tpu.memory_space<vmem_shared>>) dst(%dma_wait3A_171 : memref<80x128xf32, #tpu.memory_space<vmem>>)
        tpu.yield
      }) : () -> ()
      %mul3A_147 = arith.constant 80 : i32
      %mul3A_148 = arith.muli %add3A_90, %mul3A_147 : i32
      %run_scoped3A_149 = arith.constant 0 : i32
      "tpu.region"() ({
        %run_scoped3A_150 = tpu.sem_alloc : memref<!tpu.dma_semaphore, #tpu.memory_space<semaphore_mem>>
        %dma_start3A_151 = arith.constant 0 : i32
        %dma_start3A_152 = arith.constant 0 : i32
        %dma_start3A_153 = tpu.memref_slice %arg8[%run_scoped3A_149, %dma_start3A_151, %dma_start3A_152] : memref<2x80x128xf32, #tpu.memory_space<vmem>> -> memref<1x80x128xf32, #tpu.memory_space<vmem>>
        %dma_start3A_154 = tpu.memref_squeeze %dma_start3A_153 : memref<1x80x128xf32, #tpu.memory_space<vmem>> -> memref<80x128xf32, #tpu.memory_space<vmem>>
        %dma_start3A_155 = arith.constant 0 : i32
        %dma_start3A_156 = tpu.memref_slice %arg5[%arg0, %mul3A_148, %dma_start3A_155] : memref<2x10000x128xf32, #tpu.memory_space<hbm>> -> memref<1x80x128xf32, #tpu.memory_space<hbm>>
        %dma_start3A_157 = tpu.memref_squeeze %dma_start3A_156 : memref<1x80x128xf32, #tpu.memory_space<hbm>> -> memref<80x128xf32, #tpu.memory_space<hbm>>
        %dma_start3A_158 = arith.constant 0 : i32
        %dma_start3A_159 = tpu.memref_slice %arg5[%arg0, %mul3A_148, %dma_start3A_158] : memref<2x10000x128xf32, #tpu.memory_space<hbm>> -> memref<1x80x128xf32, #tpu.memory_space<hbm>>
        %dma_start3A_160 = tpu.memref_squeeze %dma_start3A_159 : memref<1x80x128xf32, #tpu.memory_space<hbm>> -> memref<80x128xf32, #tpu.memory_space<hbm>>
        %dma_start3A_161 = arith.constant 0 : i32
        %dma_start3A_162 = arith.constant 0 : i32
        %dma_start3A_163 = tpu.memref_slice %arg8[%run_scoped3A_149, %dma_start3A_161, %dma_start3A_162] : memref<2x80x128xf32, #tpu.memory_space<vmem>> -> memref<1x80x128xf32, #tpu.memory_space<vmem>>
        %dma_start3A_164 = tpu.memref_squeeze %dma_start3A_163 : memref<1x80x128xf32, #tpu.memory_space<vmem>> -> memref<80x128xf32, #tpu.memory_space<vmem>>
        tpu.enqueue_dma source(%dma_start3A_164 : memref<80x128xf32, #tpu.memory_space<vmem>>) target(%dma_start3A_160 : memref<80x128xf32, #tpu.memory_space<hbm>>) target_semaphore(%run_scoped3A_150 : memref<!tpu.dma_semaphore, #tpu.memory_space<semaphore_mem>>)
        %dma_wait3A = arith.constant 0 : i32
        %dma_wait3A_165 = arith.constant 0 : i32
        %dma_wait3A_166 = tpu.memref_slice %arg8[%run_scoped3A_149, %dma_wait3A, %dma_wait3A_165] : memref<2x80x128xf32, #tpu.memory_space<vmem>> -> memref<1x80x128xf32, #tpu.memory_space<vmem>>
        %dma_wait3A_167 = tpu.memref_squeeze %dma_wait3A_166 : memref<1x80x128xf32, #tpu.memory_space<vmem>> -> memref<80x128xf32, #tpu.memory_space<vmem>>
        %dma_wait3A_168 = arith.constant 0 : i32
        %dma_wait3A_169 = tpu.memref_slice %arg5[%arg0, %mul3A_148, %dma_wait3A_168] : memref<2x10000x128xf32, #tpu.memory_space<hbm>> -> memref<1x80x128xf32, #tpu.memory_space<hbm>>
        %dma_wait3A_170 = tpu.memref_squeeze %dma_wait3A_169 : memref<1x80x128xf32, #tpu.memory_space<hbm>> -> memref<80x128xf32, #tpu.memory_space<hbm>>
        %dma_wait3A_171 = arith.constant 0 : i32
        %dma_wait3A_172 = tpu.memref_slice %arg5[%arg0, %mul3A_148, %dma_wait3A_171] : memref<2x10000x128xf32, #tpu.memory_space<hbm>> -> memref<1x80x128xf32, #tpu.memory_space<hbm>>
        %dma_wait3A_173 = tpu.memref_squeeze %dma_wait3A_172 : memref<1x80x128xf32, #tpu.memory_space<hbm>> -> memref<80x128xf32, #tpu.memory_space<hbm>>
        %dma_wait3A_174 = arith.constant 0 : i32
        %dma_wait3A_175 = arith.constant 0 : i32
        %dma_wait3A_176 = tpu.memref_slice %arg8[%run_scoped3A_149, %dma_wait3A_174, %dma_wait3A_175] : memref<2x80x128xf32, #tpu.memory_space<vmem>> -> memref<1x80x128xf32, #tpu.memory_space<vmem>>
        %dma_wait3A_177 = tpu.memref_squeeze %dma_wait3A_176 : memref<1x80x128xf32, #tpu.memory_space<vmem>> -> memref<80x128xf32, #tpu.memory_space<vmem>>
        tpu.wait_dma2 semaphore(%run_scoped3A_150 : memref<!tpu.dma_semaphore, #tpu.memory_space<semaphore_mem>>) src(%dma_wait3A_177 : memref<80x128xf32, #tpu.memory_space<vmem>>) dst(%dma_wait3A_173 : memref<80x128xf32, #tpu.memory_space<hbm>>)
        tpu.yield
      }) : () -> ()
    } else {
    }
    %add3A_96 = arith.constant 16 : i32
    %add3A_97 = arith.addi %arg1, %add3A_96 : i32
    %lt3A_98 = arith.constant 125 : i32
    %lt3A_99 = arith.cmpi slt, %add3A_97, %lt3A_98 : i32
    %convert_element_type3A_100 = arith.extui %lt3A_99 : i1 to i32
    %cond3A_101 = arith.constant 0 : i32
    %cond3A_102 = arith.cmpi ne, %convert_element_type3A_100, %cond3A_101 : i32
    scf.if %cond3A_102 {
      %mul3A_145 = arith.constant 80 : i32
      %mul3A_146 = arith.muli %add3A_97, %mul3A_145 : i32
      %run_scoped3A = arith.constant 0 : i32
      "tpu.region"() ({
        %run_scoped3A_150 = tpu.sem_alloc : memref<!tpu.dma_semaphore, #tpu.memory_space<semaphore_mem>>
        %dma_start3A_151 = arith.constant 0 : i32
        %dma_start3A_152 = arith.constant 0 : i32
        %dma_start3A_153 = tpu.memref_slice %arg8[%run_scoped3A, %dma_start3A_151, %dma_start3A_152] : memref<2x80x128xf32, #tpu.memory_space<vmem>> -> memref<1x80x128xf32, #tpu.memory_space<vmem>>
        %dma_start3A_154 = tpu.memref_squeeze %dma_start3A_153 : memref<1x80x128xf32, #tpu.memory_space<vmem>> -> memref<80x128xf32, #tpu.memory_space<vmem>>
        %dma_start3A_155 = arith.constant 0 : i32
        %dma_start3A_156 = tpu.memref_slice %arg10[%mul3A_146, %dma_start3A_155] : memref<10000x128xf32, #tpu.memory_space<vmem_shared>> -> memref<80x128xf32, #tpu.memory_space<vmem_shared>>
        %dma_start3A_157 = arith.constant 0 : i32
        %dma_start3A_158 = arith.constant 0 : i32
        %dma_start3A_159 = tpu.memref_slice %arg8[%run_scoped3A, %dma_start3A_157, %dma_start3A_158] : memref<2x80x128xf32, #tpu.memory_space<vmem>> -> memref<1x80x128xf32, #tpu.memory_space<vmem>>
        %dma_start3A_160 = tpu.memref_squeeze %dma_start3A_159 : memref<1x80x128xf32, #tpu.memory_space<vmem>> -> memref<80x128xf32, #tpu.memory_space<vmem>>
        %dma_start3A_161 = arith.constant 0 : i32
        %dma_start3A_162 = tpu.memref_slice %arg10[%mul3A_146, %dma_start3A_161] : memref<10000x128xf32, #tpu.memory_space<vmem_shared>> -> memref<80x128xf32, #tpu.memory_space<vmem_shared>>
        tpu.enqueue_dma source(%dma_start3A_162 : memref<80x128xf32, #tpu.memory_space<vmem_shared>>) target(%dma_start3A_160 : memref<80x128xf32, #tpu.memory_space<vmem>>) target_semaphore(%run_scoped3A_150 : memref<!tpu.dma_semaphore, #tpu.memory_space<semaphore_mem>>)
        %dma_wait3A = arith.constant 0 : i32
        %dma_wait3A_163 = arith.constant 0 : i32
        %dma_wait3A_164 = tpu.memref_slice %arg8[%run_scoped3A, %dma_wait3A, %dma_wait3A_163] : memref<2x80x128xf32, #tpu.memory_space<vmem>> -> memref<1x80x128xf32, #tpu.memory_space<vmem>>
        %dma_wait3A_165 = tpu.memref_squeeze %dma_wait3A_164 : memref<1x80x128xf32, #tpu.memory_space<vmem>> -> memref<80x128xf32, #tpu.memory_space<vmem>>
        %dma_wait3A_166 = arith.constant 0 : i32
        %dma_wait3A_167 = tpu.memref_slice %arg10[%mul3A_146, %dma_wait3A_166] : memref<10000x128xf32, #tpu.memory_space<vmem_shared>> -> memref<80x128xf32, #tpu.memory_space<vmem_shared>>
        %dma_wait3A_168 = arith.constant 0 : i32
        %dma_wait3A_169 = arith.constant 0 : i32
        %dma_wait3A_170 = tpu.memref_slice %arg8[%run_scoped3A, %dma_wait3A_168, %dma_wait3A_169] : memref<2x80x128xf32, #tpu.memory_space<vmem>> -> memref<1x80x128xf32, #tpu.memory_space<vmem>>
        %dma_wait3A_171 = tpu.memref_squeeze %dma_wait3A_170 : memref<1x80x128xf32, #tpu.memory_space<vmem>> -> memref<80x128xf32, #tpu.memory_space<vmem>>
        %dma_wait3A_172 = arith.constant 0 : i32
        %dma_wait3A_173 = tpu.memref_slice %arg10[%mul3A_146, %dma_wait3A_172] : memref<10000x128xf32, #tpu.memory_space<vmem_shared>> -> memref<80x128xf32, #tpu.memory_space<vmem_shared>>
        tpu.wait_dma2 semaphore(%run_scoped3A_150 : memref<!tpu.dma_semaphore, #tpu.memory_space<semaphore_mem>>) src(%dma_wait3A_173 : memref<80x128xf32, #tpu.memory_space<vmem_shared>>) dst(%dma_wait3A_171 : memref<80x128xf32, #tpu.memory_space<vmem>>)
        tpu.yield
      }) : () -> ()
      %mul3A_147 = arith.constant 80 : i32
      %mul3A_148 = arith.muli %add3A_97, %mul3A_147 : i32
      %run_scoped3A_149 = arith.constant 0 : i32
      "tpu.region"() ({
        %run_scoped3A_150 = tpu.sem_alloc : memref<!tpu.dma_semaphore, #tpu.memory_space<semaphore_mem>>
        %dma_start3A_151 = arith.constant 0 : i32
        %dma_start3A_152 = arith.constant 0 : i32
        %dma_start3A_153 = tpu.memref_slice %arg8[%run_scoped3A_149, %dma_start3A_151, %dma_start3A_152] : memref<2x80x128xf32, #tpu.memory_space<vmem>> -> memref<1x80x128xf32, #tpu.memory_space<vmem>>
        %dma_start3A_154 = tpu.memref_squeeze %dma_start3A_153 : memref<1x80x128xf32, #tpu.memory_space<vmem>> -> memref<80x128xf32, #tpu.memory_space<vmem>>
        %dma_start3A_155 = arith.constant 0 : i32
        %dma_start3A_156 = tpu.memref_slice %arg5[%arg0, %mul3A_148, %dma_start3A_155] : memref<2x10000x128xf32, #tpu.memory_space<hbm>> -> memref<1x80x128xf32, #tpu.memory_space<hbm>>
        %dma_start3A_157 = tpu.memref_squeeze %dma_start3A_156 : memref<1x80x128xf32, #tpu.memory_space<hbm>> -> memref<80x128xf32, #tpu.memory_space<hbm>>
        %dma_start3A_158 = arith.constant 0 : i32
        %dma_start3A_159 = tpu.memref_slice %arg5[%arg0, %mul3A_148, %dma_start3A_158] : memref<2x10000x128xf32, #tpu.memory_space<hbm>> -> memref<1x80x128xf32, #tpu.memory_space<hbm>>
        %dma_start3A_160 = tpu.memref_squeeze %dma_start3A_159 : memref<1x80x128xf32, #tpu.memory_space<hbm>> -> memref<80x128xf32, #tpu.memory_space<hbm>>
        %dma_start3A_161 = arith.constant 0 : i32
        %dma_start3A_162 = arith.constant 0 : i32
        %dma_start3A_163 = tpu.memref_slice %arg8[%run_scoped3A_149, %dma_start3A_161, %dma_start3A_162] : memref<2x80x128xf32, #tpu.memory_space<vmem>> -> memref<1x80x128xf32, #tpu.memory_space<vmem>>
        %dma_start3A_164 = tpu.memref_squeeze %dma_start3A_163 : memref<1x80x128xf32, #tpu.memory_space<vmem>> -> memref<80x128xf32, #tpu.memory_space<vmem>>
        tpu.enqueue_dma source(%dma_start3A_164 : memref<80x128xf32, #tpu.memory_space<vmem>>) target(%dma_start3A_160 : memref<80x128xf32, #tpu.memory_space<hbm>>) target_semaphore(%run_scoped3A_150 : memref<!tpu.dma_semaphore, #tpu.memory_space<semaphore_mem>>)
        %dma_wait3A = arith.constant 0 : i32
        %dma_wait3A_165 = arith.constant 0 : i32
        %dma_wait3A_166 = tpu.memref_slice %arg8[%run_scoped3A_149, %dma_wait3A, %dma_wait3A_165] : memref<2x80x128xf32, #tpu.memory_space<vmem>> -> memref<1x80x128xf32, #tpu.memory_space<vmem>>
        %dma_wait3A_167 = tpu.memref_squeeze %dma_wait3A_166 : memref<1x80x128xf32, #tpu.memory_space<vmem>> -> memref<80x128xf32, #tpu.memory_space<vmem>>
        %dma_wait3A_168 = arith.constant 0 : i32
        %dma_wait3A_169 = tpu.memref_slice %arg5[%arg0, %mul3A_148, %dma_wait3A_168] : memref<2x10000x128xf32, #tpu.memory_space<hbm>> -> memref<1x80x128xf32, #tpu.memory_space<hbm>>
        %dma_wait3A_170 = tpu.memref_squeeze %dma_wait3A_169 : memref<1x80x128xf32, #tpu.memory_space<hbm>> -> memref<80x128xf32, #tpu.memory_space<hbm>>
        %dma_wait3A_171 = arith.constant 0 : i32
        %dma_wait3A_172 = tpu.memref_slice %arg5[%arg0, %mul3A_148, %dma_wait3A_171] : memref<2x10000x128xf32, #tpu.memory_space<hbm>> -> memref<1x80x128xf32, #tpu.memory_space<hbm>>
        %dma_wait3A_173 = tpu.memref_squeeze %dma_wait3A_172 : memref<1x80x128xf32, #tpu.memory_space<hbm>> -> memref<80x128xf32, #tpu.memory_space<hbm>>
        %dma_wait3A_174 = arith.constant 0 : i32
        %dma_wait3A_175 = arith.constant 0 : i32
        %dma_wait3A_176 = tpu.memref_slice %arg8[%run_scoped3A_149, %dma_wait3A_174, %dma_wait3A_175] : memref<2x80x128xf32, #tpu.memory_space<vmem>> -> memref<1x80x128xf32, #tpu.memory_space<vmem>>
        %dma_wait3A_177 = tpu.memref_squeeze %dma_wait3A_176 : memref<1x80x128xf32, #tpu.memory_space<vmem>> -> memref<80x128xf32, #tpu.memory_space<vmem>>
        tpu.wait_dma2 semaphore(%run_scoped3A_150 : memref<!tpu.dma_semaphore, #tpu.memory_space<semaphore_mem>>) src(%dma_wait3A_177 : memref<80x128xf32, #tpu.memory_space<vmem>>) dst(%dma_wait3A_173 : memref<80x128xf32, #tpu.memory_space<hbm>>)
        tpu.yield
      }) : () -> ()
    } else {
    }
    %add3A_103 = arith.constant 32 : i32
    %add3A_104 = arith.addi %arg1, %add3A_103 : i32
    %lt3A_105 = arith.constant 125 : i32
    %lt3A_106 = arith.cmpi slt, %add3A_104, %lt3A_105 : i32
    %convert_element_type3A_107 = arith.extui %lt3A_106 : i1 to i32
    %cond3A_108 = arith.constant 0 : i32
    %cond3A_109 = arith.cmpi ne, %convert_element_type3A_107, %cond3A_108 : i32
    scf.if %cond3A_109 {
      %mul3A_145 = arith.constant 80 : i32
      %mul3A_146 = arith.muli %add3A_104, %mul3A_145 : i32
      %run_scoped3A = arith.constant 0 : i32
      "tpu.region"() ({
        %run_scoped3A_150 = tpu.sem_alloc : memref<!tpu.dma_semaphore, #tpu.memory_space<semaphore_mem>>
        %dma_start3A_151 = arith.constant 0 : i32
        %dma_start3A_152 = arith.constant 0 : i32
        %dma_start3A_153 = tpu.memref_slice %arg8[%run_scoped3A, %dma_start3A_151, %dma_start3A_152] : memref<2x80x128xf32, #tpu.memory_space<vmem>> -> memref<1x80x128xf32, #tpu.memory_space<vmem>>
        %dma_start3A_154 = tpu.memref_squeeze %dma_start3A_153 : memref<1x80x128xf32, #tpu.memory_space<vmem>> -> memref<80x128xf32, #tpu.memory_space<vmem>>
        %dma_start3A_155 = arith.constant 0 : i32
        %dma_start3A_156 = tpu.memref_slice %arg10[%mul3A_146, %dma_start3A_155] : memref<10000x128xf32, #tpu.memory_space<vmem_shared>> -> memref<80x128xf32, #tpu.memory_space<vmem_shared>>
        %dma_start3A_157 = arith.constant 0 : i32
        %dma_start3A_158 = arith.constant 0 : i32
        %dma_start3A_159 = tpu.memref_slice %arg8[%run_scoped3A, %dma_start3A_157, %dma_start3A_158] : memref<2x80x128xf32, #tpu.memory_space<vmem>> -> memref<1x80x128xf32, #tpu.memory_space<vmem>>
        %dma_start3A_160 = tpu.memref_squeeze %dma_start3A_159 : memref<1x80x128xf32, #tpu.memory_space<vmem>> -> memref<80x128xf32, #tpu.memory_space<vmem>>
        %dma_start3A_161 = arith.constant 0 : i32
        %dma_start3A_162 = tpu.memref_slice %arg10[%mul3A_146, %dma_start3A_161] : memref<10000x128xf32, #tpu.memory_space<vmem_shared>> -> memref<80x128xf32, #tpu.memory_space<vmem_shared>>
        tpu.enqueue_dma source(%dma_start3A_162 : memref<80x128xf32, #tpu.memory_space<vmem_shared>>) target(%dma_start3A_160 : memref<80x128xf32, #tpu.memory_space<vmem>>) target_semaphore(%run_scoped3A_150 : memref<!tpu.dma_semaphore, #tpu.memory_space<semaphore_mem>>)
        %dma_wait3A = arith.constant 0 : i32
        %dma_wait3A_163 = arith.constant 0 : i32
        %dma_wait3A_164 = tpu.memref_slice %arg8[%run_scoped3A, %dma_wait3A, %dma_wait3A_163] : memref<2x80x128xf32, #tpu.memory_space<vmem>> -> memref<1x80x128xf32, #tpu.memory_space<vmem>>
        %dma_wait3A_165 = tpu.memref_squeeze %dma_wait3A_164 : memref<1x80x128xf32, #tpu.memory_space<vmem>> -> memref<80x128xf32, #tpu.memory_space<vmem>>
        %dma_wait3A_166 = arith.constant 0 : i32
        %dma_wait3A_167 = tpu.memref_slice %arg10[%mul3A_146, %dma_wait3A_166] : memref<10000x128xf32, #tpu.memory_space<vmem_shared>> -> memref<80x128xf32, #tpu.memory_space<vmem_shared>>
        %dma_wait3A_168 = arith.constant 0 : i32
        %dma_wait3A_169 = arith.constant 0 : i32
        %dma_wait3A_170 = tpu.memref_slice %arg8[%run_scoped3A, %dma_wait3A_168, %dma_wait3A_169] : memref<2x80x128xf32, #tpu.memory_space<vmem>> -> memref<1x80x128xf32, #tpu.memory_space<vmem>>
        %dma_wait3A_171 = tpu.memref_squeeze %dma_wait3A_170 : memref<1x80x128xf32, #tpu.memory_space<vmem>> -> memref<80x128xf32, #tpu.memory_space<vmem>>
        %dma_wait3A_172 = arith.constant 0 : i32
        %dma_wait3A_173 = tpu.memref_slice %arg10[%mul3A_146, %dma_wait3A_172] : memref<10000x128xf32, #tpu.memory_space<vmem_shared>> -> memref<80x128xf32, #tpu.memory_space<vmem_shared>>
        tpu.wait_dma2 semaphore(%run_scoped3A_150 : memref<!tpu.dma_semaphore, #tpu.memory_space<semaphore_mem>>) src(%dma_wait3A_173 : memref<80x128xf32, #tpu.memory_space<vmem_shared>>) dst(%dma_wait3A_171 : memref<80x128xf32, #tpu.memory_space<vmem>>)
        tpu.yield
      }) : () -> ()
      %mul3A_147 = arith.constant 80 : i32
      %mul3A_148 = arith.muli %add3A_104, %mul3A_147 : i32
      %run_scoped3A_149 = arith.constant 0 : i32
      "tpu.region"() ({
        %run_scoped3A_150 = tpu.sem_alloc : memref<!tpu.dma_semaphore, #tpu.memory_space<semaphore_mem>>
        %dma_start3A_151 = arith.constant 0 : i32
        %dma_start3A_152 = arith.constant 0 : i32
        %dma_start3A_153 = tpu.memref_slice %arg8[%run_scoped3A_149, %dma_start3A_151, %dma_start3A_152] : memref<2x80x128xf32, #tpu.memory_space<vmem>> -> memref<1x80x128xf32, #tpu.memory_space<vmem>>
        %dma_start3A_154 = tpu.memref_squeeze %dma_start3A_153 : memref<1x80x128xf32, #tpu.memory_space<vmem>> -> memref<80x128xf32, #tpu.memory_space<vmem>>
        %dma_start3A_155 = arith.constant 0 : i32
        %dma_start3A_156 = tpu.memref_slice %arg5[%arg0, %mul3A_148, %dma_start3A_155] : memref<2x10000x128xf32, #tpu.memory_space<hbm>> -> memref<1x80x128xf32, #tpu.memory_space<hbm>>
        %dma_start3A_157 = tpu.memref_squeeze %dma_start3A_156 : memref<1x80x128xf32, #tpu.memory_space<hbm>> -> memref<80x128xf32, #tpu.memory_space<hbm>>
        %dma_start3A_158 = arith.constant 0 : i32
        %dma_start3A_159 = tpu.memref_slice %arg5[%arg0, %mul3A_148, %dma_start3A_158] : memref<2x10000x128xf32, #tpu.memory_space<hbm>> -> memref<1x80x128xf32, #tpu.memory_space<hbm>>
        %dma_start3A_160 = tpu.memref_squeeze %dma_start3A_159 : memref<1x80x128xf32, #tpu.memory_space<hbm>> -> memref<80x128xf32, #tpu.memory_space<hbm>>
        %dma_start3A_161 = arith.constant 0 : i32
        %dma_start3A_162 = arith.constant 0 : i32
        %dma_start3A_163 = tpu.memref_slice %arg8[%run_scoped3A_149, %dma_start3A_161, %dma_start3A_162] : memref<2x80x128xf32, #tpu.memory_space<vmem>> -> memref<1x80x128xf32, #tpu.memory_space<vmem>>
        %dma_start3A_164 = tpu.memref_squeeze %dma_start3A_163 : memref<1x80x128xf32, #tpu.memory_space<vmem>> -> memref<80x128xf32, #tpu.memory_space<vmem>>
        tpu.enqueue_dma source(%dma_start3A_164 : memref<80x128xf32, #tpu.memory_space<vmem>>) target(%dma_start3A_160 : memref<80x128xf32, #tpu.memory_space<hbm>>) target_semaphore(%run_scoped3A_150 : memref<!tpu.dma_semaphore, #tpu.memory_space<semaphore_mem>>)
        %dma_wait3A = arith.constant 0 : i32
        %dma_wait3A_165 = arith.constant 0 : i32
        %dma_wait3A_166 = tpu.memref_slice %arg8[%run_scoped3A_149, %dma_wait3A, %dma_wait3A_165] : memref<2x80x128xf32, #tpu.memory_space<vmem>> -> memref<1x80x128xf32, #tpu.memory_space<vmem>>
        %dma_wait3A_167 = tpu.memref_squeeze %dma_wait3A_166 : memref<1x80x128xf32, #tpu.memory_space<vmem>> -> memref<80x128xf32, #tpu.memory_space<vmem>>
        %dma_wait3A_168 = arith.constant 0 : i32
        %dma_wait3A_169 = tpu.memref_slice %arg5[%arg0, %mul3A_148, %dma_wait3A_168] : memref<2x10000x128xf32, #tpu.memory_space<hbm>> -> memref<1x80x128xf32, #tpu.memory_space<hbm>>
        %dma_wait3A_170 = tpu.memref_squeeze %dma_wait3A_169 : memref<1x80x128xf32, #tpu.memory_space<hbm>> -> memref<80x128xf32, #tpu.memory_space<hbm>>
        %dma_wait3A_171 = arith.constant 0 : i32
        %dma_wait3A_172 = tpu.memref_slice %arg5[%arg0, %mul3A_148, %dma_wait3A_171] : memref<2x10000x128xf32, #tpu.memory_space<hbm>> -> memref<1x80x128xf32, #tpu.memory_space<hbm>>
        %dma_wait3A_173 = tpu.memref_squeeze %dma_wait3A_172 : memref<1x80x128xf32, #tpu.memory_space<hbm>> -> memref<80x128xf32, #tpu.memory_space<hbm>>
        %dma_wait3A_174 = arith.constant 0 : i32
        %dma_wait3A_175 = arith.constant 0 : i32
        %dma_wait3A_176 = tpu.memref_slice %arg8[%run_scoped3A_149, %dma_wait3A_174, %dma_wait3A_175] : memref<2x80x128xf32, #tpu.memory_space<vmem>> -> memref<1x80x128xf32, #tpu.memory_space<vmem>>
        %dma_wait3A_177 = tpu.memref_squeeze %dma_wait3A_176 : memref<1x80x128xf32, #tpu.memory_space<vmem>> -> memref<80x128xf32, #tpu.memory_space<vmem>>
        tpu.wait_dma2 semaphore(%run_scoped3A_150 : memref<!tpu.dma_semaphore, #tpu.memory_space<semaphore_mem>>) src(%dma_wait3A_177 : memref<80x128xf32, #tpu.memory_space<vmem>>) dst(%dma_wait3A_173 : memref<80x128xf32, #tpu.memory_space<hbm>>)
        tpu.yield
      }) : () -> ()
    } else {
    }
    %add3A_110 = arith.constant 48 : i32
    %add3A_111 = arith.addi %arg1, %add3A_110 : i32
    %lt3A_112 = arith.constant 125 : i32
    %lt3A_113 = arith.cmpi slt, %add3A_111, %lt3A_112 : i32
    %convert_element_type3A_114 = arith.extui %lt3A_113 : i1 to i32
    %cond3A_115 = arith.constant 0 : i32
    %cond3A_116 = arith.cmpi ne, %convert_element_type3A_114, %cond3A_115 : i32
    scf.if %cond3A_116 {
      %mul3A_145 = arith.constant 80 : i32
      %mul3A_146 = arith.muli %add3A_111, %mul3A_145 : i32
      %run_scoped3A = arith.constant 0 : i32
      "tpu.region"() ({
        %run_scoped3A_150 = tpu.sem_alloc : memref<!tpu.dma_semaphore, #tpu.memory_space<semaphore_mem>>
        %dma_start3A_151 = arith.constant 0 : i32
        %dma_start3A_152 = arith.constant 0 : i32
        %dma_start3A_153 = tpu.memref_slice %arg8[%run_scoped3A, %dma_start3A_151, %dma_start3A_152] : memref<2x80x128xf32, #tpu.memory_space<vmem>> -> memref<1x80x128xf32, #tpu.memory_space<vmem>>
        %dma_start3A_154 = tpu.memref_squeeze %dma_start3A_153 : memref<1x80x128xf32, #tpu.memory_space<vmem>> -> memref<80x128xf32, #tpu.memory_space<vmem>>
        %dma_start3A_155 = arith.constant 0 : i32
        %dma_start3A_156 = tpu.memref_slice %arg10[%mul3A_146, %dma_start3A_155] : memref<10000x128xf32, #tpu.memory_space<vmem_shared>> -> memref<80x128xf32, #tpu.memory_space<vmem_shared>>
        %dma_start3A_157 = arith.constant 0 : i32
        %dma_start3A_158 = arith.constant 0 : i32
        %dma_start3A_159 = tpu.memref_slice %arg8[%run_scoped3A, %dma_start3A_157, %dma_start3A_158] : memref<2x80x128xf32, #tpu.memory_space<vmem>> -> memref<1x80x128xf32, #tpu.memory_space<vmem>>
        %dma_start3A_160 = tpu.memref_squeeze %dma_start3A_159 : memref<1x80x128xf32, #tpu.memory_space<vmem>> -> memref<80x128xf32, #tpu.memory_space<vmem>>
        %dma_start3A_161 = arith.constant 0 : i32
        %dma_start3A_162 = tpu.memref_slice %arg10[%mul3A_146, %dma_start3A_161] : memref<10000x128xf32, #tpu.memory_space<vmem_shared>> -> memref<80x128xf32, #tpu.memory_space<vmem_shared>>
        tpu.enqueue_dma source(%dma_start3A_162 : memref<80x128xf32, #tpu.memory_space<vmem_shared>>) target(%dma_start3A_160 : memref<80x128xf32, #tpu.memory_space<vmem>>) target_semaphore(%run_scoped3A_150 : memref<!tpu.dma_semaphore, #tpu.memory_space<semaphore_mem>>)
        %dma_wait3A = arith.constant 0 : i32
        %dma_wait3A_163 = arith.constant 0 : i32
        %dma_wait3A_164 = tpu.memref_slice %arg8[%run_scoped3A, %dma_wait3A, %dma_wait3A_163] : memref<2x80x128xf32, #tpu.memory_space<vmem>> -> memref<1x80x128xf32, #tpu.memory_space<vmem>>
        %dma_wait3A_165 = tpu.memref_squeeze %dma_wait3A_164 : memref<1x80x128xf32, #tpu.memory_space<vmem>> -> memref<80x128xf32, #tpu.memory_space<vmem>>
        %dma_wait3A_166 = arith.constant 0 : i32
        %dma_wait3A_167 = tpu.memref_slice %arg10[%mul3A_146, %dma_wait3A_166] : memref<10000x128xf32, #tpu.memory_space<vmem_shared>> -> memref<80x128xf32, #tpu.memory_space<vmem_shared>>
        %dma_wait3A_168 = arith.constant 0 : i32
        %dma_wait3A_169 = arith.constant 0 : i32
        %dma_wait3A_170 = tpu.memref_slice %arg8[%run_scoped3A, %dma_wait3A_168, %dma_wait3A_169] : memref<2x80x128xf32, #tpu.memory_space<vmem>> -> memref<1x80x128xf32, #tpu.memory_space<vmem>>
        %dma_wait3A_171 = tpu.memref_squeeze %dma_wait3A_170 : memref<1x80x128xf32, #tpu.memory_space<vmem>> -> memref<80x128xf32, #tpu.memory_space<vmem>>
        %dma_wait3A_172 = arith.constant 0 : i32
        %dma_wait3A_173 = tpu.memref_slice %arg10[%mul3A_146, %dma_wait3A_172] : memref<10000x128xf32, #tpu.memory_space<vmem_shared>> -> memref<80x128xf32, #tpu.memory_space<vmem_shared>>
        tpu.wait_dma2 semaphore(%run_scoped3A_150 : memref<!tpu.dma_semaphore, #tpu.memory_space<semaphore_mem>>) src(%dma_wait3A_173 : memref<80x128xf32, #tpu.memory_space<vmem_shared>>) dst(%dma_wait3A_171 : memref<80x128xf32, #tpu.memory_space<vmem>>)
        tpu.yield
      }) : () -> ()
      %mul3A_147 = arith.constant 80 : i32
      %mul3A_148 = arith.muli %add3A_111, %mul3A_147 : i32
      %run_scoped3A_149 = arith.constant 0 : i32
      "tpu.region"() ({
        %run_scoped3A_150 = tpu.sem_alloc : memref<!tpu.dma_semaphore, #tpu.memory_space<semaphore_mem>>
        %dma_start3A_151 = arith.constant 0 : i32
        %dma_start3A_152 = arith.constant 0 : i32
        %dma_start3A_153 = tpu.memref_slice %arg8[%run_scoped3A_149, %dma_start3A_151, %dma_start3A_152] : memref<2x80x128xf32, #tpu.memory_space<vmem>> -> memref<1x80x128xf32, #tpu.memory_space<vmem>>
        %dma_start3A_154 = tpu.memref_squeeze %dma_start3A_153 : memref<1x80x128xf32, #tpu.memory_space<vmem>> -> memref<80x128xf32, #tpu.memory_space<vmem>>
        %dma_start3A_155 = arith.constant 0 : i32
        %dma_start3A_156 = tpu.memref_slice %arg5[%arg0, %mul3A_148, %dma_start3A_155] : memref<2x10000x128xf32, #tpu.memory_space<hbm>> -> memref<1x80x128xf32, #tpu.memory_space<hbm>>
        %dma_start3A_157 = tpu.memref_squeeze %dma_start3A_156 : memref<1x80x128xf32, #tpu.memory_space<hbm>> -> memref<80x128xf32, #tpu.memory_space<hbm>>
        %dma_start3A_158 = arith.constant 0 : i32
        %dma_start3A_159 = tpu.memref_slice %arg5[%arg0, %mul3A_148, %dma_start3A_158] : memref<2x10000x128xf32, #tpu.memory_space<hbm>> -> memref<1x80x128xf32, #tpu.memory_space<hbm>>
        %dma_start3A_160 = tpu.memref_squeeze %dma_start3A_159 : memref<1x80x128xf32, #tpu.memory_space<hbm>> -> memref<80x128xf32, #tpu.memory_space<hbm>>
        %dma_start3A_161 = arith.constant 0 : i32
        %dma_start3A_162 = arith.constant 0 : i32
        %dma_start3A_163 = tpu.memref_slice %arg8[%run_scoped3A_149, %dma_start3A_161, %dma_start3A_162] : memref<2x80x128xf32, #tpu.memory_space<vmem>> -> memref<1x80x128xf32, #tpu.memory_space<vmem>>
        %dma_start3A_164 = tpu.memref_squeeze %dma_start3A_163 : memref<1x80x128xf32, #tpu.memory_space<vmem>> -> memref<80x128xf32, #tpu.memory_space<vmem>>
        tpu.enqueue_dma source(%dma_start3A_164 : memref<80x128xf32, #tpu.memory_space<vmem>>) target(%dma_start3A_160 : memref<80x128xf32, #tpu.memory_space<hbm>>) target_semaphore(%run_scoped3A_150 : memref<!tpu.dma_semaphore, #tpu.memory_space<semaphore_mem>>)
        %dma_wait3A = arith.constant 0 : i32
        %dma_wait3A_165 = arith.constant 0 : i32
        %dma_wait3A_166 = tpu.memref_slice %arg8[%run_scoped3A_149, %dma_wait3A, %dma_wait3A_165] : memref<2x80x128xf32, #tpu.memory_space<vmem>> -> memref<1x80x128xf32, #tpu.memory_space<vmem>>
        %dma_wait3A_167 = tpu.memref_squeeze %dma_wait3A_166 : memref<1x80x128xf32, #tpu.memory_space<vmem>> -> memref<80x128xf32, #tpu.memory_space<vmem>>
        %dma_wait3A_168 = arith.constant 0 : i32
        %dma_wait3A_169 = tpu.memref_slice %arg5[%arg0, %mul3A_148, %dma_wait3A_168] : memref<2x10000x128xf32, #tpu.memory_space<hbm>> -> memref<1x80x128xf32, #tpu.memory_space<hbm>>
        %dma_wait3A_170 = tpu.memref_squeeze %dma_wait3A_169 : memref<1x80x128xf32, #tpu.memory_space<hbm>> -> memref<80x128xf32, #tpu.memory_space<hbm>>
        %dma_wait3A_171 = arith.constant 0 : i32
        %dma_wait3A_172 = tpu.memref_slice %arg5[%arg0, %mul3A_148, %dma_wait3A_171] : memref<2x10000x128xf32, #tpu.memory_space<hbm>> -> memref<1x80x128xf32, #tpu.memory_space<hbm>>
        %dma_wait3A_173 = tpu.memref_squeeze %dma_wait3A_172 : memref<1x80x128xf32, #tpu.memory_space<hbm>> -> memref<80x128xf32, #tpu.memory_space<hbm>>
        %dma_wait3A_174 = arith.constant 0 : i32
        %dma_wait3A_175 = arith.constant 0 : i32
        %dma_wait3A_176 = tpu.memref_slice %arg8[%run_scoped3A_149, %dma_wait3A_174, %dma_wait3A_175] : memref<2x80x128xf32, #tpu.memory_space<vmem>> -> memref<1x80x128xf32, #tpu.memory_space<vmem>>
        %dma_wait3A_177 = tpu.memref_squeeze %dma_wait3A_176 : memref<1x80x128xf32, #tpu.memory_space<vmem>> -> memref<80x128xf32, #tpu.memory_space<vmem>>
        tpu.wait_dma2 semaphore(%run_scoped3A_150 : memref<!tpu.dma_semaphore, #tpu.memory_space<semaphore_mem>>) src(%dma_wait3A_177 : memref<80x128xf32, #tpu.memory_space<vmem>>) dst(%dma_wait3A_173 : memref<80x128xf32, #tpu.memory_space<hbm>>)
        tpu.yield
      }) : () -> ()
    } else {
    }
    %add3A_117 = arith.constant 64 : i32
    %add3A_118 = arith.addi %arg1, %add3A_117 : i32
    %lt3A_119 = arith.constant 125 : i32
    %lt3A_120 = arith.cmpi slt, %add3A_118, %lt3A_119 : i32
    %convert_element_type3A_121 = arith.extui %lt3A_120 : i1 to i32
    %cond3A_122 = arith.constant 0 : i32
    %cond3A_123 = arith.cmpi ne, %convert_element_type3A_121, %cond3A_122 : i32
    scf.if %cond3A_123 {
      %mul3A_145 = arith.constant 80 : i32
      %mul3A_146 = arith.muli %add3A_118, %mul3A_145 : i32
      %run_scoped3A = arith.constant 0 : i32
      "tpu.region"() ({
        %run_scoped3A_150 = tpu.sem_alloc : memref<!tpu.dma_semaphore, #tpu.memory_space<semaphore_mem>>
        %dma_start3A_151 = arith.constant 0 : i32
        %dma_start3A_152 = arith.constant 0 : i32
        %dma_start3A_153 = tpu.memref_slice %arg8[%run_scoped3A, %dma_start3A_151, %dma_start3A_152] : memref<2x80x128xf32, #tpu.memory_space<vmem>> -> memref<1x80x128xf32, #tpu.memory_space<vmem>>
        %dma_start3A_154 = tpu.memref_squeeze %dma_start3A_153 : memref<1x80x128xf32, #tpu.memory_space<vmem>> -> memref<80x128xf32, #tpu.memory_space<vmem>>
        %dma_start3A_155 = arith.constant 0 : i32
        %dma_start3A_156 = tpu.memref_slice %arg10[%mul3A_146, %dma_start3A_155] : memref<10000x128xf32, #tpu.memory_space<vmem_shared>> -> memref<80x128xf32, #tpu.memory_space<vmem_shared>>
        %dma_start3A_157 = arith.constant 0 : i32
        %dma_start3A_158 = arith.constant 0 : i32
        %dma_start3A_159 = tpu.memref_slice %arg8[%run_scoped3A, %dma_start3A_157, %dma_start3A_158] : memref<2x80x128xf32, #tpu.memory_space<vmem>> -> memref<1x80x128xf32, #tpu.memory_space<vmem>>
        %dma_start3A_160 = tpu.memref_squeeze %dma_start3A_159 : memref<1x80x128xf32, #tpu.memory_space<vmem>> -> memref<80x128xf32, #tpu.memory_space<vmem>>
        %dma_start3A_161 = arith.constant 0 : i32
        %dma_start3A_162 = tpu.memref_slice %arg10[%mul3A_146, %dma_start3A_161] : memref<10000x128xf32, #tpu.memory_space<vmem_shared>> -> memref<80x128xf32, #tpu.memory_space<vmem_shared>>
        tpu.enqueue_dma source(%dma_start3A_162 : memref<80x128xf32, #tpu.memory_space<vmem_shared>>) target(%dma_start3A_160 : memref<80x128xf32, #tpu.memory_space<vmem>>) target_semaphore(%run_scoped3A_150 : memref<!tpu.dma_semaphore, #tpu.memory_space<semaphore_mem>>)
        %dma_wait3A = arith.constant 0 : i32
        %dma_wait3A_163 = arith.constant 0 : i32
        %dma_wait3A_164 = tpu.memref_slice %arg8[%run_scoped3A, %dma_wait3A, %dma_wait3A_163] : memref<2x80x128xf32, #tpu.memory_space<vmem>> -> memref<1x80x128xf32, #tpu.memory_space<vmem>>
        %dma_wait3A_165 = tpu.memref_squeeze %dma_wait3A_164 : memref<1x80x128xf32, #tpu.memory_space<vmem>> -> memref<80x128xf32, #tpu.memory_space<vmem>>
        %dma_wait3A_166 = arith.constant 0 : i32
        %dma_wait3A_167 = tpu.memref_slice %arg10[%mul3A_146, %dma_wait3A_166] : memref<10000x128xf32, #tpu.memory_space<vmem_shared>> -> memref<80x128xf32, #tpu.memory_space<vmem_shared>>
        %dma_wait3A_168 = arith.constant 0 : i32
        %dma_wait3A_169 = arith.constant 0 : i32
        %dma_wait3A_170 = tpu.memref_slice %arg8[%run_scoped3A, %dma_wait3A_168, %dma_wait3A_169] : memref<2x80x128xf32, #tpu.memory_space<vmem>> -> memref<1x80x128xf32, #tpu.memory_space<vmem>>
        %dma_wait3A_171 = tpu.memref_squeeze %dma_wait3A_170 : memref<1x80x128xf32, #tpu.memory_space<vmem>> -> memref<80x128xf32, #tpu.memory_space<vmem>>
        %dma_wait3A_172 = arith.constant 0 : i32
        %dma_wait3A_173 = tpu.memref_slice %arg10[%mul3A_146, %dma_wait3A_172] : memref<10000x128xf32, #tpu.memory_space<vmem_shared>> -> memref<80x128xf32, #tpu.memory_space<vmem_shared>>
        tpu.wait_dma2 semaphore(%run_scoped3A_150 : memref<!tpu.dma_semaphore, #tpu.memory_space<semaphore_mem>>) src(%dma_wait3A_173 : memref<80x128xf32, #tpu.memory_space<vmem_shared>>) dst(%dma_wait3A_171 : memref<80x128xf32, #tpu.memory_space<vmem>>)
        tpu.yield
      }) : () -> ()
      %mul3A_147 = arith.constant 80 : i32
      %mul3A_148 = arith.muli %add3A_118, %mul3A_147 : i32
      %run_scoped3A_149 = arith.constant 0 : i32
      "tpu.region"() ({
        %run_scoped3A_150 = tpu.sem_alloc : memref<!tpu.dma_semaphore, #tpu.memory_space<semaphore_mem>>
        %dma_start3A_151 = arith.constant 0 : i32
        %dma_start3A_152 = arith.constant 0 : i32
        %dma_start3A_153 = tpu.memref_slice %arg8[%run_scoped3A_149, %dma_start3A_151, %dma_start3A_152] : memref<2x80x128xf32, #tpu.memory_space<vmem>> -> memref<1x80x128xf32, #tpu.memory_space<vmem>>
        %dma_start3A_154 = tpu.memref_squeeze %dma_start3A_153 : memref<1x80x128xf32, #tpu.memory_space<vmem>> -> memref<80x128xf32, #tpu.memory_space<vmem>>
        %dma_start3A_155 = arith.constant 0 : i32
        %dma_start3A_156 = tpu.memref_slice %arg5[%arg0, %mul3A_148, %dma_start3A_155] : memref<2x10000x128xf32, #tpu.memory_space<hbm>> -> memref<1x80x128xf32, #tpu.memory_space<hbm>>
        %dma_start3A_157 = tpu.memref_squeeze %dma_start3A_156 : memref<1x80x128xf32, #tpu.memory_space<hbm>> -> memref<80x128xf32, #tpu.memory_space<hbm>>
        %dma_start3A_158 = arith.constant 0 : i32
        %dma_start3A_159 = tpu.memref_slice %arg5[%arg0, %mul3A_148, %dma_start3A_158] : memref<2x10000x128xf32, #tpu.memory_space<hbm>> -> memref<1x80x128xf32, #tpu.memory_space<hbm>>
        %dma_start3A_160 = tpu.memref_squeeze %dma_start3A_159 : memref<1x80x128xf32, #tpu.memory_space<hbm>> -> memref<80x128xf32, #tpu.memory_space<hbm>>
        %dma_start3A_161 = arith.constant 0 : i32
        %dma_start3A_162 = arith.constant 0 : i32
        %dma_start3A_163 = tpu.memref_slice %arg8[%run_scoped3A_149, %dma_start3A_161, %dma_start3A_162] : memref<2x80x128xf32, #tpu.memory_space<vmem>> -> memref<1x80x128xf32, #tpu.memory_space<vmem>>
        %dma_start3A_164 = tpu.memref_squeeze %dma_start3A_163 : memref<1x80x128xf32, #tpu.memory_space<vmem>> -> memref<80x128xf32, #tpu.memory_space<vmem>>
        tpu.enqueue_dma source(%dma_start3A_164 : memref<80x128xf32, #tpu.memory_space<vmem>>) target(%dma_start3A_160 : memref<80x128xf32, #tpu.memory_space<hbm>>) target_semaphore(%run_scoped3A_150 : memref<!tpu.dma_semaphore, #tpu.memory_space<semaphore_mem>>)
        %dma_wait3A = arith.constant 0 : i32
        %dma_wait3A_165 = arith.constant 0 : i32
        %dma_wait3A_166 = tpu.memref_slice %arg8[%run_scoped3A_149, %dma_wait3A, %dma_wait3A_165] : memref<2x80x128xf32, #tpu.memory_space<vmem>> -> memref<1x80x128xf32, #tpu.memory_space<vmem>>
        %dma_wait3A_167 = tpu.memref_squeeze %dma_wait3A_166 : memref<1x80x128xf32, #tpu.memory_space<vmem>> -> memref<80x128xf32, #tpu.memory_space<vmem>>
        %dma_wait3A_168 = arith.constant 0 : i32
        %dma_wait3A_169 = tpu.memref_slice %arg5[%arg0, %mul3A_148, %dma_wait3A_168] : memref<2x10000x128xf32, #tpu.memory_space<hbm>> -> memref<1x80x128xf32, #tpu.memory_space<hbm>>
        %dma_wait3A_170 = tpu.memref_squeeze %dma_wait3A_169 : memref<1x80x128xf32, #tpu.memory_space<hbm>> -> memref<80x128xf32, #tpu.memory_space<hbm>>
        %dma_wait3A_171 = arith.constant 0 : i32
        %dma_wait3A_172 = tpu.memref_slice %arg5[%arg0, %mul3A_148, %dma_wait3A_171] : memref<2x10000x128xf32, #tpu.memory_space<hbm>> -> memref<1x80x128xf32, #tpu.memory_space<hbm>>
        %dma_wait3A_173 = tpu.memref_squeeze %dma_wait3A_172 : memref<1x80x128xf32, #tpu.memory_space<hbm>> -> memref<80x128xf32, #tpu.memory_space<hbm>>
        %dma_wait3A_174 = arith.constant 0 : i32
        %dma_wait3A_175 = arith.constant 0 : i32
        %dma_wait3A_176 = tpu.memref_slice %arg8[%run_scoped3A_149, %dma_wait3A_174, %dma_wait3A_175] : memref<2x80x128xf32, #tpu.memory_space<vmem>> -> memref<1x80x128xf32, #tpu.memory_space<vmem>>
        %dma_wait3A_177 = tpu.memref_squeeze %dma_wait3A_176 : memref<1x80x128xf32, #tpu.memory_space<vmem>> -> memref<80x128xf32, #tpu.memory_space<vmem>>
        tpu.wait_dma2 semaphore(%run_scoped3A_150 : memref<!tpu.dma_semaphore, #tpu.memory_space<semaphore_mem>>) src(%dma_wait3A_177 : memref<80x128xf32, #tpu.memory_space<vmem>>) dst(%dma_wait3A_173 : memref<80x128xf32, #tpu.memory_space<hbm>>)
        tpu.yield
      }) : () -> ()
    } else {
    }
    %add3A_124 = arith.constant 80 : i32
    %add3A_125 = arith.addi %arg1, %add3A_124 : i32
    %lt3A_126 = arith.constant 125 : i32
    %lt3A_127 = arith.cmpi slt, %add3A_125, %lt3A_126 : i32
    %convert_element_type3A_128 = arith.extui %lt3A_127 : i1 to i32
    %cond3A_129 = arith.constant 0 : i32
    %cond3A_130 = arith.cmpi ne, %convert_element_type3A_128, %cond3A_129 : i32
    scf.if %cond3A_130 {
      %mul3A_145 = arith.constant 80 : i32
      %mul3A_146 = arith.muli %add3A_125, %mul3A_145 : i32
      %run_scoped3A = arith.constant 0 : i32
      "tpu.region"() ({
        %run_scoped3A_150 = tpu.sem_alloc : memref<!tpu.dma_semaphore, #tpu.memory_space<semaphore_mem>>
        %dma_start3A_151 = arith.constant 0 : i32
        %dma_start3A_152 = arith.constant 0 : i32
        %dma_start3A_153 = tpu.memref_slice %arg8[%run_scoped3A, %dma_start3A_151, %dma_start3A_152] : memref<2x80x128xf32, #tpu.memory_space<vmem>> -> memref<1x80x128xf32, #tpu.memory_space<vmem>>
        %dma_start3A_154 = tpu.memref_squeeze %dma_start3A_153 : memref<1x80x128xf32, #tpu.memory_space<vmem>> -> memref<80x128xf32, #tpu.memory_space<vmem>>
        %dma_start3A_155 = arith.constant 0 : i32
        %dma_start3A_156 = tpu.memref_slice %arg10[%mul3A_146, %dma_start3A_155] : memref<10000x128xf32, #tpu.memory_space<vmem_shared>> -> memref<80x128xf32, #tpu.memory_space<vmem_shared>>
        %dma_start3A_157 = arith.constant 0 : i32
        %dma_start3A_158 = arith.constant 0 : i32
        %dma_start3A_159 = tpu.memref_slice %arg8[%run_scoped3A, %dma_start3A_157, %dma_start3A_158] : memref<2x80x128xf32, #tpu.memory_space<vmem>> -> memref<1x80x128xf32, #tpu.memory_space<vmem>>
        %dma_start3A_160 = tpu.memref_squeeze %dma_start3A_159 : memref<1x80x128xf32, #tpu.memory_space<vmem>> -> memref<80x128xf32, #tpu.memory_space<vmem>>
        %dma_start3A_161 = arith.constant 0 : i32
        %dma_start3A_162 = tpu.memref_slice %arg10[%mul3A_146, %dma_start3A_161] : memref<10000x128xf32, #tpu.memory_space<vmem_shared>> -> memref<80x128xf32, #tpu.memory_space<vmem_shared>>
        tpu.enqueue_dma source(%dma_start3A_162 : memref<80x128xf32, #tpu.memory_space<vmem_shared>>) target(%dma_start3A_160 : memref<80x128xf32, #tpu.memory_space<vmem>>) target_semaphore(%run_scoped3A_150 : memref<!tpu.dma_semaphore, #tpu.memory_space<semaphore_mem>>)
        %dma_wait3A = arith.constant 0 : i32
        %dma_wait3A_163 = arith.constant 0 : i32
        %dma_wait3A_164 = tpu.memref_slice %arg8[%run_scoped3A, %dma_wait3A, %dma_wait3A_163] : memref<2x80x128xf32, #tpu.memory_space<vmem>> -> memref<1x80x128xf32, #tpu.memory_space<vmem>>
        %dma_wait3A_165 = tpu.memref_squeeze %dma_wait3A_164 : memref<1x80x128xf32, #tpu.memory_space<vmem>> -> memref<80x128xf32, #tpu.memory_space<vmem>>
        %dma_wait3A_166 = arith.constant 0 : i32
        %dma_wait3A_167 = tpu.memref_slice %arg10[%mul3A_146, %dma_wait3A_166] : memref<10000x128xf32, #tpu.memory_space<vmem_shared>> -> memref<80x128xf32, #tpu.memory_space<vmem_shared>>
        %dma_wait3A_168 = arith.constant 0 : i32
        %dma_wait3A_169 = arith.constant 0 : i32
        %dma_wait3A_170 = tpu.memref_slice %arg8[%run_scoped3A, %dma_wait3A_168, %dma_wait3A_169] : memref<2x80x128xf32, #tpu.memory_space<vmem>> -> memref<1x80x128xf32, #tpu.memory_space<vmem>>
        %dma_wait3A_171 = tpu.memref_squeeze %dma_wait3A_170 : memref<1x80x128xf32, #tpu.memory_space<vmem>> -> memref<80x128xf32, #tpu.memory_space<vmem>>
        %dma_wait3A_172 = arith.constant 0 : i32
        %dma_wait3A_173 = tpu.memref_slice %arg10[%mul3A_146, %dma_wait3A_172] : memref<10000x128xf32, #tpu.memory_space<vmem_shared>> -> memref<80x128xf32, #tpu.memory_space<vmem_shared>>
        tpu.wait_dma2 semaphore(%run_scoped3A_150 : memref<!tpu.dma_semaphore, #tpu.memory_space<semaphore_mem>>) src(%dma_wait3A_173 : memref<80x128xf32, #tpu.memory_space<vmem_shared>>) dst(%dma_wait3A_171 : memref<80x128xf32, #tpu.memory_space<vmem>>)
        tpu.yield
      }) : () -> ()
      %mul3A_147 = arith.constant 80 : i32
      %mul3A_148 = arith.muli %add3A_125, %mul3A_147 : i32
      %run_scoped3A_149 = arith.constant 0 : i32
      "tpu.region"() ({
        %run_scoped3A_150 = tpu.sem_alloc : memref<!tpu.dma_semaphore, #tpu.memory_space<semaphore_mem>>
        %dma_start3A_151 = arith.constant 0 : i32
        %dma_start3A_152 = arith.constant 0 : i32
        %dma_start3A_153 = tpu.memref_slice %arg8[%run_scoped3A_149, %dma_start3A_151, %dma_start3A_152] : memref<2x80x128xf32, #tpu.memory_space<vmem>> -> memref<1x80x128xf32, #tpu.memory_space<vmem>>
        %dma_start3A_154 = tpu.memref_squeeze %dma_start3A_153 : memref<1x80x128xf32, #tpu.memory_space<vmem>> -> memref<80x128xf32, #tpu.memory_space<vmem>>
        %dma_start3A_155 = arith.constant 0 : i32
        %dma_start3A_156 = tpu.memref_slice %arg5[%arg0, %mul3A_148, %dma_start3A_155] : memref<2x10000x128xf32, #tpu.memory_space<hbm>> -> memref<1x80x128xf32, #tpu.memory_space<hbm>>
        %dma_start3A_157 = tpu.memref_squeeze %dma_start3A_156 : memref<1x80x128xf32, #tpu.memory_space<hbm>> -> memref<80x128xf32, #tpu.memory_space<hbm>>
        %dma_start3A_158 = arith.constant 0 : i32
        %dma_start3A_159 = tpu.memref_slice %arg5[%arg0, %mul3A_148, %dma_start3A_158] : memref<2x10000x128xf32, #tpu.memory_space<hbm>> -> memref<1x80x128xf32, #tpu.memory_space<hbm>>
        %dma_start3A_160 = tpu.memref_squeeze %dma_start3A_159 : memref<1x80x128xf32, #tpu.memory_space<hbm>> -> memref<80x128xf32, #tpu.memory_space<hbm>>
        %dma_start3A_161 = arith.constant 0 : i32
        %dma_start3A_162 = arith.constant 0 : i32
        %dma_start3A_163 = tpu.memref_slice %arg8[%run_scoped3A_149, %dma_start3A_161, %dma_start3A_162] : memref<2x80x128xf32, #tpu.memory_space<vmem>> -> memref<1x80x128xf32, #tpu.memory_space<vmem>>
        %dma_start3A_164 = tpu.memref_squeeze %dma_start3A_163 : memref<1x80x128xf32, #tpu.memory_space<vmem>> -> memref<80x128xf32, #tpu.memory_space<vmem>>
        tpu.enqueue_dma source(%dma_start3A_164 : memref<80x128xf32, #tpu.memory_space<vmem>>) target(%dma_start3A_160 : memref<80x128xf32, #tpu.memory_space<hbm>>) target_semaphore(%run_scoped3A_150 : memref<!tpu.dma_semaphore, #tpu.memory_space<semaphore_mem>>)
        %dma_wait3A = arith.constant 0 : i32
        %dma_wait3A_165 = arith.constant 0 : i32
        %dma_wait3A_166 = tpu.memref_slice %arg8[%run_scoped3A_149, %dma_wait3A, %dma_wait3A_165] : memref<2x80x128xf32, #tpu.memory_space<vmem>> -> memref<1x80x128xf32, #tpu.memory_space<vmem>>
        %dma_wait3A_167 = tpu.memref_squeeze %dma_wait3A_166 : memref<1x80x128xf32, #tpu.memory_space<vmem>> -> memref<80x128xf32, #tpu.memory_space<vmem>>
        %dma_wait3A_168 = arith.constant 0 : i32
        %dma_wait3A_169 = tpu.memref_slice %arg5[%arg0, %mul3A_148, %dma_wait3A_168] : memref<2x10000x128xf32, #tpu.memory_space<hbm>> -> memref<1x80x128xf32, #tpu.memory_space<hbm>>
        %dma_wait3A_170 = tpu.memref_squeeze %dma_wait3A_169 : memref<1x80x128xf32, #tpu.memory_space<hbm>> -> memref<80x128xf32, #tpu.memory_space<hbm>>
        %dma_wait3A_171 = arith.constant 0 : i32
        %dma_wait3A_172 = tpu.memref_slice %arg5[%arg0, %mul3A_148, %dma_wait3A_171] : memref<2x10000x128xf32, #tpu.memory_space<hbm>> -> memref<1x80x128xf32, #tpu.memory_space<hbm>>
        %dma_wait3A_173 = tpu.memref_squeeze %dma_wait3A_172 : memref<1x80x128xf32, #tpu.memory_space<hbm>> -> memref<80x128xf32, #tpu.memory_space<hbm>>
        %dma_wait3A_174 = arith.constant 0 : i32
        %dma_wait3A_175 = arith.constant 0 : i32
        %dma_wait3A_176 = tpu.memref_slice %arg8[%run_scoped3A_149, %dma_wait3A_174, %dma_wait3A_175] : memref<2x80x128xf32, #tpu.memory_space<vmem>> -> memref<1x80x128xf32, #tpu.memory_space<vmem>>
        %dma_wait3A_177 = tpu.memref_squeeze %dma_wait3A_176 : memref<1x80x128xf32, #tpu.memory_space<vmem>> -> memref<80x128xf32, #tpu.memory_space<vmem>>
        tpu.wait_dma2 semaphore(%run_scoped3A_150 : memref<!tpu.dma_semaphore, #tpu.memory_space<semaphore_mem>>) src(%dma_wait3A_177 : memref<80x128xf32, #tpu.memory_space<vmem>>) dst(%dma_wait3A_173 : memref<80x128xf32, #tpu.memory_space<hbm>>)
        tpu.yield
      }) : () -> ()
    } else {
    }
    %add3A_131 = arith.constant 96 : i32
    %add3A_132 = arith.addi %arg1, %add3A_131 : i32
    %lt3A_133 = arith.constant 125 : i32
    %lt3A_134 = arith.cmpi slt, %add3A_132, %lt3A_133 : i32
    %convert_element_type3A_135 = arith.extui %lt3A_134 : i1 to i32
    %cond3A_136 = arith.constant 0 : i32
    %cond3A_137 = arith.cmpi ne, %convert_element_type3A_135, %cond3A_136 : i32
    scf.if %cond3A_137 {
      %mul3A_145 = arith.constant 80 : i32
      %mul3A_146 = arith.muli %add3A_132, %mul3A_145 : i32
      %run_scoped3A = arith.constant 0 : i32
      "tpu.region"() ({
        %run_scoped3A_150 = tpu.sem_alloc : memref<!tpu.dma_semaphore, #tpu.memory_space<semaphore_mem>>
        %dma_start3A_151 = arith.constant 0 : i32
        %dma_start3A_152 = arith.constant 0 : i32
        %dma_start3A_153 = tpu.memref_slice %arg8[%run_scoped3A, %dma_start3A_151, %dma_start3A_152] : memref<2x80x128xf32, #tpu.memory_space<vmem>> -> memref<1x80x128xf32, #tpu.memory_space<vmem>>
        %dma_start3A_154 = tpu.memref_squeeze %dma_start3A_153 : memref<1x80x128xf32, #tpu.memory_space<vmem>> -> memref<80x128xf32, #tpu.memory_space<vmem>>
        %dma_start3A_155 = arith.constant 0 : i32
        %dma_start3A_156 = tpu.memref_slice %arg10[%mul3A_146, %dma_start3A_155] : memref<10000x128xf32, #tpu.memory_space<vmem_shared>> -> memref<80x128xf32, #tpu.memory_space<vmem_shared>>
        %dma_start3A_157 = arith.constant 0 : i32
        %dma_start3A_158 = arith.constant 0 : i32
        %dma_start3A_159 = tpu.memref_slice %arg8[%run_scoped3A, %dma_start3A_157, %dma_start3A_158] : memref<2x80x128xf32, #tpu.memory_space<vmem>> -> memref<1x80x128xf32, #tpu.memory_space<vmem>>
        %dma_start3A_160 = tpu.memref_squeeze %dma_start3A_159 : memref<1x80x128xf32, #tpu.memory_space<vmem>> -> memref<80x128xf32, #tpu.memory_space<vmem>>
        %dma_start3A_161 = arith.constant 0 : i32
        %dma_start3A_162 = tpu.memref_slice %arg10[%mul3A_146, %dma_start3A_161] : memref<10000x128xf32, #tpu.memory_space<vmem_shared>> -> memref<80x128xf32, #tpu.memory_space<vmem_shared>>
        tpu.enqueue_dma source(%dma_start3A_162 : memref<80x128xf32, #tpu.memory_space<vmem_shared>>) target(%dma_start3A_160 : memref<80x128xf32, #tpu.memory_space<vmem>>) target_semaphore(%run_scoped3A_150 : memref<!tpu.dma_semaphore, #tpu.memory_space<semaphore_mem>>)
        %dma_wait3A = arith.constant 0 : i32
        %dma_wait3A_163 = arith.constant 0 : i32
        %dma_wait3A_164 = tpu.memref_slice %arg8[%run_scoped3A, %dma_wait3A, %dma_wait3A_163] : memref<2x80x128xf32, #tpu.memory_space<vmem>> -> memref<1x80x128xf32, #tpu.memory_space<vmem>>
        %dma_wait3A_165 = tpu.memref_squeeze %dma_wait3A_164 : memref<1x80x128xf32, #tpu.memory_space<vmem>> -> memref<80x128xf32, #tpu.memory_space<vmem>>
        %dma_wait3A_166 = arith.constant 0 : i32
        %dma_wait3A_167 = tpu.memref_slice %arg10[%mul3A_146, %dma_wait3A_166] : memref<10000x128xf32, #tpu.memory_space<vmem_shared>> -> memref<80x128xf32, #tpu.memory_space<vmem_shared>>
        %dma_wait3A_168 = arith.constant 0 : i32
        %dma_wait3A_169 = arith.constant 0 : i32
        %dma_wait3A_170 = tpu.memref_slice %arg8[%run_scoped3A, %dma_wait3A_168, %dma_wait3A_169] : memref<2x80x128xf32, #tpu.memory_space<vmem>> -> memref<1x80x128xf32, #tpu.memory_space<vmem>>
        %dma_wait3A_171 = tpu.memref_squeeze %dma_wait3A_170 : memref<1x80x128xf32, #tpu.memory_space<vmem>> -> memref<80x128xf32, #tpu.memory_space<vmem>>
        %dma_wait3A_172 = arith.constant 0 : i32
        %dma_wait3A_173 = tpu.memref_slice %arg10[%mul3A_146, %dma_wait3A_172] : memref<10000x128xf32, #tpu.memory_space<vmem_shared>> -> memref<80x128xf32, #tpu.memory_space<vmem_shared>>
        tpu.wait_dma2 semaphore(%run_scoped3A_150 : memref<!tpu.dma_semaphore, #tpu.memory_space<semaphore_mem>>) src(%dma_wait3A_173 : memref<80x128xf32, #tpu.memory_space<vmem_shared>>) dst(%dma_wait3A_171 : memref<80x128xf32, #tpu.memory_space<vmem>>)
        tpu.yield
      }) : () -> ()
      %mul3A_147 = arith.constant 80 : i32
      %mul3A_148 = arith.muli %add3A_132, %mul3A_147 : i32
      %run_scoped3A_149 = arith.constant 0 : i32
      "tpu.region"() ({
        %run_scoped3A_150 = tpu.sem_alloc : memref<!tpu.dma_semaphore, #tpu.memory_space<semaphore_mem>>
        %dma_start3A_151 = arith.constant 0 : i32
        %dma_start3A_152 = arith.constant 0 : i32
        %dma_start3A_153 = tpu.memref_slice %arg8[%run_scoped3A_149, %dma_start3A_151, %dma_start3A_152] : memref<2x80x128xf32, #tpu.memory_space<vmem>> -> memref<1x80x128xf32, #tpu.memory_space<vmem>>
        %dma_start3A_154 = tpu.memref_squeeze %dma_start3A_153 : memref<1x80x128xf32, #tpu.memory_space<vmem>> -> memref<80x128xf32, #tpu.memory_space<vmem>>
        %dma_start3A_155 = arith.constant 0 : i32
        %dma_start3A_156 = tpu.memref_slice %arg5[%arg0, %mul3A_148, %dma_start3A_155] : memref<2x10000x128xf32, #tpu.memory_space<hbm>> -> memref<1x80x128xf32, #tpu.memory_space<hbm>>
        %dma_start3A_157 = tpu.memref_squeeze %dma_start3A_156 : memref<1x80x128xf32, #tpu.memory_space<hbm>> -> memref<80x128xf32, #tpu.memory_space<hbm>>
        %dma_start3A_158 = arith.constant 0 : i32
        %dma_start3A_159 = tpu.memref_slice %arg5[%arg0, %mul3A_148, %dma_start3A_158] : memref<2x10000x128xf32, #tpu.memory_space<hbm>> -> memref<1x80x128xf32, #tpu.memory_space<hbm>>
        %dma_start3A_160 = tpu.memref_squeeze %dma_start3A_159 : memref<1x80x128xf32, #tpu.memory_space<hbm>> -> memref<80x128xf32, #tpu.memory_space<hbm>>
        %dma_start3A_161 = arith.constant 0 : i32
        %dma_start3A_162 = arith.constant 0 : i32
        %dma_start3A_163 = tpu.memref_slice %arg8[%run_scoped3A_149, %dma_start3A_161, %dma_start3A_162] : memref<2x80x128xf32, #tpu.memory_space<vmem>> -> memref<1x80x128xf32, #tpu.memory_space<vmem>>
        %dma_start3A_164 = tpu.memref_squeeze %dma_start3A_163 : memref<1x80x128xf32, #tpu.memory_space<vmem>> -> memref<80x128xf32, #tpu.memory_space<vmem>>
        tpu.enqueue_dma source(%dma_start3A_164 : memref<80x128xf32, #tpu.memory_space<vmem>>) target(%dma_start3A_160 : memref<80x128xf32, #tpu.memory_space<hbm>>) target_semaphore(%run_scoped3A_150 : memref<!tpu.dma_semaphore, #tpu.memory_space<semaphore_mem>>)
        %dma_wait3A = arith.constant 0 : i32
        %dma_wait3A_165 = arith.constant 0 : i32
        %dma_wait3A_166 = tpu.memref_slice %arg8[%run_scoped3A_149, %dma_wait3A, %dma_wait3A_165] : memref<2x80x128xf32, #tpu.memory_space<vmem>> -> memref<1x80x128xf32, #tpu.memory_space<vmem>>
        %dma_wait3A_167 = tpu.memref_squeeze %dma_wait3A_166 : memref<1x80x128xf32, #tpu.memory_space<vmem>> -> memref<80x128xf32, #tpu.memory_space<vmem>>
        %dma_wait3A_168 = arith.constant 0 : i32
        %dma_wait3A_169 = tpu.memref_slice %arg5[%arg0, %mul3A_148, %dma_wait3A_168] : memref<2x10000x128xf32, #tpu.memory_space<hbm>> -> memref<1x80x128xf32, #tpu.memory_space<hbm>>
        %dma_wait3A_170 = tpu.memref_squeeze %dma_wait3A_169 : memref<1x80x128xf32, #tpu.memory_space<hbm>> -> memref<80x128xf32, #tpu.memory_space<hbm>>
        %dma_wait3A_171 = arith.constant 0 : i32
        %dma_wait3A_172 = tpu.memref_slice %arg5[%arg0, %mul3A_148, %dma_wait3A_171] : memref<2x10000x128xf32, #tpu.memory_space<hbm>> -> memref<1x80x128xf32, #tpu.memory_space<hbm>>
        %dma_wait3A_173 = tpu.memref_squeeze %dma_wait3A_172 : memref<1x80x128xf32, #tpu.memory_space<hbm>> -> memref<80x128xf32, #tpu.memory_space<hbm>>
        %dma_wait3A_174 = arith.constant 0 : i32
        %dma_wait3A_175 = arith.constant 0 : i32
        %dma_wait3A_176 = tpu.memref_slice %arg8[%run_scoped3A_149, %dma_wait3A_174, %dma_wait3A_175] : memref<2x80x128xf32, #tpu.memory_space<vmem>> -> memref<1x80x128xf32, #tpu.memory_space<vmem>>
        %dma_wait3A_177 = tpu.memref_squeeze %dma_wait3A_176 : memref<1x80x128xf32, #tpu.memory_space<vmem>> -> memref<80x128xf32, #tpu.memory_space<vmem>>
        tpu.wait_dma2 semaphore(%run_scoped3A_150 : memref<!tpu.dma_semaphore, #tpu.memory_space<semaphore_mem>>) src(%dma_wait3A_177 : memref<80x128xf32, #tpu.memory_space<vmem>>) dst(%dma_wait3A_173 : memref<80x128xf32, #tpu.memory_space<hbm>>)
        tpu.yield
      }) : () -> ()
    } else {
    }
    %add3A_138 = arith.constant 112 : i32
    %add3A_139 = arith.addi %arg1, %add3A_138 : i32
    %lt3A_140 = arith.constant 125 : i32
    %lt3A_141 = arith.cmpi slt, %add3A_139, %lt3A_140 : i32
    %convert_element_type3A_142 = arith.extui %lt3A_141 : i1 to i32
    %cond3A_143 = arith.constant 0 : i32
    %cond3A_144 = arith.cmpi ne, %convert_element_type3A_142, %cond3A_143 : i32
    scf.if %cond3A_144 {
      %mul3A_145 = arith.constant 80 : i32
      %mul3A_146 = arith.muli %add3A_139, %mul3A_145 : i32
      %run_scoped3A = arith.constant 0 : i32
      "tpu.region"() ({
        %run_scoped3A_150 = tpu.sem_alloc : memref<!tpu.dma_semaphore, #tpu.memory_space<semaphore_mem>>
        %dma_start3A_151 = arith.constant 0 : i32
        %dma_start3A_152 = arith.constant 0 : i32
        %dma_start3A_153 = tpu.memref_slice %arg8[%run_scoped3A, %dma_start3A_151, %dma_start3A_152] : memref<2x80x128xf32, #tpu.memory_space<vmem>> -> memref<1x80x128xf32, #tpu.memory_space<vmem>>
        %dma_start3A_154 = tpu.memref_squeeze %dma_start3A_153 : memref<1x80x128xf32, #tpu.memory_space<vmem>> -> memref<80x128xf32, #tpu.memory_space<vmem>>
        %dma_start3A_155 = arith.constant 0 : i32
        %dma_start3A_156 = tpu.memref_slice %arg10[%mul3A_146, %dma_start3A_155] : memref<10000x128xf32, #tpu.memory_space<vmem_shared>> -> memref<80x128xf32, #tpu.memory_space<vmem_shared>>
        %dma_start3A_157 = arith.constant 0 : i32
        %dma_start3A_158 = arith.constant 0 : i32
        %dma_start3A_159 = tpu.memref_slice %arg8[%run_scoped3A, %dma_start3A_157, %dma_start3A_158] : memref<2x80x128xf32, #tpu.memory_space<vmem>> -> memref<1x80x128xf32, #tpu.memory_space<vmem>>
        %dma_start3A_160 = tpu.memref_squeeze %dma_start3A_159 : memref<1x80x128xf32, #tpu.memory_space<vmem>> -> memref<80x128xf32, #tpu.memory_space<vmem>>
        %dma_start3A_161 = arith.constant 0 : i32
        %dma_start3A_162 = tpu.memref_slice %arg10[%mul3A_146, %dma_start3A_161] : memref<10000x128xf32, #tpu.memory_space<vmem_shared>> -> memref<80x128xf32, #tpu.memory_space<vmem_shared>>
        tpu.enqueue_dma source(%dma_start3A_162 : memref<80x128xf32, #tpu.memory_space<vmem_shared>>) target(%dma_start3A_160 : memref<80x128xf32, #tpu.memory_space<vmem>>) target_semaphore(%run_scoped3A_150 : memref<!tpu.dma_semaphore, #tpu.memory_space<semaphore_mem>>)
        %dma_wait3A = arith.constant 0 : i32
        %dma_wait3A_163 = arith.constant 0 : i32
        %dma_wait3A_164 = tpu.memref_slice %arg8[%run_scoped3A, %dma_wait3A, %dma_wait3A_163] : memref<2x80x128xf32, #tpu.memory_space<vmem>> -> memref<1x80x128xf32, #tpu.memory_space<vmem>>
        %dma_wait3A_165 = tpu.memref_squeeze %dma_wait3A_164 : memref<1x80x128xf32, #tpu.memory_space<vmem>> -> memref<80x128xf32, #tpu.memory_space<vmem>>
        %dma_wait3A_166 = arith.constant 0 : i32
        %dma_wait3A_167 = tpu.memref_slice %arg10[%mul3A_146, %dma_wait3A_166] : memref<10000x128xf32, #tpu.memory_space<vmem_shared>> -> memref<80x128xf32, #tpu.memory_space<vmem_shared>>
        %dma_wait3A_168 = arith.constant 0 : i32
        %dma_wait3A_169 = arith.constant 0 : i32
        %dma_wait3A_170 = tpu.memref_slice %arg8[%run_scoped3A, %dma_wait3A_168, %dma_wait3A_169] : memref<2x80x128xf32, #tpu.memory_space<vmem>> -> memref<1x80x128xf32, #tpu.memory_space<vmem>>
        %dma_wait3A_171 = tpu.memref_squeeze %dma_wait3A_170 : memref<1x80x128xf32, #tpu.memory_space<vmem>> -> memref<80x128xf32, #tpu.memory_space<vmem>>
        %dma_wait3A_172 = arith.constant 0 : i32
        %dma_wait3A_173 = tpu.memref_slice %arg10[%mul3A_146, %dma_wait3A_172] : memref<10000x128xf32, #tpu.memory_space<vmem_shared>> -> memref<80x128xf32, #tpu.memory_space<vmem_shared>>
        tpu.wait_dma2 semaphore(%run_scoped3A_150 : memref<!tpu.dma_semaphore, #tpu.memory_space<semaphore_mem>>) src(%dma_wait3A_173 : memref<80x128xf32, #tpu.memory_space<vmem_shared>>) dst(%dma_wait3A_171 : memref<80x128xf32, #tpu.memory_space<vmem>>)
        tpu.yield
      }) : () -> ()
      %mul3A_147 = arith.constant 80 : i32
      %mul3A_148 = arith.muli %add3A_139, %mul3A_147 : i32
      %run_scoped3A_149 = arith.constant 0 : i32
      "tpu.region"() ({
        %run_scoped3A_150 = tpu.sem_alloc : memref<!tpu.dma_semaphore, #tpu.memory_space<semaphore_mem>>
        %dma_start3A_151 = arith.constant 0 : i32
        %dma_start3A_152 = arith.constant 0 : i32
        %dma_start3A_153 = tpu.memref_slice %arg8[%run_scoped3A_149, %dma_start3A_151, %dma_start3A_152] : memref<2x80x128xf32, #tpu.memory_space<vmem>> -> memref<1x80x128xf32, #tpu.memory_space<vmem>>
        %dma_start3A_154 = tpu.memref_squeeze %dma_start3A_153 : memref<1x80x128xf32, #tpu.memory_space<vmem>> -> memref<80x128xf32, #tpu.memory_space<vmem>>
        %dma_start3A_155 = arith.constant 0 : i32
        %dma_start3A_156 = tpu.memref_slice %arg5[%arg0, %mul3A_148, %dma_start3A_155] : memref<2x10000x128xf32, #tpu.memory_space<hbm>> -> memref<1x80x128xf32, #tpu.memory_space<hbm>>
        %dma_start3A_157 = tpu.memref_squeeze %dma_start3A_156 : memref<1x80x128xf32, #tpu.memory_space<hbm>> -> memref<80x128xf32, #tpu.memory_space<hbm>>
        %dma_start3A_158 = arith.constant 0 : i32
        %dma_start3A_159 = tpu.memref_slice %arg5[%arg0, %mul3A_148, %dma_start3A_158] : memref<2x10000x128xf32, #tpu.memory_space<hbm>> -> memref<1x80x128xf32, #tpu.memory_space<hbm>>
        %dma_start3A_160 = tpu.memref_squeeze %dma_start3A_159 : memref<1x80x128xf32, #tpu.memory_space<hbm>> -> memref<80x128xf32, #tpu.memory_space<hbm>>
        %dma_start3A_161 = arith.constant 0 : i32
        %dma_start3A_162 = arith.constant 0 : i32
        %dma_start3A_163 = tpu.memref_slice %arg8[%run_scoped3A_149, %dma_start3A_161, %dma_start3A_162] : memref<2x80x128xf32, #tpu.memory_space<vmem>> -> memref<1x80x128xf32, #tpu.memory_space<vmem>>
        %dma_start3A_164 = tpu.memref_squeeze %dma_start3A_163 : memref<1x80x128xf32, #tpu.memory_space<vmem>> -> memref<80x128xf32, #tpu.memory_space<vmem>>
        tpu.enqueue_dma source(%dma_start3A_164 : memref<80x128xf32, #tpu.memory_space<vmem>>) target(%dma_start3A_160 : memref<80x128xf32, #tpu.memory_space<hbm>>) target_semaphore(%run_scoped3A_150 : memref<!tpu.dma_semaphore, #tpu.memory_space<semaphore_mem>>)
        %dma_wait3A = arith.constant 0 : i32
        %dma_wait3A_165 = arith.constant 0 : i32
        %dma_wait3A_166 = tpu.memref_slice %arg8[%run_scoped3A_149, %dma_wait3A, %dma_wait3A_165] : memref<2x80x128xf32, #tpu.memory_space<vmem>> -> memref<1x80x128xf32, #tpu.memory_space<vmem>>
        %dma_wait3A_167 = tpu.memref_squeeze %dma_wait3A_166 : memref<1x80x128xf32, #tpu.memory_space<vmem>> -> memref<80x128xf32, #tpu.memory_space<vmem>>
        %dma_wait3A_168 = arith.constant 0 : i32
        %dma_wait3A_169 = tpu.memref_slice %arg5[%arg0, %mul3A_148, %dma_wait3A_168] : memref<2x10000x128xf32, #tpu.memory_space<hbm>> -> memref<1x80x128xf32, #tpu.memory_space<hbm>>
        %dma_wait3A_170 = tpu.memref_squeeze %dma_wait3A_169 : memref<1x80x128xf32, #tpu.memory_space<hbm>> -> memref<80x128xf32, #tpu.memory_space<hbm>>
        %dma_wait3A_171 = arith.constant 0 : i32
        %dma_wait3A_172 = tpu.memref_slice %arg5[%arg0, %mul3A_148, %dma_wait3A_171] : memref<2x10000x128xf32, #tpu.memory_space<hbm>> -> memref<1x80x128xf32, #tpu.memory_space<hbm>>
        %dma_wait3A_173 = tpu.memref_squeeze %dma_wait3A_172 : memref<1x80x128xf32, #tpu.memory_space<hbm>> -> memref<80x128xf32, #tpu.memory_space<hbm>>
        %dma_wait3A_174 = arith.constant 0 : i32
        %dma_wait3A_175 = arith.constant 0 : i32
        %dma_wait3A_176 = tpu.memref_slice %arg8[%run_scoped3A_149, %dma_wait3A_174, %dma_wait3A_175] : memref<2x80x128xf32, #tpu.memory_space<vmem>> -> memref<1x80x128xf32, #tpu.memory_space<vmem>>
        %dma_wait3A_177 = tpu.memref_squeeze %dma_wait3A_176 : memref<1x80x128xf32, #tpu.memory_space<vmem>> -> memref<80x128xf32, #tpu.memory_space<vmem>>
        tpu.wait_dma2 semaphore(%run_scoped3A_150 : memref<!tpu.dma_semaphore, #tpu.memory_space<semaphore_mem>>) src(%dma_wait3A_177 : memref<80x128xf32, #tpu.memory_space<vmem>>) dst(%dma_wait3A_173 : memref<80x128xf32, #tpu.memory_space<hbm>>)
        tpu.yield
      }) : () -> ()
    } else {
    }
    return
  }
}

#map = affine_map<(d0, d1) -> (0, 0)>
#map1 = affine_map<(d0, d1) -> (0, 0, 0)>
module attributes {stable_mosaic.version = 14 : i64} {
  func.func @body(%arg0: i32, %arg1: i32, %arg2: memref<10000x128xf32, #tpu.memory_space<hbm>>, %arg3: memref<32x125x80xi32, #tpu.memory_space<hbm>>, %arg4: memref<32x125x80xi32, #tpu.memory_space<hbm>>, %arg5: memref<2x10000x128xf32, #tpu.memory_space<hbm>>, %arg6: memref<64x80xi32, #tpu.memory_space<vmem>>, %arg7: memref<64x80xi32, #tpu.memory_space<vmem>>, %arg8: memref<2x80x128xf32, #tpu.memory_space<vmem>>, %arg9: memref<!tpu.dma_semaphore, #tpu.memory_space<semaphore_mem>>, %arg10: memref<10000x128xf32, #tpu.memory_space<vmem_shared>>) attributes {dimension_semantics = [#tpu.dimension_semantics<core_parallel>, #tpu.dimension_semantics<subcore_parallel>], iteration_bounds = array<i64: 2, 16>, scalar_prefetch = 0 : i64, scratch_operands = 5 : i64, tpu.core_type = #tpu.core_type<sc_vector_subcore>, window_params = [{transform_indices = #map}, {transform_indices = #map1}, {transform_indices = #map1}, {transform_indices = #map1}]} {
    %mul3A = arith.constant 2 : i32
    %mul3A_0 = arith.muli %arg1, %mul3A : i32
    %add3A = arith.addi %mul3A_0, %arg0 : i32
    %add3A_1 = arith.constant 0 : i32
    %add3A_2 = arith.addi %arg1, %add3A_1 : i32
    %lt3A = arith.constant 125 : i32
    %lt3A_3 = arith.cmpi slt, %add3A_2, %lt3A : i32
    %convert_element_type3A = arith.extui %lt3A_3 : i1 to i32
    %cond3A = arith.constant 0 : i32
    %cond3A_4 = arith.cmpi ne, %convert_element_type3A, %cond3A : i32
    scf.if %cond3A_4 {
      %mul3A_145 = arith.constant 80 : i32
      %mul3A_146 = arith.muli %add3A_2, %mul3A_145 : i32
      %run_scoped3A = arith.constant 0 : i32
      "tpu.region"() ({
        %run_scoped3A_150 = tpu.sem_alloc : memref<!tpu.dma_semaphore, #tpu.memory_space<semaphore_mem>>
        %dma_start3A_151 = arith.constant 0 : i32
        %dma_start3A_152 = arith.constant 0 : i32
        %dma_start3A_153 = tpu.memref_slice %arg8[%run_scoped3A, %dma_start3A_151, %dma_start3A_152] : memref<2x80x128xf32, #tpu.memory_space<vmem>> -> memref<1x80x128xf32, #tpu.memory_space<vmem>>
        %dma_start3A_154 = tpu.memref_squeeze %dma_start3A_153 : memref<1x80x128xf32, #tpu.memory_space<vmem>> -> memref<80x128xf32, #tpu.memory_space<vmem>>
        %dma_start3A_155 = arith.constant 0 : i32
        %dma_start3A_156 = tpu.memref_slice %arg2[%mul3A_146, %dma_start3A_155] : memref<10000x128xf32, #tpu.memory_space<hbm>> -> memref<80x128xf32, #tpu.memory_space<hbm>>
        %dma_start3A_157 = arith.constant 0 : i32
        %dma_start3A_158 = arith.constant 0 : i32
        %dma_start3A_159 = tpu.memref_slice %arg8[%run_scoped3A, %dma_start3A_157, %dma_start3A_158] : memref<2x80x128xf32, #tpu.memory_space<vmem>> -> memref<1x80x128xf32, #tpu.memory_space<vmem>>
        %dma_start3A_160 = tpu.memref_squeeze %dma_start3A_159 : memref<1x80x128xf32, #tpu.memory_space<vmem>> -> memref<80x128xf32, #tpu.memory_space<vmem>>
        %dma_start3A_161 = arith.constant 0 : i32
        %dma_start3A_162 = tpu.memref_slice %arg2[%mul3A_146, %dma_start3A_161] : memref<10000x128xf32, #tpu.memory_space<hbm>> -> memref<80x128xf32, #tpu.memory_space<hbm>>
        tpu.enqueue_dma source(%dma_start3A_162 : memref<80x128xf32, #tpu.memory_space<hbm>>) target(%dma_start3A_160 : memref<80x128xf32, #tpu.memory_space<vmem>>) target_semaphore(%run_scoped3A_150 : memref<!tpu.dma_semaphore, #tpu.memory_space<semaphore_mem>>)
        %dma_wait3A = arith.constant 0 : i32
        %dma_wait3A_163 = arith.constant 0 : i32
        %dma_wait3A_164 = tpu.memref_slice %arg8[%run_scoped3A, %dma_wait3A, %dma_wait3A_163] : memref<2x80x128xf32, #tpu.memory_space<vmem>> -> memref<1x80x128xf32, #tpu.memory_space<vmem>>
        %dma_wait3A_165 = tpu.memref_squeeze %dma_wait3A_164 : memref<1x80x128xf32, #tpu.memory_space<vmem>> -> memref<80x128xf32, #tpu.memory_space<vmem>>
        %dma_wait3A_166 = arith.constant 0 : i32
        %dma_wait3A_167 = tpu.memref_slice %arg2[%mul3A_146, %dma_wait3A_166] : memref<10000x128xf32, #tpu.memory_space<hbm>> -> memref<80x128xf32, #tpu.memory_space<hbm>>
        %dma_wait3A_168 = arith.constant 0 : i32
        %dma_wait3A_169 = arith.constant 0 : i32
        %dma_wait3A_170 = tpu.memref_slice %arg8[%run_scoped3A, %dma_wait3A_168, %dma_wait3A_169] : memref<2x80x128xf32, #tpu.memory_space<vmem>> -> memref<1x80x128xf32, #tpu.memory_space<vmem>>
        %dma_wait3A_171 = tpu.memref_squeeze %dma_wait3A_170 : memref<1x80x128xf32, #tpu.memory_space<vmem>> -> memref<80x128xf32, #tpu.memory_space<vmem>>
        %dma_wait3A_172 = arith.constant 0 : i32
        %dma_wait3A_173 = tpu.memref_slice %arg2[%mul3A_146, %dma_wait3A_172] : memref<10000x128xf32, #tpu.memory_space<hbm>> -> memref<80x128xf32, #tpu.memory_space<hbm>>
        tpu.wait_dma2 semaphore(%run_scoped3A_150 : memref<!tpu.dma_semaphore, #tpu.memory_space<semaphore_mem>>) src(%dma_wait3A_173 : memref<80x128xf32, #tpu.memory_space<hbm>>) dst(%dma_wait3A_171 : memref<80x128xf32, #tpu.memory_space<vmem>>)
        tpu.yield
      }) : () -> ()
      %mul3A_147 = arith.constant 80 : i32
      %mul3A_148 = arith.muli %add3A_2, %mul3A_147 : i32
      %run_scoped3A_149 = arith.constant 0 : i32
      "tpu.region"() ({
        %run_scoped3A_150 = tpu.sem_alloc : memref<!tpu.dma_semaphore, #tpu.memory_space<semaphore_mem>>
        %dma_start3A_151 = arith.constant 0 : i32
        %dma_start3A_152 = arith.constant 0 : i32
        %dma_start3A_153 = tpu.memref_slice %arg8[%run_scoped3A_149, %dma_start3A_151, %dma_start3A_152] : memref<2x80x128xf32, #tpu.memory_space<vmem>> -> memref<1x80x128xf32, #tpu.memory_space<vmem>>
        %dma_start3A_154 = tpu.memref_squeeze %dma_start3A_153 : memref<1x80x128xf32, #tpu.memory_space<vmem>> -> memref<80x128xf32, #tpu.memory_space<vmem>>
        %dma_start3A_155 = arith.constant 0 : i32
        %dma_start3A_156 = tpu.memref_slice %arg10[%mul3A_148, %dma_start3A_155] : memref<10000x128xf32, #tpu.memory_space<vmem_shared>> -> memref<80x128xf32, #tpu.memory_space<vmem_shared>>
        %dma_start3A_157 = arith.constant 0 : i32
        %dma_start3A_158 = tpu.memref_slice %arg10[%mul3A_148, %dma_start3A_157] : memref<10000x128xf32, #tpu.memory_space<vmem_shared>> -> memref<80x128xf32, #tpu.memory_space<vmem_shared>>
        %dma_start3A_159 = arith.constant 0 : i32
        %dma_start3A_160 = arith.constant 0 : i32
        %dma_start3A_161 = tpu.memref_slice %arg8[%run_scoped3A_149, %dma_start3A_159, %dma_start3A_160] : memref<2x80x128xf32, #tpu.memory_space<vmem>> -> memref<1x80x128xf32, #tpu.memory_space<vmem>>
        %dma_start3A_162 = tpu.memref_squeeze %dma_start3A_161 : memref<1x80x128xf32, #tpu.memory_space<vmem>> -> memref<80x128xf32, #tpu.memory_space<vmem>>
        tpu.enqueue_dma source(%dma_start3A_162 : memref<80x128xf32, #tpu.memory_space<vmem>>) target(%dma_start3A_158 : memref<80x128xf32, #tpu.memory_space<vmem_shared>>) target_semaphore(%run_scoped3A_150 : memref<!tpu.dma_semaphore, #tpu.memory_space<semaphore_mem>>)
        %dma_wait3A = arith.constant 0 : i32
        %dma_wait3A_163 = arith.constant 0 : i32
        %dma_wait3A_164 = tpu.memref_slice %arg8[%run_scoped3A_149, %dma_wait3A, %dma_wait3A_163] : memref<2x80x128xf32, #tpu.memory_space<vmem>> -> memref<1x80x128xf32, #tpu.memory_space<vmem>>
        %dma_wait3A_165 = tpu.memref_squeeze %dma_wait3A_164 : memref<1x80x128xf32, #tpu.memory_space<vmem>> -> memref<80x128xf32, #tpu.memory_space<vmem>>
        %dma_wait3A_166 = arith.constant 0 : i32
        %dma_wait3A_167 = tpu.memref_slice %arg10[%mul3A_148, %dma_wait3A_166] : memref<10000x128xf32, #tpu.memory_space<vmem_shared>> -> memref<80x128xf32, #tpu.memory_space<vmem_shared>>
        %dma_wait3A_168 = arith.constant 0 : i32
        %dma_wait3A_169 = tpu.memref_slice %arg10[%mul3A_148, %dma_wait3A_168] : memref<10000x128xf32, #tpu.memory_space<vmem_shared>> -> memref<80x128xf32, #tpu.memory_space<vmem_shared>>
        %dma_wait3A_170 = arith.constant 0 : i32
        %dma_wait3A_171 = arith.constant 0 : i32
        %dma_wait3A_172 = tpu.memref_slice %arg8[%run_scoped3A_149, %dma_wait3A_170, %dma_wait3A_171] : memref<2x80x128xf32, #tpu.memory_space<vmem>> -> memref<1x80x128xf32, #tpu.memory_space<vmem>>
        %dma_wait3A_173 = tpu.memref_squeeze %dma_wait3A_172 : memref<1x80x128xf32, #tpu.memory_space<vmem>> -> memref<80x128xf32, #tpu.memory_space<vmem>>
        tpu.wait_dma2 semaphore(%run_scoped3A_150 : memref<!tpu.dma_semaphore, #tpu.memory_space<semaphore_mem>>) src(%dma_wait3A_173 : memref<80x128xf32, #tpu.memory_space<vmem>>) dst(%dma_wait3A_169 : memref<80x128xf32, #tpu.memory_space<vmem_shared>>)
        tpu.yield
      }) : () -> ()
    } else {
    }
    %add3A_5 = arith.constant 16 : i32
    %add3A_6 = arith.addi %arg1, %add3A_5 : i32
    %lt3A_7 = arith.constant 125 : i32
    %lt3A_8 = arith.cmpi slt, %add3A_6, %lt3A_7 : i32
    %convert_element_type3A_9 = arith.extui %lt3A_8 : i1 to i32
    %cond3A_10 = arith.constant 0 : i32
    %cond3A_11 = arith.cmpi ne, %convert_element_type3A_9, %cond3A_10 : i32
    scf.if %cond3A_11 {
      %mul3A_145 = arith.constant 80 : i32
      %mul3A_146 = arith.muli %add3A_6, %mul3A_145 : i32
      %run_scoped3A = arith.constant 0 : i32
      "tpu.region"() ({
        %run_scoped3A_150 = tpu.sem_alloc : memref<!tpu.dma_semaphore, #tpu.memory_space<semaphore_mem>>
        %dma_start3A_151 = arith.constant 0 : i32
        %dma_start3A_152 = arith.constant 0 : i32
        %dma_start3A_153 = tpu.memref_slice %arg8[%run_scoped3A, %dma_start3A_151, %dma_start3A_152] : memref<2x80x128xf32, #tpu.memory_space<vmem>> -> memref<1x80x128xf32, #tpu.memory_space<vmem>>
        %dma_start3A_154 = tpu.memref_squeeze %dma_start3A_153 : memref<1x80x128xf32, #tpu.memory_space<vmem>> -> memref<80x128xf32, #tpu.memory_space<vmem>>
        %dma_start3A_155 = arith.constant 0 : i32
        %dma_start3A_156 = tpu.memref_slice %arg2[%mul3A_146, %dma_start3A_155] : memref<10000x128xf32, #tpu.memory_space<hbm>> -> memref<80x128xf32, #tpu.memory_space<hbm>>
        %dma_start3A_157 = arith.constant 0 : i32
        %dma_start3A_158 = arith.constant 0 : i32
        %dma_start3A_159 = tpu.memref_slice %arg8[%run_scoped3A, %dma_start3A_157, %dma_start3A_158] : memref<2x80x128xf32, #tpu.memory_space<vmem>> -> memref<1x80x128xf32, #tpu.memory_space<vmem>>
        %dma_start3A_160 = tpu.memref_squeeze %dma_start3A_159 : memref<1x80x128xf32, #tpu.memory_space<vmem>> -> memref<80x128xf32, #tpu.memory_space<vmem>>
        %dma_start3A_161 = arith.constant 0 : i32
        %dma_start3A_162 = tpu.memref_slice %arg2[%mul3A_146, %dma_start3A_161] : memref<10000x128xf32, #tpu.memory_space<hbm>> -> memref<80x128xf32, #tpu.memory_space<hbm>>
        tpu.enqueue_dma source(%dma_start3A_162 : memref<80x128xf32, #tpu.memory_space<hbm>>) target(%dma_start3A_160 : memref<80x128xf32, #tpu.memory_space<vmem>>) target_semaphore(%run_scoped3A_150 : memref<!tpu.dma_semaphore, #tpu.memory_space<semaphore_mem>>)
        %dma_wait3A = arith.constant 0 : i32
        %dma_wait3A_163 = arith.constant 0 : i32
        %dma_wait3A_164 = tpu.memref_slice %arg8[%run_scoped3A, %dma_wait3A, %dma_wait3A_163] : memref<2x80x128xf32, #tpu.memory_space<vmem>> -> memref<1x80x128xf32, #tpu.memory_space<vmem>>
        %dma_wait3A_165 = tpu.memref_squeeze %dma_wait3A_164 : memref<1x80x128xf32, #tpu.memory_space<vmem>> -> memref<80x128xf32, #tpu.memory_space<vmem>>
        %dma_wait3A_166 = arith.constant 0 : i32
        %dma_wait3A_167 = tpu.memref_slice %arg2[%mul3A_146, %dma_wait3A_166] : memref<10000x128xf32, #tpu.memory_space<hbm>> -> memref<80x128xf32, #tpu.memory_space<hbm>>
        %dma_wait3A_168 = arith.constant 0 : i32
        %dma_wait3A_169 = arith.constant 0 : i32
        %dma_wait3A_170 = tpu.memref_slice %arg8[%run_scoped3A, %dma_wait3A_168, %dma_wait3A_169] : memref<2x80x128xf32, #tpu.memory_space<vmem>> -> memref<1x80x128xf32, #tpu.memory_space<vmem>>
        %dma_wait3A_171 = tpu.memref_squeeze %dma_wait3A_170 : memref<1x80x128xf32, #tpu.memory_space<vmem>> -> memref<80x128xf32, #tpu.memory_space<vmem>>
        %dma_wait3A_172 = arith.constant 0 : i32
        %dma_wait3A_173 = tpu.memref_slice %arg2[%mul3A_146, %dma_wait3A_172] : memref<10000x128xf32, #tpu.memory_space<hbm>> -> memref<80x128xf32, #tpu.memory_space<hbm>>
        tpu.wait_dma2 semaphore(%run_scoped3A_150 : memref<!tpu.dma_semaphore, #tpu.memory_space<semaphore_mem>>) src(%dma_wait3A_173 : memref<80x128xf32, #tpu.memory_space<hbm>>) dst(%dma_wait3A_171 : memref<80x128xf32, #tpu.memory_space<vmem>>)
        tpu.yield
      }) : () -> ()
      %mul3A_147 = arith.constant 80 : i32
      %mul3A_148 = arith.muli %add3A_6, %mul3A_147 : i32
      %run_scoped3A_149 = arith.constant 0 : i32
      "tpu.region"() ({
        %run_scoped3A_150 = tpu.sem_alloc : memref<!tpu.dma_semaphore, #tpu.memory_space<semaphore_mem>>
        %dma_start3A_151 = arith.constant 0 : i32
        %dma_start3A_152 = arith.constant 0 : i32
        %dma_start3A_153 = tpu.memref_slice %arg8[%run_scoped3A_149, %dma_start3A_151, %dma_start3A_152] : memref<2x80x128xf32, #tpu.memory_space<vmem>> -> memref<1x80x128xf32, #tpu.memory_space<vmem>>
        %dma_start3A_154 = tpu.memref_squeeze %dma_start3A_153 : memref<1x80x128xf32, #tpu.memory_space<vmem>> -> memref<80x128xf32, #tpu.memory_space<vmem>>
        %dma_start3A_155 = arith.constant 0 : i32
        %dma_start3A_156 = tpu.memref_slice %arg10[%mul3A_148, %dma_start3A_155] : memref<10000x128xf32, #tpu.memory_space<vmem_shared>> -> memref<80x128xf32, #tpu.memory_space<vmem_shared>>
        %dma_start3A_157 = arith.constant 0 : i32
        %dma_start3A_158 = tpu.memref_slice %arg10[%mul3A_148, %dma_start3A_157] : memref<10000x128xf32, #tpu.memory_space<vmem_shared>> -> memref<80x128xf32, #tpu.memory_space<vmem_shared>>
        %dma_start3A_159 = arith.constant 0 : i32
        %dma_start3A_160 = arith.constant 0 : i32
        %dma_start3A_161 = tpu.memref_slice %arg8[%run_scoped3A_149, %dma_start3A_159, %dma_start3A_160] : memref<2x80x128xf32, #tpu.memory_space<vmem>> -> memref<1x80x128xf32, #tpu.memory_space<vmem>>
        %dma_start3A_162 = tpu.memref_squeeze %dma_start3A_161 : memref<1x80x128xf32, #tpu.memory_space<vmem>> -> memref<80x128xf32, #tpu.memory_space<vmem>>
        tpu.enqueue_dma source(%dma_start3A_162 : memref<80x128xf32, #tpu.memory_space<vmem>>) target(%dma_start3A_158 : memref<80x128xf32, #tpu.memory_space<vmem_shared>>) target_semaphore(%run_scoped3A_150 : memref<!tpu.dma_semaphore, #tpu.memory_space<semaphore_mem>>)
        %dma_wait3A = arith.constant 0 : i32
        %dma_wait3A_163 = arith.constant 0 : i32
        %dma_wait3A_164 = tpu.memref_slice %arg8[%run_scoped3A_149, %dma_wait3A, %dma_wait3A_163] : memref<2x80x128xf32, #tpu.memory_space<vmem>> -> memref<1x80x128xf32, #tpu.memory_space<vmem>>
        %dma_wait3A_165 = tpu.memref_squeeze %dma_wait3A_164 : memref<1x80x128xf32, #tpu.memory_space<vmem>> -> memref<80x128xf32, #tpu.memory_space<vmem>>
        %dma_wait3A_166 = arith.constant 0 : i32
        %dma_wait3A_167 = tpu.memref_slice %arg10[%mul3A_148, %dma_wait3A_166] : memref<10000x128xf32, #tpu.memory_space<vmem_shared>> -> memref<80x128xf32, #tpu.memory_space<vmem_shared>>
        %dma_wait3A_168 = arith.constant 0 : i32
        %dma_wait3A_169 = tpu.memref_slice %arg10[%mul3A_148, %dma_wait3A_168] : memref<10000x128xf32, #tpu.memory_space<vmem_shared>> -> memref<80x128xf32, #tpu.memory_space<vmem_shared>>
        %dma_wait3A_170 = arith.constant 0 : i32
        %dma_wait3A_171 = arith.constant 0 : i32
        %dma_wait3A_172 = tpu.memref_slice %arg8[%run_scoped3A_149, %dma_wait3A_170, %dma_wait3A_171] : memref<2x80x128xf32, #tpu.memory_space<vmem>> -> memref<1x80x128xf32, #tpu.memory_space<vmem>>
        %dma_wait3A_173 = tpu.memref_squeeze %dma_wait3A_172 : memref<1x80x128xf32, #tpu.memory_space<vmem>> -> memref<80x128xf32, #tpu.memory_space<vmem>>
        tpu.wait_dma2 semaphore(%run_scoped3A_150 : memref<!tpu.dma_semaphore, #tpu.memory_space<semaphore_mem>>) src(%dma_wait3A_173 : memref<80x128xf32, #tpu.memory_space<vmem>>) dst(%dma_wait3A_169 : memref<80x128xf32, #tpu.memory_space<vmem_shared>>)
        tpu.yield
      }) : () -> ()
    } else {
    }
    %add3A_12 = arith.constant 32 : i32
    %add3A_13 = arith.addi %arg1, %add3A_12 : i32
    %lt3A_14 = arith.constant 125 : i32
    %lt3A_15 = arith.cmpi slt, %add3A_13, %lt3A_14 : i32
    %convert_element_type3A_16 = arith.extui %lt3A_15 : i1 to i32
    %cond3A_17 = arith.constant 0 : i32
    %cond3A_18 = arith.cmpi ne, %convert_element_type3A_16, %cond3A_17 : i32
    scf.if %cond3A_18 {
      %mul3A_145 = arith.constant 80 : i32
      %mul3A_146 = arith.muli %add3A_13, %mul3A_145 : i32
      %run_scoped3A = arith.constant 0 : i32
      "tpu.region"() ({
        %run_scoped3A_150 = tpu.sem_alloc : memref<!tpu.dma_semaphore, #tpu.memory_space<semaphore_mem>>
        %dma_start3A_151 = arith.constant 0 : i32
        %dma_start3A_152 = arith.constant 0 : i32
        %dma_start3A_153 = tpu.memref_slice %arg8[%run_scoped3A, %dma_start3A_151, %dma_start3A_152] : memref<2x80x128xf32, #tpu.memory_space<vmem>> -> memref<1x80x128xf32, #tpu.memory_space<vmem>>
        %dma_start3A_154 = tpu.memref_squeeze %dma_start3A_153 : memref<1x80x128xf32, #tpu.memory_space<vmem>> -> memref<80x128xf32, #tpu.memory_space<vmem>>
        %dma_start3A_155 = arith.constant 0 : i32
        %dma_start3A_156 = tpu.memref_slice %arg2[%mul3A_146, %dma_start3A_155] : memref<10000x128xf32, #tpu.memory_space<hbm>> -> memref<80x128xf32, #tpu.memory_space<hbm>>
        %dma_start3A_157 = arith.constant 0 : i32
        %dma_start3A_158 = arith.constant 0 : i32
        %dma_start3A_159 = tpu.memref_slice %arg8[%run_scoped3A, %dma_start3A_157, %dma_start3A_158] : memref<2x80x128xf32, #tpu.memory_space<vmem>> -> memref<1x80x128xf32, #tpu.memory_space<vmem>>
        %dma_start3A_160 = tpu.memref_squeeze %dma_start3A_159 : memref<1x80x128xf32, #tpu.memory_space<vmem>> -> memref<80x128xf32, #tpu.memory_space<vmem>>
        %dma_start3A_161 = arith.constant 0 : i32
        %dma_start3A_162 = tpu.memref_slice %arg2[%mul3A_146, %dma_start3A_161] : memref<10000x128xf32, #tpu.memory_space<hbm>> -> memref<80x128xf32, #tpu.memory_space<hbm>>
        tpu.enqueue_dma source(%dma_start3A_162 : memref<80x128xf32, #tpu.memory_space<hbm>>) target(%dma_start3A_160 : memref<80x128xf32, #tpu.memory_space<vmem>>) target_semaphore(%run_scoped3A_150 : memref<!tpu.dma_semaphore, #tpu.memory_space<semaphore_mem>>)
        %dma_wait3A = arith.constant 0 : i32
        %dma_wait3A_163 = arith.constant 0 : i32
        %dma_wait3A_164 = tpu.memref_slice %arg8[%run_scoped3A, %dma_wait3A, %dma_wait3A_163] : memref<2x80x128xf32, #tpu.memory_space<vmem>> -> memref<1x80x128xf32, #tpu.memory_space<vmem>>
        %dma_wait3A_165 = tpu.memref_squeeze %dma_wait3A_164 : memref<1x80x128xf32, #tpu.memory_space<vmem>> -> memref<80x128xf32, #tpu.memory_space<vmem>>
        %dma_wait3A_166 = arith.constant 0 : i32
        %dma_wait3A_167 = tpu.memref_slice %arg2[%mul3A_146, %dma_wait3A_166] : memref<10000x128xf32, #tpu.memory_space<hbm>> -> memref<80x128xf32, #tpu.memory_space<hbm>>
        %dma_wait3A_168 = arith.constant 0 : i32
        %dma_wait3A_169 = arith.constant 0 : i32
        %dma_wait3A_170 = tpu.memref_slice %arg8[%run_scoped3A, %dma_wait3A_168, %dma_wait3A_169] : memref<2x80x128xf32, #tpu.memory_space<vmem>> -> memref<1x80x128xf32, #tpu.memory_space<vmem>>
        %dma_wait3A_171 = tpu.memref_squeeze %dma_wait3A_170 : memref<1x80x128xf32, #tpu.memory_space<vmem>> -> memref<80x128xf32, #tpu.memory_space<vmem>>
        %dma_wait3A_172 = arith.constant 0 : i32
        %dma_wait3A_173 = tpu.memref_slice %arg2[%mul3A_146, %dma_wait3A_172] : memref<10000x128xf32, #tpu.memory_space<hbm>> -> memref<80x128xf32, #tpu.memory_space<hbm>>
        tpu.wait_dma2 semaphore(%run_scoped3A_150 : memref<!tpu.dma_semaphore, #tpu.memory_space<semaphore_mem>>) src(%dma_wait3A_173 : memref<80x128xf32, #tpu.memory_space<hbm>>) dst(%dma_wait3A_171 : memref<80x128xf32, #tpu.memory_space<vmem>>)
        tpu.yield
      }) : () -> ()
      %mul3A_147 = arith.constant 80 : i32
      %mul3A_148 = arith.muli %add3A_13, %mul3A_147 : i32
      %run_scoped3A_149 = arith.constant 0 : i32
      "tpu.region"() ({
        %run_scoped3A_150 = tpu.sem_alloc : memref<!tpu.dma_semaphore, #tpu.memory_space<semaphore_mem>>
        %dma_start3A_151 = arith.constant 0 : i32
        %dma_start3A_152 = arith.constant 0 : i32
        %dma_start3A_153 = tpu.memref_slice %arg8[%run_scoped3A_149, %dma_start3A_151, %dma_start3A_152] : memref<2x80x128xf32, #tpu.memory_space<vmem>> -> memref<1x80x128xf32, #tpu.memory_space<vmem>>
        %dma_start3A_154 = tpu.memref_squeeze %dma_start3A_153 : memref<1x80x128xf32, #tpu.memory_space<vmem>> -> memref<80x128xf32, #tpu.memory_space<vmem>>
        %dma_start3A_155 = arith.constant 0 : i32
        %dma_start3A_156 = tpu.memref_slice %arg10[%mul3A_148, %dma_start3A_155] : memref<10000x128xf32, #tpu.memory_space<vmem_shared>> -> memref<80x128xf32, #tpu.memory_space<vmem_shared>>
        %dma_start3A_157 = arith.constant 0 : i32
        %dma_start3A_158 = tpu.memref_slice %arg10[%mul3A_148, %dma_start3A_157] : memref<10000x128xf32, #tpu.memory_space<vmem_shared>> -> memref<80x128xf32, #tpu.memory_space<vmem_shared>>
        %dma_start3A_159 = arith.constant 0 : i32
        %dma_start3A_160 = arith.constant 0 : i32
        %dma_start3A_161 = tpu.memref_slice %arg8[%run_scoped3A_149, %dma_start3A_159, %dma_start3A_160] : memref<2x80x128xf32, #tpu.memory_space<vmem>> -> memref<1x80x128xf32, #tpu.memory_space<vmem>>
        %dma_start3A_162 = tpu.memref_squeeze %dma_start3A_161 : memref<1x80x128xf32, #tpu.memory_space<vmem>> -> memref<80x128xf32, #tpu.memory_space<vmem>>
        tpu.enqueue_dma source(%dma_start3A_162 : memref<80x128xf32, #tpu.memory_space<vmem>>) target(%dma_start3A_158 : memref<80x128xf32, #tpu.memory_space<vmem_shared>>) target_semaphore(%run_scoped3A_150 : memref<!tpu.dma_semaphore, #tpu.memory_space<semaphore_mem>>)
        %dma_wait3A = arith.constant 0 : i32
        %dma_wait3A_163 = arith.constant 0 : i32
        %dma_wait3A_164 = tpu.memref_slice %arg8[%run_scoped3A_149, %dma_wait3A, %dma_wait3A_163] : memref<2x80x128xf32, #tpu.memory_space<vmem>> -> memref<1x80x128xf32, #tpu.memory_space<vmem>>
        %dma_wait3A_165 = tpu.memref_squeeze %dma_wait3A_164 : memref<1x80x128xf32, #tpu.memory_space<vmem>> -> memref<80x128xf32, #tpu.memory_space<vmem>>
        %dma_wait3A_166 = arith.constant 0 : i32
        %dma_wait3A_167 = tpu.memref_slice %arg10[%mul3A_148, %dma_wait3A_166] : memref<10000x128xf32, #tpu.memory_space<vmem_shared>> -> memref<80x128xf32, #tpu.memory_space<vmem_shared>>
        %dma_wait3A_168 = arith.constant 0 : i32
        %dma_wait3A_169 = tpu.memref_slice %arg10[%mul3A_148, %dma_wait3A_168] : memref<10000x128xf32, #tpu.memory_space<vmem_shared>> -> memref<80x128xf32, #tpu.memory_space<vmem_shared>>
        %dma_wait3A_170 = arith.constant 0 : i32
        %dma_wait3A_171 = arith.constant 0 : i32
        %dma_wait3A_172 = tpu.memref_slice %arg8[%run_scoped3A_149, %dma_wait3A_170, %dma_wait3A_171] : memref<2x80x128xf32, #tpu.memory_space<vmem>> -> memref<1x80x128xf32, #tpu.memory_space<vmem>>
        %dma_wait3A_173 = tpu.memref_squeeze %dma_wait3A_172 : memref<1x80x128xf32, #tpu.memory_space<vmem>> -> memref<80x128xf32, #tpu.memory_space<vmem>>
        tpu.wait_dma2 semaphore(%run_scoped3A_150 : memref<!tpu.dma_semaphore, #tpu.memory_space<semaphore_mem>>) src(%dma_wait3A_173 : memref<80x128xf32, #tpu.memory_space<vmem>>) dst(%dma_wait3A_169 : memref<80x128xf32, #tpu.memory_space<vmem_shared>>)
        tpu.yield
      }) : () -> ()
    } else {
    }
    %add3A_19 = arith.constant 48 : i32
    %add3A_20 = arith.addi %arg1, %add3A_19 : i32
    %lt3A_21 = arith.constant 125 : i32
    %lt3A_22 = arith.cmpi slt, %add3A_20, %lt3A_21 : i32
    %convert_element_type3A_23 = arith.extui %lt3A_22 : i1 to i32
    %cond3A_24 = arith.constant 0 : i32
    %cond3A_25 = arith.cmpi ne, %convert_element_type3A_23, %cond3A_24 : i32
    scf.if %cond3A_25 {
      %mul3A_145 = arith.constant 80 : i32
      %mul3A_146 = arith.muli %add3A_20, %mul3A_145 : i32
      %run_scoped3A = arith.constant 0 : i32
      "tpu.region"() ({
        %run_scoped3A_150 = tpu.sem_alloc : memref<!tpu.dma_semaphore, #tpu.memory_space<semaphore_mem>>
        %dma_start3A_151 = arith.constant 0 : i32
        %dma_start3A_152 = arith.constant 0 : i32
        %dma_start3A_153 = tpu.memref_slice %arg8[%run_scoped3A, %dma_start3A_151, %dma_start3A_152] : memref<2x80x128xf32, #tpu.memory_space<vmem>> -> memref<1x80x128xf32, #tpu.memory_space<vmem>>
        %dma_start3A_154 = tpu.memref_squeeze %dma_start3A_153 : memref<1x80x128xf32, #tpu.memory_space<vmem>> -> memref<80x128xf32, #tpu.memory_space<vmem>>
        %dma_start3A_155 = arith.constant 0 : i32
        %dma_start3A_156 = tpu.memref_slice %arg2[%mul3A_146, %dma_start3A_155] : memref<10000x128xf32, #tpu.memory_space<hbm>> -> memref<80x128xf32, #tpu.memory_space<hbm>>
        %dma_start3A_157 = arith.constant 0 : i32
        %dma_start3A_158 = arith.constant 0 : i32
        %dma_start3A_159 = tpu.memref_slice %arg8[%run_scoped3A, %dma_start3A_157, %dma_start3A_158] : memref<2x80x128xf32, #tpu.memory_space<vmem>> -> memref<1x80x128xf32, #tpu.memory_space<vmem>>
        %dma_start3A_160 = tpu.memref_squeeze %dma_start3A_159 : memref<1x80x128xf32, #tpu.memory_space<vmem>> -> memref<80x128xf32, #tpu.memory_space<vmem>>
        %dma_start3A_161 = arith.constant 0 : i32
        %dma_start3A_162 = tpu.memref_slice %arg2[%mul3A_146, %dma_start3A_161] : memref<10000x128xf32, #tpu.memory_space<hbm>> -> memref<80x128xf32, #tpu.memory_space<hbm>>
        tpu.enqueue_dma source(%dma_start3A_162 : memref<80x128xf32, #tpu.memory_space<hbm>>) target(%dma_start3A_160 : memref<80x128xf32, #tpu.memory_space<vmem>>) target_semaphore(%run_scoped3A_150 : memref<!tpu.dma_semaphore, #tpu.memory_space<semaphore_mem>>)
        %dma_wait3A = arith.constant 0 : i32
        %dma_wait3A_163 = arith.constant 0 : i32
        %dma_wait3A_164 = tpu.memref_slice %arg8[%run_scoped3A, %dma_wait3A, %dma_wait3A_163] : memref<2x80x128xf32, #tpu.memory_space<vmem>> -> memref<1x80x128xf32, #tpu.memory_space<vmem>>
        %dma_wait3A_165 = tpu.memref_squeeze %dma_wait3A_164 : memref<1x80x128xf32, #tpu.memory_space<vmem>> -> memref<80x128xf32, #tpu.memory_space<vmem>>
        %dma_wait3A_166 = arith.constant 0 : i32
        %dma_wait3A_167 = tpu.memref_slice %arg2[%mul3A_146, %dma_wait3A_166] : memref<10000x128xf32, #tpu.memory_space<hbm>> -> memref<80x128xf32, #tpu.memory_space<hbm>>
        %dma_wait3A_168 = arith.constant 0 : i32
        %dma_wait3A_169 = arith.constant 0 : i32
        %dma_wait3A_170 = tpu.memref_slice %arg8[%run_scoped3A, %dma_wait3A_168, %dma_wait3A_169] : memref<2x80x128xf32, #tpu.memory_space<vmem>> -> memref<1x80x128xf32, #tpu.memory_space<vmem>>
        %dma_wait3A_171 = tpu.memref_squeeze %dma_wait3A_170 : memref<1x80x128xf32, #tpu.memory_space<vmem>> -> memref<80x128xf32, #tpu.memory_space<vmem>>
        %dma_wait3A_172 = arith.constant 0 : i32
        %dma_wait3A_173 = tpu.memref_slice %arg2[%mul3A_146, %dma_wait3A_172] : memref<10000x128xf32, #tpu.memory_space<hbm>> -> memref<80x128xf32, #tpu.memory_space<hbm>>
        tpu.wait_dma2 semaphore(%run_scoped3A_150 : memref<!tpu.dma_semaphore, #tpu.memory_space<semaphore_mem>>) src(%dma_wait3A_173 : memref<80x128xf32, #tpu.memory_space<hbm>>) dst(%dma_wait3A_171 : memref<80x128xf32, #tpu.memory_space<vmem>>)
        tpu.yield
      }) : () -> ()
      %mul3A_147 = arith.constant 80 : i32
      %mul3A_148 = arith.muli %add3A_20, %mul3A_147 : i32
      %run_scoped3A_149 = arith.constant 0 : i32
      "tpu.region"() ({
        %run_scoped3A_150 = tpu.sem_alloc : memref<!tpu.dma_semaphore, #tpu.memory_space<semaphore_mem>>
        %dma_start3A_151 = arith.constant 0 : i32
        %dma_start3A_152 = arith.constant 0 : i32
        %dma_start3A_153 = tpu.memref_slice %arg8[%run_scoped3A_149, %dma_start3A_151, %dma_start3A_152] : memref<2x80x128xf32, #tpu.memory_space<vmem>> -> memref<1x80x128xf32, #tpu.memory_space<vmem>>
        %dma_start3A_154 = tpu.memref_squeeze %dma_start3A_153 : memref<1x80x128xf32, #tpu.memory_space<vmem>> -> memref<80x128xf32, #tpu.memory_space<vmem>>
        %dma_start3A_155 = arith.constant 0 : i32
        %dma_start3A_156 = tpu.memref_slice %arg10[%mul3A_148, %dma_start3A_155] : memref<10000x128xf32, #tpu.memory_space<vmem_shared>> -> memref<80x128xf32, #tpu.memory_space<vmem_shared>>
        %dma_start3A_157 = arith.constant 0 : i32
        %dma_start3A_158 = tpu.memref_slice %arg10[%mul3A_148, %dma_start3A_157] : memref<10000x128xf32, #tpu.memory_space<vmem_shared>> -> memref<80x128xf32, #tpu.memory_space<vmem_shared>>
        %dma_start3A_159 = arith.constant 0 : i32
        %dma_start3A_160 = arith.constant 0 : i32
        %dma_start3A_161 = tpu.memref_slice %arg8[%run_scoped3A_149, %dma_start3A_159, %dma_start3A_160] : memref<2x80x128xf32, #tpu.memory_space<vmem>> -> memref<1x80x128xf32, #tpu.memory_space<vmem>>
        %dma_start3A_162 = tpu.memref_squeeze %dma_start3A_161 : memref<1x80x128xf32, #tpu.memory_space<vmem>> -> memref<80x128xf32, #tpu.memory_space<vmem>>
        tpu.enqueue_dma source(%dma_start3A_162 : memref<80x128xf32, #tpu.memory_space<vmem>>) target(%dma_start3A_158 : memref<80x128xf32, #tpu.memory_space<vmem_shared>>) target_semaphore(%run_scoped3A_150 : memref<!tpu.dma_semaphore, #tpu.memory_space<semaphore_mem>>)
        %dma_wait3A = arith.constant 0 : i32
        %dma_wait3A_163 = arith.constant 0 : i32
        %dma_wait3A_164 = tpu.memref_slice %arg8[%run_scoped3A_149, %dma_wait3A, %dma_wait3A_163] : memref<2x80x128xf32, #tpu.memory_space<vmem>> -> memref<1x80x128xf32, #tpu.memory_space<vmem>>
        %dma_wait3A_165 = tpu.memref_squeeze %dma_wait3A_164 : memref<1x80x128xf32, #tpu.memory_space<vmem>> -> memref<80x128xf32, #tpu.memory_space<vmem>>
        %dma_wait3A_166 = arith.constant 0 : i32
        %dma_wait3A_167 = tpu.memref_slice %arg10[%mul3A_148, %dma_wait3A_166] : memref<10000x128xf32, #tpu.memory_space<vmem_shared>> -> memref<80x128xf32, #tpu.memory_space<vmem_shared>>
        %dma_wait3A_168 = arith.constant 0 : i32
        %dma_wait3A_169 = tpu.memref_slice %arg10[%mul3A_148, %dma_wait3A_168] : memref<10000x128xf32, #tpu.memory_space<vmem_shared>> -> memref<80x128xf32, #tpu.memory_space<vmem_shared>>
        %dma_wait3A_170 = arith.constant 0 : i32
        %dma_wait3A_171 = arith.constant 0 : i32
        %dma_wait3A_172 = tpu.memref_slice %arg8[%run_scoped3A_149, %dma_wait3A_170, %dma_wait3A_171] : memref<2x80x128xf32, #tpu.memory_space<vmem>> -> memref<1x80x128xf32, #tpu.memory_space<vmem>>
        %dma_wait3A_173 = tpu.memref_squeeze %dma_wait3A_172 : memref<1x80x128xf32, #tpu.memory_space<vmem>> -> memref<80x128xf32, #tpu.memory_space<vmem>>
        tpu.wait_dma2 semaphore(%run_scoped3A_150 : memref<!tpu.dma_semaphore, #tpu.memory_space<semaphore_mem>>) src(%dma_wait3A_173 : memref<80x128xf32, #tpu.memory_space<vmem>>) dst(%dma_wait3A_169 : memref<80x128xf32, #tpu.memory_space<vmem_shared>>)
        tpu.yield
      }) : () -> ()
    } else {
    }
    %add3A_26 = arith.constant 64 : i32
    %add3A_27 = arith.addi %arg1, %add3A_26 : i32
    %lt3A_28 = arith.constant 125 : i32
    %lt3A_29 = arith.cmpi slt, %add3A_27, %lt3A_28 : i32
    %convert_element_type3A_30 = arith.extui %lt3A_29 : i1 to i32
    %cond3A_31 = arith.constant 0 : i32
    %cond3A_32 = arith.cmpi ne, %convert_element_type3A_30, %cond3A_31 : i32
    scf.if %cond3A_32 {
      %mul3A_145 = arith.constant 80 : i32
      %mul3A_146 = arith.muli %add3A_27, %mul3A_145 : i32
      %run_scoped3A = arith.constant 0 : i32
      "tpu.region"() ({
        %run_scoped3A_150 = tpu.sem_alloc : memref<!tpu.dma_semaphore, #tpu.memory_space<semaphore_mem>>
        %dma_start3A_151 = arith.constant 0 : i32
        %dma_start3A_152 = arith.constant 0 : i32
        %dma_start3A_153 = tpu.memref_slice %arg8[%run_scoped3A, %dma_start3A_151, %dma_start3A_152] : memref<2x80x128xf32, #tpu.memory_space<vmem>> -> memref<1x80x128xf32, #tpu.memory_space<vmem>>
        %dma_start3A_154 = tpu.memref_squeeze %dma_start3A_153 : memref<1x80x128xf32, #tpu.memory_space<vmem>> -> memref<80x128xf32, #tpu.memory_space<vmem>>
        %dma_start3A_155 = arith.constant 0 : i32
        %dma_start3A_156 = tpu.memref_slice %arg2[%mul3A_146, %dma_start3A_155] : memref<10000x128xf32, #tpu.memory_space<hbm>> -> memref<80x128xf32, #tpu.memory_space<hbm>>
        %dma_start3A_157 = arith.constant 0 : i32
        %dma_start3A_158 = arith.constant 0 : i32
        %dma_start3A_159 = tpu.memref_slice %arg8[%run_scoped3A, %dma_start3A_157, %dma_start3A_158] : memref<2x80x128xf32, #tpu.memory_space<vmem>> -> memref<1x80x128xf32, #tpu.memory_space<vmem>>
        %dma_start3A_160 = tpu.memref_squeeze %dma_start3A_159 : memref<1x80x128xf32, #tpu.memory_space<vmem>> -> memref<80x128xf32, #tpu.memory_space<vmem>>
        %dma_start3A_161 = arith.constant 0 : i32
        %dma_start3A_162 = tpu.memref_slice %arg2[%mul3A_146, %dma_start3A_161] : memref<10000x128xf32, #tpu.memory_space<hbm>> -> memref<80x128xf32, #tpu.memory_space<hbm>>
        tpu.enqueue_dma source(%dma_start3A_162 : memref<80x128xf32, #tpu.memory_space<hbm>>) target(%dma_start3A_160 : memref<80x128xf32, #tpu.memory_space<vmem>>) target_semaphore(%run_scoped3A_150 : memref<!tpu.dma_semaphore, #tpu.memory_space<semaphore_mem>>)
        %dma_wait3A = arith.constant 0 : i32
        %dma_wait3A_163 = arith.constant 0 : i32
        %dma_wait3A_164 = tpu.memref_slice %arg8[%run_scoped3A, %dma_wait3A, %dma_wait3A_163] : memref<2x80x128xf32, #tpu.memory_space<vmem>> -> memref<1x80x128xf32, #tpu.memory_space<vmem>>
        %dma_wait3A_165 = tpu.memref_squeeze %dma_wait3A_164 : memref<1x80x128xf32, #tpu.memory_space<vmem>> -> memref<80x128xf32, #tpu.memory_space<vmem>>
        %dma_wait3A_166 = arith.constant 0 : i32
        %dma_wait3A_167 = tpu.memref_slice %arg2[%mul3A_146, %dma_wait3A_166] : memref<10000x128xf32, #tpu.memory_space<hbm>> -> memref<80x128xf32, #tpu.memory_space<hbm>>
        %dma_wait3A_168 = arith.constant 0 : i32
        %dma_wait3A_169 = arith.constant 0 : i32
        %dma_wait3A_170 = tpu.memref_slice %arg8[%run_scoped3A, %dma_wait3A_168, %dma_wait3A_169] : memref<2x80x128xf32, #tpu.memory_space<vmem>> -> memref<1x80x128xf32, #tpu.memory_space<vmem>>
        %dma_wait3A_171 = tpu.memref_squeeze %dma_wait3A_170 : memref<1x80x128xf32, #tpu.memory_space<vmem>> -> memref<80x128xf32, #tpu.memory_space<vmem>>
        %dma_wait3A_172 = arith.constant 0 : i32
        %dma_wait3A_173 = tpu.memref_slice %arg2[%mul3A_146, %dma_wait3A_172] : memref<10000x128xf32, #tpu.memory_space<hbm>> -> memref<80x128xf32, #tpu.memory_space<hbm>>
        tpu.wait_dma2 semaphore(%run_scoped3A_150 : memref<!tpu.dma_semaphore, #tpu.memory_space<semaphore_mem>>) src(%dma_wait3A_173 : memref<80x128xf32, #tpu.memory_space<hbm>>) dst(%dma_wait3A_171 : memref<80x128xf32, #tpu.memory_space<vmem>>)
        tpu.yield
      }) : () -> ()
      %mul3A_147 = arith.constant 80 : i32
      %mul3A_148 = arith.muli %add3A_27, %mul3A_147 : i32
      %run_scoped3A_149 = arith.constant 0 : i32
      "tpu.region"() ({
        %run_scoped3A_150 = tpu.sem_alloc : memref<!tpu.dma_semaphore, #tpu.memory_space<semaphore_mem>>
        %dma_start3A_151 = arith.constant 0 : i32
        %dma_start3A_152 = arith.constant 0 : i32
        %dma_start3A_153 = tpu.memref_slice %arg8[%run_scoped3A_149, %dma_start3A_151, %dma_start3A_152] : memref<2x80x128xf32, #tpu.memory_space<vmem>> -> memref<1x80x128xf32, #tpu.memory_space<vmem>>
        %dma_start3A_154 = tpu.memref_squeeze %dma_start3A_153 : memref<1x80x128xf32, #tpu.memory_space<vmem>> -> memref<80x128xf32, #tpu.memory_space<vmem>>
        %dma_start3A_155 = arith.constant 0 : i32
        %dma_start3A_156 = tpu.memref_slice %arg10[%mul3A_148, %dma_start3A_155] : memref<10000x128xf32, #tpu.memory_space<vmem_shared>> -> memref<80x128xf32, #tpu.memory_space<vmem_shared>>
        %dma_start3A_157 = arith.constant 0 : i32
        %dma_start3A_158 = tpu.memref_slice %arg10[%mul3A_148, %dma_start3A_157] : memref<10000x128xf32, #tpu.memory_space<vmem_shared>> -> memref<80x128xf32, #tpu.memory_space<vmem_shared>>
        %dma_start3A_159 = arith.constant 0 : i32
        %dma_start3A_160 = arith.constant 0 : i32
        %dma_start3A_161 = tpu.memref_slice %arg8[%run_scoped3A_149, %dma_start3A_159, %dma_start3A_160] : memref<2x80x128xf32, #tpu.memory_space<vmem>> -> memref<1x80x128xf32, #tpu.memory_space<vmem>>
        %dma_start3A_162 = tpu.memref_squeeze %dma_start3A_161 : memref<1x80x128xf32, #tpu.memory_space<vmem>> -> memref<80x128xf32, #tpu.memory_space<vmem>>
        tpu.enqueue_dma source(%dma_start3A_162 : memref<80x128xf32, #tpu.memory_space<vmem>>) target(%dma_start3A_158 : memref<80x128xf32, #tpu.memory_space<vmem_shared>>) target_semaphore(%run_scoped3A_150 : memref<!tpu.dma_semaphore, #tpu.memory_space<semaphore_mem>>)
        %dma_wait3A = arith.constant 0 : i32
        %dma_wait3A_163 = arith.constant 0 : i32
        %dma_wait3A_164 = tpu.memref_slice %arg8[%run_scoped3A_149, %dma_wait3A, %dma_wait3A_163] : memref<2x80x128xf32, #tpu.memory_space<vmem>> -> memref<1x80x128xf32, #tpu.memory_space<vmem>>
        %dma_wait3A_165 = tpu.memref_squeeze %dma_wait3A_164 : memref<1x80x128xf32, #tpu.memory_space<vmem>> -> memref<80x128xf32, #tpu.memory_space<vmem>>
        %dma_wait3A_166 = arith.constant 0 : i32
        %dma_wait3A_167 = tpu.memref_slice %arg10[%mul3A_148, %dma_wait3A_166] : memref<10000x128xf32, #tpu.memory_space<vmem_shared>> -> memref<80x128xf32, #tpu.memory_space<vmem_shared>>
        %dma_wait3A_168 = arith.constant 0 : i32
        %dma_wait3A_169 = tpu.memref_slice %arg10[%mul3A_148, %dma_wait3A_168] : memref<10000x128xf32, #tpu.memory_space<vmem_shared>> -> memref<80x128xf32, #tpu.memory_space<vmem_shared>>
        %dma_wait3A_170 = arith.constant 0 : i32
        %dma_wait3A_171 = arith.constant 0 : i32
        %dma_wait3A_172 = tpu.memref_slice %arg8[%run_scoped3A_149, %dma_wait3A_170, %dma_wait3A_171] : memref<2x80x128xf32, #tpu.memory_space<vmem>> -> memref<1x80x128xf32, #tpu.memory_space<vmem>>
        %dma_wait3A_173 = tpu.memref_squeeze %dma_wait3A_172 : memref<1x80x128xf32, #tpu.memory_space<vmem>> -> memref<80x128xf32, #tpu.memory_space<vmem>>
        tpu.wait_dma2 semaphore(%run_scoped3A_150 : memref<!tpu.dma_semaphore, #tpu.memory_space<semaphore_mem>>) src(%dma_wait3A_173 : memref<80x128xf32, #tpu.memory_space<vmem>>) dst(%dma_wait3A_169 : memref<80x128xf32, #tpu.memory_space<vmem_shared>>)
        tpu.yield
      }) : () -> ()
    } else {
    }
    %add3A_33 = arith.constant 80 : i32
    %add3A_34 = arith.addi %arg1, %add3A_33 : i32
    %lt3A_35 = arith.constant 125 : i32
    %lt3A_36 = arith.cmpi slt, %add3A_34, %lt3A_35 : i32
    %convert_element_type3A_37 = arith.extui %lt3A_36 : i1 to i32
    %cond3A_38 = arith.constant 0 : i32
    %cond3A_39 = arith.cmpi ne, %convert_element_type3A_37, %cond3A_38 : i32
    scf.if %cond3A_39 {
      %mul3A_145 = arith.constant 80 : i32
      %mul3A_146 = arith.muli %add3A_34, %mul3A_145 : i32
      %run_scoped3A = arith.constant 0 : i32
      "tpu.region"() ({
        %run_scoped3A_150 = tpu.sem_alloc : memref<!tpu.dma_semaphore, #tpu.memory_space<semaphore_mem>>
        %dma_start3A_151 = arith.constant 0 : i32
        %dma_start3A_152 = arith.constant 0 : i32
        %dma_start3A_153 = tpu.memref_slice %arg8[%run_scoped3A, %dma_start3A_151, %dma_start3A_152] : memref<2x80x128xf32, #tpu.memory_space<vmem>> -> memref<1x80x128xf32, #tpu.memory_space<vmem>>
        %dma_start3A_154 = tpu.memref_squeeze %dma_start3A_153 : memref<1x80x128xf32, #tpu.memory_space<vmem>> -> memref<80x128xf32, #tpu.memory_space<vmem>>
        %dma_start3A_155 = arith.constant 0 : i32
        %dma_start3A_156 = tpu.memref_slice %arg2[%mul3A_146, %dma_start3A_155] : memref<10000x128xf32, #tpu.memory_space<hbm>> -> memref<80x128xf32, #tpu.memory_space<hbm>>
        %dma_start3A_157 = arith.constant 0 : i32
        %dma_start3A_158 = arith.constant 0 : i32
        %dma_start3A_159 = tpu.memref_slice %arg8[%run_scoped3A, %dma_start3A_157, %dma_start3A_158] : memref<2x80x128xf32, #tpu.memory_space<vmem>> -> memref<1x80x128xf32, #tpu.memory_space<vmem>>
        %dma_start3A_160 = tpu.memref_squeeze %dma_start3A_159 : memref<1x80x128xf32, #tpu.memory_space<vmem>> -> memref<80x128xf32, #tpu.memory_space<vmem>>
        %dma_start3A_161 = arith.constant 0 : i32
        %dma_start3A_162 = tpu.memref_slice %arg2[%mul3A_146, %dma_start3A_161] : memref<10000x128xf32, #tpu.memory_space<hbm>> -> memref<80x128xf32, #tpu.memory_space<hbm>>
        tpu.enqueue_dma source(%dma_start3A_162 : memref<80x128xf32, #tpu.memory_space<hbm>>) target(%dma_start3A_160 : memref<80x128xf32, #tpu.memory_space<vmem>>) target_semaphore(%run_scoped3A_150 : memref<!tpu.dma_semaphore, #tpu.memory_space<semaphore_mem>>)
        %dma_wait3A = arith.constant 0 : i32
        %dma_wait3A_163 = arith.constant 0 : i32
        %dma_wait3A_164 = tpu.memref_slice %arg8[%run_scoped3A, %dma_wait3A, %dma_wait3A_163] : memref<2x80x128xf32, #tpu.memory_space<vmem>> -> memref<1x80x128xf32, #tpu.memory_space<vmem>>
        %dma_wait3A_165 = tpu.memref_squeeze %dma_wait3A_164 : memref<1x80x128xf32, #tpu.memory_space<vmem>> -> memref<80x128xf32, #tpu.memory_space<vmem>>
        %dma_wait3A_166 = arith.constant 0 : i32
        %dma_wait3A_167 = tpu.memref_slice %arg2[%mul3A_146, %dma_wait3A_166] : memref<10000x128xf32, #tpu.memory_space<hbm>> -> memref<80x128xf32, #tpu.memory_space<hbm>>
        %dma_wait3A_168 = arith.constant 0 : i32
        %dma_wait3A_169 = arith.constant 0 : i32
        %dma_wait3A_170 = tpu.memref_slice %arg8[%run_scoped3A, %dma_wait3A_168, %dma_wait3A_169] : memref<2x80x128xf32, #tpu.memory_space<vmem>> -> memref<1x80x128xf32, #tpu.memory_space<vmem>>
        %dma_wait3A_171 = tpu.memref_squeeze %dma_wait3A_170 : memref<1x80x128xf32, #tpu.memory_space<vmem>> -> memref<80x128xf32, #tpu.memory_space<vmem>>
        %dma_wait3A_172 = arith.constant 0 : i32
        %dma_wait3A_173 = tpu.memref_slice %arg2[%mul3A_146, %dma_wait3A_172] : memref<10000x128xf32, #tpu.memory_space<hbm>> -> memref<80x128xf32, #tpu.memory_space<hbm>>
        tpu.wait_dma2 semaphore(%run_scoped3A_150 : memref<!tpu.dma_semaphore, #tpu.memory_space<semaphore_mem>>) src(%dma_wait3A_173 : memref<80x128xf32, #tpu.memory_space<hbm>>) dst(%dma_wait3A_171 : memref<80x128xf32, #tpu.memory_space<vmem>>)
        tpu.yield
      }) : () -> ()
      %mul3A_147 = arith.constant 80 : i32
      %mul3A_148 = arith.muli %add3A_34, %mul3A_147 : i32
      %run_scoped3A_149 = arith.constant 0 : i32
      "tpu.region"() ({
        %run_scoped3A_150 = tpu.sem_alloc : memref<!tpu.dma_semaphore, #tpu.memory_space<semaphore_mem>>
        %dma_start3A_151 = arith.constant 0 : i32
        %dma_start3A_152 = arith.constant 0 : i32
        %dma_start3A_153 = tpu.memref_slice %arg8[%run_scoped3A_149, %dma_start3A_151, %dma_start3A_152] : memref<2x80x128xf32, #tpu.memory_space<vmem>> -> memref<1x80x128xf32, #tpu.memory_space<vmem>>
        %dma_start3A_154 = tpu.memref_squeeze %dma_start3A_153 : memref<1x80x128xf32, #tpu.memory_space<vmem>> -> memref<80x128xf32, #tpu.memory_space<vmem>>
        %dma_start3A_155 = arith.constant 0 : i32
        %dma_start3A_156 = tpu.memref_slice %arg10[%mul3A_148, %dma_start3A_155] : memref<10000x128xf32, #tpu.memory_space<vmem_shared>> -> memref<80x128xf32, #tpu.memory_space<vmem_shared>>
        %dma_start3A_157 = arith.constant 0 : i32
        %dma_start3A_158 = tpu.memref_slice %arg10[%mul3A_148, %dma_start3A_157] : memref<10000x128xf32, #tpu.memory_space<vmem_shared>> -> memref<80x128xf32, #tpu.memory_space<vmem_shared>>
        %dma_start3A_159 = arith.constant 0 : i32
        %dma_start3A_160 = arith.constant 0 : i32
        %dma_start3A_161 = tpu.memref_slice %arg8[%run_scoped3A_149, %dma_start3A_159, %dma_start3A_160] : memref<2x80x128xf32, #tpu.memory_space<vmem>> -> memref<1x80x128xf32, #tpu.memory_space<vmem>>
        %dma_start3A_162 = tpu.memref_squeeze %dma_start3A_161 : memref<1x80x128xf32, #tpu.memory_space<vmem>> -> memref<80x128xf32, #tpu.memory_space<vmem>>
        tpu.enqueue_dma source(%dma_start3A_162 : memref<80x128xf32, #tpu.memory_space<vmem>>) target(%dma_start3A_158 : memref<80x128xf32, #tpu.memory_space<vmem_shared>>) target_semaphore(%run_scoped3A_150 : memref<!tpu.dma_semaphore, #tpu.memory_space<semaphore_mem>>)
        %dma_wait3A = arith.constant 0 : i32
        %dma_wait3A_163 = arith.constant 0 : i32
        %dma_wait3A_164 = tpu.memref_slice %arg8[%run_scoped3A_149, %dma_wait3A, %dma_wait3A_163] : memref<2x80x128xf32, #tpu.memory_space<vmem>> -> memref<1x80x128xf32, #tpu.memory_space<vmem>>
        %dma_wait3A_165 = tpu.memref_squeeze %dma_wait3A_164 : memref<1x80x128xf32, #tpu.memory_space<vmem>> -> memref<80x128xf32, #tpu.memory_space<vmem>>
        %dma_wait3A_166 = arith.constant 0 : i32
        %dma_wait3A_167 = tpu.memref_slice %arg10[%mul3A_148, %dma_wait3A_166] : memref<10000x128xf32, #tpu.memory_space<vmem_shared>> -> memref<80x128xf32, #tpu.memory_space<vmem_shared>>
        %dma_wait3A_168 = arith.constant 0 : i32
        %dma_wait3A_169 = tpu.memref_slice %arg10[%mul3A_148, %dma_wait3A_168] : memref<10000x128xf32, #tpu.memory_space<vmem_shared>> -> memref<80x128xf32, #tpu.memory_space<vmem_shared>>
        %dma_wait3A_170 = arith.constant 0 : i32
        %dma_wait3A_171 = arith.constant 0 : i32
        %dma_wait3A_172 = tpu.memref_slice %arg8[%run_scoped3A_149, %dma_wait3A_170, %dma_wait3A_171] : memref<2x80x128xf32, #tpu.memory_space<vmem>> -> memref<1x80x128xf32, #tpu.memory_space<vmem>>
        %dma_wait3A_173 = tpu.memref_squeeze %dma_wait3A_172 : memref<1x80x128xf32, #tpu.memory_space<vmem>> -> memref<80x128xf32, #tpu.memory_space<vmem>>
        tpu.wait_dma2 semaphore(%run_scoped3A_150 : memref<!tpu.dma_semaphore, #tpu.memory_space<semaphore_mem>>) src(%dma_wait3A_173 : memref<80x128xf32, #tpu.memory_space<vmem>>) dst(%dma_wait3A_169 : memref<80x128xf32, #tpu.memory_space<vmem_shared>>)
        tpu.yield
      }) : () -> ()
    } else {
    }
    %add3A_40 = arith.constant 96 : i32
    %add3A_41 = arith.addi %arg1, %add3A_40 : i32
    %lt3A_42 = arith.constant 125 : i32
    %lt3A_43 = arith.cmpi slt, %add3A_41, %lt3A_42 : i32
    %convert_element_type3A_44 = arith.extui %lt3A_43 : i1 to i32
    %cond3A_45 = arith.constant 0 : i32
    %cond3A_46 = arith.cmpi ne, %convert_element_type3A_44, %cond3A_45 : i32
    scf.if %cond3A_46 {
      %mul3A_145 = arith.constant 80 : i32
      %mul3A_146 = arith.muli %add3A_41, %mul3A_145 : i32
      %run_scoped3A = arith.constant 0 : i32
      "tpu.region"() ({
        %run_scoped3A_150 = tpu.sem_alloc : memref<!tpu.dma_semaphore, #tpu.memory_space<semaphore_mem>>
        %dma_start3A_151 = arith.constant 0 : i32
        %dma_start3A_152 = arith.constant 0 : i32
        %dma_start3A_153 = tpu.memref_slice %arg8[%run_scoped3A, %dma_start3A_151, %dma_start3A_152] : memref<2x80x128xf32, #tpu.memory_space<vmem>> -> memref<1x80x128xf32, #tpu.memory_space<vmem>>
        %dma_start3A_154 = tpu.memref_squeeze %dma_start3A_153 : memref<1x80x128xf32, #tpu.memory_space<vmem>> -> memref<80x128xf32, #tpu.memory_space<vmem>>
        %dma_start3A_155 = arith.constant 0 : i32
        %dma_start3A_156 = tpu.memref_slice %arg2[%mul3A_146, %dma_start3A_155] : memref<10000x128xf32, #tpu.memory_space<hbm>> -> memref<80x128xf32, #tpu.memory_space<hbm>>
        %dma_start3A_157 = arith.constant 0 : i32
        %dma_start3A_158 = arith.constant 0 : i32
        %dma_start3A_159 = tpu.memref_slice %arg8[%run_scoped3A, %dma_start3A_157, %dma_start3A_158] : memref<2x80x128xf32, #tpu.memory_space<vmem>> -> memref<1x80x128xf32, #tpu.memory_space<vmem>>
        %dma_start3A_160 = tpu.memref_squeeze %dma_start3A_159 : memref<1x80x128xf32, #tpu.memory_space<vmem>> -> memref<80x128xf32, #tpu.memory_space<vmem>>
        %dma_start3A_161 = arith.constant 0 : i32
        %dma_start3A_162 = tpu.memref_slice %arg2[%mul3A_146, %dma_start3A_161] : memref<10000x128xf32, #tpu.memory_space<hbm>> -> memref<80x128xf32, #tpu.memory_space<hbm>>
        tpu.enqueue_dma source(%dma_start3A_162 : memref<80x128xf32, #tpu.memory_space<hbm>>) target(%dma_start3A_160 : memref<80x128xf32, #tpu.memory_space<vmem>>) target_semaphore(%run_scoped3A_150 : memref<!tpu.dma_semaphore, #tpu.memory_space<semaphore_mem>>)
        %dma_wait3A = arith.constant 0 : i32
        %dma_wait3A_163 = arith.constant 0 : i32
        %dma_wait3A_164 = tpu.memref_slice %arg8[%run_scoped3A, %dma_wait3A, %dma_wait3A_163] : memref<2x80x128xf32, #tpu.memory_space<vmem>> -> memref<1x80x128xf32, #tpu.memory_space<vmem>>
        %dma_wait3A_165 = tpu.memref_squeeze %dma_wait3A_164 : memref<1x80x128xf32, #tpu.memory_space<vmem>> -> memref<80x128xf32, #tpu.memory_space<vmem>>
        %dma_wait3A_166 = arith.constant 0 : i32
        %dma_wait3A_167 = tpu.memref_slice %arg2[%mul3A_146, %dma_wait3A_166] : memref<10000x128xf32, #tpu.memory_space<hbm>> -> memref<80x128xf32, #tpu.memory_space<hbm>>
        %dma_wait3A_168 = arith.constant 0 : i32
        %dma_wait3A_169 = arith.constant 0 : i32
        %dma_wait3A_170 = tpu.memref_slice %arg8[%run_scoped3A, %dma_wait3A_168, %dma_wait3A_169] : memref<2x80x128xf32, #tpu.memory_space<vmem>> -> memref<1x80x128xf32, #tpu.memory_space<vmem>>
        %dma_wait3A_171 = tpu.memref_squeeze %dma_wait3A_170 : memref<1x80x128xf32, #tpu.memory_space<vmem>> -> memref<80x128xf32, #tpu.memory_space<vmem>>
        %dma_wait3A_172 = arith.constant 0 : i32
        %dma_wait3A_173 = tpu.memref_slice %arg2[%mul3A_146, %dma_wait3A_172] : memref<10000x128xf32, #tpu.memory_space<hbm>> -> memref<80x128xf32, #tpu.memory_space<hbm>>
        tpu.wait_dma2 semaphore(%run_scoped3A_150 : memref<!tpu.dma_semaphore, #tpu.memory_space<semaphore_mem>>) src(%dma_wait3A_173 : memref<80x128xf32, #tpu.memory_space<hbm>>) dst(%dma_wait3A_171 : memref<80x128xf32, #tpu.memory_space<vmem>>)
        tpu.yield
      }) : () -> ()
      %mul3A_147 = arith.constant 80 : i32
      %mul3A_148 = arith.muli %add3A_41, %mul3A_147 : i32
      %run_scoped3A_149 = arith.constant 0 : i32
      "tpu.region"() ({
        %run_scoped3A_150 = tpu.sem_alloc : memref<!tpu.dma_semaphore, #tpu.memory_space<semaphore_mem>>
        %dma_start3A_151 = arith.constant 0 : i32
        %dma_start3A_152 = arith.constant 0 : i32
        %dma_start3A_153 = tpu.memref_slice %arg8[%run_scoped3A_149, %dma_start3A_151, %dma_start3A_152] : memref<2x80x128xf32, #tpu.memory_space<vmem>> -> memref<1x80x128xf32, #tpu.memory_space<vmem>>
        %dma_start3A_154 = tpu.memref_squeeze %dma_start3A_153 : memref<1x80x128xf32, #tpu.memory_space<vmem>> -> memref<80x128xf32, #tpu.memory_space<vmem>>
        %dma_start3A_155 = arith.constant 0 : i32
        %dma_start3A_156 = tpu.memref_slice %arg10[%mul3A_148, %dma_start3A_155] : memref<10000x128xf32, #tpu.memory_space<vmem_shared>> -> memref<80x128xf32, #tpu.memory_space<vmem_shared>>
        %dma_start3A_157 = arith.constant 0 : i32
        %dma_start3A_158 = tpu.memref_slice %arg10[%mul3A_148, %dma_start3A_157] : memref<10000x128xf32, #tpu.memory_space<vmem_shared>> -> memref<80x128xf32, #tpu.memory_space<vmem_shared>>
        %dma_start3A_159 = arith.constant 0 : i32
        %dma_start3A_160 = arith.constant 0 : i32
        %dma_start3A_161 = tpu.memref_slice %arg8[%run_scoped3A_149, %dma_start3A_159, %dma_start3A_160] : memref<2x80x128xf32, #tpu.memory_space<vmem>> -> memref<1x80x128xf32, #tpu.memory_space<vmem>>
        %dma_start3A_162 = tpu.memref_squeeze %dma_start3A_161 : memref<1x80x128xf32, #tpu.memory_space<vmem>> -> memref<80x128xf32, #tpu.memory_space<vmem>>
        tpu.enqueue_dma source(%dma_start3A_162 : memref<80x128xf32, #tpu.memory_space<vmem>>) target(%dma_start3A_158 : memref<80x128xf32, #tpu.memory_space<vmem_shared>>) target_semaphore(%run_scoped3A_150 : memref<!tpu.dma_semaphore, #tpu.memory_space<semaphore_mem>>)
        %dma_wait3A = arith.constant 0 : i32
        %dma_wait3A_163 = arith.constant 0 : i32
        %dma_wait3A_164 = tpu.memref_slice %arg8[%run_scoped3A_149, %dma_wait3A, %dma_wait3A_163] : memref<2x80x128xf32, #tpu.memory_space<vmem>> -> memref<1x80x128xf32, #tpu.memory_space<vmem>>
        %dma_wait3A_165 = tpu.memref_squeeze %dma_wait3A_164 : memref<1x80x128xf32, #tpu.memory_space<vmem>> -> memref<80x128xf32, #tpu.memory_space<vmem>>
        %dma_wait3A_166 = arith.constant 0 : i32
        %dma_wait3A_167 = tpu.memref_slice %arg10[%mul3A_148, %dma_wait3A_166] : memref<10000x128xf32, #tpu.memory_space<vmem_shared>> -> memref<80x128xf32, #tpu.memory_space<vmem_shared>>
        %dma_wait3A_168 = arith.constant 0 : i32
        %dma_wait3A_169 = tpu.memref_slice %arg10[%mul3A_148, %dma_wait3A_168] : memref<10000x128xf32, #tpu.memory_space<vmem_shared>> -> memref<80x128xf32, #tpu.memory_space<vmem_shared>>
        %dma_wait3A_170 = arith.constant 0 : i32
        %dma_wait3A_171 = arith.constant 0 : i32
        %dma_wait3A_172 = tpu.memref_slice %arg8[%run_scoped3A_149, %dma_wait3A_170, %dma_wait3A_171] : memref<2x80x128xf32, #tpu.memory_space<vmem>> -> memref<1x80x128xf32, #tpu.memory_space<vmem>>
        %dma_wait3A_173 = tpu.memref_squeeze %dma_wait3A_172 : memref<1x80x128xf32, #tpu.memory_space<vmem>> -> memref<80x128xf32, #tpu.memory_space<vmem>>
        tpu.wait_dma2 semaphore(%run_scoped3A_150 : memref<!tpu.dma_semaphore, #tpu.memory_space<semaphore_mem>>) src(%dma_wait3A_173 : memref<80x128xf32, #tpu.memory_space<vmem>>) dst(%dma_wait3A_169 : memref<80x128xf32, #tpu.memory_space<vmem_shared>>)
        tpu.yield
      }) : () -> ()
    } else {
    }
    %add3A_47 = arith.constant 112 : i32
    %add3A_48 = arith.addi %arg1, %add3A_47 : i32
    %lt3A_49 = arith.constant 125 : i32
    %lt3A_50 = arith.cmpi slt, %add3A_48, %lt3A_49 : i32
    %convert_element_type3A_51 = arith.extui %lt3A_50 : i1 to i32
    %cond3A_52 = arith.constant 0 : i32
    %cond3A_53 = arith.cmpi ne, %convert_element_type3A_51, %cond3A_52 : i32
    scf.if %cond3A_53 {
      %mul3A_145 = arith.constant 80 : i32
      %mul3A_146 = arith.muli %add3A_48, %mul3A_145 : i32
      %run_scoped3A = arith.constant 0 : i32
      "tpu.region"() ({
        %run_scoped3A_150 = tpu.sem_alloc : memref<!tpu.dma_semaphore, #tpu.memory_space<semaphore_mem>>
        %dma_start3A_151 = arith.constant 0 : i32
        %dma_start3A_152 = arith.constant 0 : i32
        %dma_start3A_153 = tpu.memref_slice %arg8[%run_scoped3A, %dma_start3A_151, %dma_start3A_152] : memref<2x80x128xf32, #tpu.memory_space<vmem>> -> memref<1x80x128xf32, #tpu.memory_space<vmem>>
        %dma_start3A_154 = tpu.memref_squeeze %dma_start3A_153 : memref<1x80x128xf32, #tpu.memory_space<vmem>> -> memref<80x128xf32, #tpu.memory_space<vmem>>
        %dma_start3A_155 = arith.constant 0 : i32
        %dma_start3A_156 = tpu.memref_slice %arg2[%mul3A_146, %dma_start3A_155] : memref<10000x128xf32, #tpu.memory_space<hbm>> -> memref<80x128xf32, #tpu.memory_space<hbm>>
        %dma_start3A_157 = arith.constant 0 : i32
        %dma_start3A_158 = arith.constant 0 : i32
        %dma_start3A_159 = tpu.memref_slice %arg8[%run_scoped3A, %dma_start3A_157, %dma_start3A_158] : memref<2x80x128xf32, #tpu.memory_space<vmem>> -> memref<1x80x128xf32, #tpu.memory_space<vmem>>
        %dma_start3A_160 = tpu.memref_squeeze %dma_start3A_159 : memref<1x80x128xf32, #tpu.memory_space<vmem>> -> memref<80x128xf32, #tpu.memory_space<vmem>>
        %dma_start3A_161 = arith.constant 0 : i32
        %dma_start3A_162 = tpu.memref_slice %arg2[%mul3A_146, %dma_start3A_161] : memref<10000x128xf32, #tpu.memory_space<hbm>> -> memref<80x128xf32, #tpu.memory_space<hbm>>
        tpu.enqueue_dma source(%dma_start3A_162 : memref<80x128xf32, #tpu.memory_space<hbm>>) target(%dma_start3A_160 : memref<80x128xf32, #tpu.memory_space<vmem>>) target_semaphore(%run_scoped3A_150 : memref<!tpu.dma_semaphore, #tpu.memory_space<semaphore_mem>>)
        %dma_wait3A = arith.constant 0 : i32
        %dma_wait3A_163 = arith.constant 0 : i32
        %dma_wait3A_164 = tpu.memref_slice %arg8[%run_scoped3A, %dma_wait3A, %dma_wait3A_163] : memref<2x80x128xf32, #tpu.memory_space<vmem>> -> memref<1x80x128xf32, #tpu.memory_space<vmem>>
        %dma_wait3A_165 = tpu.memref_squeeze %dma_wait3A_164 : memref<1x80x128xf32, #tpu.memory_space<vmem>> -> memref<80x128xf32, #tpu.memory_space<vmem>>
        %dma_wait3A_166 = arith.constant 0 : i32
        %dma_wait3A_167 = tpu.memref_slice %arg2[%mul3A_146, %dma_wait3A_166] : memref<10000x128xf32, #tpu.memory_space<hbm>> -> memref<80x128xf32, #tpu.memory_space<hbm>>
        %dma_wait3A_168 = arith.constant 0 : i32
        %dma_wait3A_169 = arith.constant 0 : i32
        %dma_wait3A_170 = tpu.memref_slice %arg8[%run_scoped3A, %dma_wait3A_168, %dma_wait3A_169] : memref<2x80x128xf32, #tpu.memory_space<vmem>> -> memref<1x80x128xf32, #tpu.memory_space<vmem>>
        %dma_wait3A_171 = tpu.memref_squeeze %dma_wait3A_170 : memref<1x80x128xf32, #tpu.memory_space<vmem>> -> memref<80x128xf32, #tpu.memory_space<vmem>>
        %dma_wait3A_172 = arith.constant 0 : i32
        %dma_wait3A_173 = tpu.memref_slice %arg2[%mul3A_146, %dma_wait3A_172] : memref<10000x128xf32, #tpu.memory_space<hbm>> -> memref<80x128xf32, #tpu.memory_space<hbm>>
        tpu.wait_dma2 semaphore(%run_scoped3A_150 : memref<!tpu.dma_semaphore, #tpu.memory_space<semaphore_mem>>) src(%dma_wait3A_173 : memref<80x128xf32, #tpu.memory_space<hbm>>) dst(%dma_wait3A_171 : memref<80x128xf32, #tpu.memory_space<vmem>>)
        tpu.yield
      }) : () -> ()
      %mul3A_147 = arith.constant 80 : i32
      %mul3A_148 = arith.muli %add3A_48, %mul3A_147 : i32
      %run_scoped3A_149 = arith.constant 0 : i32
      "tpu.region"() ({
        %run_scoped3A_150 = tpu.sem_alloc : memref<!tpu.dma_semaphore, #tpu.memory_space<semaphore_mem>>
        %dma_start3A_151 = arith.constant 0 : i32
        %dma_start3A_152 = arith.constant 0 : i32
        %dma_start3A_153 = tpu.memref_slice %arg8[%run_scoped3A_149, %dma_start3A_151, %dma_start3A_152] : memref<2x80x128xf32, #tpu.memory_space<vmem>> -> memref<1x80x128xf32, #tpu.memory_space<vmem>>
        %dma_start3A_154 = tpu.memref_squeeze %dma_start3A_153 : memref<1x80x128xf32, #tpu.memory_space<vmem>> -> memref<80x128xf32, #tpu.memory_space<vmem>>
        %dma_start3A_155 = arith.constant 0 : i32
        %dma_start3A_156 = tpu.memref_slice %arg10[%mul3A_148, %dma_start3A_155] : memref<10000x128xf32, #tpu.memory_space<vmem_shared>> -> memref<80x128xf32, #tpu.memory_space<vmem_shared>>
        %dma_start3A_157 = arith.constant 0 : i32
        %dma_start3A_158 = tpu.memref_slice %arg10[%mul3A_148, %dma_start3A_157] : memref<10000x128xf32, #tpu.memory_space<vmem_shared>> -> memref<80x128xf32, #tpu.memory_space<vmem_shared>>
        %dma_start3A_159 = arith.constant 0 : i32
        %dma_start3A_160 = arith.constant 0 : i32
        %dma_start3A_161 = tpu.memref_slice %arg8[%run_scoped3A_149, %dma_start3A_159, %dma_start3A_160] : memref<2x80x128xf32, #tpu.memory_space<vmem>> -> memref<1x80x128xf32, #tpu.memory_space<vmem>>
        %dma_start3A_162 = tpu.memref_squeeze %dma_start3A_161 : memref<1x80x128xf32, #tpu.memory_space<vmem>> -> memref<80x128xf32, #tpu.memory_space<vmem>>
        tpu.enqueue_dma source(%dma_start3A_162 : memref<80x128xf32, #tpu.memory_space<vmem>>) target(%dma_start3A_158 : memref<80x128xf32, #tpu.memory_space<vmem_shared>>) target_semaphore(%run_scoped3A_150 : memref<!tpu.dma_semaphore, #tpu.memory_space<semaphore_mem>>)
        %dma_wait3A = arith.constant 0 : i32
        %dma_wait3A_163 = arith.constant 0 : i32
        %dma_wait3A_164 = tpu.memref_slice %arg8[%run_scoped3A_149, %dma_wait3A, %dma_wait3A_163] : memref<2x80x128xf32, #tpu.memory_space<vmem>> -> memref<1x80x128xf32, #tpu.memory_space<vmem>>
        %dma_wait3A_165 = tpu.memref_squeeze %dma_wait3A_164 : memref<1x80x128xf32, #tpu.memory_space<vmem>> -> memref<80x128xf32, #tpu.memory_space<vmem>>
        %dma_wait3A_166 = arith.constant 0 : i32
        %dma_wait3A_167 = tpu.memref_slice %arg10[%mul3A_148, %dma_wait3A_166] : memref<10000x128xf32, #tpu.memory_space<vmem_shared>> -> memref<80x128xf32, #tpu.memory_space<vmem_shared>>
        %dma_wait3A_168 = arith.constant 0 : i32
        %dma_wait3A_169 = tpu.memref_slice %arg10[%mul3A_148, %dma_wait3A_168] : memref<10000x128xf32, #tpu.memory_space<vmem_shared>> -> memref<80x128xf32, #tpu.memory_space<vmem_shared>>
        %dma_wait3A_170 = arith.constant 0 : i32
        %dma_wait3A_171 = arith.constant 0 : i32
        %dma_wait3A_172 = tpu.memref_slice %arg8[%run_scoped3A_149, %dma_wait3A_170, %dma_wait3A_171] : memref<2x80x128xf32, #tpu.memory_space<vmem>> -> memref<1x80x128xf32, #tpu.memory_space<vmem>>
        %dma_wait3A_173 = tpu.memref_squeeze %dma_wait3A_172 : memref<1x80x128xf32, #tpu.memory_space<vmem>> -> memref<80x128xf32, #tpu.memory_space<vmem>>
        tpu.wait_dma2 semaphore(%run_scoped3A_150 : memref<!tpu.dma_semaphore, #tpu.memory_space<semaphore_mem>>) src(%dma_wait3A_173 : memref<80x128xf32, #tpu.memory_space<vmem>>) dst(%dma_wait3A_169 : memref<80x128xf32, #tpu.memory_space<vmem_shared>>)
        tpu.yield
      }) : () -> ()
    } else {
    }
    %barrier3A = arith.constant 0 : index
    tpu.barrier barrier_id(%barrier3A)
    "tpu.region"() ({
      %run_scoped3A = tpu.sem_alloc : memref<!tpu.dma_semaphore, #tpu.memory_space<semaphore_mem>>
      %dma_start3A_145 = arith.constant 0 : i32
      %dma_start3A_146 = arith.constant 0 : i32
      %dma_start3A_147 = tpu.memref_slice %arg6[%dma_start3A_145, %dma_start3A_146] : memref<64x80xi32, #tpu.memory_space<vmem>> -> memref<64x80xi32, #tpu.memory_space<vmem>>
      %dma_start3A_148 = arith.constant 0 : i32
      %dma_start3A_149 = arith.constant 0 : i32
      %dma_start3A_150 = tpu.memref_slice %arg3[%add3A, %dma_start3A_148, %dma_start3A_149] : memref<32x125x80xi32, #tpu.memory_space<hbm>> -> memref<1x64x80xi32, #tpu.memory_space<hbm>>
      %dma_start3A_151 = tpu.memref_squeeze %dma_start3A_150 : memref<1x64x80xi32, #tpu.memory_space<hbm>> -> memref<64x80xi32, #tpu.memory_space<hbm>>
      %dma_start3A_152 = arith.constant 0 : i32
      %dma_start3A_153 = arith.constant 0 : i32
      %dma_start3A_154 = tpu.memref_slice %arg6[%dma_start3A_152, %dma_start3A_153] : memref<64x80xi32, #tpu.memory_space<vmem>> -> memref<64x80xi32, #tpu.memory_space<vmem>>
      %dma_start3A_155 = arith.constant 0 : i32
      %dma_start3A_156 = arith.constant 0 : i32
      %dma_start3A_157 = tpu.memref_slice %arg3[%add3A, %dma_start3A_155, %dma_start3A_156] : memref<32x125x80xi32, #tpu.memory_space<hbm>> -> memref<1x64x80xi32, #tpu.memory_space<hbm>>
      %dma_start3A_158 = tpu.memref_squeeze %dma_start3A_157 : memref<1x64x80xi32, #tpu.memory_space<hbm>> -> memref<64x80xi32, #tpu.memory_space<hbm>>
      tpu.enqueue_dma source(%dma_start3A_158 : memref<64x80xi32, #tpu.memory_space<hbm>>) target(%dma_start3A_154 : memref<64x80xi32, #tpu.memory_space<vmem>>) target_semaphore(%run_scoped3A : memref<!tpu.dma_semaphore, #tpu.memory_space<semaphore_mem>>)
      %dma_wait3A = arith.constant 0 : i32
      %dma_wait3A_159 = arith.constant 0 : i32
      %dma_wait3A_160 = tpu.memref_slice %arg6[%dma_wait3A, %dma_wait3A_159] : memref<64x80xi32, #tpu.memory_space<vmem>> -> memref<64x80xi32, #tpu.memory_space<vmem>>
      %dma_wait3A_161 = arith.constant 0 : i32
      %dma_wait3A_162 = arith.constant 0 : i32
      %dma_wait3A_163 = tpu.memref_slice %arg3[%add3A, %dma_wait3A_161, %dma_wait3A_162] : memref<32x125x80xi32, #tpu.memory_space<hbm>> -> memref<1x64x80xi32, #tpu.memory_space<hbm>>
      %dma_wait3A_164 = tpu.memref_squeeze %dma_wait3A_163 : memref<1x64x80xi32, #tpu.memory_space<hbm>> -> memref<64x80xi32, #tpu.memory_space<hbm>>
      %dma_wait3A_165 = arith.constant 0 : i32
      %dma_wait3A_166 = arith.constant 0 : i32
      %dma_wait3A_167 = tpu.memref_slice %arg6[%dma_wait3A_165, %dma_wait3A_166] : memref<64x80xi32, #tpu.memory_space<vmem>> -> memref<64x80xi32, #tpu.memory_space<vmem>>
      %dma_wait3A_168 = arith.constant 0 : i32
      %dma_wait3A_169 = arith.constant 0 : i32
      %dma_wait3A_170 = tpu.memref_slice %arg3[%add3A, %dma_wait3A_168, %dma_wait3A_169] : memref<32x125x80xi32, #tpu.memory_space<hbm>> -> memref<1x64x80xi32, #tpu.memory_space<hbm>>
      %dma_wait3A_171 = tpu.memref_squeeze %dma_wait3A_170 : memref<1x64x80xi32, #tpu.memory_space<hbm>> -> memref<64x80xi32, #tpu.memory_space<hbm>>
      tpu.wait_dma2 semaphore(%run_scoped3A : memref<!tpu.dma_semaphore, #tpu.memory_space<semaphore_mem>>) src(%dma_wait3A_171 : memref<64x80xi32, #tpu.memory_space<hbm>>) dst(%dma_wait3A_167 : memref<64x80xi32, #tpu.memory_space<vmem>>)
      tpu.yield
    }) : () -> ()
    "tpu.region"() ({
      %run_scoped3A = tpu.sem_alloc : memref<!tpu.dma_semaphore, #tpu.memory_space<semaphore_mem>>
      %dma_start3A_145 = arith.constant 0 : i32
      %dma_start3A_146 = arith.constant 0 : i32
      %dma_start3A_147 = tpu.memref_slice %arg7[%dma_start3A_145, %dma_start3A_146] : memref<64x80xi32, #tpu.memory_space<vmem>> -> memref<64x80xi32, #tpu.memory_space<vmem>>
      %dma_start3A_148 = arith.constant 0 : i32
      %dma_start3A_149 = arith.constant 0 : i32
      %dma_start3A_150 = tpu.memref_slice %arg4[%add3A, %dma_start3A_148, %dma_start3A_149] : memref<32x125x80xi32, #tpu.memory_space<hbm>> -> memref<1x64x80xi32, #tpu.memory_space<hbm>>
      %dma_start3A_151 = tpu.memref_squeeze %dma_start3A_150 : memref<1x64x80xi32, #tpu.memory_space<hbm>> -> memref<64x80xi32, #tpu.memory_space<hbm>>
      %dma_start3A_152 = arith.constant 0 : i32
      %dma_start3A_153 = arith.constant 0 : i32
      %dma_start3A_154 = tpu.memref_slice %arg7[%dma_start3A_152, %dma_start3A_153] : memref<64x80xi32, #tpu.memory_space<vmem>> -> memref<64x80xi32, #tpu.memory_space<vmem>>
      %dma_start3A_155 = arith.constant 0 : i32
      %dma_start3A_156 = arith.constant 0 : i32
      %dma_start3A_157 = tpu.memref_slice %arg4[%add3A, %dma_start3A_155, %dma_start3A_156] : memref<32x125x80xi32, #tpu.memory_space<hbm>> -> memref<1x64x80xi32, #tpu.memory_space<hbm>>
      %dma_start3A_158 = tpu.memref_squeeze %dma_start3A_157 : memref<1x64x80xi32, #tpu.memory_space<hbm>> -> memref<64x80xi32, #tpu.memory_space<hbm>>
      tpu.enqueue_dma source(%dma_start3A_158 : memref<64x80xi32, #tpu.memory_space<hbm>>) target(%dma_start3A_154 : memref<64x80xi32, #tpu.memory_space<vmem>>) target_semaphore(%run_scoped3A : memref<!tpu.dma_semaphore, #tpu.memory_space<semaphore_mem>>)
      %dma_wait3A = arith.constant 0 : i32
      %dma_wait3A_159 = arith.constant 0 : i32
      %dma_wait3A_160 = tpu.memref_slice %arg7[%dma_wait3A, %dma_wait3A_159] : memref<64x80xi32, #tpu.memory_space<vmem>> -> memref<64x80xi32, #tpu.memory_space<vmem>>
      %dma_wait3A_161 = arith.constant 0 : i32
      %dma_wait3A_162 = arith.constant 0 : i32
      %dma_wait3A_163 = tpu.memref_slice %arg4[%add3A, %dma_wait3A_161, %dma_wait3A_162] : memref<32x125x80xi32, #tpu.memory_space<hbm>> -> memref<1x64x80xi32, #tpu.memory_space<hbm>>
      %dma_wait3A_164 = tpu.memref_squeeze %dma_wait3A_163 : memref<1x64x80xi32, #tpu.memory_space<hbm>> -> memref<64x80xi32, #tpu.memory_space<hbm>>
      %dma_wait3A_165 = arith.constant 0 : i32
      %dma_wait3A_166 = arith.constant 0 : i32
      %dma_wait3A_167 = tpu.memref_slice %arg7[%dma_wait3A_165, %dma_wait3A_166] : memref<64x80xi32, #tpu.memory_space<vmem>> -> memref<64x80xi32, #tpu.memory_space<vmem>>
      %dma_wait3A_168 = arith.constant 0 : i32
      %dma_wait3A_169 = arith.constant 0 : i32
      %dma_wait3A_170 = tpu.memref_slice %arg4[%add3A, %dma_wait3A_168, %dma_wait3A_169] : memref<32x125x80xi32, #tpu.memory_space<hbm>> -> memref<1x64x80xi32, #tpu.memory_space<hbm>>
      %dma_wait3A_171 = tpu.memref_squeeze %dma_wait3A_170 : memref<1x64x80xi32, #tpu.memory_space<hbm>> -> memref<64x80xi32, #tpu.memory_space<hbm>>
      tpu.wait_dma2 semaphore(%run_scoped3A : memref<!tpu.dma_semaphore, #tpu.memory_space<semaphore_mem>>) src(%dma_wait3A_171 : memref<64x80xi32, #tpu.memory_space<hbm>>) dst(%dma_wait3A_167 : memref<64x80xi32, #tpu.memory_space<vmem>>)
      tpu.yield
    }) : () -> ()
    %dma_start3A = arith.constant 0 : i32
    %dma_start3A_54 = arith.constant 0 : i32
    %dma_start3A_55 = arith.constant 0 : i32
    %dma_start3A_56 = arith.constant 0 : i32
    %dma_start3A_57 = tpu.memref_slice %arg8[%dma_start3A_54, %dma_start3A_55, %dma_start3A_56] : memref<2x80x128xf32, #tpu.memory_space<vmem>> -> memref<1x80x128xf32, #tpu.memory_space<vmem>>
    %dma_start3A_58 = tpu.memref_squeeze %dma_start3A_57 : memref<1x80x128xf32, #tpu.memory_space<vmem>> -> memref<80x128xf32, #tpu.memory_space<vmem>>
    %dma_start3A_59 = arith.constant 0 : i32
    %dma_start3A_60 = tpu.memref_slice %arg6[%dma_start3A, %dma_start3A_59] : memref<64x80xi32, #tpu.memory_space<vmem>> -> memref<1x80xi32, #tpu.memory_space<vmem>>
    %dma_start3A_61 = tpu.memref_squeeze %dma_start3A_60 : memref<1x80xi32, #tpu.memory_space<vmem>> -> memref<80xi32, #tpu.memory_space<vmem>>
    %dma_start3A_62 = arith.constant 0 : i32
    %dma_start3A_63 = arith.constant 0 : i32
    %dma_start3A_64 = tpu.memref_slice %arg2[%dma_start3A_62, %dma_start3A_63] : memref<10000x128xf32, #tpu.memory_space<hbm>> -> memref<10000x128xf32, #tpu.memory_space<hbm>>
    tpu.enqueue_indirect_dma source(%dma_start3A_64 : memref<10000x128xf32, #tpu.memory_space<hbm>>) target(%dma_start3A_58 : memref<80x128xf32, #tpu.memory_space<vmem>>) offsets(%dma_start3A_61 : memref<80xi32, #tpu.memory_space<vmem>>) semaphore(%arg9 : memref<!tpu.dma_semaphore, #tpu.memory_space<semaphore_mem>>)
    %scan3A = arith.constant 0 : i32
    %scan3A_65 = arith.constant 0 : i32
    %scan3A_66 = arith.constant 64 : i32
    %scan3A_67 = arith.addi %scan3A_65, %scan3A_66 : i32
    %scan3A_68 = arith.constant 1 : i32
    scf.for %scan3A_145 = %scan3A_65 to %scan3A_67 step %scan3A_68  : i32 {
      %rem3A = arith.constant 2 : i32
      %rem3A_146 = arith.remsi %scan3A_145, %rem3A : i32
      %dma_wait3A = arith.constant 0 : i32
      %dma_wait3A_147 = arith.constant 0 : i32
      %dma_wait3A_148 = tpu.memref_slice %arg8[%rem3A_146, %dma_wait3A, %dma_wait3A_147] : memref<2x80x128xf32, #tpu.memory_space<vmem>> -> memref<1x80x128xf32, #tpu.memory_space<vmem>>
      %dma_wait3A_149 = tpu.memref_squeeze %dma_wait3A_148 : memref<1x80x128xf32, #tpu.memory_space<vmem>> -> memref<80x128xf32, #tpu.memory_space<vmem>>
      %dma_wait3A_150 = arith.constant 0 : i32
      %dma_wait3A_151 = tpu.memref_slice %arg6[%scan3A_145, %dma_wait3A_150] : memref<64x80xi32, #tpu.memory_space<vmem>> -> memref<1x80xi32, #tpu.memory_space<vmem>>
      %dma_wait3A_152 = tpu.memref_squeeze %dma_wait3A_151 : memref<1x80xi32, #tpu.memory_space<vmem>> -> memref<80xi32, #tpu.memory_space<vmem>>
      %dma_wait3A_153 = arith.constant 0 : i32
      %dma_wait3A_154 = arith.constant 0 : i32
      %dma_wait3A_155 = tpu.memref_slice %arg2[%dma_wait3A_153, %dma_wait3A_154] : memref<10000x128xf32, #tpu.memory_space<hbm>> -> memref<10000x128xf32, #tpu.memory_space<hbm>>
      tpu.wait_indirect_dma semaphore(%arg9 : memref<!tpu.dma_semaphore, #tpu.memory_space<semaphore_mem>>) src(%dma_wait3A_155 : memref<10000x128xf32, #tpu.memory_space<hbm>>) dst(%dma_wait3A_149 : memref<80x128xf32, #tpu.memory_space<vmem>>)
      %add3A_156 = arith.constant 1 : i32
      %add3A_157 = arith.addi %scan3A_145, %add3A_156 : i32
      %lt3A_158 = arith.constant 64 : i32
      %lt3A_159 = arith.cmpi slt, %add3A_157, %lt3A_158 : i32
      %convert_element_type3A_160 = arith.extui %lt3A_159 : i1 to i32
      %cond3A_161 = arith.constant 0 : i32
      %cond3A_162 = arith.cmpi ne, %convert_element_type3A_160, %cond3A_161 : i32
      scf.if %cond3A_162 {
        %add3A_163 = arith.constant 1 : i32
        %add3A_164 = arith.addi %scan3A_145, %add3A_163 : i32
        %sub3A = arith.constant 1 : i32
        %sub3A_165 = arith.subi %sub3A, %rem3A_146 : i32
        %dma_start3A_166 = arith.constant 0 : i32
        %dma_start3A_167 = arith.constant 0 : i32
        %dma_start3A_168 = tpu.memref_slice %arg8[%sub3A_165, %dma_start3A_166, %dma_start3A_167] : memref<2x80x128xf32, #tpu.memory_space<vmem>> -> memref<1x80x128xf32, #tpu.memory_space<vmem>>
        %dma_start3A_169 = tpu.memref_squeeze %dma_start3A_168 : memref<1x80x128xf32, #tpu.memory_space<vmem>> -> memref<80x128xf32, #tpu.memory_space<vmem>>
        %dma_start3A_170 = arith.constant 0 : i32
        %dma_start3A_171 = tpu.memref_slice %arg6[%add3A_164, %dma_start3A_170] : memref<64x80xi32, #tpu.memory_space<vmem>> -> memref<1x80xi32, #tpu.memory_space<vmem>>
        %dma_start3A_172 = tpu.memref_squeeze %dma_start3A_171 : memref<1x80xi32, #tpu.memory_space<vmem>> -> memref<80xi32, #tpu.memory_space<vmem>>
        %dma_start3A_173 = arith.constant 0 : i32
        %dma_start3A_174 = arith.constant 0 : i32
        %dma_start3A_175 = tpu.memref_slice %arg2[%dma_start3A_173, %dma_start3A_174] : memref<10000x128xf32, #tpu.memory_space<hbm>> -> memref<10000x128xf32, #tpu.memory_space<hbm>>
        tpu.enqueue_indirect_dma source(%dma_start3A_175 : memref<10000x128xf32, #tpu.memory_space<hbm>>) target(%dma_start3A_169 : memref<80x128xf32, #tpu.memory_space<vmem>>) offsets(%dma_start3A_172 : memref<80xi32, #tpu.memory_space<vmem>>) semaphore(%arg9 : memref<!tpu.dma_semaphore, #tpu.memory_space<semaphore_mem>>)
      } else {
      }
      "tpu.region"() ({
        %run_scoped3A = tpu.sem_alloc : memref<!tpu.dma_semaphore, #tpu.memory_space<semaphore_mem>>
        %dma_start3A_163 = arith.constant 0 : i32
        %dma_start3A_164 = arith.constant 0 : i32
        %dma_start3A_165 = tpu.memref_slice %arg8[%rem3A_146, %dma_start3A_163, %dma_start3A_164] : memref<2x80x128xf32, #tpu.memory_space<vmem>> -> memref<1x80x128xf32, #tpu.memory_space<vmem>>
        %dma_start3A_166 = tpu.memref_squeeze %dma_start3A_165 : memref<1x80x128xf32, #tpu.memory_space<vmem>> -> memref<80x128xf32, #tpu.memory_space<vmem>>
        %dma_start3A_167 = arith.constant 0 : i32
        %dma_start3A_168 = tpu.memref_slice %arg7[%scan3A_145, %dma_start3A_167] : memref<64x80xi32, #tpu.memory_space<vmem>> -> memref<1x80xi32, #tpu.memory_space<vmem>>
        %dma_start3A_169 = tpu.memref_squeeze %dma_start3A_168 : memref<1x80xi32, #tpu.memory_space<vmem>> -> memref<80xi32, #tpu.memory_space<vmem>>
        %dma_start3A_170 = arith.constant 0 : i32
        %dma_start3A_171 = arith.constant 0 : i32
        %dma_start3A_172 = tpu.memref_slice %arg10[%dma_start3A_170, %dma_start3A_171] : memref<10000x128xf32, #tpu.memory_space<vmem_shared>> -> memref<10000x128xf32, #tpu.memory_space<vmem_shared>>
        tpu.enqueue_indirect_dma source(%dma_start3A_166 : memref<80x128xf32, #tpu.memory_space<vmem>>) target(%dma_start3A_172 : memref<10000x128xf32, #tpu.memory_space<vmem_shared>>) offsets(%dma_start3A_169 : memref<80xi32, #tpu.memory_space<vmem>>) semaphore(%run_scoped3A : memref<!tpu.dma_semaphore, #tpu.memory_space<semaphore_mem>>) {add = true}
        %dma_wait3A_173 = arith.constant 0 : i32
        %dma_wait3A_174 = arith.constant 0 : i32
        %dma_wait3A_175 = tpu.memref_slice %arg8[%rem3A_146, %dma_wait3A_173, %dma_wait3A_174] : memref<2x80x128xf32, #tpu.memory_space<vmem>> -> memref<1x80x128xf32, #tpu.memory_space<vmem>>
        %dma_wait3A_176 = tpu.memref_squeeze %dma_wait3A_175 : memref<1x80x128xf32, #tpu.memory_space<vmem>> -> memref<80x128xf32, #tpu.memory_space<vmem>>
        %dma_wait3A_177 = arith.constant 0 : i32
        %dma_wait3A_178 = tpu.memref_slice %arg7[%scan3A_145, %dma_wait3A_177] : memref<64x80xi32, #tpu.memory_space<vmem>> -> memref<1x80xi32, #tpu.memory_space<vmem>>
        %dma_wait3A_179 = tpu.memref_squeeze %dma_wait3A_178 : memref<1x80xi32, #tpu.memory_space<vmem>> -> memref<80xi32, #tpu.memory_space<vmem>>
        %dma_wait3A_180 = arith.constant 0 : i32
        %dma_wait3A_181 = arith.constant 0 : i32
        %dma_wait3A_182 = tpu.memref_slice %arg10[%dma_wait3A_180, %dma_wait3A_181] : memref<10000x128xf32, #tpu.memory_space<vmem_shared>> -> memref<10000x128xf32, #tpu.memory_space<vmem_shared>>
        tpu.wait_indirect_dma semaphore(%run_scoped3A : memref<!tpu.dma_semaphore, #tpu.memory_space<semaphore_mem>>) src(%dma_wait3A_176 : memref<80x128xf32, #tpu.memory_space<vmem>>) dst(%dma_wait3A_182 : memref<10000x128xf32, #tpu.memory_space<vmem_shared>>)
        tpu.yield
      }) : () -> ()
    }
    %scan3A_69 = arith.constant 64 : i32
    "tpu.region"() ({
      %run_scoped3A = tpu.sem_alloc : memref<!tpu.dma_semaphore, #tpu.memory_space<semaphore_mem>>
      %dma_start3A_145 = arith.constant 0 : i32
      %dma_start3A_146 = arith.constant 0 : i32
      %dma_start3A_147 = tpu.memref_slice %arg6[%dma_start3A_145, %dma_start3A_146] : memref<64x80xi32, #tpu.memory_space<vmem>> -> memref<61x80xi32, #tpu.memory_space<vmem>>
      %dma_start3A_148 = arith.constant 64 : i32
      %dma_start3A_149 = arith.constant 0 : i32
      %dma_start3A_150 = tpu.memref_slice %arg3[%add3A, %dma_start3A_148, %dma_start3A_149] : memref<32x125x80xi32, #tpu.memory_space<hbm>> -> memref<1x61x80xi32, #tpu.memory_space<hbm>>
      %dma_start3A_151 = tpu.memref_squeeze %dma_start3A_150 : memref<1x61x80xi32, #tpu.memory_space<hbm>> -> memref<61x80xi32, #tpu.memory_space<hbm>>
      %dma_start3A_152 = arith.constant 0 : i32
      %dma_start3A_153 = arith.constant 0 : i32
      %dma_start3A_154 = tpu.memref_slice %arg6[%dma_start3A_152, %dma_start3A_153] : memref<64x80xi32, #tpu.memory_space<vmem>> -> memref<61x80xi32, #tpu.memory_space<vmem>>
      %dma_start3A_155 = arith.constant 64 : i32
      %dma_start3A_156 = arith.constant 0 : i32
      %dma_start3A_157 = tpu.memref_slice %arg3[%add3A, %dma_start3A_155, %dma_start3A_156] : memref<32x125x80xi32, #tpu.memory_space<hbm>> -> memref<1x61x80xi32, #tpu.memory_space<hbm>>
      %dma_start3A_158 = tpu.memref_squeeze %dma_start3A_157 : memref<1x61x80xi32, #tpu.memory_space<hbm>> -> memref<61x80xi32, #tpu.memory_space<hbm>>
      tpu.enqueue_dma source(%dma_start3A_158 : memref<61x80xi32, #tpu.memory_space<hbm>>) target(%dma_start3A_154 : memref<61x80xi32, #tpu.memory_space<vmem>>) target_semaphore(%run_scoped3A : memref<!tpu.dma_semaphore, #tpu.memory_space<semaphore_mem>>)
      %dma_wait3A = arith.constant 0 : i32
      %dma_wait3A_159 = arith.constant 0 : i32
      %dma_wait3A_160 = tpu.memref_slice %arg6[%dma_wait3A, %dma_wait3A_159] : memref<64x80xi32, #tpu.memory_space<vmem>> -> memref<61x80xi32, #tpu.memory_space<vmem>>
      %dma_wait3A_161 = arith.constant 64 : i32
      %dma_wait3A_162 = arith.constant 0 : i32
      %dma_wait3A_163 = tpu.memref_slice %arg3[%add3A, %dma_wait3A_161, %dma_wait3A_162] : memref<32x125x80xi32, #tpu.memory_space<hbm>> -> memref<1x61x80xi32, #tpu.memory_space<hbm>>
      %dma_wait3A_164 = tpu.memref_squeeze %dma_wait3A_163 : memref<1x61x80xi32, #tpu.memory_space<hbm>> -> memref<61x80xi32, #tpu.memory_space<hbm>>
      %dma_wait3A_165 = arith.constant 0 : i32
      %dma_wait3A_166 = arith.constant 0 : i32
      %dma_wait3A_167 = tpu.memref_slice %arg6[%dma_wait3A_165, %dma_wait3A_166] : memref<64x80xi32, #tpu.memory_space<vmem>> -> memref<61x80xi32, #tpu.memory_space<vmem>>
      %dma_wait3A_168 = arith.constant 64 : i32
      %dma_wait3A_169 = arith.constant 0 : i32
      %dma_wait3A_170 = tpu.memref_slice %arg3[%add3A, %dma_wait3A_168, %dma_wait3A_169] : memref<32x125x80xi32, #tpu.memory_space<hbm>> -> memref<1x61x80xi32, #tpu.memory_space<hbm>>
      %dma_wait3A_171 = tpu.memref_squeeze %dma_wait3A_170 : memref<1x61x80xi32, #tpu.memory_space<hbm>> -> memref<61x80xi32, #tpu.memory_space<hbm>>
      tpu.wait_dma2 semaphore(%run_scoped3A : memref<!tpu.dma_semaphore, #tpu.memory_space<semaphore_mem>>) src(%dma_wait3A_171 : memref<61x80xi32, #tpu.memory_space<hbm>>) dst(%dma_wait3A_167 : memref<61x80xi32, #tpu.memory_space<vmem>>)
      tpu.yield
    }) : () -> ()
    "tpu.region"() ({
      %run_scoped3A = tpu.sem_alloc : memref<!tpu.dma_semaphore, #tpu.memory_space<semaphore_mem>>
      %dma_start3A_145 = arith.constant 0 : i32
      %dma_start3A_146 = arith.constant 0 : i32
      %dma_start3A_147 = tpu.memref_slice %arg7[%dma_start3A_145, %dma_start3A_146] : memref<64x80xi32, #tpu.memory_space<vmem>> -> memref<61x80xi32, #tpu.memory_space<vmem>>
      %dma_start3A_148 = arith.constant 64 : i32
      %dma_start3A_149 = arith.constant 0 : i32
      %dma_start3A_150 = tpu.memref_slice %arg4[%add3A, %dma_start3A_148, %dma_start3A_149] : memref<32x125x80xi32, #tpu.memory_space<hbm>> -> memref<1x61x80xi32, #tpu.memory_space<hbm>>
      %dma_start3A_151 = tpu.memref_squeeze %dma_start3A_150 : memref<1x61x80xi32, #tpu.memory_space<hbm>> -> memref<61x80xi32, #tpu.memory_space<hbm>>
      %dma_start3A_152 = arith.constant 0 : i32
      %dma_start3A_153 = arith.constant 0 : i32
      %dma_start3A_154 = tpu.memref_slice %arg7[%dma_start3A_152, %dma_start3A_153] : memref<64x80xi32, #tpu.memory_space<vmem>> -> memref<61x80xi32, #tpu.memory_space<vmem>>
      %dma_start3A_155 = arith.constant 64 : i32
      %dma_start3A_156 = arith.constant 0 : i32
      %dma_start3A_157 = tpu.memref_slice %arg4[%add3A, %dma_start3A_155, %dma_start3A_156] : memref<32x125x80xi32, #tpu.memory_space<hbm>> -> memref<1x61x80xi32, #tpu.memory_space<hbm>>
      %dma_start3A_158 = tpu.memref_squeeze %dma_start3A_157 : memref<1x61x80xi32, #tpu.memory_space<hbm>> -> memref<61x80xi32, #tpu.memory_space<hbm>>
      tpu.enqueue_dma source(%dma_start3A_158 : memref<61x80xi32, #tpu.memory_space<hbm>>) target(%dma_start3A_154 : memref<61x80xi32, #tpu.memory_space<vmem>>) target_semaphore(%run_scoped3A : memref<!tpu.dma_semaphore, #tpu.memory_space<semaphore_mem>>)
      %dma_wait3A = arith.constant 0 : i32
      %dma_wait3A_159 = arith.constant 0 : i32
      %dma_wait3A_160 = tpu.memref_slice %arg7[%dma_wait3A, %dma_wait3A_159] : memref<64x80xi32, #tpu.memory_space<vmem>> -> memref<61x80xi32, #tpu.memory_space<vmem>>
      %dma_wait3A_161 = arith.constant 64 : i32
      %dma_wait3A_162 = arith.constant 0 : i32
      %dma_wait3A_163 = tpu.memref_slice %arg4[%add3A, %dma_wait3A_161, %dma_wait3A_162] : memref<32x125x80xi32, #tpu.memory_space<hbm>> -> memref<1x61x80xi32, #tpu.memory_space<hbm>>
      %dma_wait3A_164 = tpu.memref_squeeze %dma_wait3A_163 : memref<1x61x80xi32, #tpu.memory_space<hbm>> -> memref<61x80xi32, #tpu.memory_space<hbm>>
      %dma_wait3A_165 = arith.constant 0 : i32
      %dma_wait3A_166 = arith.constant 0 : i32
      %dma_wait3A_167 = tpu.memref_slice %arg7[%dma_wait3A_165, %dma_wait3A_166] : memref<64x80xi32, #tpu.memory_space<vmem>> -> memref<61x80xi32, #tpu.memory_space<vmem>>
      %dma_wait3A_168 = arith.constant 64 : i32
      %dma_wait3A_169 = arith.constant 0 : i32
      %dma_wait3A_170 = tpu.memref_slice %arg4[%add3A, %dma_wait3A_168, %dma_wait3A_169] : memref<32x125x80xi32, #tpu.memory_space<hbm>> -> memref<1x61x80xi32, #tpu.memory_space<hbm>>
      %dma_wait3A_171 = tpu.memref_squeeze %dma_wait3A_170 : memref<1x61x80xi32, #tpu.memory_space<hbm>> -> memref<61x80xi32, #tpu.memory_space<hbm>>
      tpu.wait_dma2 semaphore(%run_scoped3A : memref<!tpu.dma_semaphore, #tpu.memory_space<semaphore_mem>>) src(%dma_wait3A_171 : memref<61x80xi32, #tpu.memory_space<hbm>>) dst(%dma_wait3A_167 : memref<61x80xi32, #tpu.memory_space<vmem>>)
      tpu.yield
    }) : () -> ()
    %dma_start3A_70 = arith.constant 0 : i32
    %dma_start3A_71 = arith.constant 0 : i32
    %dma_start3A_72 = arith.constant 0 : i32
    %dma_start3A_73 = arith.constant 0 : i32
    %dma_start3A_74 = tpu.memref_slice %arg8[%dma_start3A_71, %dma_start3A_72, %dma_start3A_73] : memref<2x80x128xf32, #tpu.memory_space<vmem>> -> memref<1x80x128xf32, #tpu.memory_space<vmem>>
    %dma_start3A_75 = tpu.memref_squeeze %dma_start3A_74 : memref<1x80x128xf32, #tpu.memory_space<vmem>> -> memref<80x128xf32, #tpu.memory_space<vmem>>
    %dma_start3A_76 = arith.constant 0 : i32
    %dma_start3A_77 = tpu.memref_slice %arg6[%dma_start3A_70, %dma_start3A_76] : memref<64x80xi32, #tpu.memory_space<vmem>> -> memref<1x80xi32, #tpu.memory_space<vmem>>
    %dma_start3A_78 = tpu.memref_squeeze %dma_start3A_77 : memref<1x80xi32, #tpu.memory_space<vmem>> -> memref<80xi32, #tpu.memory_space<vmem>>
    %dma_start3A_79 = arith.constant 0 : i32
    %dma_start3A_80 = arith.constant 0 : i32
    %dma_start3A_81 = tpu.memref_slice %arg2[%dma_start3A_79, %dma_start3A_80] : memref<10000x128xf32, #tpu.memory_space<hbm>> -> memref<10000x128xf32, #tpu.memory_space<hbm>>
    tpu.enqueue_indirect_dma source(%dma_start3A_81 : memref<10000x128xf32, #tpu.memory_space<hbm>>) target(%dma_start3A_75 : memref<80x128xf32, #tpu.memory_space<vmem>>) offsets(%dma_start3A_78 : memref<80xi32, #tpu.memory_space<vmem>>) semaphore(%arg9 : memref<!tpu.dma_semaphore, #tpu.memory_space<semaphore_mem>>)
    %scan3A_82 = arith.constant 0 : i32
    %scan3A_83 = arith.constant 0 : i32
    %scan3A_84 = arith.constant 61 : i32
    %scan3A_85 = arith.addi %scan3A_83, %scan3A_84 : i32
    %scan3A_86 = arith.constant 1 : i32
    scf.for %scan3A_145 = %scan3A_83 to %scan3A_85 step %scan3A_86  : i32 {
      %rem3A = arith.constant 2 : i32
      %rem3A_146 = arith.remsi %scan3A_145, %rem3A : i32
      %dma_wait3A = arith.constant 0 : i32
      %dma_wait3A_147 = arith.constant 0 : i32
      %dma_wait3A_148 = tpu.memref_slice %arg8[%rem3A_146, %dma_wait3A, %dma_wait3A_147] : memref<2x80x128xf32, #tpu.memory_space<vmem>> -> memref<1x80x128xf32, #tpu.memory_space<vmem>>
      %dma_wait3A_149 = tpu.memref_squeeze %dma_wait3A_148 : memref<1x80x128xf32, #tpu.memory_space<vmem>> -> memref<80x128xf32, #tpu.memory_space<vmem>>
      %dma_wait3A_150 = arith.constant 0 : i32
      %dma_wait3A_151 = tpu.memref_slice %arg6[%scan3A_145, %dma_wait3A_150] : memref<64x80xi32, #tpu.memory_space<vmem>> -> memref<1x80xi32, #tpu.memory_space<vmem>>
      %dma_wait3A_152 = tpu.memref_squeeze %dma_wait3A_151 : memref<1x80xi32, #tpu.memory_space<vmem>> -> memref<80xi32, #tpu.memory_space<vmem>>
      %dma_wait3A_153 = arith.constant 0 : i32
      %dma_wait3A_154 = arith.constant 0 : i32
      %dma_wait3A_155 = tpu.memref_slice %arg2[%dma_wait3A_153, %dma_wait3A_154] : memref<10000x128xf32, #tpu.memory_space<hbm>> -> memref<10000x128xf32, #tpu.memory_space<hbm>>
      tpu.wait_indirect_dma semaphore(%arg9 : memref<!tpu.dma_semaphore, #tpu.memory_space<semaphore_mem>>) src(%dma_wait3A_155 : memref<10000x128xf32, #tpu.memory_space<hbm>>) dst(%dma_wait3A_149 : memref<80x128xf32, #tpu.memory_space<vmem>>)
      %add3A_156 = arith.constant 1 : i32
      %add3A_157 = arith.addi %scan3A_145, %add3A_156 : i32
      %lt3A_158 = arith.constant 61 : i32
      %lt3A_159 = arith.cmpi slt, %add3A_157, %lt3A_158 : i32
      %convert_element_type3A_160 = arith.extui %lt3A_159 : i1 to i32
      %cond3A_161 = arith.constant 0 : i32
      %cond3A_162 = arith.cmpi ne, %convert_element_type3A_160, %cond3A_161 : i32
      scf.if %cond3A_162 {
        %add3A_163 = arith.constant 1 : i32
        %add3A_164 = arith.addi %scan3A_145, %add3A_163 : i32
        %sub3A = arith.constant 1 : i32
        %sub3A_165 = arith.subi %sub3A, %rem3A_146 : i32
        %dma_start3A_166 = arith.constant 0 : i32
        %dma_start3A_167 = arith.constant 0 : i32
        %dma_start3A_168 = tpu.memref_slice %arg8[%sub3A_165, %dma_start3A_166, %dma_start3A_167] : memref<2x80x128xf32, #tpu.memory_space<vmem>> -> memref<1x80x128xf32, #tpu.memory_space<vmem>>
        %dma_start3A_169 = tpu.memref_squeeze %dma_start3A_168 : memref<1x80x128xf32, #tpu.memory_space<vmem>> -> memref<80x128xf32, #tpu.memory_space<vmem>>
        %dma_start3A_170 = arith.constant 0 : i32
        %dma_start3A_171 = tpu.memref_slice %arg6[%add3A_164, %dma_start3A_170] : memref<64x80xi32, #tpu.memory_space<vmem>> -> memref<1x80xi32, #tpu.memory_space<vmem>>
        %dma_start3A_172 = tpu.memref_squeeze %dma_start3A_171 : memref<1x80xi32, #tpu.memory_space<vmem>> -> memref<80xi32, #tpu.memory_space<vmem>>
        %dma_start3A_173 = arith.constant 0 : i32
        %dma_start3A_174 = arith.constant 0 : i32
        %dma_start3A_175 = tpu.memref_slice %arg2[%dma_start3A_173, %dma_start3A_174] : memref<10000x128xf32, #tpu.memory_space<hbm>> -> memref<10000x128xf32, #tpu.memory_space<hbm>>
        tpu.enqueue_indirect_dma source(%dma_start3A_175 : memref<10000x128xf32, #tpu.memory_space<hbm>>) target(%dma_start3A_169 : memref<80x128xf32, #tpu.memory_space<vmem>>) offsets(%dma_start3A_172 : memref<80xi32, #tpu.memory_space<vmem>>) semaphore(%arg9 : memref<!tpu.dma_semaphore, #tpu.memory_space<semaphore_mem>>)
      } else {
      }
      "tpu.region"() ({
        %run_scoped3A = tpu.sem_alloc : memref<!tpu.dma_semaphore, #tpu.memory_space<semaphore_mem>>
        %dma_start3A_163 = arith.constant 0 : i32
        %dma_start3A_164 = arith.constant 0 : i32
        %dma_start3A_165 = tpu.memref_slice %arg8[%rem3A_146, %dma_start3A_163, %dma_start3A_164] : memref<2x80x128xf32, #tpu.memory_space<vmem>> -> memref<1x80x128xf32, #tpu.memory_space<vmem>>
        %dma_start3A_166 = tpu.memref_squeeze %dma_start3A_165 : memref<1x80x128xf32, #tpu.memory_space<vmem>> -> memref<80x128xf32, #tpu.memory_space<vmem>>
        %dma_start3A_167 = arith.constant 0 : i32
        %dma_start3A_168 = tpu.memref_slice %arg7[%scan3A_145, %dma_start3A_167] : memref<64x80xi32, #tpu.memory_space<vmem>> -> memref<1x80xi32, #tpu.memory_space<vmem>>
        %dma_start3A_169 = tpu.memref_squeeze %dma_start3A_168 : memref<1x80xi32, #tpu.memory_space<vmem>> -> memref<80xi32, #tpu.memory_space<vmem>>
        %dma_start3A_170 = arith.constant 0 : i32
        %dma_start3A_171 = arith.constant 0 : i32
        %dma_start3A_172 = tpu.memref_slice %arg10[%dma_start3A_170, %dma_start3A_171] : memref<10000x128xf32, #tpu.memory_space<vmem_shared>> -> memref<10000x128xf32, #tpu.memory_space<vmem_shared>>
        tpu.enqueue_indirect_dma source(%dma_start3A_166 : memref<80x128xf32, #tpu.memory_space<vmem>>) target(%dma_start3A_172 : memref<10000x128xf32, #tpu.memory_space<vmem_shared>>) offsets(%dma_start3A_169 : memref<80xi32, #tpu.memory_space<vmem>>) semaphore(%run_scoped3A : memref<!tpu.dma_semaphore, #tpu.memory_space<semaphore_mem>>) {add = true}
        %dma_wait3A_173 = arith.constant 0 : i32
        %dma_wait3A_174 = arith.constant 0 : i32
        %dma_wait3A_175 = tpu.memref_slice %arg8[%rem3A_146, %dma_wait3A_173, %dma_wait3A_174] : memref<2x80x128xf32, #tpu.memory_space<vmem>> -> memref<1x80x128xf32, #tpu.memory_space<vmem>>
        %dma_wait3A_176 = tpu.memref_squeeze %dma_wait3A_175 : memref<1x80x128xf32, #tpu.memory_space<vmem>> -> memref<80x128xf32, #tpu.memory_space<vmem>>
        %dma_wait3A_177 = arith.constant 0 : i32
        %dma_wait3A_178 = tpu.memref_slice %arg7[%scan3A_145, %dma_wait3A_177] : memref<64x80xi32, #tpu.memory_space<vmem>> -> memref<1x80xi32, #tpu.memory_space<vmem>>
        %dma_wait3A_179 = tpu.memref_squeeze %dma_wait3A_178 : memref<1x80xi32, #tpu.memory_space<vmem>> -> memref<80xi32, #tpu.memory_space<vmem>>
        %dma_wait3A_180 = arith.constant 0 : i32
        %dma_wait3A_181 = arith.constant 0 : i32
        %dma_wait3A_182 = tpu.memref_slice %arg10[%dma_wait3A_180, %dma_wait3A_181] : memref<10000x128xf32, #tpu.memory_space<vmem_shared>> -> memref<10000x128xf32, #tpu.memory_space<vmem_shared>>
        tpu.wait_indirect_dma semaphore(%run_scoped3A : memref<!tpu.dma_semaphore, #tpu.memory_space<semaphore_mem>>) src(%dma_wait3A_176 : memref<80x128xf32, #tpu.memory_space<vmem>>) dst(%dma_wait3A_182 : memref<10000x128xf32, #tpu.memory_space<vmem_shared>>)
        tpu.yield
      }) : () -> ()
    }
    %scan3A_87 = arith.constant 61 : i32
    %barrier3A_88 = arith.constant 0 : index
    tpu.barrier barrier_id(%barrier3A_88)
    %add3A_89 = arith.constant 0 : i32
    %add3A_90 = arith.addi %arg1, %add3A_89 : i32
    %lt3A_91 = arith.constant 125 : i32
    %lt3A_92 = arith.cmpi slt, %add3A_90, %lt3A_91 : i32
    %convert_element_type3A_93 = arith.extui %lt3A_92 : i1 to i32
    %cond3A_94 = arith.constant 0 : i32
    %cond3A_95 = arith.cmpi ne, %convert_element_type3A_93, %cond3A_94 : i32
    scf.if %cond3A_95 {
      %mul3A_145 = arith.constant 80 : i32
      %mul3A_146 = arith.muli %add3A_90, %mul3A_145 : i32
      %run_scoped3A = arith.constant 0 : i32
      "tpu.region"() ({
        %run_scoped3A_150 = tpu.sem_alloc : memref<!tpu.dma_semaphore, #tpu.memory_space<semaphore_mem>>
        %dma_start3A_151 = arith.constant 0 : i32
        %dma_start3A_152 = arith.constant 0 : i32
        %dma_start3A_153 = tpu.memref_slice %arg8[%run_scoped3A, %dma_start3A_151, %dma_start3A_152] : memref<2x80x128xf32, #tpu.memory_space<vmem>> -> memref<1x80x128xf32, #tpu.memory_space<vmem>>
        %dma_start3A_154 = tpu.memref_squeeze %dma_start3A_153 : memref<1x80x128xf32, #tpu.memory_space<vmem>> -> memref<80x128xf32, #tpu.memory_space<vmem>>
        %dma_start3A_155 = arith.constant 0 : i32
        %dma_start3A_156 = tpu.memref_slice %arg10[%mul3A_146, %dma_start3A_155] : memref<10000x128xf32, #tpu.memory_space<vmem_shared>> -> memref<80x128xf32, #tpu.memory_space<vmem_shared>>
        %dma_start3A_157 = arith.constant 0 : i32
        %dma_start3A_158 = arith.constant 0 : i32
        %dma_start3A_159 = tpu.memref_slice %arg8[%run_scoped3A, %dma_start3A_157, %dma_start3A_158] : memref<2x80x128xf32, #tpu.memory_space<vmem>> -> memref<1x80x128xf32, #tpu.memory_space<vmem>>
        %dma_start3A_160 = tpu.memref_squeeze %dma_start3A_159 : memref<1x80x128xf32, #tpu.memory_space<vmem>> -> memref<80x128xf32, #tpu.memory_space<vmem>>
        %dma_start3A_161 = arith.constant 0 : i32
        %dma_start3A_162 = tpu.memref_slice %arg10[%mul3A_146, %dma_start3A_161] : memref<10000x128xf32, #tpu.memory_space<vmem_shared>> -> memref<80x128xf32, #tpu.memory_space<vmem_shared>>
        tpu.enqueue_dma source(%dma_start3A_162 : memref<80x128xf32, #tpu.memory_space<vmem_shared>>) target(%dma_start3A_160 : memref<80x128xf32, #tpu.memory_space<vmem>>) target_semaphore(%run_scoped3A_150 : memref<!tpu.dma_semaphore, #tpu.memory_space<semaphore_mem>>)
        %dma_wait3A = arith.constant 0 : i32
        %dma_wait3A_163 = arith.constant 0 : i32
        %dma_wait3A_164 = tpu.memref_slice %arg8[%run_scoped3A, %dma_wait3A, %dma_wait3A_163] : memref<2x80x128xf32, #tpu.memory_space<vmem>> -> memref<1x80x128xf32, #tpu.memory_space<vmem>>
        %dma_wait3A_165 = tpu.memref_squeeze %dma_wait3A_164 : memref<1x80x128xf32, #tpu.memory_space<vmem>> -> memref<80x128xf32, #tpu.memory_space<vmem>>
        %dma_wait3A_166 = arith.constant 0 : i32
        %dma_wait3A_167 = tpu.memref_slice %arg10[%mul3A_146, %dma_wait3A_166] : memref<10000x128xf32, #tpu.memory_space<vmem_shared>> -> memref<80x128xf32, #tpu.memory_space<vmem_shared>>
        %dma_wait3A_168 = arith.constant 0 : i32
        %dma_wait3A_169 = arith.constant 0 : i32
        %dma_wait3A_170 = tpu.memref_slice %arg8[%run_scoped3A, %dma_wait3A_168, %dma_wait3A_169] : memref<2x80x128xf32, #tpu.memory_space<vmem>> -> memref<1x80x128xf32, #tpu.memory_space<vmem>>
        %dma_wait3A_171 = tpu.memref_squeeze %dma_wait3A_170 : memref<1x80x128xf32, #tpu.memory_space<vmem>> -> memref<80x128xf32, #tpu.memory_space<vmem>>
        %dma_wait3A_172 = arith.constant 0 : i32
        %dma_wait3A_173 = tpu.memref_slice %arg10[%mul3A_146, %dma_wait3A_172] : memref<10000x128xf32, #tpu.memory_space<vmem_shared>> -> memref<80x128xf32, #tpu.memory_space<vmem_shared>>
        tpu.wait_dma2 semaphore(%run_scoped3A_150 : memref<!tpu.dma_semaphore, #tpu.memory_space<semaphore_mem>>) src(%dma_wait3A_173 : memref<80x128xf32, #tpu.memory_space<vmem_shared>>) dst(%dma_wait3A_171 : memref<80x128xf32, #tpu.memory_space<vmem>>)
        tpu.yield
      }) : () -> ()
      %mul3A_147 = arith.constant 80 : i32
      %mul3A_148 = arith.muli %add3A_90, %mul3A_147 : i32
      %run_scoped3A_149 = arith.constant 0 : i32
      "tpu.region"() ({
        %run_scoped3A_150 = tpu.sem_alloc : memref<!tpu.dma_semaphore, #tpu.memory_space<semaphore_mem>>
        %dma_start3A_151 = arith.constant 0 : i32
        %dma_start3A_152 = arith.constant 0 : i32
        %dma_start3A_153 = tpu.memref_slice %arg8[%run_scoped3A_149, %dma_start3A_151, %dma_start3A_152] : memref<2x80x128xf32, #tpu.memory_space<vmem>> -> memref<1x80x128xf32, #tpu.memory_space<vmem>>
        %dma_start3A_154 = tpu.memref_squeeze %dma_start3A_153 : memref<1x80x128xf32, #tpu.memory_space<vmem>> -> memref<80x128xf32, #tpu.memory_space<vmem>>
        %dma_start3A_155 = arith.constant 0 : i32
        %dma_start3A_156 = tpu.memref_slice %arg5[%arg0, %mul3A_148, %dma_start3A_155] : memref<2x10000x128xf32, #tpu.memory_space<hbm>> -> memref<1x80x128xf32, #tpu.memory_space<hbm>>
        %dma_start3A_157 = tpu.memref_squeeze %dma_start3A_156 : memref<1x80x128xf32, #tpu.memory_space<hbm>> -> memref<80x128xf32, #tpu.memory_space<hbm>>
        %dma_start3A_158 = arith.constant 0 : i32
        %dma_start3A_159 = tpu.memref_slice %arg5[%arg0, %mul3A_148, %dma_start3A_158] : memref<2x10000x128xf32, #tpu.memory_space<hbm>> -> memref<1x80x128xf32, #tpu.memory_space<hbm>>
        %dma_start3A_160 = tpu.memref_squeeze %dma_start3A_159 : memref<1x80x128xf32, #tpu.memory_space<hbm>> -> memref<80x128xf32, #tpu.memory_space<hbm>>
        %dma_start3A_161 = arith.constant 0 : i32
        %dma_start3A_162 = arith.constant 0 : i32
        %dma_start3A_163 = tpu.memref_slice %arg8[%run_scoped3A_149, %dma_start3A_161, %dma_start3A_162] : memref<2x80x128xf32, #tpu.memory_space<vmem>> -> memref<1x80x128xf32, #tpu.memory_space<vmem>>
        %dma_start3A_164 = tpu.memref_squeeze %dma_start3A_163 : memref<1x80x128xf32, #tpu.memory_space<vmem>> -> memref<80x128xf32, #tpu.memory_space<vmem>>
        tpu.enqueue_dma source(%dma_start3A_164 : memref<80x128xf32, #tpu.memory_space<vmem>>) target(%dma_start3A_160 : memref<80x128xf32, #tpu.memory_space<hbm>>) target_semaphore(%run_scoped3A_150 : memref<!tpu.dma_semaphore, #tpu.memory_space<semaphore_mem>>)
        %dma_wait3A = arith.constant 0 : i32
        %dma_wait3A_165 = arith.constant 0 : i32
        %dma_wait3A_166 = tpu.memref_slice %arg8[%run_scoped3A_149, %dma_wait3A, %dma_wait3A_165] : memref<2x80x128xf32, #tpu.memory_space<vmem>> -> memref<1x80x128xf32, #tpu.memory_space<vmem>>
        %dma_wait3A_167 = tpu.memref_squeeze %dma_wait3A_166 : memref<1x80x128xf32, #tpu.memory_space<vmem>> -> memref<80x128xf32, #tpu.memory_space<vmem>>
        %dma_wait3A_168 = arith.constant 0 : i32
        %dma_wait3A_169 = tpu.memref_slice %arg5[%arg0, %mul3A_148, %dma_wait3A_168] : memref<2x10000x128xf32, #tpu.memory_space<hbm>> -> memref<1x80x128xf32, #tpu.memory_space<hbm>>
        %dma_wait3A_170 = tpu.memref_squeeze %dma_wait3A_169 : memref<1x80x128xf32, #tpu.memory_space<hbm>> -> memref<80x128xf32, #tpu.memory_space<hbm>>
        %dma_wait3A_171 = arith.constant 0 : i32
        %dma_wait3A_172 = tpu.memref_slice %arg5[%arg0, %mul3A_148, %dma_wait3A_171] : memref<2x10000x128xf32, #tpu.memory_space<hbm>> -> memref<1x80x128xf32, #tpu.memory_space<hbm>>
        %dma_wait3A_173 = tpu.memref_squeeze %dma_wait3A_172 : memref<1x80x128xf32, #tpu.memory_space<hbm>> -> memref<80x128xf32, #tpu.memory_space<hbm>>
        %dma_wait3A_174 = arith.constant 0 : i32
        %dma_wait3A_175 = arith.constant 0 : i32
        %dma_wait3A_176 = tpu.memref_slice %arg8[%run_scoped3A_149, %dma_wait3A_174, %dma_wait3A_175] : memref<2x80x128xf32, #tpu.memory_space<vmem>> -> memref<1x80x128xf32, #tpu.memory_space<vmem>>
        %dma_wait3A_177 = tpu.memref_squeeze %dma_wait3A_176 : memref<1x80x128xf32, #tpu.memory_space<vmem>> -> memref<80x128xf32, #tpu.memory_space<vmem>>
        tpu.wait_dma2 semaphore(%run_scoped3A_150 : memref<!tpu.dma_semaphore, #tpu.memory_space<semaphore_mem>>) src(%dma_wait3A_177 : memref<80x128xf32, #tpu.memory_space<vmem>>) dst(%dma_wait3A_173 : memref<80x128xf32, #tpu.memory_space<hbm>>)
        tpu.yield
      }) : () -> ()
    } else {
    }
    %add3A_96 = arith.constant 16 : i32
    %add3A_97 = arith.addi %arg1, %add3A_96 : i32
    %lt3A_98 = arith.constant 125 : i32
    %lt3A_99 = arith.cmpi slt, %add3A_97, %lt3A_98 : i32
    %convert_element_type3A_100 = arith.extui %lt3A_99 : i1 to i32
    %cond3A_101 = arith.constant 0 : i32
    %cond3A_102 = arith.cmpi ne, %convert_element_type3A_100, %cond3A_101 : i32
    scf.if %cond3A_102 {
      %mul3A_145 = arith.constant 80 : i32
      %mul3A_146 = arith.muli %add3A_97, %mul3A_145 : i32
      %run_scoped3A = arith.constant 0 : i32
      "tpu.region"() ({
        %run_scoped3A_150 = tpu.sem_alloc : memref<!tpu.dma_semaphore, #tpu.memory_space<semaphore_mem>>
        %dma_start3A_151 = arith.constant 0 : i32
        %dma_start3A_152 = arith.constant 0 : i32
        %dma_start3A_153 = tpu.memref_slice %arg8[%run_scoped3A, %dma_start3A_151, %dma_start3A_152] : memref<2x80x128xf32, #tpu.memory_space<vmem>> -> memref<1x80x128xf32, #tpu.memory_space<vmem>>
        %dma_start3A_154 = tpu.memref_squeeze %dma_start3A_153 : memref<1x80x128xf32, #tpu.memory_space<vmem>> -> memref<80x128xf32, #tpu.memory_space<vmem>>
        %dma_start3A_155 = arith.constant 0 : i32
        %dma_start3A_156 = tpu.memref_slice %arg10[%mul3A_146, %dma_start3A_155] : memref<10000x128xf32, #tpu.memory_space<vmem_shared>> -> memref<80x128xf32, #tpu.memory_space<vmem_shared>>
        %dma_start3A_157 = arith.constant 0 : i32
        %dma_start3A_158 = arith.constant 0 : i32
        %dma_start3A_159 = tpu.memref_slice %arg8[%run_scoped3A, %dma_start3A_157, %dma_start3A_158] : memref<2x80x128xf32, #tpu.memory_space<vmem>> -> memref<1x80x128xf32, #tpu.memory_space<vmem>>
        %dma_start3A_160 = tpu.memref_squeeze %dma_start3A_159 : memref<1x80x128xf32, #tpu.memory_space<vmem>> -> memref<80x128xf32, #tpu.memory_space<vmem>>
        %dma_start3A_161 = arith.constant 0 : i32
        %dma_start3A_162 = tpu.memref_slice %arg10[%mul3A_146, %dma_start3A_161] : memref<10000x128xf32, #tpu.memory_space<vmem_shared>> -> memref<80x128xf32, #tpu.memory_space<vmem_shared>>
        tpu.enqueue_dma source(%dma_start3A_162 : memref<80x128xf32, #tpu.memory_space<vmem_shared>>) target(%dma_start3A_160 : memref<80x128xf32, #tpu.memory_space<vmem>>) target_semaphore(%run_scoped3A_150 : memref<!tpu.dma_semaphore, #tpu.memory_space<semaphore_mem>>)
        %dma_wait3A = arith.constant 0 : i32
        %dma_wait3A_163 = arith.constant 0 : i32
        %dma_wait3A_164 = tpu.memref_slice %arg8[%run_scoped3A, %dma_wait3A, %dma_wait3A_163] : memref<2x80x128xf32, #tpu.memory_space<vmem>> -> memref<1x80x128xf32, #tpu.memory_space<vmem>>
        %dma_wait3A_165 = tpu.memref_squeeze %dma_wait3A_164 : memref<1x80x128xf32, #tpu.memory_space<vmem>> -> memref<80x128xf32, #tpu.memory_space<vmem>>
        %dma_wait3A_166 = arith.constant 0 : i32
        %dma_wait3A_167 = tpu.memref_slice %arg10[%mul3A_146, %dma_wait3A_166] : memref<10000x128xf32, #tpu.memory_space<vmem_shared>> -> memref<80x128xf32, #tpu.memory_space<vmem_shared>>
        %dma_wait3A_168 = arith.constant 0 : i32
        %dma_wait3A_169 = arith.constant 0 : i32
        %dma_wait3A_170 = tpu.memref_slice %arg8[%run_scoped3A, %dma_wait3A_168, %dma_wait3A_169] : memref<2x80x128xf32, #tpu.memory_space<vmem>> -> memref<1x80x128xf32, #tpu.memory_space<vmem>>
        %dma_wait3A_171 = tpu.memref_squeeze %dma_wait3A_170 : memref<1x80x128xf32, #tpu.memory_space<vmem>> -> memref<80x128xf32, #tpu.memory_space<vmem>>
        %dma_wait3A_172 = arith.constant 0 : i32
        %dma_wait3A_173 = tpu.memref_slice %arg10[%mul3A_146, %dma_wait3A_172] : memref<10000x128xf32, #tpu.memory_space<vmem_shared>> -> memref<80x128xf32, #tpu.memory_space<vmem_shared>>
        tpu.wait_dma2 semaphore(%run_scoped3A_150 : memref<!tpu.dma_semaphore, #tpu.memory_space<semaphore_mem>>) src(%dma_wait3A_173 : memref<80x128xf32, #tpu.memory_space<vmem_shared>>) dst(%dma_wait3A_171 : memref<80x128xf32, #tpu.memory_space<vmem>>)
        tpu.yield
      }) : () -> ()
      %mul3A_147 = arith.constant 80 : i32
      %mul3A_148 = arith.muli %add3A_97, %mul3A_147 : i32
      %run_scoped3A_149 = arith.constant 0 : i32
      "tpu.region"() ({
        %run_scoped3A_150 = tpu.sem_alloc : memref<!tpu.dma_semaphore, #tpu.memory_space<semaphore_mem>>
        %dma_start3A_151 = arith.constant 0 : i32
        %dma_start3A_152 = arith.constant 0 : i32
        %dma_start3A_153 = tpu.memref_slice %arg8[%run_scoped3A_149, %dma_start3A_151, %dma_start3A_152] : memref<2x80x128xf32, #tpu.memory_space<vmem>> -> memref<1x80x128xf32, #tpu.memory_space<vmem>>
        %dma_start3A_154 = tpu.memref_squeeze %dma_start3A_153 : memref<1x80x128xf32, #tpu.memory_space<vmem>> -> memref<80x128xf32, #tpu.memory_space<vmem>>
        %dma_start3A_155 = arith.constant 0 : i32
        %dma_start3A_156 = tpu.memref_slice %arg5[%arg0, %mul3A_148, %dma_start3A_155] : memref<2x10000x128xf32, #tpu.memory_space<hbm>> -> memref<1x80x128xf32, #tpu.memory_space<hbm>>
        %dma_start3A_157 = tpu.memref_squeeze %dma_start3A_156 : memref<1x80x128xf32, #tpu.memory_space<hbm>> -> memref<80x128xf32, #tpu.memory_space<hbm>>
        %dma_start3A_158 = arith.constant 0 : i32
        %dma_start3A_159 = tpu.memref_slice %arg5[%arg0, %mul3A_148, %dma_start3A_158] : memref<2x10000x128xf32, #tpu.memory_space<hbm>> -> memref<1x80x128xf32, #tpu.memory_space<hbm>>
        %dma_start3A_160 = tpu.memref_squeeze %dma_start3A_159 : memref<1x80x128xf32, #tpu.memory_space<hbm>> -> memref<80x128xf32, #tpu.memory_space<hbm>>
        %dma_start3A_161 = arith.constant 0 : i32
        %dma_start3A_162 = arith.constant 0 : i32
        %dma_start3A_163 = tpu.memref_slice %arg8[%run_scoped3A_149, %dma_start3A_161, %dma_start3A_162] : memref<2x80x128xf32, #tpu.memory_space<vmem>> -> memref<1x80x128xf32, #tpu.memory_space<vmem>>
        %dma_start3A_164 = tpu.memref_squeeze %dma_start3A_163 : memref<1x80x128xf32, #tpu.memory_space<vmem>> -> memref<80x128xf32, #tpu.memory_space<vmem>>
        tpu.enqueue_dma source(%dma_start3A_164 : memref<80x128xf32, #tpu.memory_space<vmem>>) target(%dma_start3A_160 : memref<80x128xf32, #tpu.memory_space<hbm>>) target_semaphore(%run_scoped3A_150 : memref<!tpu.dma_semaphore, #tpu.memory_space<semaphore_mem>>)
        %dma_wait3A = arith.constant 0 : i32
        %dma_wait3A_165 = arith.constant 0 : i32
        %dma_wait3A_166 = tpu.memref_slice %arg8[%run_scoped3A_149, %dma_wait3A, %dma_wait3A_165] : memref<2x80x128xf32, #tpu.memory_space<vmem>> -> memref<1x80x128xf32, #tpu.memory_space<vmem>>
        %dma_wait3A_167 = tpu.memref_squeeze %dma_wait3A_166 : memref<1x80x128xf32, #tpu.memory_space<vmem>> -> memref<80x128xf32, #tpu.memory_space<vmem>>
        %dma_wait3A_168 = arith.constant 0 : i32
        %dma_wait3A_169 = tpu.memref_slice %arg5[%arg0, %mul3A_148, %dma_wait3A_168] : memref<2x10000x128xf32, #tpu.memory_space<hbm>> -> memref<1x80x128xf32, #tpu.memory_space<hbm>>
        %dma_wait3A_170 = tpu.memref_squeeze %dma_wait3A_169 : memref<1x80x128xf32, #tpu.memory_space<hbm>> -> memref<80x128xf32, #tpu.memory_space<hbm>>
        %dma_wait3A_171 = arith.constant 0 : i32
        %dma_wait3A_172 = tpu.memref_slice %arg5[%arg0, %mul3A_148, %dma_wait3A_171] : memref<2x10000x128xf32, #tpu.memory_space<hbm>> -> memref<1x80x128xf32, #tpu.memory_space<hbm>>
        %dma_wait3A_173 = tpu.memref_squeeze %dma_wait3A_172 : memref<1x80x128xf32, #tpu.memory_space<hbm>> -> memref<80x128xf32, #tpu.memory_space<hbm>>
        %dma_wait3A_174 = arith.constant 0 : i32
        %dma_wait3A_175 = arith.constant 0 : i32
        %dma_wait3A_176 = tpu.memref_slice %arg8[%run_scoped3A_149, %dma_wait3A_174, %dma_wait3A_175] : memref<2x80x128xf32, #tpu.memory_space<vmem>> -> memref<1x80x128xf32, #tpu.memory_space<vmem>>
        %dma_wait3A_177 = tpu.memref_squeeze %dma_wait3A_176 : memref<1x80x128xf32, #tpu.memory_space<vmem>> -> memref<80x128xf32, #tpu.memory_space<vmem>>
        tpu.wait_dma2 semaphore(%run_scoped3A_150 : memref<!tpu.dma_semaphore, #tpu.memory_space<semaphore_mem>>) src(%dma_wait3A_177 : memref<80x128xf32, #tpu.memory_space<vmem>>) dst(%dma_wait3A_173 : memref<80x128xf32, #tpu.memory_space<hbm>>)
        tpu.yield
      }) : () -> ()
    } else {
    }
    %add3A_103 = arith.constant 32 : i32
    %add3A_104 = arith.addi %arg1, %add3A_103 : i32
    %lt3A_105 = arith.constant 125 : i32
    %lt3A_106 = arith.cmpi slt, %add3A_104, %lt3A_105 : i32
    %convert_element_type3A_107 = arith.extui %lt3A_106 : i1 to i32
    %cond3A_108 = arith.constant 0 : i32
    %cond3A_109 = arith.cmpi ne, %convert_element_type3A_107, %cond3A_108 : i32
    scf.if %cond3A_109 {
      %mul3A_145 = arith.constant 80 : i32
      %mul3A_146 = arith.muli %add3A_104, %mul3A_145 : i32
      %run_scoped3A = arith.constant 0 : i32
      "tpu.region"() ({
        %run_scoped3A_150 = tpu.sem_alloc : memref<!tpu.dma_semaphore, #tpu.memory_space<semaphore_mem>>
        %dma_start3A_151 = arith.constant 0 : i32
        %dma_start3A_152 = arith.constant 0 : i32
        %dma_start3A_153 = tpu.memref_slice %arg8[%run_scoped3A, %dma_start3A_151, %dma_start3A_152] : memref<2x80x128xf32, #tpu.memory_space<vmem>> -> memref<1x80x128xf32, #tpu.memory_space<vmem>>
        %dma_start3A_154 = tpu.memref_squeeze %dma_start3A_153 : memref<1x80x128xf32, #tpu.memory_space<vmem>> -> memref<80x128xf32, #tpu.memory_space<vmem>>
        %dma_start3A_155 = arith.constant 0 : i32
        %dma_start3A_156 = tpu.memref_slice %arg10[%mul3A_146, %dma_start3A_155] : memref<10000x128xf32, #tpu.memory_space<vmem_shared>> -> memref<80x128xf32, #tpu.memory_space<vmem_shared>>
        %dma_start3A_157 = arith.constant 0 : i32
        %dma_start3A_158 = arith.constant 0 : i32
        %dma_start3A_159 = tpu.memref_slice %arg8[%run_scoped3A, %dma_start3A_157, %dma_start3A_158] : memref<2x80x128xf32, #tpu.memory_space<vmem>> -> memref<1x80x128xf32, #tpu.memory_space<vmem>>
        %dma_start3A_160 = tpu.memref_squeeze %dma_start3A_159 : memref<1x80x128xf32, #tpu.memory_space<vmem>> -> memref<80x128xf32, #tpu.memory_space<vmem>>
        %dma_start3A_161 = arith.constant 0 : i32
        %dma_start3A_162 = tpu.memref_slice %arg10[%mul3A_146, %dma_start3A_161] : memref<10000x128xf32, #tpu.memory_space<vmem_shared>> -> memref<80x128xf32, #tpu.memory_space<vmem_shared>>
        tpu.enqueue_dma source(%dma_start3A_162 : memref<80x128xf32, #tpu.memory_space<vmem_shared>>) target(%dma_start3A_160 : memref<80x128xf32, #tpu.memory_space<vmem>>) target_semaphore(%run_scoped3A_150 : memref<!tpu.dma_semaphore, #tpu.memory_space<semaphore_mem>>)
        %dma_wait3A = arith.constant 0 : i32
        %dma_wait3A_163 = arith.constant 0 : i32
        %dma_wait3A_164 = tpu.memref_slice %arg8[%run_scoped3A, %dma_wait3A, %dma_wait3A_163] : memref<2x80x128xf32, #tpu.memory_space<vmem>> -> memref<1x80x128xf32, #tpu.memory_space<vmem>>
        %dma_wait3A_165 = tpu.memref_squeeze %dma_wait3A_164 : memref<1x80x128xf32, #tpu.memory_space<vmem>> -> memref<80x128xf32, #tpu.memory_space<vmem>>
        %dma_wait3A_166 = arith.constant 0 : i32
        %dma_wait3A_167 = tpu.memref_slice %arg10[%mul3A_146, %dma_wait3A_166] : memref<10000x128xf32, #tpu.memory_space<vmem_shared>> -> memref<80x128xf32, #tpu.memory_space<vmem_shared>>
        %dma_wait3A_168 = arith.constant 0 : i32
        %dma_wait3A_169 = arith.constant 0 : i32
        %dma_wait3A_170 = tpu.memref_slice %arg8[%run_scoped3A, %dma_wait3A_168, %dma_wait3A_169] : memref<2x80x128xf32, #tpu.memory_space<vmem>> -> memref<1x80x128xf32, #tpu.memory_space<vmem>>
        %dma_wait3A_171 = tpu.memref_squeeze %dma_wait3A_170 : memref<1x80x128xf32, #tpu.memory_space<vmem>> -> memref<80x128xf32, #tpu.memory_space<vmem>>
        %dma_wait3A_172 = arith.constant 0 : i32
        %dma_wait3A_173 = tpu.memref_slice %arg10[%mul3A_146, %dma_wait3A_172] : memref<10000x128xf32, #tpu.memory_space<vmem_shared>> -> memref<80x128xf32, #tpu.memory_space<vmem_shared>>
        tpu.wait_dma2 semaphore(%run_scoped3A_150 : memref<!tpu.dma_semaphore, #tpu.memory_space<semaphore_mem>>) src(%dma_wait3A_173 : memref<80x128xf32, #tpu.memory_space<vmem_shared>>) dst(%dma_wait3A_171 : memref<80x128xf32, #tpu.memory_space<vmem>>)
        tpu.yield
      }) : () -> ()
      %mul3A_147 = arith.constant 80 : i32
      %mul3A_148 = arith.muli %add3A_104, %mul3A_147 : i32
      %run_scoped3A_149 = arith.constant 0 : i32
      "tpu.region"() ({
        %run_scoped3A_150 = tpu.sem_alloc : memref<!tpu.dma_semaphore, #tpu.memory_space<semaphore_mem>>
        %dma_start3A_151 = arith.constant 0 : i32
        %dma_start3A_152 = arith.constant 0 : i32
        %dma_start3A_153 = tpu.memref_slice %arg8[%run_scoped3A_149, %dma_start3A_151, %dma_start3A_152] : memref<2x80x128xf32, #tpu.memory_space<vmem>> -> memref<1x80x128xf32, #tpu.memory_space<vmem>>
        %dma_start3A_154 = tpu.memref_squeeze %dma_start3A_153 : memref<1x80x128xf32, #tpu.memory_space<vmem>> -> memref<80x128xf32, #tpu.memory_space<vmem>>
        %dma_start3A_155 = arith.constant 0 : i32
        %dma_start3A_156 = tpu.memref_slice %arg5[%arg0, %mul3A_148, %dma_start3A_155] : memref<2x10000x128xf32, #tpu.memory_space<hbm>> -> memref<1x80x128xf32, #tpu.memory_space<hbm>>
        %dma_start3A_157 = tpu.memref_squeeze %dma_start3A_156 : memref<1x80x128xf32, #tpu.memory_space<hbm>> -> memref<80x128xf32, #tpu.memory_space<hbm>>
        %dma_start3A_158 = arith.constant 0 : i32
        %dma_start3A_159 = tpu.memref_slice %arg5[%arg0, %mul3A_148, %dma_start3A_158] : memref<2x10000x128xf32, #tpu.memory_space<hbm>> -> memref<1x80x128xf32, #tpu.memory_space<hbm>>
        %dma_start3A_160 = tpu.memref_squeeze %dma_start3A_159 : memref<1x80x128xf32, #tpu.memory_space<hbm>> -> memref<80x128xf32, #tpu.memory_space<hbm>>
        %dma_start3A_161 = arith.constant 0 : i32
        %dma_start3A_162 = arith.constant 0 : i32
        %dma_start3A_163 = tpu.memref_slice %arg8[%run_scoped3A_149, %dma_start3A_161, %dma_start3A_162] : memref<2x80x128xf32, #tpu.memory_space<vmem>> -> memref<1x80x128xf32, #tpu.memory_space<vmem>>
        %dma_start3A_164 = tpu.memref_squeeze %dma_start3A_163 : memref<1x80x128xf32, #tpu.memory_space<vmem>> -> memref<80x128xf32, #tpu.memory_space<vmem>>
        tpu.enqueue_dma source(%dma_start3A_164 : memref<80x128xf32, #tpu.memory_space<vmem>>) target(%dma_start3A_160 : memref<80x128xf32, #tpu.memory_space<hbm>>) target_semaphore(%run_scoped3A_150 : memref<!tpu.dma_semaphore, #tpu.memory_space<semaphore_mem>>)
        %dma_wait3A = arith.constant 0 : i32
        %dma_wait3A_165 = arith.constant 0 : i32
        %dma_wait3A_166 = tpu.memref_slice %arg8[%run_scoped3A_149, %dma_wait3A, %dma_wait3A_165] : memref<2x80x128xf32, #tpu.memory_space<vmem>> -> memref<1x80x128xf32, #tpu.memory_space<vmem>>
        %dma_wait3A_167 = tpu.memref_squeeze %dma_wait3A_166 : memref<1x80x128xf32, #tpu.memory_space<vmem>> -> memref<80x128xf32, #tpu.memory_space<vmem>>
        %dma_wait3A_168 = arith.constant 0 : i32
        %dma_wait3A_169 = tpu.memref_slice %arg5[%arg0, %mul3A_148, %dma_wait3A_168] : memref<2x10000x128xf32, #tpu.memory_space<hbm>> -> memref<1x80x128xf32, #tpu.memory_space<hbm>>
        %dma_wait3A_170 = tpu.memref_squeeze %dma_wait3A_169 : memref<1x80x128xf32, #tpu.memory_space<hbm>> -> memref<80x128xf32, #tpu.memory_space<hbm>>
        %dma_wait3A_171 = arith.constant 0 : i32
        %dma_wait3A_172 = tpu.memref_slice %arg5[%arg0, %mul3A_148, %dma_wait3A_171] : memref<2x10000x128xf32, #tpu.memory_space<hbm>> -> memref<1x80x128xf32, #tpu.memory_space<hbm>>
        %dma_wait3A_173 = tpu.memref_squeeze %dma_wait3A_172 : memref<1x80x128xf32, #tpu.memory_space<hbm>> -> memref<80x128xf32, #tpu.memory_space<hbm>>
        %dma_wait3A_174 = arith.constant 0 : i32
        %dma_wait3A_175 = arith.constant 0 : i32
        %dma_wait3A_176 = tpu.memref_slice %arg8[%run_scoped3A_149, %dma_wait3A_174, %dma_wait3A_175] : memref<2x80x128xf32, #tpu.memory_space<vmem>> -> memref<1x80x128xf32, #tpu.memory_space<vmem>>
        %dma_wait3A_177 = tpu.memref_squeeze %dma_wait3A_176 : memref<1x80x128xf32, #tpu.memory_space<vmem>> -> memref<80x128xf32, #tpu.memory_space<vmem>>
        tpu.wait_dma2 semaphore(%run_scoped3A_150 : memref<!tpu.dma_semaphore, #tpu.memory_space<semaphore_mem>>) src(%dma_wait3A_177 : memref<80x128xf32, #tpu.memory_space<vmem>>) dst(%dma_wait3A_173 : memref<80x128xf32, #tpu.memory_space<hbm>>)
        tpu.yield
      }) : () -> ()
    } else {
    }
    %add3A_110 = arith.constant 48 : i32
    %add3A_111 = arith.addi %arg1, %add3A_110 : i32
    %lt3A_112 = arith.constant 125 : i32
    %lt3A_113 = arith.cmpi slt, %add3A_111, %lt3A_112 : i32
    %convert_element_type3A_114 = arith.extui %lt3A_113 : i1 to i32
    %cond3A_115 = arith.constant 0 : i32
    %cond3A_116 = arith.cmpi ne, %convert_element_type3A_114, %cond3A_115 : i32
    scf.if %cond3A_116 {
      %mul3A_145 = arith.constant 80 : i32
      %mul3A_146 = arith.muli %add3A_111, %mul3A_145 : i32
      %run_scoped3A = arith.constant 0 : i32
      "tpu.region"() ({
        %run_scoped3A_150 = tpu.sem_alloc : memref<!tpu.dma_semaphore, #tpu.memory_space<semaphore_mem>>
        %dma_start3A_151 = arith.constant 0 : i32
        %dma_start3A_152 = arith.constant 0 : i32
        %dma_start3A_153 = tpu.memref_slice %arg8[%run_scoped3A, %dma_start3A_151, %dma_start3A_152] : memref<2x80x128xf32, #tpu.memory_space<vmem>> -> memref<1x80x128xf32, #tpu.memory_space<vmem>>
        %dma_start3A_154 = tpu.memref_squeeze %dma_start3A_153 : memref<1x80x128xf32, #tpu.memory_space<vmem>> -> memref<80x128xf32, #tpu.memory_space<vmem>>
        %dma_start3A_155 = arith.constant 0 : i32
        %dma_start3A_156 = tpu.memref_slice %arg10[%mul3A_146, %dma_start3A_155] : memref<10000x128xf32, #tpu.memory_space<vmem_shared>> -> memref<80x128xf32, #tpu.memory_space<vmem_shared>>
        %dma_start3A_157 = arith.constant 0 : i32
        %dma_start3A_158 = arith.constant 0 : i32
        %dma_start3A_159 = tpu.memref_slice %arg8[%run_scoped3A, %dma_start3A_157, %dma_start3A_158] : memref<2x80x128xf32, #tpu.memory_space<vmem>> -> memref<1x80x128xf32, #tpu.memory_space<vmem>>
        %dma_start3A_160 = tpu.memref_squeeze %dma_start3A_159 : memref<1x80x128xf32, #tpu.memory_space<vmem>> -> memref<80x128xf32, #tpu.memory_space<vmem>>
        %dma_start3A_161 = arith.constant 0 : i32
        %dma_start3A_162 = tpu.memref_slice %arg10[%mul3A_146, %dma_start3A_161] : memref<10000x128xf32, #tpu.memory_space<vmem_shared>> -> memref<80x128xf32, #tpu.memory_space<vmem_shared>>
        tpu.enqueue_dma source(%dma_start3A_162 : memref<80x128xf32, #tpu.memory_space<vmem_shared>>) target(%dma_start3A_160 : memref<80x128xf32, #tpu.memory_space<vmem>>) target_semaphore(%run_scoped3A_150 : memref<!tpu.dma_semaphore, #tpu.memory_space<semaphore_mem>>)
        %dma_wait3A = arith.constant 0 : i32
        %dma_wait3A_163 = arith.constant 0 : i32
        %dma_wait3A_164 = tpu.memref_slice %arg8[%run_scoped3A, %dma_wait3A, %dma_wait3A_163] : memref<2x80x128xf32, #tpu.memory_space<vmem>> -> memref<1x80x128xf32, #tpu.memory_space<vmem>>
        %dma_wait3A_165 = tpu.memref_squeeze %dma_wait3A_164 : memref<1x80x128xf32, #tpu.memory_space<vmem>> -> memref<80x128xf32, #tpu.memory_space<vmem>>
        %dma_wait3A_166 = arith.constant 0 : i32
        %dma_wait3A_167 = tpu.memref_slice %arg10[%mul3A_146, %dma_wait3A_166] : memref<10000x128xf32, #tpu.memory_space<vmem_shared>> -> memref<80x128xf32, #tpu.memory_space<vmem_shared>>
        %dma_wait3A_168 = arith.constant 0 : i32
        %dma_wait3A_169 = arith.constant 0 : i32
        %dma_wait3A_170 = tpu.memref_slice %arg8[%run_scoped3A, %dma_wait3A_168, %dma_wait3A_169] : memref<2x80x128xf32, #tpu.memory_space<vmem>> -> memref<1x80x128xf32, #tpu.memory_space<vmem>>
        %dma_wait3A_171 = tpu.memref_squeeze %dma_wait3A_170 : memref<1x80x128xf32, #tpu.memory_space<vmem>> -> memref<80x128xf32, #tpu.memory_space<vmem>>
        %dma_wait3A_172 = arith.constant 0 : i32
        %dma_wait3A_173 = tpu.memref_slice %arg10[%mul3A_146, %dma_wait3A_172] : memref<10000x128xf32, #tpu.memory_space<vmem_shared>> -> memref<80x128xf32, #tpu.memory_space<vmem_shared>>
        tpu.wait_dma2 semaphore(%run_scoped3A_150 : memref<!tpu.dma_semaphore, #tpu.memory_space<semaphore_mem>>) src(%dma_wait3A_173 : memref<80x128xf32, #tpu.memory_space<vmem_shared>>) dst(%dma_wait3A_171 : memref<80x128xf32, #tpu.memory_space<vmem>>)
        tpu.yield
      }) : () -> ()
      %mul3A_147 = arith.constant 80 : i32
      %mul3A_148 = arith.muli %add3A_111, %mul3A_147 : i32
      %run_scoped3A_149 = arith.constant 0 : i32
      "tpu.region"() ({
        %run_scoped3A_150 = tpu.sem_alloc : memref<!tpu.dma_semaphore, #tpu.memory_space<semaphore_mem>>
        %dma_start3A_151 = arith.constant 0 : i32
        %dma_start3A_152 = arith.constant 0 : i32
        %dma_start3A_153 = tpu.memref_slice %arg8[%run_scoped3A_149, %dma_start3A_151, %dma_start3A_152] : memref<2x80x128xf32, #tpu.memory_space<vmem>> -> memref<1x80x128xf32, #tpu.memory_space<vmem>>
        %dma_start3A_154 = tpu.memref_squeeze %dma_start3A_153 : memref<1x80x128xf32, #tpu.memory_space<vmem>> -> memref<80x128xf32, #tpu.memory_space<vmem>>
        %dma_start3A_155 = arith.constant 0 : i32
        %dma_start3A_156 = tpu.memref_slice %arg5[%arg0, %mul3A_148, %dma_start3A_155] : memref<2x10000x128xf32, #tpu.memory_space<hbm>> -> memref<1x80x128xf32, #tpu.memory_space<hbm>>
        %dma_start3A_157 = tpu.memref_squeeze %dma_start3A_156 : memref<1x80x128xf32, #tpu.memory_space<hbm>> -> memref<80x128xf32, #tpu.memory_space<hbm>>
        %dma_start3A_158 = arith.constant 0 : i32
        %dma_start3A_159 = tpu.memref_slice %arg5[%arg0, %mul3A_148, %dma_start3A_158] : memref<2x10000x128xf32, #tpu.memory_space<hbm>> -> memref<1x80x128xf32, #tpu.memory_space<hbm>>
        %dma_start3A_160 = tpu.memref_squeeze %dma_start3A_159 : memref<1x80x128xf32, #tpu.memory_space<hbm>> -> memref<80x128xf32, #tpu.memory_space<hbm>>
        %dma_start3A_161 = arith.constant 0 : i32
        %dma_start3A_162 = arith.constant 0 : i32
        %dma_start3A_163 = tpu.memref_slice %arg8[%run_scoped3A_149, %dma_start3A_161, %dma_start3A_162] : memref<2x80x128xf32, #tpu.memory_space<vmem>> -> memref<1x80x128xf32, #tpu.memory_space<vmem>>
        %dma_start3A_164 = tpu.memref_squeeze %dma_start3A_163 : memref<1x80x128xf32, #tpu.memory_space<vmem>> -> memref<80x128xf32, #tpu.memory_space<vmem>>
        tpu.enqueue_dma source(%dma_start3A_164 : memref<80x128xf32, #tpu.memory_space<vmem>>) target(%dma_start3A_160 : memref<80x128xf32, #tpu.memory_space<hbm>>) target_semaphore(%run_scoped3A_150 : memref<!tpu.dma_semaphore, #tpu.memory_space<semaphore_mem>>)
        %dma_wait3A = arith.constant 0 : i32
        %dma_wait3A_165 = arith.constant 0 : i32
        %dma_wait3A_166 = tpu.memref_slice %arg8[%run_scoped3A_149, %dma_wait3A, %dma_wait3A_165] : memref<2x80x128xf32, #tpu.memory_space<vmem>> -> memref<1x80x128xf32, #tpu.memory_space<vmem>>
        %dma_wait3A_167 = tpu.memref_squeeze %dma_wait3A_166 : memref<1x80x128xf32, #tpu.memory_space<vmem>> -> memref<80x128xf32, #tpu.memory_space<vmem>>
        %dma_wait3A_168 = arith.constant 0 : i32
        %dma_wait3A_169 = tpu.memref_slice %arg5[%arg0, %mul3A_148, %dma_wait3A_168] : memref<2x10000x128xf32, #tpu.memory_space<hbm>> -> memref<1x80x128xf32, #tpu.memory_space<hbm>>
        %dma_wait3A_170 = tpu.memref_squeeze %dma_wait3A_169 : memref<1x80x128xf32, #tpu.memory_space<hbm>> -> memref<80x128xf32, #tpu.memory_space<hbm>>
        %dma_wait3A_171 = arith.constant 0 : i32
        %dma_wait3A_172 = tpu.memref_slice %arg5[%arg0, %mul3A_148, %dma_wait3A_171] : memref<2x10000x128xf32, #tpu.memory_space<hbm>> -> memref<1x80x128xf32, #tpu.memory_space<hbm>>
        %dma_wait3A_173 = tpu.memref_squeeze %dma_wait3A_172 : memref<1x80x128xf32, #tpu.memory_space<hbm>> -> memref<80x128xf32, #tpu.memory_space<hbm>>
        %dma_wait3A_174 = arith.constant 0 : i32
        %dma_wait3A_175 = arith.constant 0 : i32
        %dma_wait3A_176 = tpu.memref_slice %arg8[%run_scoped3A_149, %dma_wait3A_174, %dma_wait3A_175] : memref<2x80x128xf32, #tpu.memory_space<vmem>> -> memref<1x80x128xf32, #tpu.memory_space<vmem>>
        %dma_wait3A_177 = tpu.memref_squeeze %dma_wait3A_176 : memref<1x80x128xf32, #tpu.memory_space<vmem>> -> memref<80x128xf32, #tpu.memory_space<vmem>>
        tpu.wait_dma2 semaphore(%run_scoped3A_150 : memref<!tpu.dma_semaphore, #tpu.memory_space<semaphore_mem>>) src(%dma_wait3A_177 : memref<80x128xf32, #tpu.memory_space<vmem>>) dst(%dma_wait3A_173 : memref<80x128xf32, #tpu.memory_space<hbm>>)
        tpu.yield
      }) : () -> ()
    } else {
    }
    %add3A_117 = arith.constant 64 : i32
    %add3A_118 = arith.addi %arg1, %add3A_117 : i32
    %lt3A_119 = arith.constant 125 : i32
    %lt3A_120 = arith.cmpi slt, %add3A_118, %lt3A_119 : i32
    %convert_element_type3A_121 = arith.extui %lt3A_120 : i1 to i32
    %cond3A_122 = arith.constant 0 : i32
    %cond3A_123 = arith.cmpi ne, %convert_element_type3A_121, %cond3A_122 : i32
    scf.if %cond3A_123 {
      %mul3A_145 = arith.constant 80 : i32
      %mul3A_146 = arith.muli %add3A_118, %mul3A_145 : i32
      %run_scoped3A = arith.constant 0 : i32
      "tpu.region"() ({
        %run_scoped3A_150 = tpu.sem_alloc : memref<!tpu.dma_semaphore, #tpu.memory_space<semaphore_mem>>
        %dma_start3A_151 = arith.constant 0 : i32
        %dma_start3A_152 = arith.constant 0 : i32
        %dma_start3A_153 = tpu.memref_slice %arg8[%run_scoped3A, %dma_start3A_151, %dma_start3A_152] : memref<2x80x128xf32, #tpu.memory_space<vmem>> -> memref<1x80x128xf32, #tpu.memory_space<vmem>>
        %dma_start3A_154 = tpu.memref_squeeze %dma_start3A_153 : memref<1x80x128xf32, #tpu.memory_space<vmem>> -> memref<80x128xf32, #tpu.memory_space<vmem>>
        %dma_start3A_155 = arith.constant 0 : i32
        %dma_start3A_156 = tpu.memref_slice %arg10[%mul3A_146, %dma_start3A_155] : memref<10000x128xf32, #tpu.memory_space<vmem_shared>> -> memref<80x128xf32, #tpu.memory_space<vmem_shared>>
        %dma_start3A_157 = arith.constant 0 : i32
        %dma_start3A_158 = arith.constant 0 : i32
        %dma_start3A_159 = tpu.memref_slice %arg8[%run_scoped3A, %dma_start3A_157, %dma_start3A_158] : memref<2x80x128xf32, #tpu.memory_space<vmem>> -> memref<1x80x128xf32, #tpu.memory_space<vmem>>
        %dma_start3A_160 = tpu.memref_squeeze %dma_start3A_159 : memref<1x80x128xf32, #tpu.memory_space<vmem>> -> memref<80x128xf32, #tpu.memory_space<vmem>>
        %dma_start3A_161 = arith.constant 0 : i32
        %dma_start3A_162 = tpu.memref_slice %arg10[%mul3A_146, %dma_start3A_161] : memref<10000x128xf32, #tpu.memory_space<vmem_shared>> -> memref<80x128xf32, #tpu.memory_space<vmem_shared>>
        tpu.enqueue_dma source(%dma_start3A_162 : memref<80x128xf32, #tpu.memory_space<vmem_shared>>) target(%dma_start3A_160 : memref<80x128xf32, #tpu.memory_space<vmem>>) target_semaphore(%run_scoped3A_150 : memref<!tpu.dma_semaphore, #tpu.memory_space<semaphore_mem>>)
        %dma_wait3A = arith.constant 0 : i32
        %dma_wait3A_163 = arith.constant 0 : i32
        %dma_wait3A_164 = tpu.memref_slice %arg8[%run_scoped3A, %dma_wait3A, %dma_wait3A_163] : memref<2x80x128xf32, #tpu.memory_space<vmem>> -> memref<1x80x128xf32, #tpu.memory_space<vmem>>
        %dma_wait3A_165 = tpu.memref_squeeze %dma_wait3A_164 : memref<1x80x128xf32, #tpu.memory_space<vmem>> -> memref<80x128xf32, #tpu.memory_space<vmem>>
        %dma_wait3A_166 = arith.constant 0 : i32
        %dma_wait3A_167 = tpu.memref_slice %arg10[%mul3A_146, %dma_wait3A_166] : memref<10000x128xf32, #tpu.memory_space<vmem_shared>> -> memref<80x128xf32, #tpu.memory_space<vmem_shared>>
        %dma_wait3A_168 = arith.constant 0 : i32
        %dma_wait3A_169 = arith.constant 0 : i32
        %dma_wait3A_170 = tpu.memref_slice %arg8[%run_scoped3A, %dma_wait3A_168, %dma_wait3A_169] : memref<2x80x128xf32, #tpu.memory_space<vmem>> -> memref<1x80x128xf32, #tpu.memory_space<vmem>>
        %dma_wait3A_171 = tpu.memref_squeeze %dma_wait3A_170 : memref<1x80x128xf32, #tpu.memory_space<vmem>> -> memref<80x128xf32, #tpu.memory_space<vmem>>
        %dma_wait3A_172 = arith.constant 0 : i32
        %dma_wait3A_173 = tpu.memref_slice %arg10[%mul3A_146, %dma_wait3A_172] : memref<10000x128xf32, #tpu.memory_space<vmem_shared>> -> memref<80x128xf32, #tpu.memory_space<vmem_shared>>
        tpu.wait_dma2 semaphore(%run_scoped3A_150 : memref<!tpu.dma_semaphore, #tpu.memory_space<semaphore_mem>>) src(%dma_wait3A_173 : memref<80x128xf32, #tpu.memory_space<vmem_shared>>) dst(%dma_wait3A_171 : memref<80x128xf32, #tpu.memory_space<vmem>>)
        tpu.yield
      }) : () -> ()
      %mul3A_147 = arith.constant 80 : i32
      %mul3A_148 = arith.muli %add3A_118, %mul3A_147 : i32
      %run_scoped3A_149 = arith.constant 0 : i32
      "tpu.region"() ({
        %run_scoped3A_150 = tpu.sem_alloc : memref<!tpu.dma_semaphore, #tpu.memory_space<semaphore_mem>>
        %dma_start3A_151 = arith.constant 0 : i32
        %dma_start3A_152 = arith.constant 0 : i32
        %dma_start3A_153 = tpu.memref_slice %arg8[%run_scoped3A_149, %dma_start3A_151, %dma_start3A_152] : memref<2x80x128xf32, #tpu.memory_space<vmem>> -> memref<1x80x128xf32, #tpu.memory_space<vmem>>
        %dma_start3A_154 = tpu.memref_squeeze %dma_start3A_153 : memref<1x80x128xf32, #tpu.memory_space<vmem>> -> memref<80x128xf32, #tpu.memory_space<vmem>>
        %dma_start3A_155 = arith.constant 0 : i32
        %dma_start3A_156 = tpu.memref_slice %arg5[%arg0, %mul3A_148, %dma_start3A_155] : memref<2x10000x128xf32, #tpu.memory_space<hbm>> -> memref<1x80x128xf32, #tpu.memory_space<hbm>>
        %dma_start3A_157 = tpu.memref_squeeze %dma_start3A_156 : memref<1x80x128xf32, #tpu.memory_space<hbm>> -> memref<80x128xf32, #tpu.memory_space<hbm>>
        %dma_start3A_158 = arith.constant 0 : i32
        %dma_start3A_159 = tpu.memref_slice %arg5[%arg0, %mul3A_148, %dma_start3A_158] : memref<2x10000x128xf32, #tpu.memory_space<hbm>> -> memref<1x80x128xf32, #tpu.memory_space<hbm>>
        %dma_start3A_160 = tpu.memref_squeeze %dma_start3A_159 : memref<1x80x128xf32, #tpu.memory_space<hbm>> -> memref<80x128xf32, #tpu.memory_space<hbm>>
        %dma_start3A_161 = arith.constant 0 : i32
        %dma_start3A_162 = arith.constant 0 : i32
        %dma_start3A_163 = tpu.memref_slice %arg8[%run_scoped3A_149, %dma_start3A_161, %dma_start3A_162] : memref<2x80x128xf32, #tpu.memory_space<vmem>> -> memref<1x80x128xf32, #tpu.memory_space<vmem>>
        %dma_start3A_164 = tpu.memref_squeeze %dma_start3A_163 : memref<1x80x128xf32, #tpu.memory_space<vmem>> -> memref<80x128xf32, #tpu.memory_space<vmem>>
        tpu.enqueue_dma source(%dma_start3A_164 : memref<80x128xf32, #tpu.memory_space<vmem>>) target(%dma_start3A_160 : memref<80x128xf32, #tpu.memory_space<hbm>>) target_semaphore(%run_scoped3A_150 : memref<!tpu.dma_semaphore, #tpu.memory_space<semaphore_mem>>)
        %dma_wait3A = arith.constant 0 : i32
        %dma_wait3A_165 = arith.constant 0 : i32
        %dma_wait3A_166 = tpu.memref_slice %arg8[%run_scoped3A_149, %dma_wait3A, %dma_wait3A_165] : memref<2x80x128xf32, #tpu.memory_space<vmem>> -> memref<1x80x128xf32, #tpu.memory_space<vmem>>
        %dma_wait3A_167 = tpu.memref_squeeze %dma_wait3A_166 : memref<1x80x128xf32, #tpu.memory_space<vmem>> -> memref<80x128xf32, #tpu.memory_space<vmem>>
        %dma_wait3A_168 = arith.constant 0 : i32
        %dma_wait3A_169 = tpu.memref_slice %arg5[%arg0, %mul3A_148, %dma_wait3A_168] : memref<2x10000x128xf32, #tpu.memory_space<hbm>> -> memref<1x80x128xf32, #tpu.memory_space<hbm>>
        %dma_wait3A_170 = tpu.memref_squeeze %dma_wait3A_169 : memref<1x80x128xf32, #tpu.memory_space<hbm>> -> memref<80x128xf32, #tpu.memory_space<hbm>>
        %dma_wait3A_171 = arith.constant 0 : i32
        %dma_wait3A_172 = tpu.memref_slice %arg5[%arg0, %mul3A_148, %dma_wait3A_171] : memref<2x10000x128xf32, #tpu.memory_space<hbm>> -> memref<1x80x128xf32, #tpu.memory_space<hbm>>
        %dma_wait3A_173 = tpu.memref_squeeze %dma_wait3A_172 : memref<1x80x128xf32, #tpu.memory_space<hbm>> -> memref<80x128xf32, #tpu.memory_space<hbm>>
        %dma_wait3A_174 = arith.constant 0 : i32
        %dma_wait3A_175 = arith.constant 0 : i32
        %dma_wait3A_176 = tpu.memref_slice %arg8[%run_scoped3A_149, %dma_wait3A_174, %dma_wait3A_175] : memref<2x80x128xf32, #tpu.memory_space<vmem>> -> memref<1x80x128xf32, #tpu.memory_space<vmem>>
        %dma_wait3A_177 = tpu.memref_squeeze %dma_wait3A_176 : memref<1x80x128xf32, #tpu.memory_space<vmem>> -> memref<80x128xf32, #tpu.memory_space<vmem>>
        tpu.wait_dma2 semaphore(%run_scoped3A_150 : memref<!tpu.dma_semaphore, #tpu.memory_space<semaphore_mem>>) src(%dma_wait3A_177 : memref<80x128xf32, #tpu.memory_space<vmem>>) dst(%dma_wait3A_173 : memref<80x128xf32, #tpu.memory_space<hbm>>)
        tpu.yield
      }) : () -> ()
    } else {
    }
    %add3A_124 = arith.constant 80 : i32
    %add3A_125 = arith.addi %arg1, %add3A_124 : i32
    %lt3A_126 = arith.constant 125 : i32
    %lt3A_127 = arith.cmpi slt, %add3A_125, %lt3A_126 : i32
    %convert_element_type3A_128 = arith.extui %lt3A_127 : i1 to i32
    %cond3A_129 = arith.constant 0 : i32
    %cond3A_130 = arith.cmpi ne, %convert_element_type3A_128, %cond3A_129 : i32
    scf.if %cond3A_130 {
      %mul3A_145 = arith.constant 80 : i32
      %mul3A_146 = arith.muli %add3A_125, %mul3A_145 : i32
      %run_scoped3A = arith.constant 0 : i32
      "tpu.region"() ({
        %run_scoped3A_150 = tpu.sem_alloc : memref<!tpu.dma_semaphore, #tpu.memory_space<semaphore_mem>>
        %dma_start3A_151 = arith.constant 0 : i32
        %dma_start3A_152 = arith.constant 0 : i32
        %dma_start3A_153 = tpu.memref_slice %arg8[%run_scoped3A, %dma_start3A_151, %dma_start3A_152] : memref<2x80x128xf32, #tpu.memory_space<vmem>> -> memref<1x80x128xf32, #tpu.memory_space<vmem>>
        %dma_start3A_154 = tpu.memref_squeeze %dma_start3A_153 : memref<1x80x128xf32, #tpu.memory_space<vmem>> -> memref<80x128xf32, #tpu.memory_space<vmem>>
        %dma_start3A_155 = arith.constant 0 : i32
        %dma_start3A_156 = tpu.memref_slice %arg10[%mul3A_146, %dma_start3A_155] : memref<10000x128xf32, #tpu.memory_space<vmem_shared>> -> memref<80x128xf32, #tpu.memory_space<vmem_shared>>
        %dma_start3A_157 = arith.constant 0 : i32
        %dma_start3A_158 = arith.constant 0 : i32
        %dma_start3A_159 = tpu.memref_slice %arg8[%run_scoped3A, %dma_start3A_157, %dma_start3A_158] : memref<2x80x128xf32, #tpu.memory_space<vmem>> -> memref<1x80x128xf32, #tpu.memory_space<vmem>>
        %dma_start3A_160 = tpu.memref_squeeze %dma_start3A_159 : memref<1x80x128xf32, #tpu.memory_space<vmem>> -> memref<80x128xf32, #tpu.memory_space<vmem>>
        %dma_start3A_161 = arith.constant 0 : i32
        %dma_start3A_162 = tpu.memref_slice %arg10[%mul3A_146, %dma_start3A_161] : memref<10000x128xf32, #tpu.memory_space<vmem_shared>> -> memref<80x128xf32, #tpu.memory_space<vmem_shared>>
        tpu.enqueue_dma source(%dma_start3A_162 : memref<80x128xf32, #tpu.memory_space<vmem_shared>>) target(%dma_start3A_160 : memref<80x128xf32, #tpu.memory_space<vmem>>) target_semaphore(%run_scoped3A_150 : memref<!tpu.dma_semaphore, #tpu.memory_space<semaphore_mem>>)
        %dma_wait3A = arith.constant 0 : i32
        %dma_wait3A_163 = arith.constant 0 : i32
        %dma_wait3A_164 = tpu.memref_slice %arg8[%run_scoped3A, %dma_wait3A, %dma_wait3A_163] : memref<2x80x128xf32, #tpu.memory_space<vmem>> -> memref<1x80x128xf32, #tpu.memory_space<vmem>>
        %dma_wait3A_165 = tpu.memref_squeeze %dma_wait3A_164 : memref<1x80x128xf32, #tpu.memory_space<vmem>> -> memref<80x128xf32, #tpu.memory_space<vmem>>
        %dma_wait3A_166 = arith.constant 0 : i32
        %dma_wait3A_167 = tpu.memref_slice %arg10[%mul3A_146, %dma_wait3A_166] : memref<10000x128xf32, #tpu.memory_space<vmem_shared>> -> memref<80x128xf32, #tpu.memory_space<vmem_shared>>
        %dma_wait3A_168 = arith.constant 0 : i32
        %dma_wait3A_169 = arith.constant 0 : i32
        %dma_wait3A_170 = tpu.memref_slice %arg8[%run_scoped3A, %dma_wait3A_168, %dma_wait3A_169] : memref<2x80x128xf32, #tpu.memory_space<vmem>> -> memref<1x80x128xf32, #tpu.memory_space<vmem>>
        %dma_wait3A_171 = tpu.memref_squeeze %dma_wait3A_170 : memref<1x80x128xf32, #tpu.memory_space<vmem>> -> memref<80x128xf32, #tpu.memory_space<vmem>>
        %dma_wait3A_172 = arith.constant 0 : i32
        %dma_wait3A_173 = tpu.memref_slice %arg10[%mul3A_146, %dma_wait3A_172] : memref<10000x128xf32, #tpu.memory_space<vmem_shared>> -> memref<80x128xf32, #tpu.memory_space<vmem_shared>>
        tpu.wait_dma2 semaphore(%run_scoped3A_150 : memref<!tpu.dma_semaphore, #tpu.memory_space<semaphore_mem>>) src(%dma_wait3A_173 : memref<80x128xf32, #tpu.memory_space<vmem_shared>>) dst(%dma_wait3A_171 : memref<80x128xf32, #tpu.memory_space<vmem>>)
        tpu.yield
      }) : () -> ()
      %mul3A_147 = arith.constant 80 : i32
      %mul3A_148 = arith.muli %add3A_125, %mul3A_147 : i32
      %run_scoped3A_149 = arith.constant 0 : i32
      "tpu.region"() ({
        %run_scoped3A_150 = tpu.sem_alloc : memref<!tpu.dma_semaphore, #tpu.memory_space<semaphore_mem>>
        %dma_start3A_151 = arith.constant 0 : i32
        %dma_start3A_152 = arith.constant 0 : i32
        %dma_start3A_153 = tpu.memref_slice %arg8[%run_scoped3A_149, %dma_start3A_151, %dma_start3A_152] : memref<2x80x128xf32, #tpu.memory_space<vmem>> -> memref<1x80x128xf32, #tpu.memory_space<vmem>>
        %dma_start3A_154 = tpu.memref_squeeze %dma_start3A_153 : memref<1x80x128xf32, #tpu.memory_space<vmem>> -> memref<80x128xf32, #tpu.memory_space<vmem>>
        %dma_start3A_155 = arith.constant 0 : i32
        %dma_start3A_156 = tpu.memref_slice %arg5[%arg0, %mul3A_148, %dma_start3A_155] : memref<2x10000x128xf32, #tpu.memory_space<hbm>> -> memref<1x80x128xf32, #tpu.memory_space<hbm>>
        %dma_start3A_157 = tpu.memref_squeeze %dma_start3A_156 : memref<1x80x128xf32, #tpu.memory_space<hbm>> -> memref<80x128xf32, #tpu.memory_space<hbm>>
        %dma_start3A_158 = arith.constant 0 : i32
        %dma_start3A_159 = tpu.memref_slice %arg5[%arg0, %mul3A_148, %dma_start3A_158] : memref<2x10000x128xf32, #tpu.memory_space<hbm>> -> memref<1x80x128xf32, #tpu.memory_space<hbm>>
        %dma_start3A_160 = tpu.memref_squeeze %dma_start3A_159 : memref<1x80x128xf32, #tpu.memory_space<hbm>> -> memref<80x128xf32, #tpu.memory_space<hbm>>
        %dma_start3A_161 = arith.constant 0 : i32
        %dma_start3A_162 = arith.constant 0 : i32
        %dma_start3A_163 = tpu.memref_slice %arg8[%run_scoped3A_149, %dma_start3A_161, %dma_start3A_162] : memref<2x80x128xf32, #tpu.memory_space<vmem>> -> memref<1x80x128xf32, #tpu.memory_space<vmem>>
        %dma_start3A_164 = tpu.memref_squeeze %dma_start3A_163 : memref<1x80x128xf32, #tpu.memory_space<vmem>> -> memref<80x128xf32, #tpu.memory_space<vmem>>
        tpu.enqueue_dma source(%dma_start3A_164 : memref<80x128xf32, #tpu.memory_space<vmem>>) target(%dma_start3A_160 : memref<80x128xf32, #tpu.memory_space<hbm>>) target_semaphore(%run_scoped3A_150 : memref<!tpu.dma_semaphore, #tpu.memory_space<semaphore_mem>>)
        %dma_wait3A = arith.constant 0 : i32
        %dma_wait3A_165 = arith.constant 0 : i32
        %dma_wait3A_166 = tpu.memref_slice %arg8[%run_scoped3A_149, %dma_wait3A, %dma_wait3A_165] : memref<2x80x128xf32, #tpu.memory_space<vmem>> -> memref<1x80x128xf32, #tpu.memory_space<vmem>>
        %dma_wait3A_167 = tpu.memref_squeeze %dma_wait3A_166 : memref<1x80x128xf32, #tpu.memory_space<vmem>> -> memref<80x128xf32, #tpu.memory_space<vmem>>
        %dma_wait3A_168 = arith.constant 0 : i32
        %dma_wait3A_169 = tpu.memref_slice %arg5[%arg0, %mul3A_148, %dma_wait3A_168] : memref<2x10000x128xf32, #tpu.memory_space<hbm>> -> memref<1x80x128xf32, #tpu.memory_space<hbm>>
        %dma_wait3A_170 = tpu.memref_squeeze %dma_wait3A_169 : memref<1x80x128xf32, #tpu.memory_space<hbm>> -> memref<80x128xf32, #tpu.memory_space<hbm>>
        %dma_wait3A_171 = arith.constant 0 : i32
        %dma_wait3A_172 = tpu.memref_slice %arg5[%arg0, %mul3A_148, %dma_wait3A_171] : memref<2x10000x128xf32, #tpu.memory_space<hbm>> -> memref<1x80x128xf32, #tpu.memory_space<hbm>>
        %dma_wait3A_173 = tpu.memref_squeeze %dma_wait3A_172 : memref<1x80x128xf32, #tpu.memory_space<hbm>> -> memref<80x128xf32, #tpu.memory_space<hbm>>
        %dma_wait3A_174 = arith.constant 0 : i32
        %dma_wait3A_175 = arith.constant 0 : i32
        %dma_wait3A_176 = tpu.memref_slice %arg8[%run_scoped3A_149, %dma_wait3A_174, %dma_wait3A_175] : memref<2x80x128xf32, #tpu.memory_space<vmem>> -> memref<1x80x128xf32, #tpu.memory_space<vmem>>
        %dma_wait3A_177 = tpu.memref_squeeze %dma_wait3A_176 : memref<1x80x128xf32, #tpu.memory_space<vmem>> -> memref<80x128xf32, #tpu.memory_space<vmem>>
        tpu.wait_dma2 semaphore(%run_scoped3A_150 : memref<!tpu.dma_semaphore, #tpu.memory_space<semaphore_mem>>) src(%dma_wait3A_177 : memref<80x128xf32, #tpu.memory_space<vmem>>) dst(%dma_wait3A_173 : memref<80x128xf32, #tpu.memory_space<hbm>>)
        tpu.yield
      }) : () -> ()
    } else {
    }
    %add3A_131 = arith.constant 96 : i32
    %add3A_132 = arith.addi %arg1, %add3A_131 : i32
    %lt3A_133 = arith.constant 125 : i32
    %lt3A_134 = arith.cmpi slt, %add3A_132, %lt3A_133 : i32
    %convert_element_type3A_135 = arith.extui %lt3A_134 : i1 to i32
    %cond3A_136 = arith.constant 0 : i32
    %cond3A_137 = arith.cmpi ne, %convert_element_type3A_135, %cond3A_136 : i32
    scf.if %cond3A_137 {
      %mul3A_145 = arith.constant 80 : i32
      %mul3A_146 = arith.muli %add3A_132, %mul3A_145 : i32
      %run_scoped3A = arith.constant 0 : i32
      "tpu.region"() ({
        %run_scoped3A_150 = tpu.sem_alloc : memref<!tpu.dma_semaphore, #tpu.memory_space<semaphore_mem>>
        %dma_start3A_151 = arith.constant 0 : i32
        %dma_start3A_152 = arith.constant 0 : i32
        %dma_start3A_153 = tpu.memref_slice %arg8[%run_scoped3A, %dma_start3A_151, %dma_start3A_152] : memref<2x80x128xf32, #tpu.memory_space<vmem>> -> memref<1x80x128xf32, #tpu.memory_space<vmem>>
        %dma_start3A_154 = tpu.memref_squeeze %dma_start3A_153 : memref<1x80x128xf32, #tpu.memory_space<vmem>> -> memref<80x128xf32, #tpu.memory_space<vmem>>
        %dma_start3A_155 = arith.constant 0 : i32
        %dma_start3A_156 = tpu.memref_slice %arg10[%mul3A_146, %dma_start3A_155] : memref<10000x128xf32, #tpu.memory_space<vmem_shared>> -> memref<80x128xf32, #tpu.memory_space<vmem_shared>>
        %dma_start3A_157 = arith.constant 0 : i32
        %dma_start3A_158 = arith.constant 0 : i32
        %dma_start3A_159 = tpu.memref_slice %arg8[%run_scoped3A, %dma_start3A_157, %dma_start3A_158] : memref<2x80x128xf32, #tpu.memory_space<vmem>> -> memref<1x80x128xf32, #tpu.memory_space<vmem>>
        %dma_start3A_160 = tpu.memref_squeeze %dma_start3A_159 : memref<1x80x128xf32, #tpu.memory_space<vmem>> -> memref<80x128xf32, #tpu.memory_space<vmem>>
        %dma_start3A_161 = arith.constant 0 : i32
        %dma_start3A_162 = tpu.memref_slice %arg10[%mul3A_146, %dma_start3A_161] : memref<10000x128xf32, #tpu.memory_space<vmem_shared>> -> memref<80x128xf32, #tpu.memory_space<vmem_shared>>
        tpu.enqueue_dma source(%dma_start3A_162 : memref<80x128xf32, #tpu.memory_space<vmem_shared>>) target(%dma_start3A_160 : memref<80x128xf32, #tpu.memory_space<vmem>>) target_semaphore(%run_scoped3A_150 : memref<!tpu.dma_semaphore, #tpu.memory_space<semaphore_mem>>)
        %dma_wait3A = arith.constant 0 : i32
        %dma_wait3A_163 = arith.constant 0 : i32
        %dma_wait3A_164 = tpu.memref_slice %arg8[%run_scoped3A, %dma_wait3A, %dma_wait3A_163] : memref<2x80x128xf32, #tpu.memory_space<vmem>> -> memref<1x80x128xf32, #tpu.memory_space<vmem>>
        %dma_wait3A_165 = tpu.memref_squeeze %dma_wait3A_164 : memref<1x80x128xf32, #tpu.memory_space<vmem>> -> memref<80x128xf32, #tpu.memory_space<vmem>>
        %dma_wait3A_166 = arith.constant 0 : i32
        %dma_wait3A_167 = tpu.memref_slice %arg10[%mul3A_146, %dma_wait3A_166] : memref<10000x128xf32, #tpu.memory_space<vmem_shared>> -> memref<80x128xf32, #tpu.memory_space<vmem_shared>>
        %dma_wait3A_168 = arith.constant 0 : i32
        %dma_wait3A_169 = arith.constant 0 : i32
        %dma_wait3A_170 = tpu.memref_slice %arg8[%run_scoped3A, %dma_wait3A_168, %dma_wait3A_169] : memref<2x80x128xf32, #tpu.memory_space<vmem>> -> memref<1x80x128xf32, #tpu.memory_space<vmem>>
        %dma_wait3A_171 = tpu.memref_squeeze %dma_wait3A_170 : memref<1x80x128xf32, #tpu.memory_space<vmem>> -> memref<80x128xf32, #tpu.memory_space<vmem>>
        %dma_wait3A_172 = arith.constant 0 : i32
        %dma_wait3A_173 = tpu.memref_slice %arg10[%mul3A_146, %dma_wait3A_172] : memref<10000x128xf32, #tpu.memory_space<vmem_shared>> -> memref<80x128xf32, #tpu.memory_space<vmem_shared>>
        tpu.wait_dma2 semaphore(%run_scoped3A_150 : memref<!tpu.dma_semaphore, #tpu.memory_space<semaphore_mem>>) src(%dma_wait3A_173 : memref<80x128xf32, #tpu.memory_space<vmem_shared>>) dst(%dma_wait3A_171 : memref<80x128xf32, #tpu.memory_space<vmem>>)
        tpu.yield
      }) : () -> ()
      %mul3A_147 = arith.constant 80 : i32
      %mul3A_148 = arith.muli %add3A_132, %mul3A_147 : i32
      %run_scoped3A_149 = arith.constant 0 : i32
      "tpu.region"() ({
        %run_scoped3A_150 = tpu.sem_alloc : memref<!tpu.dma_semaphore, #tpu.memory_space<semaphore_mem>>
        %dma_start3A_151 = arith.constant 0 : i32
        %dma_start3A_152 = arith.constant 0 : i32
        %dma_start3A_153 = tpu.memref_slice %arg8[%run_scoped3A_149, %dma_start3A_151, %dma_start3A_152] : memref<2x80x128xf32, #tpu.memory_space<vmem>> -> memref<1x80x128xf32, #tpu.memory_space<vmem>>
        %dma_start3A_154 = tpu.memref_squeeze %dma_start3A_153 : memref<1x80x128xf32, #tpu.memory_space<vmem>> -> memref<80x128xf32, #tpu.memory_space<vmem>>
        %dma_start3A_155 = arith.constant 0 : i32
        %dma_start3A_156 = tpu.memref_slice %arg5[%arg0, %mul3A_148, %dma_start3A_155] : memref<2x10000x128xf32, #tpu.memory_space<hbm>> -> memref<1x80x128xf32, #tpu.memory_space<hbm>>
        %dma_start3A_157 = tpu.memref_squeeze %dma_start3A_156 : memref<1x80x128xf32, #tpu.memory_space<hbm>> -> memref<80x128xf32, #tpu.memory_space<hbm>>
        %dma_start3A_158 = arith.constant 0 : i32
        %dma_start3A_159 = tpu.memref_slice %arg5[%arg0, %mul3A_148, %dma_start3A_158] : memref<2x10000x128xf32, #tpu.memory_space<hbm>> -> memref<1x80x128xf32, #tpu.memory_space<hbm>>
        %dma_start3A_160 = tpu.memref_squeeze %dma_start3A_159 : memref<1x80x128xf32, #tpu.memory_space<hbm>> -> memref<80x128xf32, #tpu.memory_space<hbm>>
        %dma_start3A_161 = arith.constant 0 : i32
        %dma_start3A_162 = arith.constant 0 : i32
        %dma_start3A_163 = tpu.memref_slice %arg8[%run_scoped3A_149, %dma_start3A_161, %dma_start3A_162] : memref<2x80x128xf32, #tpu.memory_space<vmem>> -> memref<1x80x128xf32, #tpu.memory_space<vmem>>
        %dma_start3A_164 = tpu.memref_squeeze %dma_start3A_163 : memref<1x80x128xf32, #tpu.memory_space<vmem>> -> memref<80x128xf32, #tpu.memory_space<vmem>>
        tpu.enqueue_dma source(%dma_start3A_164 : memref<80x128xf32, #tpu.memory_space<vmem>>) target(%dma_start3A_160 : memref<80x128xf32, #tpu.memory_space<hbm>>) target_semaphore(%run_scoped3A_150 : memref<!tpu.dma_semaphore, #tpu.memory_space<semaphore_mem>>)
        %dma_wait3A = arith.constant 0 : i32
        %dma_wait3A_165 = arith.constant 0 : i32
        %dma_wait3A_166 = tpu.memref_slice %arg8[%run_scoped3A_149, %dma_wait3A, %dma_wait3A_165] : memref<2x80x128xf32, #tpu.memory_space<vmem>> -> memref<1x80x128xf32, #tpu.memory_space<vmem>>
        %dma_wait3A_167 = tpu.memref_squeeze %dma_wait3A_166 : memref<1x80x128xf32, #tpu.memory_space<vmem>> -> memref<80x128xf32, #tpu.memory_space<vmem>>
        %dma_wait3A_168 = arith.constant 0 : i32
        %dma_wait3A_169 = tpu.memref_slice %arg5[%arg0, %mul3A_148, %dma_wait3A_168] : memref<2x10000x128xf32, #tpu.memory_space<hbm>> -> memref<1x80x128xf32, #tpu.memory_space<hbm>>
        %dma_wait3A_170 = tpu.memref_squeeze %dma_wait3A_169 : memref<1x80x128xf32, #tpu.memory_space<hbm>> -> memref<80x128xf32, #tpu.memory_space<hbm>>
        %dma_wait3A_171 = arith.constant 0 : i32
        %dma_wait3A_172 = tpu.memref_slice %arg5[%arg0, %mul3A_148, %dma_wait3A_171] : memref<2x10000x128xf32, #tpu.memory_space<hbm>> -> memref<1x80x128xf32, #tpu.memory_space<hbm>>
        %dma_wait3A_173 = tpu.memref_squeeze %dma_wait3A_172 : memref<1x80x128xf32, #tpu.memory_space<hbm>> -> memref<80x128xf32, #tpu.memory_space<hbm>>
        %dma_wait3A_174 = arith.constant 0 : i32
        %dma_wait3A_175 = arith.constant 0 : i32
        %dma_wait3A_176 = tpu.memref_slice %arg8[%run_scoped3A_149, %dma_wait3A_174, %dma_wait3A_175] : memref<2x80x128xf32, #tpu.memory_space<vmem>> -> memref<1x80x128xf32, #tpu.memory_space<vmem>>
        %dma_wait3A_177 = tpu.memref_squeeze %dma_wait3A_176 : memref<1x80x128xf32, #tpu.memory_space<vmem>> -> memref<80x128xf32, #tpu.memory_space<vmem>>
        tpu.wait_dma2 semaphore(%run_scoped3A_150 : memref<!tpu.dma_semaphore, #tpu.memory_space<semaphore_mem>>) src(%dma_wait3A_177 : memref<80x128xf32, #tpu.memory_space<vmem>>) dst(%dma_wait3A_173 : memref<80x128xf32, #tpu.memory_space<hbm>>)
        tpu.yield
      }) : () -> ()
    } else {
    }
    %add3A_138 = arith.constant 112 : i32
    %add3A_139 = arith.addi %arg1, %add3A_138 : i32
    %lt3A_140 = arith.constant 125 : i32
    %lt3A_141 = arith.cmpi slt, %add3A_139, %lt3A_140 : i32
    %convert_element_type3A_142 = arith.extui %lt3A_141 : i1 to i32
    %cond3A_143 = arith.constant 0 : i32
    %cond3A_144 = arith.cmpi ne, %convert_element_type3A_142, %cond3A_143 : i32
    scf.if %cond3A_144 {
      %mul3A_145 = arith.constant 80 : i32
      %mul3A_146 = arith.muli %add3A_139, %mul3A_145 : i32
      %run_scoped3A = arith.constant 0 : i32
      "tpu.region"() ({
        %run_scoped3A_150 = tpu.sem_alloc : memref<!tpu.dma_semaphore, #tpu.memory_space<semaphore_mem>>
        %dma_start3A_151 = arith.constant 0 : i32
        %dma_start3A_152 = arith.constant 0 : i32
        %dma_start3A_153 = tpu.memref_slice %arg8[%run_scoped3A, %dma_start3A_151, %dma_start3A_152] : memref<2x80x128xf32, #tpu.memory_space<vmem>> -> memref<1x80x128xf32, #tpu.memory_space<vmem>>
        %dma_start3A_154 = tpu.memref_squeeze %dma_start3A_153 : memref<1x80x128xf32, #tpu.memory_space<vmem>> -> memref<80x128xf32, #tpu.memory_space<vmem>>
        %dma_start3A_155 = arith.constant 0 : i32
        %dma_start3A_156 = tpu.memref_slice %arg10[%mul3A_146, %dma_start3A_155] : memref<10000x128xf32, #tpu.memory_space<vmem_shared>> -> memref<80x128xf32, #tpu.memory_space<vmem_shared>>
        %dma_start3A_157 = arith.constant 0 : i32
        %dma_start3A_158 = arith.constant 0 : i32
        %dma_start3A_159 = tpu.memref_slice %arg8[%run_scoped3A, %dma_start3A_157, %dma_start3A_158] : memref<2x80x128xf32, #tpu.memory_space<vmem>> -> memref<1x80x128xf32, #tpu.memory_space<vmem>>
        %dma_start3A_160 = tpu.memref_squeeze %dma_start3A_159 : memref<1x80x128xf32, #tpu.memory_space<vmem>> -> memref<80x128xf32, #tpu.memory_space<vmem>>
        %dma_start3A_161 = arith.constant 0 : i32
        %dma_start3A_162 = tpu.memref_slice %arg10[%mul3A_146, %dma_start3A_161] : memref<10000x128xf32, #tpu.memory_space<vmem_shared>> -> memref<80x128xf32, #tpu.memory_space<vmem_shared>>
        tpu.enqueue_dma source(%dma_start3A_162 : memref<80x128xf32, #tpu.memory_space<vmem_shared>>) target(%dma_start3A_160 : memref<80x128xf32, #tpu.memory_space<vmem>>) target_semaphore(%run_scoped3A_150 : memref<!tpu.dma_semaphore, #tpu.memory_space<semaphore_mem>>)
        %dma_wait3A = arith.constant 0 : i32
        %dma_wait3A_163 = arith.constant 0 : i32
        %dma_wait3A_164 = tpu.memref_slice %arg8[%run_scoped3A, %dma_wait3A, %dma_wait3A_163] : memref<2x80x128xf32, #tpu.memory_space<vmem>> -> memref<1x80x128xf32, #tpu.memory_space<vmem>>
        %dma_wait3A_165 = tpu.memref_squeeze %dma_wait3A_164 : memref<1x80x128xf32, #tpu.memory_space<vmem>> -> memref<80x128xf32, #tpu.memory_space<vmem>>
        %dma_wait3A_166 = arith.constant 0 : i32
        %dma_wait3A_167 = tpu.memref_slice %arg10[%mul3A_146, %dma_wait3A_166] : memref<10000x128xf32, #tpu.memory_space<vmem_shared>> -> memref<80x128xf32, #tpu.memory_space<vmem_shared>>
        %dma_wait3A_168 = arith.constant 0 : i32
        %dma_wait3A_169 = arith.constant 0 : i32
        %dma_wait3A_170 = tpu.memref_slice %arg8[%run_scoped3A, %dma_wait3A_168, %dma_wait3A_169] : memref<2x80x128xf32, #tpu.memory_space<vmem>> -> memref<1x80x128xf32, #tpu.memory_space<vmem>>
        %dma_wait3A_171 = tpu.memref_squeeze %dma_wait3A_170 : memref<1x80x128xf32, #tpu.memory_space<vmem>> -> memref<80x128xf32, #tpu.memory_space<vmem>>
        %dma_wait3A_172 = arith.constant 0 : i32
        %dma_wait3A_173 = tpu.memref_slice %arg10[%mul3A_146, %dma_wait3A_172] : memref<10000x128xf32, #tpu.memory_space<vmem_shared>> -> memref<80x128xf32, #tpu.memory_space<vmem_shared>>
        tpu.wait_dma2 semaphore(%run_scoped3A_150 : memref<!tpu.dma_semaphore, #tpu.memory_space<semaphore_mem>>) src(%dma_wait3A_173 : memref<80x128xf32, #tpu.memory_space<vmem_shared>>) dst(%dma_wait3A_171 : memref<80x128xf32, #tpu.memory_space<vmem>>)
        tpu.yield
      }) : () -> ()
      %mul3A_147 = arith.constant 80 : i32
      %mul3A_148 = arith.muli %add3A_139, %mul3A_147 : i32
      %run_scoped3A_149 = arith.constant 0 : i32
      "tpu.region"() ({
        %run_scoped3A_150 = tpu.sem_alloc : memref<!tpu.dma_semaphore, #tpu.memory_space<semaphore_mem>>
        %dma_start3A_151 = arith.constant 0 : i32
        %dma_start3A_152 = arith.constant 0 : i32
        %dma_start3A_153 = tpu.memref_slice %arg8[%run_scoped3A_149, %dma_start3A_151, %dma_start3A_152] : memref<2x80x128xf32, #tpu.memory_space<vmem>> -> memref<1x80x128xf32, #tpu.memory_space<vmem>>
        %dma_start3A_154 = tpu.memref_squeeze %dma_start3A_153 : memref<1x80x128xf32, #tpu.memory_space<vmem>> -> memref<80x128xf32, #tpu.memory_space<vmem>>
        %dma_start3A_155 = arith.constant 0 : i32
        %dma_start3A_156 = tpu.memref_slice %arg5[%arg0, %mul3A_148, %dma_start3A_155] : memref<2x10000x128xf32, #tpu.memory_space<hbm>> -> memref<1x80x128xf32, #tpu.memory_space<hbm>>
        %dma_start3A_157 = tpu.memref_squeeze %dma_start3A_156 : memref<1x80x128xf32, #tpu.memory_space<hbm>> -> memref<80x128xf32, #tpu.memory_space<hbm>>
        %dma_start3A_158 = arith.constant 0 : i32
        %dma_start3A_159 = tpu.memref_slice %arg5[%arg0, %mul3A_148, %dma_start3A_158] : memref<2x10000x128xf32, #tpu.memory_space<hbm>> -> memref<1x80x128xf32, #tpu.memory_space<hbm>>
        %dma_start3A_160 = tpu.memref_squeeze %dma_start3A_159 : memref<1x80x128xf32, #tpu.memory_space<hbm>> -> memref<80x128xf32, #tpu.memory_space<hbm>>
        %dma_start3A_161 = arith.constant 0 : i32
        %dma_start3A_162 = arith.constant 0 : i32
        %dma_start3A_163 = tpu.memref_slice %arg8[%run_scoped3A_149, %dma_start3A_161, %dma_start3A_162] : memref<2x80x128xf32, #tpu.memory_space<vmem>> -> memref<1x80x128xf32, #tpu.memory_space<vmem>>
        %dma_start3A_164 = tpu.memref_squeeze %dma_start3A_163 : memref<1x80x128xf32, #tpu.memory_space<vmem>> -> memref<80x128xf32, #tpu.memory_space<vmem>>
        tpu.enqueue_dma source(%dma_start3A_164 : memref<80x128xf32, #tpu.memory_space<vmem>>) target(%dma_start3A_160 : memref<80x128xf32, #tpu.memory_space<hbm>>) target_semaphore(%run_scoped3A_150 : memref<!tpu.dma_semaphore, #tpu.memory_space<semaphore_mem>>)
        %dma_wait3A = arith.constant 0 : i32
        %dma_wait3A_165 = arith.constant 0 : i32
        %dma_wait3A_166 = tpu.memref_slice %arg8[%run_scoped3A_149, %dma_wait3A, %dma_wait3A_165] : memref<2x80x128xf32, #tpu.memory_space<vmem>> -> memref<1x80x128xf32, #tpu.memory_space<vmem>>
        %dma_wait3A_167 = tpu.memref_squeeze %dma_wait3A_166 : memref<1x80x128xf32, #tpu.memory_space<vmem>> -> memref<80x128xf32, #tpu.memory_space<vmem>>
        %dma_wait3A_168 = arith.constant 0 : i32
        %dma_wait3A_169 = tpu.memref_slice %arg5[%arg0, %mul3A_148, %dma_wait3A_168] : memref<2x10000x128xf32, #tpu.memory_space<hbm>> -> memref<1x80x128xf32, #tpu.memory_space<hbm>>
        %dma_wait3A_170 = tpu.memref_squeeze %dma_wait3A_169 : memref<1x80x128xf32, #tpu.memory_space<hbm>> -> memref<80x128xf32, #tpu.memory_space<hbm>>
        %dma_wait3A_171 = arith.constant 0 : i32
        %dma_wait3A_172 = tpu.memref_slice %arg5[%arg0, %mul3A_148, %dma_wait3A_171] : memref<2x10000x128xf32, #tpu.memory_space<hbm>> -> memref<1x80x128xf32, #tpu.memory_space<hbm>>
        %dma_wait3A_173 = tpu.memref_squeeze %dma_wait3A_172 : memref<1x80x128xf32, #tpu.memory_space<hbm>> -> memref<80x128xf32, #tpu.memory_space<hbm>>
        %dma_wait3A_174 = arith.constant 0 : i32
        %dma_wait3A_175 = arith.constant 0 : i32
        %dma_wait3A_176 = tpu.memref_slice %arg8[%run_scoped3A_149, %dma_wait3A_174, %dma_wait3A_175] : memref<2x80x128xf32, #tpu.memory_space<vmem>> -> memref<1x80x128xf32, #tpu.memory_space<vmem>>
        %dma_wait3A_177 = tpu.memref_squeeze %dma_wait3A_176 : memref<1x80x128xf32, #tpu.memory_space<vmem>> -> memref<80x128xf32, #tpu.memory_space<vmem>>
        tpu.wait_dma2 semaphore(%run_scoped3A_150 : memref<!tpu.dma_semaphore, #tpu.memory_space<semaphore_mem>>) src(%dma_wait3A_177 : memref<80x128xf32, #tpu.memory_space<vmem>>) dst(%dma_wait3A_173 : memref<80x128xf32, #tpu.memory_space<hbm>>)
        tpu.yield
      }) : () -> ()
    } else {
    }
    return
  }
}

module attributes {stable_mosaic.version = 14 : i64} {
  func.func @body(%arg0: i32, %arg1: memref<1000x128xf32, #tpu.memory_space<vmem>>, %arg2: memref<1000x2xf32, #tpu.memory_space<vmem>>, %arg3: memref<128x128xf32, #tpu.memory_space<vmem>>, %arg4: memref<128x128xf32, #tpu.memory_space<vmem>>, %arg5: memref<1000x128xf32, #tpu.memory_space<vmem>>, %arg6: memref<1000x128xf32, #tpu.memory_space<vmem>>, %arg7: memref<1000x1xf32, #tpu.memory_space<vmem>>) attributes {dimension_semantics = [#tpu.dimension_semantics<arbitrary>], iteration_bounds = array<i64: 10>, scalar_prefetch = 0 : i64, scratch_operands = 0 : i64, tpu.core_type = #tpu.core_type<tc>, window_params = [{transform_indices = @transform_0, window_bounds = array<i64: 1000, 128>}, {transform_indices = @transform_1, window_bounds = array<i64: 1000, 2>}, {pipeline_mode = #tpu.pipeline_mode<synchronous>, transform_indices = @transform_2, window_bounds = array<i64: 128, 128>}, {pipeline_mode = #tpu.pipeline_mode<synchronous>, transform_indices = @transform_3, window_bounds = array<i64: 128, 128>}, {transform_indices = @transform_4, window_bounds = array<i64: 1000, 128>}, {transform_indices = @transform_5, window_bounds = array<i64: 1000, 128>}, {transform_indices = @transform_6, window_bounds = array<i64: 1000, 1>}]} {
    %get3A = arith.constant 0 : index
    %get3A_0 = arith.constant 0 : index
    %get3A_1 = vector.load %arg2[%get3A, %get3A_0] : memref<1000x2xf32, #tpu.memory_space<vmem>>, vector<1000x1xf32>
    %get3A_2 = arith.constant 0 : index
    %get3A_3 = arith.constant 1 : index
    %get3A_4 = vector.load %arg2[%get3A_2, %get3A_3] : memref<1000x2xf32, #tpu.memory_space<vmem>>, vector<1000x1xf32>
    %add3A = arith.addf %get3A_1, %get3A_4 : vector<1000x1xf32>
    %add3A_5 = arith.constant 1.000000e+00 : f32
    %add3A_6 = vector.broadcast %add3A_5 : f32 to vector<1000x1xf32>
    %add3A_7 = arith.addf %add3A, %add3A_6 : vector<1000x1xf32>
    %max3A = arith.constant 1.000000e+00 : f32
    %max3A_8 = vector.broadcast %max3A : f32 to vector<1000x1xf32>
    %max3A_9 = arith.maximumf %add3A_7, %max3A_8 : vector<1000x1xf32>
    %sqrt3A = math.sqrt %max3A_9 : vector<1000x1xf32>
    %div3A = arith.constant 1.000000e+00 : f32
    %div3A_10 = vector.broadcast %div3A : f32 to vector<1000x1xf32>
    %div3A_11 = arith.divf %div3A_10, %sqrt3A : vector<1000x1xf32>
    %get3A_12 = arith.constant 0 : index
    %get3A_13 = arith.constant 0 : index
    %get3A_14 = vector.load %arg1[%get3A_12, %get3A_13] : memref<1000x128xf32, #tpu.memory_space<vmem>>, vector<1000x128xf32>
    %convert_element_type3A = arith.truncf %get3A_14 : vector<1000x128xf32> to vector<1000x128xbf16>
    %get3A_15 = arith.constant 0 : index
    %get3A_16 = arith.constant 0 : index
    %get3A_17 = vector.load %arg3[%get3A_15, %get3A_16] : memref<128x128xf32, #tpu.memory_space<vmem>>, vector<128x128xf32>
    %convert_element_type3A_18 = arith.truncf %get3A_17 : vector<128x128xf32> to vector<128x128xbf16>
    %dot_general3A = arith.constant dense<0.000000e+00> : vector<1000x128xf32>
    %dot_general3A_19 = tpu.matmul %convert_element_type3A, %convert_element_type3A_18, %dot_general3A {dimension_numbers = #tpu.dot_dimension_numbers<[1], [0], [0], [1], [0, 0, 1, 1], [], []>, transpose_lhs_hint = false} : vector<1000x128xbf16>, vector<128x128xbf16>, vector<1000x128xf32> -> vector<1000x128xf32>
    %mul3A = vector.broadcast %div3A_11 : vector<1000x1xf32> to vector<1000x128xf32>
    %mul3A_20 = arith.mulf %dot_general3A_19, %mul3A : vector<1000x128xf32>
    %swap3A = arith.constant 0 : index
    %swap3A_21 = arith.constant 0 : index
    %swap3A_22 = vector.load %arg5[%swap3A, %swap3A_21] : memref<1000x128xf32, #tpu.memory_space<vmem>>, vector<1000x128xf32>
    tpu.vector_store %arg5[%swap3A, %swap3A_21], %mul3A_20 {strides = array<i32>} : memref<1000x128xf32, #tpu.memory_space<vmem>>, vector<1000x128xf32>,
    %get3A_23 = arith.constant 0 : index
    %get3A_24 = arith.constant 0 : index
    %get3A_25 = vector.load %arg4[%get3A_23, %get3A_24] : memref<128x128xf32, #tpu.memory_space<vmem>>, vector<128x128xf32>
    %convert_element_type3A_26 = arith.truncf %get3A_25 : vector<128x128xf32> to vector<128x128xbf16>
    %dot_general3A_27 = arith.constant dense<0.000000e+00> : vector<1000x128xf32>
    %dot_general3A_28 = tpu.matmul %convert_element_type3A, %convert_element_type3A_26, %dot_general3A_27 {dimension_numbers = #tpu.dot_dimension_numbers<[1], [0], [0], [1], [0, 0, 1, 1], [], []>, transpose_lhs_hint = false} : vector<1000x128xbf16>, vector<128x128xbf16>, vector<1000x128xf32> -> vector<1000x128xf32>
    %mul3A_29 = vector.broadcast %div3A_11 : vector<1000x1xf32> to vector<1000x128xf32>
    %mul3A_30 = arith.mulf %dot_general3A_28, %mul3A_29 : vector<1000x128xf32>
    %swap3A_31 = arith.constant 0 : index
    %swap3A_32 = arith.constant 0 : index
    %swap3A_33 = vector.load %arg6[%swap3A_31, %swap3A_32] : memref<1000x128xf32, #tpu.memory_space<vmem>>, vector<1000x128xf32>
    tpu.vector_store %arg6[%swap3A_31, %swap3A_32], %mul3A_30 {strides = array<i32>} : memref<1000x128xf32, #tpu.memory_space<vmem>>, vector<1000x128xf32>,
    %swap3A_34 = arith.constant 0 : index
    %swap3A_35 = arith.constant 0 : index
    %swap3A_36 = vector.load %arg7[%swap3A_34, %swap3A_35] : memref<1000x1xf32, #tpu.memory_space<vmem>>, vector<1000x1xf32>
    tpu.vector_store %arg7[%swap3A_34, %swap3A_35], %div3A_11 {strides = array<i32>} : memref<1000x1xf32, #tpu.memory_space<vmem>>, vector<1000x1xf32>,
    return
  }
  func.func @transform_0(%arg0: i32) -> (i32, i32) {
    %c0_i32 = arith.constant 0 : i32
    %c0_i32_0 = arith.constant 0 : i32
    return %arg0, %c0_i32 : i32, i32
  }
  func.func @transform_1(%arg0: i32) -> (i32, i32) {
    %c0_i32 = arith.constant 0 : i32
    %c0_i32_0 = arith.constant 0 : i32
    return %arg0, %c0_i32 : i32, i32
  }
  func.func @transform_2(%arg0: i32) -> (i32, i32) {
    %c0_i32 = arith.constant 0 : i32
    %c0_i32_0 = arith.constant 0 : i32
    %c0_i32_1 = arith.constant 0 : i32
    return %c0_i32, %c0_i32_0 : i32, i32
  }
  func.func @transform_3(%arg0: i32) -> (i32, i32) {
    %c0_i32 = arith.constant 0 : i32
    %c0_i32_0 = arith.constant 0 : i32
    %c0_i32_1 = arith.constant 0 : i32
    return %c0_i32, %c0_i32_0 : i32, i32
  }
  func.func @transform_4(%arg0: i32) -> (i32, i32) {
    %c0_i32 = arith.constant 0 : i32
    %c0_i32_0 = arith.constant 0 : i32
    return %arg0, %c0_i32 : i32, i32
  }
  func.func @transform_5(%arg0: i32) -> (i32, i32) {
    %c0_i32 = arith.constant 0 : i32
    %c0_i32_0 = arith.constant 0 : i32
    return %arg0, %c0_i32 : i32, i32
  }
  func.func @transform_6(%arg0: i32) -> (i32, i32) {
    %c0_i32 = arith.constant 0 : i32
    %c0_i32_0 = arith.constant 0 : i32
    return %arg0, %c0_i32 : i32, i32
  }
}

module attributes {stable_mosaic.version = 14 : i64} {
  func.func @body(%arg0: i32, %arg1: memref<2x1000x128xf32, #tpu.memory_space<vmem>>, %arg2: memref<2x1000x128xf32, #tpu.memory_space<vmem>>, %arg3: memref<1000x128xf32, #tpu.memory_space<vmem>>, %arg4: memref<1000x128xf32, #tpu.memory_space<vmem>>, %arg5: memref<1000x128xf32, #tpu.memory_space<vmem>>, %arg6: memref<1000x1xf32, #tpu.memory_space<vmem>>, %arg7: memref<1x128xf32, #tpu.memory_space<vmem>>, %arg8: memref<128x32xf32, #tpu.memory_space<vmem>>, %arg9: memref<1x32xf32, #tpu.memory_space<vmem>>, %arg10: memref<32x32xf32, #tpu.memory_space<vmem>>, %arg11: memref<1x32xf32, #tpu.memory_space<vmem>>, %arg12: memref<32x1xf32, #tpu.memory_space<vmem>>, %arg13: memref<1x1xf32, #tpu.memory_space<vmem>>, %arg14: memref<1x128xf32, #tpu.memory_space<vmem>>, %arg15: memref<1000x1xf32, #tpu.memory_space<vmem>>, %arg16: memref<1000x128xf32, #tpu.memory_space<vmem>>) attributes {dimension_semantics = [#tpu.dimension_semantics<arbitrary>], iteration_bounds = array<i64: 10>, scalar_prefetch = 0 : i64, scratch_operands = 0 : i64, tpu.core_type = #tpu.core_type<tc>, window_params = [{transform_indices = @transform_0, window_bounds = array<i64: 2, 1000, 128>}, {transform_indices = @transform_1, window_bounds = array<i64: 2, 1000, 128>}, {transform_indices = @transform_2, window_bounds = array<i64: 1000, 128>}, {transform_indices = @transform_3, window_bounds = array<i64: 1000, 128>}, {transform_indices = @transform_4, window_bounds = array<i64: 1000, 128>}, {transform_indices = @transform_5, window_bounds = array<i64: 1000, 1>}, {pipeline_mode = #tpu.pipeline_mode<synchronous>, transform_indices = @transform_6, window_bounds = array<i64: 1, 128>}, {pipeline_mode = #tpu.pipeline_mode<synchronous>, transform_indices = @transform_7, window_bounds = array<i64: 128, 32>}, {pipeline_mode = #tpu.pipeline_mode<synchronous>, transform_indices = @transform_8, window_bounds = array<i64: 1, 32>}, {pipeline_mode = #tpu.pipeline_mode<synchronous>, transform_indices = @transform_9, window_bounds = array<i64: 32, 32>}, {pipeline_mode = #tpu.pipeline_mode<synchronous>, transform_indices = @transform_10, window_bounds = array<i64: 1, 32>}, {pipeline_mode = #tpu.pipeline_mode<synchronous>, transform_indices = @transform_11, window_bounds = array<i64: 32, 1>}, {pipeline_mode = #tpu.pipeline_mode<synchronous>, transform_indices = @transform_12, window_bounds = array<i64: 1, 1>}, {pipeline_mode = #tpu.pipeline_mode<synchronous>, transform_indices = @transform_13, window_bounds = array<i64: 1, 128>}, {transform_indices = @transform_14, window_bounds = array<i64: 1000, 1>}, {transform_indices = @transform_15, window_bounds = array<i64: 1000, 128>}]} {
    %get3A = arith.constant 0 : index
    %get3A_0 = arith.constant 0 : index
    %get3A_1 = vector.load %arg3[%get3A, %get3A_0] : memref<1000x128xf32, #tpu.memory_space<vmem>>, vector<1000x128xf32>
    %get3A_2 = arith.constant 0 : index
    %get3A_3 = arith.constant 0 : index
    %get3A_4 = vector.load %arg6[%get3A_2, %get3A_3] : memref<1000x1xf32, #tpu.memory_space<vmem>>, vector<1000x1xf32>
    %get3A_5 = arith.constant 0 : index
    %get3A_6 = arith.constant 0 : index
    %get3A_7 = arith.constant 0 : index
    %get3A_8 = vector.load %arg1[%get3A_5, %get3A_6, %get3A_7] : memref<2x1000x128xf32, #tpu.memory_space<vmem>>, vector<1x1000x128xf32>
    %get3A_9 = vector.shape_cast %get3A_8 : vector<1x1000x128xf32> to vector<1000x128xf32>
    %get3A_10 = arith.constant 1 : index
    %get3A_11 = arith.constant 0 : index
    %get3A_12 = arith.constant 0 : index
    %get3A_13 = vector.load %arg1[%get3A_10, %get3A_11, %get3A_12] : memref<2x1000x128xf32, #tpu.memory_space<vmem>>, vector<1x1000x128xf32>
    %get3A_14 = vector.shape_cast %get3A_13 : vector<1x1000x128xf32> to vector<1000x128xf32>
    %add3A = arith.addf %get3A_9, %get3A_14 : vector<1000x128xf32>
    %get3A_15 = arith.constant 0 : index
    %get3A_16 = arith.constant 0 : index
    %get3A_17 = vector.load %arg4[%get3A_15, %get3A_16] : memref<1000x128xf32, #tpu.memory_space<vmem>>, vector<1000x128xf32>
    %sub3A = arith.subf %add3A, %get3A_17 : vector<1000x128xf32>
    %mul3A = vector.broadcast %get3A_4 : vector<1000x1xf32> to vector<1000x128xf32>
    %mul3A_18 = arith.mulf %sub3A, %mul3A : vector<1000x128xf32>
    %get3A_19 = arith.constant 0 : index
    %get3A_20 = arith.constant 0 : index
    %get3A_21 = vector.load %arg7[%get3A_19, %get3A_20] : memref<1x128xf32, #tpu.memory_space<vmem>>, vector<1x128xf32>
    %add3A_22 = vector.broadcast %get3A_21 : vector<1x128xf32> to vector<1000x128xf32>
    %add3A_23 = arith.addf %mul3A_18, %add3A_22 : vector<1000x128xf32>
    %max3A = arith.constant 0.000000e+00 : f32
    %max3A_24 = vector.broadcast %max3A : f32 to vector<1000x128xf32>
    %max3A_25 = arith.maximumf %add3A_23, %max3A_24 : vector<1000x128xf32>
    %add3A_26 = arith.addf %max3A_25, %get3A_1 : vector<1000x128xf32>
    %get3A_27 = arith.constant 0 : index
    %get3A_28 = arith.constant 0 : index
    %get3A_29 = vector.load %arg8[%get3A_27, %get3A_28] : memref<128x32xf32, #tpu.memory_space<vmem>>, vector<128x32xf32>
    %convert_element_type3A = arith.truncf %add3A_26 : vector<1000x128xf32> to vector<1000x128xbf16>
    %convert_element_type3A_30 = arith.truncf %get3A_29 : vector<128x32xf32> to vector<128x32xbf16>
    %dot_general3A = arith.constant dense<0.000000e+00> : vector<1000x32xf32>
    %dot_general3A_31 = tpu.matmul %convert_element_type3A, %convert_element_type3A_30, %dot_general3A {dimension_numbers = #tpu.dot_dimension_numbers<[1], [0], [0], [1], [0, 0, 1, 1], [], []>, transpose_lhs_hint = false} : vector<1000x128xbf16>, vector<128x32xbf16>, vector<1000x32xf32> -> vector<1000x32xf32>
    %get3A_32 = arith.constant 0 : index
    %get3A_33 = arith.constant 0 : index
    %get3A_34 = vector.load %arg9[%get3A_32, %get3A_33] : memref<1x32xf32, #tpu.memory_space<vmem>>, vector<1x32xf32>
    %add3A_35 = vector.broadcast %get3A_34 : vector<1x32xf32> to vector<1000x32xf32>
    %add3A_36 = arith.addf %dot_general3A_31, %add3A_35 : vector<1000x32xf32>
    %max3A_37 = arith.constant 0.000000e+00 : f32
    %max3A_38 = vector.broadcast %max3A_37 : f32 to vector<1000x32xf32>
    %max3A_39 = arith.maximumf %add3A_36, %max3A_38 : vector<1000x32xf32>
    %get3A_40 = arith.constant 0 : index
    %get3A_41 = arith.constant 0 : index
    %get3A_42 = vector.load %arg10[%get3A_40, %get3A_41] : memref<32x32xf32, #tpu.memory_space<vmem>>, vector<32x32xf32>
    %convert_element_type3A_43 = arith.truncf %max3A_39 : vector<1000x32xf32> to vector<1000x32xbf16>
    %convert_element_type3A_44 = arith.truncf %get3A_42 : vector<32x32xf32> to vector<32x32xbf16>
    %dot_general3A_45 = arith.constant dense<0.000000e+00> : vector<1000x32xf32>
    %dot_general3A_46 = tpu.matmul %convert_element_type3A_43, %convert_element_type3A_44, %dot_general3A_45 {dimension_numbers = #tpu.dot_dimension_numbers<[1], [0], [0], [1], [0, 0, 1, 1], [], []>, transpose_lhs_hint = false} : vector<1000x32xbf16>, vector<32x32xbf16>, vector<1000x32xf32> -> vector<1000x32xf32>
    %get3A_47 = arith.constant 0 : index
    %get3A_48 = arith.constant 0 : index
    %get3A_49 = vector.load %arg11[%get3A_47, %get3A_48] : memref<1x32xf32, #tpu.memory_space<vmem>>, vector<1x32xf32>
    %add3A_50 = vector.broadcast %get3A_49 : vector<1x32xf32> to vector<1000x32xf32>
    %add3A_51 = arith.addf %dot_general3A_46, %add3A_50 : vector<1000x32xf32>
    %max3A_52 = arith.constant 0.000000e+00 : f32
    %max3A_53 = vector.broadcast %max3A_52 : f32 to vector<1000x32xf32>
    %max3A_54 = arith.maximumf %add3A_51, %max3A_53 : vector<1000x32xf32>
    %get3A_55 = arith.constant 0 : index
    %get3A_56 = arith.constant 0 : index
    %get3A_57 = vector.load %arg12[%get3A_55, %get3A_56] : memref<32x1xf32, #tpu.memory_space<vmem>>, vector<32x1xf32>
    %convert_element_type3A_58 = arith.truncf %max3A_54 : vector<1000x32xf32> to vector<1000x32xbf16>
    %convert_element_type3A_59 = arith.truncf %get3A_57 : vector<32x1xf32> to vector<32x1xbf16>
    %dot_general3A_60 = arith.constant dense<0.000000e+00> : vector<1000x1xf32>
    %dot_general3A_61 = tpu.matmul %convert_element_type3A_58, %convert_element_type3A_59, %dot_general3A_60 {dimension_numbers = #tpu.dot_dimension_numbers<[1], [0], [0], [1], [0, 0, 1, 1], [], []>, transpose_lhs_hint = false} : vector<1000x32xbf16>, vector<32x1xbf16>, vector<1000x1xf32> -> vector<1000x1xf32>
    %get3A_62 = arith.constant 0 : index
    %get3A_63 = arith.constant 0 : index
    %get3A_64 = vector.load %arg13[%get3A_62, %get3A_63] : memref<1x1xf32, #tpu.memory_space<vmem>>, vector<1x1xf32>
    %add3A_65 = vector.broadcast %get3A_64 : vector<1x1xf32> to vector<1000x1xf32>
    %add3A_66 = arith.addf %dot_general3A_61, %add3A_65 : vector<1000x1xf32>
    %custom_jvp_call3A = arith.constant 0.000000e+00 : f32
    %max3A_67 = vector.broadcast %custom_jvp_call3A : f32 to vector<1000x1xf32>
    %max3A_68 = arith.maximumf %add3A_66, %max3A_67 : vector<1000x1xf32>
    %sub3A_69 = vector.broadcast %custom_jvp_call3A : f32 to vector<1000x1xf32>
    %sub3A_70 = arith.subf %add3A_66, %sub3A_69 : vector<1000x1xf32>
    %ne3A = arith.cmpf one, %sub3A_70, %sub3A_70 : vector<1000x1xf32>
    %add3A_71 = vector.broadcast %custom_jvp_call3A : f32 to vector<1000x1xf32>
    %add3A_72 = arith.addf %add3A_66, %add3A_71 : vector<1000x1xf32>
    %abs3A = math.absf %sub3A_70 : vector<1000x1xf32>
    %neg3A = arith.constant 0.000000e+00 : f32
    %neg3A_73 = vector.broadcast %neg3A : f32 to vector<1000x1xf32>
    %neg3A_74 = arith.subf %neg3A_73, %abs3A : vector<1000x1xf32>
    %exp3A = math.exp %neg3A_74 : vector<1000x1xf32>
    %log1p3A = math.log1p %exp3A : vector<1000x1xf32>
    %add3A_75 = arith.addf %max3A_68, %log1p3A : vector<1000x1xf32>
    %select_n3A = arith.select %ne3A, %add3A_72, %add3A_75 : vector<1000x1xi1>, vector<1000x1xf32>
    %add3A_76 = arith.constant 9.99999968E-21 : f32
    %add3A_77 = vector.broadcast %add3A_76 : f32 to vector<1000x1xf32>
    %add3A_78 = arith.addf %select_n3A, %add3A_77 : vector<1000x1xf32>
    %swap3A = arith.constant 0 : index
    %swap3A_79 = arith.constant 0 : index
    %swap3A_80 = vector.load %arg15[%swap3A, %swap3A_79] : memref<1000x1xf32, #tpu.memory_space<vmem>>, vector<1000x1xf32>
    tpu.vector_store %arg15[%swap3A, %swap3A_79], %add3A_78 {strides = array<i32>} : memref<1000x1xf32, #tpu.memory_space<vmem>>, vector<1000x1xf32>,
    %get3A_81 = arith.constant 0 : index
    %get3A_82 = arith.constant 0 : index
    %get3A_83 = arith.constant 0 : index
    %get3A_84 = vector.load %arg2[%get3A_81, %get3A_82, %get3A_83] : memref<2x1000x128xf32, #tpu.memory_space<vmem>>, vector<1x1000x128xf32>
    %get3A_85 = vector.shape_cast %get3A_84 : vector<1x1000x128xf32> to vector<1000x128xf32>
    %get3A_86 = arith.constant 1 : index
    %get3A_87 = arith.constant 0 : index
    %get3A_88 = arith.constant 0 : index
    %get3A_89 = vector.load %arg2[%get3A_86, %get3A_87, %get3A_88] : memref<2x1000x128xf32, #tpu.memory_space<vmem>>, vector<1x1000x128xf32>
    %get3A_90 = vector.shape_cast %get3A_89 : vector<1x1000x128xf32> to vector<1000x128xf32>
    %add3A_91 = arith.addf %get3A_85, %get3A_90 : vector<1000x128xf32>
    %get3A_92 = arith.constant 0 : index
    %get3A_93 = arith.constant 0 : index
    %get3A_94 = vector.load %arg5[%get3A_92, %get3A_93] : memref<1000x128xf32, #tpu.memory_space<vmem>>, vector<1000x128xf32>
    %sub3A_95 = arith.subf %add3A_91, %get3A_94 : vector<1000x128xf32>
    %mul3A_96 = vector.broadcast %get3A_4 : vector<1000x1xf32> to vector<1000x128xf32>
    %mul3A_97 = arith.mulf %sub3A_95, %mul3A_96 : vector<1000x128xf32>
    %get3A_98 = arith.constant 0 : index
    %get3A_99 = arith.constant 0 : index
    %get3A_100 = vector.load %arg14[%get3A_98, %get3A_99] : memref<1x128xf32, #tpu.memory_space<vmem>>, vector<1x128xf32>
    %add3A_101 = vector.broadcast %get3A_100 : vector<1x128xf32> to vector<1000x128xf32>
    %add3A_102 = arith.addf %mul3A_97, %add3A_101 : vector<1000x128xf32>
    %max3A_103 = arith.constant 0.000000e+00 : f32
    %max3A_104 = vector.broadcast %max3A_103 : f32 to vector<1000x128xf32>
    %max3A_105 = arith.maximumf %add3A_102, %max3A_104 : vector<1000x128xf32>
    %add3A_106 = arith.addf %max3A_105, %get3A_1 : vector<1000x128xf32>
    %swap3A_107 = arith.constant 0 : index
    %swap3A_108 = arith.constant 0 : index
    %swap3A_109 = vector.load %arg16[%swap3A_107, %swap3A_108] : memref<1000x128xf32, #tpu.memory_space<vmem>>, vector<1000x128xf32>
    tpu.vector_store %arg16[%swap3A_107, %swap3A_108], %add3A_106 {strides = array<i32>} : memref<1000x128xf32, #tpu.memory_space<vmem>>, vector<1000x128xf32>,
    return
  }
  func.func @transform_0(%arg0: i32) -> (i32, i32, i32) {
    %c0_i32 = arith.constant 0 : i32
    %c0_i32_0 = arith.constant 0 : i32
    %c0_i32_1 = arith.constant 0 : i32
    return %c0_i32, %arg0, %c0_i32_0 : i32, i32, i32
  }
  func.func @transform_1(%arg0: i32) -> (i32, i32, i32) {
    %c0_i32 = arith.constant 0 : i32
    %c0_i32_0 = arith.constant 0 : i32
    %c0_i32_1 = arith.constant 0 : i32
    return %c0_i32, %arg0, %c0_i32_0 : i32, i32, i32
  }
  func.func @transform_2(%arg0: i32) -> (i32, i32) {
    %c0_i32 = arith.constant 0 : i32
    %c0_i32_0 = arith.constant 0 : i32
    return %arg0, %c0_i32 : i32, i32
  }
  func.func @transform_3(%arg0: i32) -> (i32, i32) {
    %c0_i32 = arith.constant 0 : i32
    %c0_i32_0 = arith.constant 0 : i32
    return %arg0, %c0_i32 : i32, i32
  }
  func.func @transform_4(%arg0: i32) -> (i32, i32) {
    %c0_i32 = arith.constant 0 : i32
    %c0_i32_0 = arith.constant 0 : i32
    return %arg0, %c0_i32 : i32, i32
  }
  func.func @transform_5(%arg0: i32) -> (i32, i32) {
    %c0_i32 = arith.constant 0 : i32
    %c0_i32_0 = arith.constant 0 : i32
    return %arg0, %c0_i32 : i32, i32
  }
  func.func @transform_6(%arg0: i32) -> (i32, i32) {
    %c0_i32 = arith.constant 0 : i32
    %c0_i32_0 = arith.constant 0 : i32
    %c0_i32_1 = arith.constant 0 : i32
    return %c0_i32, %c0_i32_0 : i32, i32
  }
  func.func @transform_7(%arg0: i32) -> (i32, i32) {
    %c0_i32 = arith.constant 0 : i32
    %c0_i32_0 = arith.constant 0 : i32
    %c0_i32_1 = arith.constant 0 : i32
    return %c0_i32, %c0_i32_0 : i32, i32
  }
  func.func @transform_8(%arg0: i32) -> (i32, i32) {
    %c0_i32 = arith.constant 0 : i32
    %c0_i32_0 = arith.constant 0 : i32
    %c0_i32_1 = arith.constant 0 : i32
    return %c0_i32, %c0_i32_0 : i32, i32
  }
  func.func @transform_9(%arg0: i32) -> (i32, i32) {
    %c0_i32 = arith.constant 0 : i32
    %c0_i32_0 = arith.constant 0 : i32
    %c0_i32_1 = arith.constant 0 : i32
    return %c0_i32, %c0_i32_0 : i32, i32
  }
  func.func @transform_10(%arg0: i32) -> (i32, i32) {
    %c0_i32 = arith.constant 0 : i32
    %c0_i32_0 = arith.constant 0 : i32
    %c0_i32_1 = arith.constant 0 : i32
    return %c0_i32, %c0_i32_0 : i32, i32
  }
  func.func @transform_11(%arg0: i32) -> (i32, i32) {
    %c0_i32 = arith.constant 0 : i32
    %c0_i32_0 = arith.constant 0 : i32
    %c0_i32_1 = arith.constant 0 : i32
    return %c0_i32, %c0_i32_0 : i32, i32
  }
  func.func @transform_12(%arg0: i32) -> (i32, i32) {
    %c0_i32 = arith.constant 0 : i32
    %c0_i32_0 = arith.constant 0 : i32
    %c0_i32_1 = arith.constant 0 : i32
    return %c0_i32, %c0_i32_0 : i32, i32
  }
  func.func @transform_13(%arg0: i32) -> (i32, i32) {
    %c0_i32 = arith.constant 0 : i32
    %c0_i32_0 = arith.constant 0 : i32
    %c0_i32_1 = arith.constant 0 : i32
    return %c0_i32, %c0_i32_0 : i32, i32
  }
  func.func @transform_14(%arg0: i32) -> (i32, i32) {
    %c0_i32 = arith.constant 0 : i32
    %c0_i32_0 = arith.constant 0 : i32
    return %arg0, %c0_i32 : i32, i32
  }
  func.func @transform_15(%arg0: i32) -> (i32, i32) {
    %c0_i32 = arith.constant 0 : i32
    %c0_i32_0 = arith.constant 0 : i32
    return %arg0, %c0_i32 : i32, i32
  }
}

</mosaic_0001>

<sc_bundles>
// kernel: kernel.10.cloned.1.call-start
scs
__scs_entry_jumppad:
0x0: {  	(pc) =	sbr.rel $0x88, $3  }
0x1: {  	(tag) =	ssettag $0x0;
	lr =	simm.s32 $0x1  }
0x2: {  	[smem:$0x3F8F] =	sst lr;
	_ =	strace $0xD0000000  }
0x3: {  	_ = 	snop  }
0x4: {  	_ = 	snop  }
0x5: {  	_ = 	snop  }
0x6: {  	_ = 	snop  }
0x7: {  	_ = 	snop  }
__scs_overlays_trampoline_lowered:
0x8: {  	[smem:$0x3F9E] =	sst s0  }
0x9: {  	[smem:$0x3F9F] =	sst s1  }
0xa: {  	[smem:$0x3FA0] =	sst s2  }
0xb: {  	[smem:$0x3FA1] =	sst s3  }
0xc: {  	[smem:$0x3FA2] =	sst s4  }
0xd: {  	[smem:$0x3FA3] =	sst s5  }
0xe: {  	[smem:$0x3FA4] =	sst s6  }
0xf: {  	[smem:$0x3FA5] =	sst s7  }
0x10: {  	[smem:$0x3FA6] =	sst s8  }
0x11: {  	[smem:$0x3FA7] =	sst s9;
	s0 =	simm.s32 @!p0 $0x0  }
0x12: {  	s1 =	sld [smem:$0x3F8D];
	s0 =	simm.s32 @p0 $0x1  }
0x13: {  	[smem:$0x3FA8] =	sst s0;
	s0 =	simm.s32 @!p1 $0x0  }
0x14: {  	s2 =	sld [smem:$0x3F8C];
	s0 =	simm.s32 @p1 $0x1  }
0x15: {  	[smem:$0x3FA9] =	sst s0;
	s0 =	simm.s32 @!p2 $0x0  }
0x16: {  	s3 =	sld [smem:$0x3FDB];
	s0 =	simm.s32 @p2 $0x1  }
0x17: {  	s4 =	simm.s32 $0x1BF5;
	[smem:$0x3FAB] =	sst s0  }
0x18: {  	s0 =	sld [smem:$0x3F8E];
	_ =	swait.ge [sflag:s4], $0x0  }
0x19: {  	s7 =	sld [smem:$0x3F8F]  }
0x1a: {  	s8 =	sadd.s32 $0xFFFFE003, lr  }
0x1b: {  	s9 =	sadd.s32 $0xFFFFFEF7, lr;
	s5 =	simm.s32 $0xFFFFFFFF;
	p2 =	slt.u32 s8, $0xFFFFF086  }
0x1c: {  	p1 =	slt.u32 s9, $0xF7A;
	s5 =	simm.s32 @!p2 $0x0  }
0x1d: {  	s5 =	simm.s32 @p1 $0x1;
	p0 =	seq.s32 s7, s2  }
0x1e: {  	s7 =	smul.u32 @!p0 $0xF7A, s2;
	p2 =	seq.s32 @!p0 s5, $0x0  }
0x1f: {  	s9 =	smul.u32 $0xF7A, s1;
	s8 =	simm.s32 @!p0 $0x1BF5;
	p2 =	por !p2, p0  }
0x20: {  	[sflag:s8] =	ssyncset.s32 @!p0 $0xFFFFF086;
	s6 =	sadd.s32 @!p0 s3, s7;
	s7 =	simm.s32 @!p0 $0x108  }
0x21: {  	s3 =	sadd.s32 s3, s9;
	s6 =	sadd.s32 @!p0 $0x88, s6;
	s7 =	simm.s32 @p2 $0x1082  }
0x22: {  	[simem:s7], [sflag:s8] =	dma.local @!p0 [hbm:s6], $0xF7A  }
0x23: {  	s9 =	sor.u32 $0xD0000000, s2;
	s6 =	simm.s32 $0x108;
	_ =	swait.ge @!p0 [sflag:s8], $0x0  }
0x24: {  	s3 =	sadd.s32 $0x88, s3;
	s6 =	simm.s32 @!p1 $0x1082;
	[sflag:s4] =	ssyncset.s32 $0xFFFFF086  }
0x25: {  	[simem:s6], [sflag:s4] =	dma.local [hbm:s3], $0xF7A  }
0x26: {  	[smem:$0x3F8F] =	sst s1;
	(tag) =	ssettag s2;
	_ =	strace s9  }
0x27: {  	s1 =	sld [smem:$0x3F9F]  }
0x28: {  	s2 =	sld [smem:$0x3FA0]  }
0x29: {  	s4 =	sld [smem:$0x3FA2]  }
0x2a: {  	p0 =	seq.s32 s5, $0x0;
	s5 =	sld [smem:$0x3FA3]  }
0x2b: {  	s6 =	sld [smem:$0x3FA4]  }
0x2c: {  	s7 =	sld [smem:$0x3FA5]  }
0x2d: {  	s3 =	simm.s32 $0x108;
	s8 =	sld [smem:$0x3FA6]  }
0x2e: {  	s3 =	simm.s32 @!p0 $0x1082;
	s9 =	sld [smem:$0x3FA7]  }
0x2f: {  	lr =	sadd.s32 s0, s3;
	s0 =	sld [smem:$0x3F9E]  }
0x30: {  	s3 =	sld [smem:$0x3FA1]  }
0x31: {  	[smem:$0x3FAA] =	sst s10  }
0x32: {  	s10 =	sld [smem:$0x3FA8];
	_ =	sdelay $0x3  }
0x33: {  	p0 =	seq.s32 s10, $0x1;
	s10 =	sld [smem:$0x3FAA];
	_ =	sdelay $0x3  }
0x34: {  	[smem:$0x3FAA] =	sst s10  }
0x35: {  	s10 =	sld [smem:$0x3FA9];
	_ =	sdelay $0x3  }
0x36: {  	p1 =	seq.s32 s10, $0x1;
	s10 =	sld [smem:$0x3FAA];
	_ =	sdelay $0x3  }
0x37: {  	[smem:$0x3FAA] =	sst s10  }
0x38: {  	s10 =	sld [smem:$0x3FAB]  }
0x39: {  	_ = 	snop;
	(pc) =	sbr.ind lr, $3  }
0x3a: {  	_ = 	snop  }
0x3b: {  	_ = 	snop  }
0x3c: {  	p2 =	seq.s32 s10, $0x1;
	s10 =	sld [smem:$0x3FAA]  }
0x3d: {  	_ =	shalt  }
0x3e: {  	_ =	shalt  }
0x3f: {  	_ =	shalt  }
0x40: {  	_ =	shalt  }
0x41: {  	_ =	shalt  }
0x42: {  	_ =	shalt  }
0x43: {  	_ =	shalt  }
0x44: {  	_ =	shalt  }
0x45: {  	_ =	shalt  }
0x46: {  	_ =	shalt  }
0x47: {  	_ =	shalt  }
0x48: {  	_ =	shalt  }
0x49: {  	_ =	shalt  }
0x4a: {  	_ =	shalt  }
0x4b: {  	_ =	shalt  }
0x4c: {  	_ =	shalt  }
0x4d: {  	_ =	shalt  }
0x4e: {  	_ =	shalt  }
0x4f: {  	_ =	shalt  }
0x50: {  	_ =	shalt  }
0x51: {  	_ =	shalt  }
0x52: {  	_ =	shalt  }
0x53: {  	_ =	shalt  }
0x54: {  	_ =	shalt  }
0x55: {  	_ =	shalt  }
0x56: {  	_ =	shalt  }
0x57: {  	_ =	shalt  }
0x58: {  	_ =	shalt  }
0x59: {  	_ =	shalt  }
0x5a: {  	_ =	shalt  }
0x5b: {  	_ =	shalt  }
0x5c: {  	_ =	shalt  }
0x5d: {  	_ =	shalt  }
0x5e: {  	_ =	shalt  }
0x5f: {  	_ =	shalt  }
0x60: {  	_ =	shalt  }
0x61: {  	_ =	shalt  }
0x62: {  	_ =	shalt  }
0x63: {  	_ =	shalt  }
0x64: {  	_ =	shalt  }
0x65: {  	_ =	shalt  }
0x66: {  	_ =	shalt  }
0x67: {  	_ =	shalt  }
0x68: {  	_ =	shalt  }
0x69: {  	_ =	shalt  }
0x6a: {  	_ =	shalt  }
0x6b: {  	_ =	shalt  }
0x6c: {  	_ =	shalt  }
0x6d: {  	_ =	shalt  }
0x6e: {  	_ =	shalt  }
0x6f: {  	_ =	shalt  }
0x70: {  	_ =	shalt  }
0x71: {  	_ =	shalt  }
0x72: {  	_ =	shalt  }
0x73: {  	_ =	shalt  }
0x74: {  	_ =	shalt  }
0x75: {  	_ =	shalt  }
0x76: {  	_ =	shalt  }
0x77: {  	_ =	shalt  }
0x78: {  	_ =	shalt  }
0x79: {  	_ =	shalt  }
0x7a: {  	_ =	shalt  }
0x7b: {  	_ =	shalt  }
0x7c: {  	_ =	shalt  }
0x7d: {  	_ =	shalt  }
0x7e: {  	_ =	shalt  }
0x7f: {  	_ =	shalt  }
0x80: {  	_ =	shalt  }
0x81: {  	_ =	shalt  }
0x82: {  	_ =	shalt  }
0x83: {  	_ =	shalt  }
0x84: {  	_ =	shalt  }
0x85: {  	_ =	shalt  }
0x86: {  	_ =	shalt  }
0x87: {  	_ =	shalt  }
.Lfunc_end0:
.L_simem_size_0:
called_computation.1_lowered:
.L_overlay_start_0:
0x88: {  	s2 =	sld [smem:$0x3FD9]  }
0x89: {  	s3 =	sld [smem:$0x3FFE];
	_ =	sdelay $0x1  }
0x8a: {  	s1 =	srdreg.scid  }
0x8b: {  	s0 =	sand.u32 $0x1, s1  }
0x8c: {  	s17 =	sshll.u32 s0, $0xA;
	s2 =	sadd.s32 s3, s2  }
0x8d: {  	s2 =	sadd.s32 s2, s17  }
0x8e: {  	[smem:$0x3FB6] =	sst s2  }
0x8f: {  	_ = 	snop  }
0x90: {  	(tm) =	ssettm $0x1  }
0x91: {  	s18 =	sld [smem:$0x3FFB];
	_ =	sdelay $0x3  }
0x92: {  	_ =	strace s18  }
0x93: {  	s2 =	sld [smem:$0x3FFC];
	_ =	sdelay $0x3  }
0x94: {  	_ =	strace s2  }
0x95: {  	s2 =	sld [smem:$0x3FFD];
	_ =	sdelay $0x3  }
0x96: {  	_ =	strace s2  }
0x97: {  	_ =	strace $0x8FFFFFFF  }
0x98: {  	s19 =	sld [smem:$0x3FDB];
	_ =	sdelay $0x1  }
0x99: {  	s20 =	simm.s32 $_scs_section_size  }
0x9a: {  	s4 =	simm.s32 $_size__tile_overlayer_lowered;
	s5 =	simm.s32 $_tile_overlayer_lowered  }
0x9b: {  	s6 =	simm.s32 $0x1BFF;
	s21 =	sshll.u32 s5, $0x1;
	s3 =	sadd.s32 s20, s19  }
0x9c: {  	s22 =	simm.s32 $0x0;
	s4 =	sshll.u32 s4, $0x1;
	s5 =	sadd.s32 s21, s3  }
0x9d: {  	[timem:s22], [sflag:s6] =	dma.local [hbm:s5], s4  }
0x9e: {  	_ =	swait.ge [sflag:s6], s4  }
0x9f: {  	s4 =	ssub.s32 $0x0, s4;
	[sflag:s6] =	ssyncset.done $0x0  }
0xa0: {  	[sflag:s6] =	ssyncadd.s32 s4;
	_ =	sdelay $0x1  }
0xa1: {  	s23 =	simm.s32 $0x1B8B  }
0xa2: {  	_ =	swait.ge [sflag:s23], $0x1  }
0xa3: {  	[sflag:s23] =	ssyncset.done $0x0  }
0xa4: {  	[sflag:s23] =	ssyncadd.s32 $0xFFFFFFFF  }
0xa5: {  	s4 =	sld [smem:$0x0]  }
0xa6: {  	s5 =	sand.u32 $0xFFFFFFFE, s1  }
0xa7: {  	p0 =	sne.s32 s1, s5  }
0xa8: {  	s5 =	sshll.u32 @p0 s5, $0xE  }
0xa9: {  	s5 =	sadd.s32 @p0 $0x11B8D, s5;
	s6 =	sshll.u32 @p0 s4, $0x11  }
0xaa: {  	s5 =	sor.u32 @p0 s6, s5  }
0xab: {  	[sflag:s5] =	ssyncadd.remote.s32 @p0 $0x1;
	_ =	sdelay $0x1  }
0xac: {  	s5 =	simm.s32 @p0 $0x1B8D  }
0xad: {  	_ =	swait.eq @p0 [sflag:s5], $0x1  }
0xae: {  	[sflag:s5] =	ssyncadd.s32 @p0 $0xFFFFFFFF  }
0xaf: {  	s6 =	sshll.u32 @!p0 s1, $0xE  }
0xb0: {  	s6 =	sor.u32 @!p0 $0x4000, s6;
	s5 =	simm.s32 @!p0 $0x1B8D  }
0xb1: {  	s4 =	sshll.u32 @!p0 s4, $0x11;
	s6 =	sadd.s32 @!p0 $0x11B8D, s6;
	_ =	swait.eq @!p0 [sflag:s5], $0x1  }
0xb2: {  	s4 =	sor.u32 @!p0 s4, s6;
	[sflag:s5] =	ssyncadd.s32 @!p0 $0xFFFFFFFF  }
0xb3: {  	s25 =	simm.s32 $0x1B8E;
	s24 =	sld [smem:$0x3FFE];
	[sflag:s4] =	ssyncadd.remote.s32 @!p0 $0x1  }
0xb4: {  	s26 =	simm.s32 $execute0_lowered;
	[smem:$0x3FD2] =	sst s25  }
0xb5: {  	s5 =	sshll.u32 s26, $0x1;
	_ =	strace $0x8000004C;
	[dreg:$0x1] =	wrdreg $0xFFFFFFFF  }
0xb6: {  	s28 =	simm.s32 $_size_execute0_lowered;
	s3 =	sadd.s32 s3, s5;
	[dreg:$0x0] =	wrdreg $0x0  }
0xb7: {  	s5 =	sshll.u32 s28, $0x1;
	[dreg:$0x2] =	wrdreg s3  }
0xb8: {  	[dreg:$0x3] =	wrdreg s5  }
0xb9: {  	[dreg:$0x4] =	wrdreg $0xC0  }
0xba: {  	_ =	task [dreg:s22], $0x5FFFF  }
0xbb: {  	[dreg:$0x1] =	wrdreg $0xFFFFFFFF  }
0xbc: {  	[dreg:$0x0] =	wrdreg $0x60  }
0xbd: {  	[dreg:$0x2] =	wrdreg s24  }
0xbe: {  	[dreg:$0x3] =	wrdreg $0x90000  }
0xbf: {  	[dreg:$0x4] =	wrdreg $0x9  }
0xc0: {  	_ =	task.clear_ibuf [dreg:s22], $0x5FFFF;
	_ =	strace $0x9000004C  }
0xc1: {  	s29 =	simm.s32 $0x9;
	_ =	strace $0x8000004E  }
0xc2: {  	_ =	swait.ge [sflag:s29], $0x1  }
0xc3: {  	[sflag:s29] =	ssyncadd.s32 $0xFFFFFFFF  }
0xc4: {  	_ =	strace $0x9000004E  }
0xc5: {  	_ =	sfence  }
0xc6: {  	s30 =	sld [smem:$0x0];
	_ =	sdelay $0x2  }
0xc7: {  	s31 =	sshll.u32 s1, $0xD;
	s1 =	sshrl.u32 s1, $0x2  }
0xc8: {  	s4 =	sand.u32 $0x4000, s31;
	s1 =	sadd.s32 s1, s30  }
0xc9: {  	s0 =	sor.u32 s4, s0;
	s1 =	sshll.u32 s1, $0x11  }
0xca: {  	s0 =	sor.u32 s1, s0  }
0xcb: {  	s0 =	sadd.s32 $0x8F2B, s0  }
0xcc: {  	[sflag:s0] =	ssyncadd.remote.s32 $0x1  }
0xcd: {  	_ =	sfence.sel $0xFFFF  }
0xce: {  	[dreg:$0x0] =	wrdreg $0xFFFFFFFF;
	(pc) =	sbr.abs _section_cstart, $3  }
0xcf: {  	[dreg:$0x1] =	wrdreg $0xFFFFFFFF  }
0xd0: {  	_ =	task.clear_ibuf [dreg:s22], $0x2FFFF;
	_ =	strace $0x9FFFFFFF  }
0xd1: {  	(tm) =	ssettm $0x7FFFFFFF  }
tec
execute0_lowered:
.L_overlay_start_1:
0x0: {  	(tag) =	ssettag $0x1  }
0x1: {  	s3 =	rddreg [dreg:$0x0];
	s1 =	simm.s32 $0x0;
	s10 =	stileid.u32  }
0x2: {  	s0 =	srdreg.scid;
	s4 =	sor.u32 $0x10, s10;
	s14 =	smul.u32 $0x2800, s10  }
0x3: {  	[smem:$0x7FF] =	sst s1;
	s0 =	sand.u32 $0x1, s0;
	s6 =	smul.u32 $0x500, s4  }
0x4: {  	s7 =	sadd.s32 $0x13200, s3;
	s8 =	sadd.s32 $0x2800, s3;
	s20 =	smul.u32 $0xA000, s4  }
0x5: {  	s9 =	sadd.s32 $0xE6A00, s3;
	s11 =	sor.u32 $0x20, s10;
	s13 =	smul.u32 $0x138800, s0  }
0x6: {  	s12 =	sor.u32 $0x30, s10;
	s21 =	sor.u32 $0x40, s10;
	s16 =	smul.u32 $0x2800, s4  }
0x7: {  	s15 =	sshll.u32 s10, $0xC;
	p0 =	sgt.u32 s10, $0xC;
	s17 =	smul.u32 $0x2800, s11  }
0x8: {  	s2 =	ssub.s32 $0x2, s0;
	s0 =	sshll.u32 s0, $0xB;
	s23 =	smul.u32 $0x2800, s12  }
0x9: {  	s4 =	sor.u32 $0x60, s10;
	s22 =	smul.u32 $0x2800, s21;
	s5 =	sshrl.u32 s2, $0x1  }
0xa: {  	s15 =	sor.u32 s0, s15;
	s0 =	sor.u32 $0x70, s10;
	s24 =	smul.u32 $0x2800, s4  }
0xb: {  	s2 =	ssub.s32 s2, s5;
	s5 =	sor.u32 $0x50, s10;
	s18 =	sadd.s32 s7, s15  }
0xc: {  	s19 =	sadd.s32 s8, s15;
	s15 =	sor.u32 $0x400, s15;
	s14 =	sadd.s32 s14, s13  }
0xd: {  	s16 =	sadd.s32 s13, s16;
	s25 =	sadd.s32 s13, s17;
	[dreg:$0x3] =	wrdreg s18  }
0xe: {  	[dreg:$0x4] =	wrdreg s19;
	s26 =	sadd.s32 s8, s15;
	s8 =	smul.u32 $0x2800, s5  }
0xf: {  	s7 =	sadd.s32 s7, s15;
	s19 =	sadd.s32 s13, s22;
	s22 =	smul.u32 $0x500, s11  }
0x10: {  	s15 =	sadd.s32 s13, s24;
	s11 =	smul.u32 $0xA000, s11;
	s24 =	sshrl.u32 s16, $0x3  }
0x11: {  	s25 =	sshrl.u32 s25, $0x3;
	s2 =	smax.u32 s2, $0x1;
	[dreg:$0x5] =	wrdreg s7  }
0x12: {  	[dreg:$0x6] =	wrdreg s26;
	s26 =	sadd.s32 s13, s23;
	s23 =	smul.u32 $0x2800, s0  }
0x13: {  	s16 =	sshrl.u32 s15, $0x3;
	s15 =	smul.u32 $0xA000, s21;
	s7 =	sadd.s32 s13, s8  }
0x14: {  	s8 =	sshrl.u32 s14, $0x3;
	s26 =	sshrl.u32 s26, $0x3;
	s14 =	sshrl.u32 s19, $0x3  }
0x15: {  	s17 =	sadd.s32 s9, s16;
	s18 =	sadd.s32 s13, s23;
	s23 =	smul.u32 $0xA000, s10  }
0x16: {  	s16 =	sadd.s32 $0x4A400, s3;
	s13 =	sadd.s32 s9, s26;
	s26 =	smul.u32 $0x500, s12  }
0x17: {  	s8 =	sadd.s32 s9, s8;
	[dreg:$0xd] =	wrdreg s17;
	s17 =	smul.u32 $0x500, s5  }
0x18: {  	s7 =	sshrl.u32 s7, $0x3;
	s5 =	smul.u32 $0xA000, s5;
	[dreg:$0x7] =	wrdreg s8  }
0x19: {  	s8 =	sadd.s32 s9, s24;
	[dreg:$0xa] =	wrdreg s13;
	s7 =	sadd.s32 s9, s7  }
0x1a: {  	s19 =	sshrl.u32 s18, $0x3;
	s24 =	smul.u32 $0x500, s10;
	s13 =	sshrl.u32 s11, $0x2  }
0x1b: {  	s11 =	smul.u32 $0x500, s4;
	[dreg:$0x8] =	wrdreg s8;
	s8 =	sadd.s32 s9, s25  }
0x1c: {  	[dreg:$0xc] =	wrdreg s7;
	s7 =	sadd.s32 s9, s19;
	s25 =	sshrl.u32 s23, $0x2  }
0x1d: {  	s19 =	sadd.s32 s16, s6;
	s23 =	sadd.s32 s16, s26;
	[dreg:$0x9] =	wrdreg s8  }
0x1e: {  	s28 =	sadd.s32 s16, s17;
	s8 =	sadd.s32 s9, s14;
	s14 =	rddreg [dreg:$0x1]  }
0x1f: {  	s6 =	simm.s32 $0x1;
	[dreg:$0xe] =	wrdreg s7;
	s9 =	sshrl.u32 s20, $0x2  }
0x20: {  	s20 =	sadd.s32 s9, s14;
	s9 =	sshrl.u32 s15, $0x2;
	s15 =	smul.u32 $0xA000, s0  }
0x21: {  	s7 =	sadd.s32 s16, s24;
	[dreg:$0xb] =	wrdreg s8;
	s0 =	smul.u32 $0x500, s0  }
0x22: {  	_ =	strace $0x8000004D;
	[dreg:$0xf] =	wrdreg s7;
	s7 =	smul.u32 $0xA000, s12  }
0x23: {  	s30 =	sadd.s32 s16, s11;
	s18 =	sadd.s32 s25, s14;
	s12 =	smul.u32 $0x500, s21  }
0x24: {  	s21 =	sadd.s32 s16, s22;
	s22 =	sadd.s32 s13, s14;
	s13 =	sshrl.u32 s5, $0x2  }
0x25: {  	s26 =	sadd.s32 s9, s14;
	s5 =	simm.s32 $0x50;
	s29 =	sadd.s32 s13, s14  }
0x26: {  	s17 =	sshrl.u32 s15, $0x2;
	s25 =	sadd.s32 s16, s12;
	s12 =	smul.u32 $0xA000, s4  }
0x27: {  	s11 =	sadd.s32 s16, s0;
	s3 =	sshrl.u32 s7, $0x2;
	s0 =	sadd.s32 s17, s14  }
0x28: {  	s4 =	simm.s32 $0x2;
	s24 =	sadd.s32 s3, s14;
	s3 =	sshrl.u32 s12, $0x2  }
0x29: {  	s7 =	simm.s32 $0x0;
	s31 =	sadd.s32 s3, s14;
	s3 =	simm.s32 $0x4000  }
.LBB2_1:
0x2a: {  	s8 =	rddreg [dreg:$0xf]  }
0x2b: {  	[tilespmem:s3], [sflag:$0x2] =	stream.linear.gather [hbm4b:s8+s1], $0x2800, $0x38;
	[tilespmem:$0x1C880] =	vst v63  }
0x2c: {  	_ =	swait.ge [sflag:s4], $0x2800  }
0x2d: {  	[sflag:s4] =	ssyncset.done $0x0  }
0x2e: {  	[sflag:s4] =	ssyncadd.s32 $0xFFFFD800  }
0x2f: {  	[spmem:s18] =	stream.linear.scatter [tilespmem:s3], [sflag:$0x2], $0x2800, $0x38;
	[tilespmem:$0x1C880] =	vst v63  }
0x30: {  	_ =	swait.ge [sflag:s4], $0x2800  }
0x31: {  	[sflag:s4] =	ssyncset.done $0x0  }
0x32: {  	[sflag:s4] =	ssyncadd.s32 $0xFFFFD800  }
0x33: {  	[tilespmem:s3], [sflag:$0x2] =	stream.linear.gather [hbm4b:s19+s1], $0x2800, $0x38;
	[tilespmem:$0x1C880] =	vst v63  }
0x34: {  	_ =	swait.ge [sflag:s4], $0x2800  }
0x35: {  	[sflag:s4] =	ssyncset.done $0x0  }
0x36: {  	[sflag:s4] =	ssyncadd.s32 $0xFFFFD800  }
0x37: {  	[spmem:s20] =	stream.linear.scatter [tilespmem:s3], [sflag:$0x2], $0x2800, $0x38;
	[tilespmem:$0x1C880] =	vst v63  }
0x38: {  	_ =	swait.ge [sflag:s4], $0x2800  }
0x39: {  	[sflag:s4] =	ssyncset.done $0x0  }
0x3a: {  	[sflag:s4] =	ssyncadd.s32 $0xFFFFD800  }
0x3b: {  	[tilespmem:s3], [sflag:$0x2] =	stream.linear.gather [hbm4b:s21+s1], $0x2800, $0x38;
	[tilespmem:$0x1C880] =	vst v63  }
0x3c: {  	_ =	swait.ge [sflag:s4], $0x2800  }
0x3d: {  	[sflag:s4] =	ssyncset.done $0x0  }
0x3e: {  	[sflag:s4] =	ssyncadd.s32 $0xFFFFD800  }
0x3f: {  	[spmem:s22] =	stream.linear.scatter [tilespmem:s3], [sflag:$0x2], $0x2800, $0x38;
	[tilespmem:$0x1C880] =	vst v63  }
0x40: {  	_ =	swait.ge [sflag:s4], $0x2800  }
0x41: {  	[sflag:s4] =	ssyncset.done $0x0  }
0x42: {  	[sflag:s4] =	ssyncadd.s32 $0xFFFFD800  }
0x43: {  	[tilespmem:s3], [sflag:$0x2] =	stream.linear.gather [hbm4b:s23+s1], $0x2800, $0x38;
	[tilespmem:$0x1C880] =	vst v63  }
0x44: {  	_ =	swait.ge [sflag:s4], $0x2800  }
0x45: {  	[sflag:s4] =	ssyncset.done $0x0  }
0x46: {  	[sflag:s4] =	ssyncadd.s32 $0xFFFFD800  }
0x47: {  	[spmem:s24] =	stream.linear.scatter [tilespmem:s3], [sflag:$0x2], $0x2800, $0x38;
	[tilespmem:$0x1C880] =	vst v63  }
0x48: {  	_ =	swait.ge [sflag:s4], $0x2800  }
0x49: {  	[sflag:s4] =	ssyncset.done $0x0  }
0x4a: {  	[sflag:s4] =	ssyncadd.s32 $0xFFFFD800  }
0x4b: {  	[tilespmem:s3], [sflag:$0x2] =	stream.linear.gather [hbm4b:s25+s1], $0x2800, $0x38;
	[tilespmem:$0x1C880] =	vst v63  }
0x4c: {  	_ =	swait.ge [sflag:s4], $0x2800  }
0x4d: {  	[sflag:s4] =	ssyncset.done $0x0  }
0x4e: {  	[sflag:s4] =	ssyncadd.s32 $0xFFFFD800  }
0x4f: {  	[spmem:s26] =	stream.linear.scatter [tilespmem:s3], [sflag:$0x2], $0x2800, $0x38;
	[tilespmem:$0x1C880] =	vst v63  }
0x50: {  	_ =	swait.ge [sflag:s4], $0x2800  }
0x51: {  	[sflag:s4] =	ssyncset.done $0x0  }
0x52: {  	[sflag:s4] =	ssyncadd.s32 $0xFFFFD800  }
0x53: {  	[tilespmem:s3], [sflag:$0x2] =	stream.linear.gather [hbm4b:s28+s1], $0x2800, $0x38;
	[tilespmem:$0x1C880] =	vst v63  }
0x54: {  	_ =	swait.ge [sflag:s4], $0x2800  }
0x55: {  	[sflag:s4] =	ssyncset.done $0x0  }
0x56: {  	[sflag:s4] =	ssyncadd.s32 $0xFFFFD800  }
0x57: {  	[spmem:s29] =	stream.linear.scatter [tilespmem:s3], [sflag:$0x2], $0x2800, $0x38;
	[tilespmem:$0x1C880] =	vst v63  }
0x58: {  	_ =	swait.ge [sflag:s4], $0x2800  }
0x59: {  	[sflag:s4] =	ssyncset.done $0x0  }
0x5a: {  	[sflag:s4] =	ssyncadd.s32 $0xFFFFD800  }
0x5b: {  	[tilespmem:s3], [sflag:$0x2] =	stream.linear.gather [hbm4b:s30+s1], $0x2800, $0x38;
	[tilespmem:$0x1C880] =	vst v63  }
0x5c: {  	_ =	swait.ge [sflag:s4], $0x2800  }
0x5d: {  	[sflag:s4] =	ssyncset.done $0x0  }
0x5e: {  	[sflag:s4] =	ssyncadd.s32 $0xFFFFD800  }
0x5f: {  	[spmem:s31] =	stream.linear.scatter [tilespmem:s3], [sflag:$0x2], $0x2800, $0x38;
	[tilespmem:$0x1C880] =	vst v63  }
0x60: {  	_ =	swait.ge [sflag:s4], $0x2800  }
0x61: {  	[sflag:s4] =	ssyncset.done $0x0  }
0x62: {  	s9 =	simm.s32 @!p0 $0x4000;
	s8 =	simm.s32 @!p0 $0x0;
	[sflag:s4] =	ssyncadd.s32 $0xFFFFD800  }
0x63: {  	[tilespmem:s9], [sflag:$0x2] =	stream.linear.gather @!p0 [hbm4b:s11+s8], $0x2800, $0x38;
	[tilespmem:$0x1C880] =	vst v63  }
0x64: {  	s8 =	simm.s32 @!p0 $0x2  }
0x65: {  	_ =	swait.ge @!p0 [sflag:s8], $0x2800  }
0x66: {  	[sflag:s8] =	ssyncset.done @!p0 $0x0  }
0x67: {  	[sflag:s8] =	ssyncadd.s32 @!p0 $0xFFFFD800  }
0x68: {  	[spmem:s0] =	stream.linear.scatter @!p0 [tilespmem:s9], [sflag:$0x2], $0x2800, $0x38;
	[tilespmem:$0x1C880] =	vst v63  }
0x69: {  	_ =	swait.ge @!p0 [sflag:s8], $0x2800  }
0x6a: {  	[sflag:s8] =	ssyncset.done @!p0 $0x0  }
0x6b: {  	[sflag:s8] =	ssyncadd.s32 @!p0 $0xFFFFD800  }
0x6c: {  	[bflag:$0x0] =	sbarrier.arrive $0xFFFF  }
0x6d: {  	s15 =	rddreg [dreg:$0x3]  }
0x6e: {  	[tilespmem:s1], [sflag:$0x2] =	stream.linear.gather [hbm4b:s15+s1], $0x2000, $0x38;
	[tilespmem:$0x1C880] =	vst v63  }
0x6f: {  	_ =	swait.ge [sflag:s4], $0x2000  }
0x70: {  	[sflag:s4] =	ssyncset.done $0x0  }
0x71: {  	s17 =	simm.s32 $0x2000;
	s13 =	rddreg [dreg:$0x4];
	[sflag:s4] =	ssyncadd.s32 $0xFFFFE000  }
0x72: {  	[tilespmem:s17], [sflag:$0x2] =	stream.linear.gather [hbm4b:s13+s1], $0x2000, $0x38;
	[tilespmem:$0x1C880] =	vst v63  }
0x73: {  	s15 =	sand.u32 $0x1, s1;
	_ =	swait.ge [sflag:s4], $0x2000  }
0x74: {  	s10 =	sxor.u32 $0x1, s15;
	[sflag:s4] =	ssyncset.done $0x0  }
0x75: {  	s10 =	smul.u32 $0xA000, s10;
	[sflag:s4] =	ssyncadd.s32 $0xFFFFE000  }
0x76: {  	[tilespmem:s3], [sflag:$0x1] =	stream.indirect.gather [hbm4b:s16+s5], $0x80, s1, s5, $0xb8;
	[tilespmem:$0x1C880] =	vst v63  }
0x77: {  	s9 =	smul.u32 $0xA000, s15;
	_ =	swait.ge [sflag:s6], $0x2800  }
0x78: {  	s12 =	simm.s32 $0x80;
	s10 =	sshrl.u32 s10, $0x2;
	[sflag:s6] =	ssyncset.done $0x0  }
0x79: {  	s9 =	sshrl.u32 s9, $0x2;
	s10 =	sor.u32 $0x4000, s10;
	[sflag:s6] =	ssyncadd.s32 $0xFFFFD800  }
0x7a: {  	[tilespmem:s10], [sflag:$0x1] =	stream.indirect.gather [hbm4b:s16+s5], $0x80, s12, s5, $0xb8;
	[tilespmem:$0x1C880] =	vst v63  }
0x7b: {  	s9 =	sor.u32 $0x4000, s9  }
0x7c: {  	[spmem:s14] =	stream.indirect.scatter.add.f32 [tilespmem:s9], [sflag:$0x2], $0x80, s17, s5, $0xb8;
	[tilespmem:$0x1C880] =	vst v63  }
0x7d: {  	s8 =	simm.s32 $0x100;
	s12 =	simm.s32 $0x2;
	s17 =	simm.s32 $0x1  }
0x7e: {  	s9 =	simm.s32 $0x2080;
	s10 =	sand.u32 $0x1, s17;
	_ =	swait.ge [sflag:s4], $0x2800  }
.LBB2_2:
0x7f: {  	s13 =	sxor.u32 $0x1, s10  }
0x80: {  	[sflag:s4] =	ssyncset.done $0x0;
	s15 =	smov.u32 s12;
	s17 =	sadd.s32 $0x1, s12  }
0x81: {  	p1 =	sne.s32 s12, $0x3E;
	s12 =	smul.u32 $0xA000, s13;
	[sflag:s4] =	ssyncadd.s32 $0xFFFFD800  }
0x82: {  	_ =	swait.ge [sflag:s6], $0x2800  }
0x83: {  	s10 =	smul.u32 $0xA000, s10;
	[sflag:s6] =	ssyncset.done $0x0;
	s12 =	sshrl.u32 s12, $0x2  }
0x84: {  	[sflag:s6] =	ssyncadd.s32 $0xFFFFD800;
	s12 =	sor.u32 $0x4000, s12  }
0x85: {  	[tilespmem:s12], [sflag:$0x1] =	stream.indirect.gather [hbm4b:s16+s5], $0x80, s8, s5, $0xb8;
	[tilespmem:$0x1C880] =	vst v63  }
.Ltmp0:
0x86: {  	_ = 	snop;
	(pc) =	sbr.rel @p1 .LBB2_2-.Ltmp0, $4  }
0x87: {  	s10 =	sshrl.u32 s10, $0x2  }
0x88: {  	s10 =	sor.u32 $0x4000, s10;
	s8 =	sadd.s32 $0x80, s8;
	s12 =	smov.u32 s17  }
0x89: {  	[spmem:s14] =	stream.indirect.scatter.add.f32 [tilespmem:s10], [sflag:$0x2], $0x80, s9, s5, $0xb8;
	[tilespmem:$0x1C880] =	vst v63  }
0x8a: {  	s10 =	sand.u32 $0x1, s15;
	s9 =	sadd.s32 $0x80, s9;
	_ =	swait.ge [sflag:s4], $0x2800  }
0x8b: {  	s12 =	sxor.u32 $0x1, s10;
	[sflag:s4] =	ssyncset.done $0x0  }
0x8c: {  	s12 =	smul.u32 $0xA000, s12;
	[sflag:s4] =	ssyncadd.s32 $0xFFFFD800  }
0x8d: {  	s15 =	smul.u32 $0xA000, s10;
	_ =	swait.ge [sflag:s6], $0x2800  }
0x8e: {  	[sflag:s6] =	ssyncset.done $0x0;
	s12 =	sshrl.u32 s12, $0x2  }
0x8f: {  	s17 =	sshrl.u32 s15, $0x2;
	[sflag:s6] =	ssyncadd.s32 $0xFFFFD800;
	s12 =	sor.u32 $0x4000, s12  }
0x90: {  	[tilespmem:s12], [sflag:$0x1] =	stream.indirect.gather [hbm4b:s16+s5], $0x80, s8, s5, $0xb8;
	[tilespmem:$0x1C880] =	vst v63  }
0x91: {  	s8 =	sor.u32 $0x4000, s17  }
0x92: {  	[spmem:s14] =	stream.indirect.scatter.add.f32 [tilespmem:s8], [sflag:$0x2], $0x80, s9, s5, $0xb8;
	[tilespmem:$0x1C880] =	vst v63  }
0x93: {  	_ =	swait.ge [sflag:s4], $0x2800  }
0x94: {  	[sflag:s4] =	ssyncset.done $0x0  }
0x95: {  	[sflag:s4] =	ssyncadd.s32 $0xFFFFD800  }
0x96: {  	_ =	swait.ge [sflag:s6], $0x2800  }
0x97: {  	[sflag:s6] =	ssyncset.done $0x0  }
0x98: {  	s10 =	simm.s32 $0x3F80;
	s12 =	simm.s32 $0x6800;
	[sflag:s6] =	ssyncadd.s32 $0xFFFFD800  }
0x99: {  	[spmem:s14] =	stream.indirect.scatter.add.f32 [tilespmem:s12], [sflag:$0x2], $0x80, s10, s5, $0xb8;
	[tilespmem:$0x1C880] =	vst v63  }
0x9a: {  	_ =	swait.ge [sflag:s4], $0x2800  }
0x9b: {  	[sflag:s4] =	ssyncset.done $0x0  }
0x9c: {  	s13 =	simm.s32 $0x0;
	s15 =	rddreg [dreg:$0x5];
	[sflag:s4] =	ssyncadd.s32 $0xFFFFD800  }
0x9d: {  	[tilespmem:s13], [sflag:$0x2] =	stream.linear.gather [hbm4b:s15+s13], $0x1E80, $0x38;
	[tilespmem:$0x1C880] =	vst v63  }
0x9e: {  	_ =	swait.ge [sflag:s4], $0x1E80  }
0x9f: {  	[sflag:s4] =	ssyncset.done $0x0  }
0xa0: {  	s17 =	simm.s32 $0x2000;
	s12 =	rddreg [dreg:$0x6];
	[sflag:s4] =	ssyncadd.s32 $0xFFFFE180  }
0xa1: {  	[tilespmem:s17], [sflag:$0x2] =	stream.linear.gather [hbm4b:s12+s13], $0x1E80, $0x38;
	[tilespmem:$0x1C880] =	vst v63  }
0xa2: {  	_ =	swait.ge [sflag:s4], $0x1E80  }
0xa3: {  	[sflag:s4] =	ssyncset.done $0x0  }
0xa4: {  	s8 =	sand.u32 $0x1, s13;
	[sflag:s4] =	ssyncadd.s32 $0xFFFFE180  }
0xa5: {  	[tilespmem:s3], [sflag:$0x1] =	stream.indirect.gather [hbm4b:s16+s5], $0x80, s13, s5, $0xb8;
	[tilespmem:$0x1C880] =	vst v63  }
0xa6: {  	s13 =	sxor.u32 $0x1, s8  }
0xa7: {  	s10 =	smul.u32 $0xA000, s13  }
0xa8: {  	s8 =	smul.u32 $0xA000, s8;
	_ =	swait.ge [sflag:s6], $0x2800  }
0xa9: {  	s15 =	simm.s32 $0x80;
	[sflag:s6] =	ssyncset.done $0x0;
	s10 =	sshrl.u32 s10, $0x2  }
0xaa: {  	s8 =	sshrl.u32 s8, $0x2;
	[sflag:s6] =	ssyncadd.s32 $0xFFFFD800;
	s10 =	sor.u32 $0x4000, s10  }
0xab: {  	[tilespmem:s10], [sflag:$0x1] =	stream.indirect.gather [hbm4b:s16+s5], $0x80, s15, s5, $0xb8;
	[tilespmem:$0x1C880] =	vst v63  }
0xac: {  	s8 =	sor.u32 $0x4000, s8  }
0xad: {  	[spmem:s14] =	stream.indirect.scatter.add.f32 [tilespmem:s8], [sflag:$0x2], $0x80, s17, s5, $0xb8;
	[tilespmem:$0x1C880] =	vst v63  }
0xae: {  	s9 =	simm.s32 $0x2080;
	s12 =	simm.s32 $0x2;
	s17 =	simm.s32 $0x1  }
0xaf: {  	s8 =	simm.s32 $0x100;
	s10 =	sand.u32 $0x1, s17;
	_ =	swait.ge [sflag:s4], $0x2800  }
.LBB2_4:
0xb0: {  	s13 =	sxor.u32 $0x1, s10  }
0xb1: {  	[sflag:s4] =	ssyncset.done $0x0;
	s15 =	smov.u32 s12;
	s17 =	sadd.s32 $0x1, s12  }
0xb2: {  	p1 =	sne.s32 s12, $0x3B;
	s12 =	smul.u32 $0xA000, s13;
	[sflag:s4] =	ssyncadd.s32 $0xFFFFD800  }
0xb3: {  	_ =	swait.ge [sflag:s6], $0x2800  }
0xb4: {  	s10 =	smul.u32 $0xA000, s10;
	[sflag:s6] =	ssyncset.done $0x0;
	s12 =	sshrl.u32 s12, $0x2  }
0xb5: {  	[sflag:s6] =	ssyncadd.s32 $0xFFFFD800;
	s12 =	sor.u32 $0x4000, s12  }
0xb6: {  	[tilespmem:s12], [sflag:$0x1] =	stream.indirect.gather [hbm4b:s16+s5], $0x80, s8, s5, $0xb8;
	[tilespmem:$0x1C880] =	vst v63  }
.Ltmp1:
0xb7: {  	_ = 	snop;
	(pc) =	sbr.rel @p1 .LBB2_4-.Ltmp1, $4  }
0xb8: {  	s10 =	sshrl.u32 s10, $0x2  }
0xb9: {  	s10 =	sor.u32 $0x4000, s10;
	s8 =	sadd.s32 $0x80, s8;
	s12 =	smov.u32 s17  }
0xba: {  	[spmem:s14] =	stream.indirect.scatter.add.f32 [tilespmem:s10], [sflag:$0x2], $0x80, s9, s5, $0xb8;
	[tilespmem:$0x1C880] =	vst v63  }
0xbb: {  	s10 =	sand.u32 $0x1, s15;
	s9 =	sadd.s32 $0x80, s9;
	_ =	swait.ge [sflag:s4], $0x2800  }
0xbc: {  	s12 =	sxor.u32 $0x1, s10;
	[sflag:s4] =	ssyncset.done $0x0  }
0xbd: {  	s12 =	smul.u32 $0xA000, s12;
	[sflag:s4] =	ssyncadd.s32 $0xFFFFD800  }
0xbe: {  	s17 =	smul.u32 $0xA000, s10;
	_ =	swait.ge [sflag:s6], $0x2800  }
0xbf: {  	[sflag:s6] =	ssyncset.done $0x0;
	s12 =	sshrl.u32 s12, $0x2  }
0xc0: {  	s13 =	sshrl.u32 s17, $0x2;
	[sflag:s6] =	ssyncadd.s32 $0xFFFFD800;
	s12 =	sor.u32 $0x4000, s12  }
0xc1: {  	[tilespmem:s12], [sflag:$0x1] =	stream.indirect.gather [hbm4b:s16+s5], $0x80, s8, s5, $0xb8;
	[tilespmem:$0x1C880] =	vst v63  }
0xc2: {  	s8 =	sor.u32 $0x4000, s13  }
0xc3: {  	[spmem:s14] =	stream.indirect.scatter.add.f32 [tilespmem:s8], [sflag:$0x2], $0x80, s9, s5, $0xb8;
	[tilespmem:$0x1C880] =	vst v63  }
0xc4: {  	_ =	swait.ge [sflag:s4], $0x2800  }
0xc5: {  	[sflag:s4] =	ssyncset.done $0x0  }
0xc6: {  	[sflag:s4] =	ssyncadd.s32 $0xFFFFD800  }
0xc7: {  	_ =	swait.ge [sflag:s6], $0x2800  }
0xc8: {  	[sflag:s6] =	ssyncset.done $0x0  }
0xc9: {  	s15 =	simm.s32 $0x3E00;
	[sflag:s6] =	ssyncadd.s32 $0xFFFFD800  }
0xca: {  	[spmem:s14] =	stream.indirect.scatter.add.f32 [tilespmem:s3], [sflag:$0x2], $0x80, s15, s5, $0xb8;
	[tilespmem:$0x1C880] =	vst v63  }
0xcb: {  	_ =	swait.ge [sflag:s4], $0x2800  }
0xcc: {  	[sflag:s4] =	ssyncset.done $0x0  }
0xcd: {  	[sflag:s4] =	ssyncadd.s32 $0xFFFFD800  }
0xce: {  	[bflag:$0x0] =	sbarrier.arrive $0xFFFF  }
0xcf: {  	[tilespmem:s3], [sflag:$0x2] =	stream.linear.gather [spmem:s18], $0x2800, $0x38;
	[tilespmem:$0x1C880] =	vst v63  }
0xd0: {  	_ =	swait.ge [sflag:s4], $0x2800  }
0xd1: {  	[sflag:s4] =	ssyncset.done $0x0  }
0xd2: {  	s17 =	rddreg [dreg:$0x7];
	[sflag:s4] =	ssyncadd.s32 $0xFFFFD800  }
0xd3: {  	[hbm4b:s17+s1] =	stream.linear.scatter [tilespmem:s3], [sflag:$0x2], $0x2800, $0x38;
	[tilespmem:$0x1C880] =	vst v63  }
0xd4: {  	_ =	swait.ge [sflag:s4], $0x2800  }
0xd5: {  	[sflag:s4] =	ssyncset.done $0x0  }
0xd6: {  	[sflag:s4] =	ssyncadd.s32 $0xFFFFD800  }
0xd7: {  	[tilespmem:s3], [sflag:$0x2] =	stream.linear.gather [spmem:s20], $0x2800, $0x38;
	[tilespmem:$0x1C880] =	vst v63  }
0xd8: {  	_ =	swait.ge [sflag:s4], $0x2800  }
0xd9: {  	[sflag:s4] =	ssyncset.done $0x0  }
0xda: {  	s9 =	rddreg [dreg:$0x8];
	[sflag:s4] =	ssyncadd.s32 $0xFFFFD800  }
0xdb: {  	[hbm4b:s9+s1] =	stream.linear.scatter [tilespmem:s3], [sflag:$0x2], $0x2800, $0x38;
	[tilespmem:$0x1C880] =	vst v63  }
0xdc: {  	_ =	swait.ge [sflag:s4], $0x2800  }
0xdd: {  	[sflag:s4] =	ssyncset.done $0x0  }
0xde: {  	[sflag:s4] =	ssyncadd.s32 $0xFFFFD800  }
0xdf: {  	[tilespmem:s3], [sflag:$0x2] =	stream.linear.gather [spmem:s22], $0x2800, $0x38;
	[tilespmem:$0x1C880] =	vst v63  }
0xe0: {  	_ =	swait.ge [sflag:s4], $0x2800  }
0xe1: {  	[sflag:s4] =	ssyncset.done $0x0  }
0xe2: {  	s10 =	rddreg [dreg:$0x9];
	[sflag:s4] =	ssyncadd.s32 $0xFFFFD800  }
0xe3: {  	[hbm4b:s10+s1] =	stream.linear.scatter [tilespmem:s3], [sflag:$0x2], $0x2800, $0x38;
	[tilespmem:$0x1C880] =	vst v63  }
0xe4: {  	_ =	swait.ge [sflag:s4], $0x2800  }
0xe5: {  	[sflag:s4] =	ssyncset.done $0x0  }
0xe6: {  	[sflag:s4] =	ssyncadd.s32 $0xFFFFD800  }
0xe7: {  	[tilespmem:s3], [sflag:$0x2] =	stream.linear.gather [spmem:s24], $0x2800, $0x38;
	[tilespmem:$0x1C880] =	vst v63  }
0xe8: {  	_ =	swait.ge [sflag:s4], $0x2800  }
0xe9: {  	[sflag:s4] =	ssyncset.done $0x0  }
0xea: {  	s12 =	rddreg [dreg:$0xa];
	[sflag:s4] =	ssyncadd.s32 $0xFFFFD800  }
0xeb: {  	[hbm4b:s12+s1] =	stream.linear.scatter [tilespmem:s3], [sflag:$0x2], $0x2800, $0x38;
	[tilespmem:$0x1C880] =	vst v63  }
0xec: {  	_ =	swait.ge [sflag:s4], $0x2800  }
0xed: {  	[sflag:s4] =	ssyncset.done $0x0  }
0xee: {  	[sflag:s4] =	ssyncadd.s32 $0xFFFFD800  }
0xef: {  	[tilespmem:s3], [sflag:$0x2] =	stream.linear.gather [spmem:s26], $0x2800, $0x38;
	[tilespmem:$0x1C880] =	vst v63  }
0xf0: {  	_ =	swait.ge [sflag:s4], $0x2800  }
0xf1: {  	[sflag:s4] =	ssyncset.done $0x0  }
0xf2: {  	s13 =	rddreg [dreg:$0xb];
	[sflag:s4] =	ssyncadd.s32 $0xFFFFD800  }
0xf3: {  	[hbm4b:s13+s1] =	stream.linear.scatter [tilespmem:s3], [sflag:$0x2], $0x2800, $0x38;
	[tilespmem:$0x1C880] =	vst v63  }
0xf4: {  	_ =	swait.ge [sflag:s4], $0x2800  }
0xf5: {  	[sflag:s4] =	ssyncset.done $0x0  }
0xf6: {  	[sflag:s4] =	ssyncadd.s32 $0xFFFFD800  }
0xf7: {  	[tilespmem:s3], [sflag:$0x2] =	stream.linear.gather [spmem:s29], $0x2800, $0x38;
	[tilespmem:$0x1C880] =	vst v63  }
0xf8: {  	_ =	swait.ge [sflag:s4], $0x2800  }
0xf9: {  	[sflag:s4] =	ssyncset.done $0x0  }
0xfa: {  	s15 =	rddreg [dreg:$0xc];
	[sflag:s4] =	ssyncadd.s32 $0xFFFFD800  }
0xfb: {  	[hbm4b:s15+s1] =	stream.linear.scatter [tilespmem:s3], [sflag:$0x2], $0x2800, $0x38;
	[tilespmem:$0x1C880] =	vst v63  }
0xfc: {  	_ =	swait.ge [sflag:s4], $0x2800  }
0xfd: {  	[sflag:s4] =	ssyncset.done $0x0  }
0xfe: {  	[sflag:s4] =	ssyncadd.s32 $0xFFFFD800  }
0xff: {  	[tilespmem:s3], [sflag:$0x2] =	stream.linear.gather [spmem:s31], $0x2800, $0x38;
	[tilespmem:$0x1C880] =	vst v63  }
0x100: {  	_ =	swait.ge [sflag:s4], $0x2800  }
0x101: {  	[sflag:s4] =	ssyncset.done $0x0  }
0x102: {  	s17 =	rddreg [dreg:$0xd];
	[sflag:s4] =	ssyncadd.s32 $0xFFFFD800  }
0x103: {  	[hbm4b:s17+s1] =	stream.linear.scatter [tilespmem:s3], [sflag:$0x2], $0x2800, $0x38;
	[tilespmem:$0x1C880] =	vst v63  }
0x104: {  	_ =	swait.ge [sflag:s4], $0x2800  }
0x105: {  	[sflag:s4] =	ssyncset.done $0x0  }
0x106: {  	s8 =	simm.s32 @!p0 $0x4000;
	s9 =	simm.s32 @!p0 $0x2;
	[sflag:s4] =	ssyncadd.s32 $0xFFFFD800  }
0x107: {  	[tilespmem:s8], [sflag:$0x2] =	stream.linear.gather @!p0 [spmem:s0], $0x2800, $0x38;
	[tilespmem:$0x1C880] =	vst v63  }
0x108: {  	s7 =	sadd.s32 $0x1, s7;
	_ =	swait.ge @!p0 [sflag:s9], $0x2800  }
0x109: {  	p1 =	sne.s32 s7, s2;
	s10 =	simm.s32 @!p0 $0x0;
	[sflag:s9] =	ssyncset.done @!p0 $0x0  }
.Ltmp2:
0x10a: {  	s12 =	rddreg [dreg:$0xe];
	[sflag:s9] =	ssyncadd.s32 @!p0 $0xFFFFD800;
	(pc) =	sbr.rel @p1 .LBB2_1-.Ltmp2, $4  }
0x10b: {  	[hbm4b:s12+s10] =	stream.linear.scatter @!p0 [tilespmem:s8], [sflag:$0x2], $0x2800, $0x38;
	[tilespmem:$0x1C880] =	vst v63  }
0x10c: {  	_ =	swait.ge @!p0 [sflag:s9], $0x2800  }
0x10d: {  	[sflag:s9] =	ssyncset.done @!p0 $0x0  }
0x10e: {  	[sflag:s9] =	ssyncadd.s32 @!p0 $0xFFFFD800  }
0x10f: {  	_ =	sfence.sel $0x180000  }
0x110: {  	[bflag:$0x0] =	sbarrier.arrive $0xFFFF  }
0x111: {  	_ =	strace $0x9000004D  }
0x112: {  	s0 =	stileid.u32;
	[bflag:$0x2] =	sbarrier.arrive $0xFFFF  }
0x113: {  	p0 =	sne.s32 s0, $0x0;
	s0 =	rddreg [dreg:$0x2]  }
0x114: {  	s0 =	sadd.s32 @!p0 $0x100000, s0  }
0x115: {  	[sflag:s0] =	ssyncadd.tile.s32 @!p0 $0x1;
	_ =	shalt  }
.Lfunc_end2:
_tile_overlayer_lowered:
.L_overlay_start_2:
0x116: {  	(tag) =	ssettag $0x2  }
0x117: {  	s0 =	rddreg [dreg:$0x0];
	s2 =	stileid.u32  }
0x118: {  	s1 =	rddreg [dreg:$0x1];
	p0 =	sne.s32 s2, $0x0  }
0x119: {  	s3 =	rddreg [dreg:$0x2];
	[bflag:$0x3] =	sbarrier.arrive $0xFFFF;
	s2 =	simm.s32 @!p0 $0x1C02  }
0x11a: {  	[timem:s3], [sflag:s2] =	dma.local @!p0 [hbm:s0], s1  }
0x11b: {  	s0 =	simm.s32 @!p0 $0x2  }
0x11c: {  	_ =	swait.ge @!p0 [sflag:s0], s1  }
0x11d: {  	s1 =	ssub.s32 @!p0 $0x0, s1;
	[sflag:s0] =	ssyncset.done @!p0 $0x0  }
0x11e: {  	[sflag:s0] =	ssyncadd.s32 @!p0 s1  }
0x11f: {  	[bflag:$0x3] =	sbarrier.arrive $0xFFFF  }
0x120: {  	_ =	shalt  }

// kernel: kernel.13.cloned.1.call-start
scs
__scs_entry_jumppad:
0x0: {  	(pc) =	sbr.rel $0x88, $3  }
0x1: {  	(tag) =	ssettag $0x0;
	lr =	simm.s32 $0x1  }
0x2: {  	[smem:$0x3F8F] =	sst lr;
	_ =	strace $0xD0000000  }
0x3: {  	_ = 	snop  }
0x4: {  	_ = 	snop  }
0x5: {  	_ = 	snop  }
0x6: {  	_ = 	snop  }
0x7: {  	_ = 	snop  }
__scs_overlays_trampoline_lowered:
0x8: {  	[smem:$0x3F9E] =	sst s0  }
0x9: {  	[smem:$0x3F9F] =	sst s1  }
0xa: {  	[smem:$0x3FA0] =	sst s2  }
0xb: {  	[smem:$0x3FA1] =	sst s3  }
0xc: {  	[smem:$0x3FA2] =	sst s4  }
0xd: {  	[smem:$0x3FA3] =	sst s5  }
0xe: {  	[smem:$0x3FA4] =	sst s6  }
0xf: {  	[smem:$0x3FA5] =	sst s7  }
0x10: {  	[smem:$0x3FA6] =	sst s8  }
0x11: {  	[smem:$0x3FA7] =	sst s9;
	s0 =	simm.s32 @!p0 $0x0  }
0x12: {  	s1 =	sld [smem:$0x3F8D];
	s0 =	simm.s32 @p0 $0x1  }
0x13: {  	[smem:$0x3FA8] =	sst s0;
	s0 =	simm.s32 @!p1 $0x0  }
0x14: {  	s2 =	sld [smem:$0x3F8C];
	s0 =	simm.s32 @p1 $0x1  }
0x15: {  	[smem:$0x3FA9] =	sst s0;
	s0 =	simm.s32 @!p2 $0x0  }
0x16: {  	s3 =	sld [smem:$0x3FDB];
	s0 =	simm.s32 @p2 $0x1  }
0x17: {  	s4 =	simm.s32 $0x1BF5;
	[smem:$0x3FAB] =	sst s0  }
0x18: {  	s0 =	sld [smem:$0x3F8E];
	_ =	swait.ge [sflag:s4], $0x0  }
0x19: {  	s7 =	sld [smem:$0x3F8F]  }
0x1a: {  	s8 =	sadd.s32 $0xFFFFE003, lr  }
0x1b: {  	s9 =	sadd.s32 $0xFFFFFEF7, lr;
	s5 =	simm.s32 $0xFFFFFFFF;
	p2 =	slt.u32 s8, $0xFFFFF086  }
0x1c: {  	p1 =	slt.u32 s9, $0xF7A;
	s5 =	simm.s32 @!p2 $0x0  }
0x1d: {  	s5 =	simm.s32 @p1 $0x1;
	p0 =	seq.s32 s7, s2  }
0x1e: {  	s7 =	smul.u32 @!p0 $0xF7A, s2;
	p2 =	seq.s32 @!p0 s5, $0x0  }
0x1f: {  	s9 =	smul.u32 $0xF7A, s1;
	s8 =	simm.s32 @!p0 $0x1BF5;
	p2 =	por !p2, p0  }
0x20: {  	[sflag:s8] =	ssyncset.s32 @!p0 $0xFFFFF086;
	s6 =	sadd.s32 @!p0 s3, s7;
	s7 =	simm.s32 @!p0 $0x108  }
0x21: {  	s3 =	sadd.s32 s3, s9;
	s6 =	sadd.s32 @!p0 $0x88, s6;
	s7 =	simm.s32 @p2 $0x1082  }
0x22: {  	[simem:s7], [sflag:s8] =	dma.local @!p0 [hbm:s6], $0xF7A  }
0x23: {  	s9 =	sor.u32 $0xD0000000, s2;
	s6 =	simm.s32 $0x108;
	_ =	swait.ge @!p0 [sflag:s8], $0x0  }
0x24: {  	s3 =	sadd.s32 $0x88, s3;
	s6 =	simm.s32 @!p1 $0x1082;
	[sflag:s4] =	ssyncset.s32 $0xFFFFF086  }
0x25: {  	[simem:s6], [sflag:s4] =	dma.local [hbm:s3], $0xF7A  }
0x26: {  	[smem:$0x3F8F] =	sst s1;
	(tag) =	ssettag s2;
	_ =	strace s9  }
0x27: {  	s1 =	sld [smem:$0x3F9F]  }
0x28: {  	s2 =	sld [smem:$0x3FA0]  }
0x29: {  	s4 =	sld [smem:$0x3FA2]  }
0x2a: {  	p0 =	seq.s32 s5, $0x0;
	s5 =	sld [smem:$0x3FA3]  }
0x2b: {  	s6 =	sld [smem:$0x3FA4]  }
0x2c: {  	s7 =	sld [smem:$0x3FA5]  }
0x2d: {  	s3 =	simm.s32 $0x108;
	s8 =	sld [smem:$0x3FA6]  }
0x2e: {  	s3 =	simm.s32 @!p0 $0x1082;
	s9 =	sld [smem:$0x3FA7]  }
0x2f: {  	lr =	sadd.s32 s0, s3;
	s0 =	sld [smem:$0x3F9E]  }
0x30: {  	s3 =	sld [smem:$0x3FA1]  }
0x31: {  	[smem:$0x3FAA] =	sst s10  }
0x32: {  	s10 =	sld [smem:$0x3FA8];
	_ =	sdelay $0x3  }
0x33: {  	p0 =	seq.s32 s10, $0x1;
	s10 =	sld [smem:$0x3FAA];
	_ =	sdelay $0x3  }
0x34: {  	[smem:$0x3FAA] =	sst s10  }
0x35: {  	s10 =	sld [smem:$0x3FA9];
	_ =	sdelay $0x3  }
0x36: {  	p1 =	seq.s32 s10, $0x1;
	s10 =	sld [smem:$0x3FAA];
	_ =	sdelay $0x3  }
0x37: {  	[smem:$0x3FAA] =	sst s10  }
0x38: {  	s10 =	sld [smem:$0x3FAB]  }
0x39: {  	_ = 	snop;
	(pc) =	sbr.ind lr, $3  }
0x3a: {  	_ = 	snop  }
0x3b: {  	_ = 	snop  }
0x3c: {  	p2 =	seq.s32 s10, $0x1;
	s10 =	sld [smem:$0x3FAA]  }
0x3d: {  	_ =	shalt  }
0x3e: {  	_ =	shalt  }
0x3f: {  	_ =	shalt  }
0x40: {  	_ =	shalt  }
0x41: {  	_ =	shalt  }
0x42: {  	_ =	shalt  }
0x43: {  	_ =	shalt  }
0x44: {  	_ =	shalt  }
0x45: {  	_ =	shalt  }
0x46: {  	_ =	shalt  }
0x47: {  	_ =	shalt  }
0x48: {  	_ =	shalt  }
0x49: {  	_ =	shalt  }
0x4a: {  	_ =	shalt  }
0x4b: {  	_ =	shalt  }
0x4c: {  	_ =	shalt  }
0x4d: {  	_ =	shalt  }
0x4e: {  	_ =	shalt  }
0x4f: {  	_ =	shalt  }
0x50: {  	_ =	shalt  }
0x51: {  	_ =	shalt  }
0x52: {  	_ =	shalt  }
0x53: {  	_ =	shalt  }
0x54: {  	_ =	shalt  }
0x55: {  	_ =	shalt  }
0x56: {  	_ =	shalt  }
0x57: {  	_ =	shalt  }
0x58: {  	_ =	shalt  }
0x59: {  	_ =	shalt  }
0x5a: {  	_ =	shalt  }
0x5b: {  	_ =	shalt  }
0x5c: {  	_ =	shalt  }
0x5d: {  	_ =	shalt  }
0x5e: {  	_ =	shalt  }
0x5f: {  	_ =	shalt  }
0x60: {  	_ =	shalt  }
0x61: {  	_ =	shalt  }
0x62: {  	_ =	shalt  }
0x63: {  	_ =	shalt  }
0x64: {  	_ =	shalt  }
0x65: {  	_ =	shalt  }
0x66: {  	_ =	shalt  }
0x67: {  	_ =	shalt  }
0x68: {  	_ =	shalt  }
0x69: {  	_ =	shalt  }
0x6a: {  	_ =	shalt  }
0x6b: {  	_ =	shalt  }
0x6c: {  	_ =	shalt  }
0x6d: {  	_ =	shalt  }
0x6e: {  	_ =	shalt  }
0x6f: {  	_ =	shalt  }
0x70: {  	_ =	shalt  }
0x71: {  	_ =	shalt  }
0x72: {  	_ =	shalt  }
0x73: {  	_ =	shalt  }
0x74: {  	_ =	shalt  }
0x75: {  	_ =	shalt  }
0x76: {  	_ =	shalt  }
0x77: {  	_ =	shalt  }
0x78: {  	_ =	shalt  }
0x79: {  	_ =	shalt  }
0x7a: {  	_ =	shalt  }
0x7b: {  	_ =	shalt  }
0x7c: {  	_ =	shalt  }
0x7d: {  	_ =	shalt  }
0x7e: {  	_ =	shalt  }
0x7f: {  	_ =	shalt  }
0x80: {  	_ =	shalt  }
0x81: {  	_ =	shalt  }
0x82: {  	_ =	shalt  }
0x83: {  	_ =	shalt  }
0x84: {  	_ =	shalt  }
0x85: {  	_ =	shalt  }
0x86: {  	_ =	shalt  }
0x87: {  	_ =	shalt  }
.Lfunc_end0:
.L_simem_size_0:
called_computation.2_lowered:
.L_overlay_start_0:
0x88: {  	s2 =	sld [smem:$0x3FD9]  }
0x89: {  	s3 =	sld [smem:$0x3FFE];
	_ =	sdelay $0x1  }
0x8a: {  	s1 =	srdreg.scid  }
0x8b: {  	s0 =	sand.u32 $0x1, s1  }
0x8c: {  	s16 =	sshll.u32 s0, $0xA;
	s2 =	sadd.s32 s3, s2  }
0x8d: {  	s2 =	sadd.s32 s2, s16  }
0x8e: {  	[smem:$0x3FB6] =	sst s2  }
0x8f: {  	_ = 	snop  }
0x90: {  	(tm) =	ssettm $0x1  }
0x91: {  	s17 =	sld [smem:$0x3FFB];
	_ =	sdelay $0x3  }
0x92: {  	_ =	strace s17  }
0x93: {  	s2 =	sld [smem:$0x3FFC];
	_ =	sdelay $0x3  }
0x94: {  	_ =	strace s2  }
0x95: {  	s2 =	sld [smem:$0x3FFD];
	_ =	sdelay $0x3  }
0x96: {  	_ =	strace s2  }
0x97: {  	_ =	strace $0x8FFFFFFF  }
0x98: {  	s18 =	sld [smem:$0x3FDB];
	_ =	sdelay $0x1  }
0x99: {  	s19 =	simm.s32 $_scs_section_size  }
0x9a: {  	s4 =	simm.s32 $_size__tile_overlayer_lowered;
	s5 =	simm.s32 $_tile_overlayer_lowered  }
0x9b: {  	s22 =	simm.s32 $0x1BFF;
	s21 =	sshll.u32 s5, $0x1;
	s2 =	sadd.s32 s19, s18  }
0x9c: {  	s6 =	simm.s32 $0x0;
	s20 =	sshll.u32 s4, $0x1;
	s4 =	sadd.s32 s21, s2  }
0x9d: {  	[timem:s6], [sflag:s22] =	dma.local [hbm:s4], s20  }
0x9e: {  	_ =	swait.ge [sflag:s22], s20  }
0x9f: {  	s3 =	ssub.s32 $0x0, s20;
	[sflag:s22] =	ssyncset.done $0x0  }
0xa0: {  	[sflag:s22] =	ssyncadd.s32 s3;
	_ =	sdelay $0x1  }
0xa1: {  	s23 =	simm.s32 $0x1B8B  }
0xa2: {  	_ =	swait.ge [sflag:s23], $0x1  }
0xa3: {  	[sflag:s23] =	ssyncset.done $0x0  }
0xa4: {  	s25 =	simm.s32 $0x1B8E;
	s24 =	sld [smem:$0x3FFE];
	[sflag:s23] =	ssyncadd.s32 $0xFFFFFFFF  }
0xa5: {  	s26 =	simm.s32 $execute0_lowered;
	[smem:$0x3FD2] =	sst s25  }
0xa6: {  	s4 =	sshll.u32 s26, $0x1;
	_ =	strace $0x80000049;
	[dreg:$0x1] =	wrdreg $0xFFFFFFFF  }
0xa7: {  	s28 =	simm.s32 $_size_execute0_lowered;
	s2 =	sadd.s32 s2, s4;
	[dreg:$0x0] =	wrdreg $0x0  }
0xa8: {  	s4 =	sshll.u32 s28, $0x1;
	[dreg:$0x2] =	wrdreg s2  }
0xa9: {  	[dreg:$0x3] =	wrdreg s4  }
0xaa: {  	[dreg:$0x4] =	wrdreg $0xC0  }
0xab: {  	_ =	task [dreg:s6], $0x5FFFF  }
0xac: {  	[dreg:$0x1] =	wrdreg $0xFFFFFFFF  }
0xad: {  	[dreg:$0x0] =	wrdreg $0x60  }
0xae: {  	[dreg:$0x2] =	wrdreg s24  }
0xaf: {  	[dreg:$0x3] =	wrdreg $0x90000  }
0xb0: {  	[dreg:$0x4] =	wrdreg $0xA  }
0xb1: {  	_ =	task.clear_ibuf [dreg:s6], $0x5FFFF;
	_ =	strace $0x90000049  }
0xb2: {  	s29 =	simm.s32 $0xA;
	_ =	strace $0x8000004B  }
0xb3: {  	_ =	swait.ge [sflag:s29], $0x1  }
0xb4: {  	[sflag:s29] =	ssyncadd.s32 $0xFFFFFFFF  }
0xb5: {  	_ =	strace $0x9000004B  }
0xb6: {  	_ =	sfence  }
0xb7: {  	s30 =	sld [smem:$0x0];
	_ =	sdelay $0x2  }
0xb8: {  	s31 =	sshll.u32 s1, $0xD;
	s1 =	sshrl.u32 s1, $0x2  }
0xb9: {  	s3 =	sand.u32 $0x4000, s31;
	s1 =	sadd.s32 s1, s30  }
0xba: {  	s0 =	sor.u32 s3, s0;
	s1 =	sshll.u32 s1, $0x11  }
0xbb: {  	s0 =	sor.u32 s1, s0  }
0xbc: {  	s0 =	sadd.s32 $0x8F2B, s0  }
0xbd: {  	[sflag:s0] =	ssyncadd.remote.s32 $0x1  }
0xbe: {  	_ =	sfence.sel $0xFFFF  }
0xbf: {  	[dreg:$0x0] =	wrdreg $0xFFFFFFFF;
	(pc) =	sbr.abs _section_cstart, $3  }
0xc0: {  	[dreg:$0x1] =	wrdreg $0xFFFFFFFF  }
0xc1: {  	_ =	task.clear_ibuf [dreg:s6], $0x2FFFF;
	_ =	strace $0x9FFFFFFF  }
0xc2: {  	(tm) =	ssettm $0x7FFFFFFF  }
0xc3: {  	_ =	shalt  }
tec
execute0_lowered:
.L_overlay_start_1:
0x0: {  	(tag) =	ssettag $0x1  }
0x1: {  	s3 =	rddreg [dreg:$0x0];
	s1 =	simm.s32 $0x0;
	s10 =	stileid.u32  }
0x2: {  	s0 =	srdreg.scid;
	s4 =	sor.u32 $0x10, s10;
	s14 =	smul.u32 $0x2800, s10  }
0x3: {  	[smem:$0x7FF] =	sst s1;
	s0 =	sand.u32 $0x1, s0;
	s6 =	smul.u32 $0x500, s4  }
0x4: {  	s7 =	sadd.s32 $0x13200, s3;
	s8 =	sadd.s32 $0x2800, s3;
	s20 =	smul.u32 $0xA000, s4  }
0x5: {  	s9 =	sadd.s32 $0x98800, s3;
	s11 =	sor.u32 $0x20, s10;
	s13 =	smul.u32 $0x138800, s0  }
0x6: {  	s12 =	sor.u32 $0x30, s10;
	s21 =	sor.u32 $0x40, s10;
	s16 =	smul.u32 $0x2800, s4  }
0x7: {  	s15 =	sshll.u32 s10, $0xC;
	p0 =	sgt.u32 s10, $0xC;
	s17 =	smul.u32 $0x2800, s11  }
0x8: {  	s2 =	ssub.s32 $0x2, s0;
	s0 =	sshll.u32 s0, $0xB;
	s23 =	smul.u32 $0x2800, s12  }
0x9: {  	s4 =	sor.u32 $0x60, s10;
	s22 =	smul.u32 $0x2800, s21;
	s5 =	sshrl.u32 s2, $0x1  }
0xa: {  	s15 =	sor.u32 s0, s15;
	s0 =	sor.u32 $0x70, s10;
	s24 =	smul.u32 $0x2800, s4  }
0xb: {  	s2 =	ssub.s32 s2, s5;
	s5 =	sor.u32 $0x50, s10;
	s18 =	sadd.s32 s7, s15  }
0xc: {  	s19 =	sadd.s32 s8, s15;
	s15 =	sor.u32 $0x400, s15;
	s14 =	sadd.s32 s14, s13  }
0xd: {  	s16 =	sadd.s32 s13, s16;
	s25 =	sadd.s32 s13, s17;
	[dreg:$0x3] =	wrdreg s18  }
0xe: {  	[dreg:$0x4] =	wrdreg s19;
	s26 =	sadd.s32 s8, s15;
	s8 =	smul.u32 $0x2800, s5  }
0xf: {  	s7 =	sadd.s32 s7, s15;
	s19 =	sadd.s32 s13, s22;
	s22 =	smul.u32 $0x500, s11  }
0x10: {  	s15 =	sadd.s32 s13, s24;
	s11 =	smul.u32 $0xA000, s11;
	s24 =	sshrl.u32 s16, $0x3  }
0x11: {  	s25 =	sshrl.u32 s25, $0x3;
	s2 =	smax.u32 s2, $0x1;
	[dreg:$0x5] =	wrdreg s7  }
0x12: {  	[dreg:$0x6] =	wrdreg s26;
	s26 =	sadd.s32 s13, s23;
	s23 =	smul.u32 $0x2800, s0  }
0x13: {  	s16 =	sshrl.u32 s15, $0x3;
	s15 =	smul.u32 $0xA000, s21;
	s7 =	sadd.s32 s13, s8  }
0x14: {  	s8 =	sshrl.u32 s14, $0x3;
	s26 =	sshrl.u32 s26, $0x3;
	s14 =	sshrl.u32 s19, $0x3  }
0x15: {  	s17 =	sadd.s32 s9, s16;
	s18 =	sadd.s32 s13, s23;
	s23 =	smul.u32 $0xA000, s10  }
0x16: {  	s16 =	sadd.s32 $0x23200, s3;
	s13 =	sadd.s32 s9, s26;
	s26 =	smul.u32 $0x500, s12  }
0x17: {  	s8 =	sadd.s32 s9, s8;
	[dreg:$0xd] =	wrdreg s17;
	s17 =	smul.u32 $0x500, s5  }
0x18: {  	s7 =	sshrl.u32 s7, $0x3;
	s5 =	smul.u32 $0xA000, s5;
	[dreg:$0x7] =	wrdreg s8  }
0x19: {  	s8 =	sadd.s32 s9, s24;
	[dreg:$0xa] =	wrdreg s13;
	s7 =	sadd.s32 s9, s7  }
0x1a: {  	s19 =	sshrl.u32 s18, $0x3;
	s24 =	smul.u32 $0x500, s10;
	s13 =	sshrl.u32 s11, $0x2  }
0x1b: {  	s11 =	smul.u32 $0x500, s4;
	[dreg:$0x8] =	wrdreg s8;
	s8 =	sadd.s32 s9, s25  }
0x1c: {  	[dreg:$0xc] =	wrdreg s7;
	s7 =	sadd.s32 s9, s19;
	s25 =	sshrl.u32 s23, $0x2  }
0x1d: {  	s19 =	sadd.s32 s16, s6;
	s23 =	sadd.s32 s16, s26;
	[dreg:$0x9] =	wrdreg s8  }
0x1e: {  	s28 =	sadd.s32 s16, s17;
	s8 =	sadd.s32 s9, s14;
	s14 =	rddreg [dreg:$0x1]  }
0x1f: {  	s6 =	simm.s32 $0x1;
	[dreg:$0xe] =	wrdreg s7;
	s9 =	sshrl.u32 s20, $0x2  }
0x20: {  	s20 =	sadd.s32 s9, s14;
	s9 =	sshrl.u32 s15, $0x2;
	s15 =	smul.u32 $0xA000, s0  }
0x21: {  	s7 =	sadd.s32 s16, s24;
	[dreg:$0xb] =	wrdreg s8;
	s0 =	smul.u32 $0x500, s0  }
0x22: {  	_ =	strace $0x8000004A;
	[dreg:$0xf] =	wrdreg s7;
	s7 =	smul.u32 $0xA000, s12  }
0x23: {  	s30 =	sadd.s32 s16, s11;
	s18 =	sadd.s32 s25, s14;
	s12 =	smul.u32 $0x500, s21  }
0x24: {  	s21 =	sadd.s32 s16, s22;
	s22 =	sadd.s32 s13, s14;
	s13 =	sshrl.u32 s5, $0x2  }
0x25: {  	s26 =	sadd.s32 s9, s14;
	s5 =	simm.s32 $0x50;
	s29 =	sadd.s32 s13, s14  }
0x26: {  	s17 =	sshrl.u32 s15, $0x2;
	s25 =	sadd.s32 s16, s12;
	s12 =	smul.u32 $0xA000, s4  }
0x27: {  	s11 =	sadd.s32 s16, s0;
	s3 =	sshrl.u32 s7, $0x2;
	s0 =	sadd.s32 s17, s14  }
0x28: {  	s4 =	simm.s32 $0x2;
	s24 =	sadd.s32 s3, s14;
	s3 =	sshrl.u32 s12, $0x2  }
0x29: {  	s7 =	simm.s32 $0x0;
	s31 =	sadd.s32 s3, s14;
	s3 =	simm.s32 $0x4000  }
.LBB2_1:
0x2a: {  	s8 =	rddreg [dreg:$0xf]  }
0x2b: {  	[tilespmem:s3], [sflag:$0x2] =	stream.linear.gather [hbm4b:s8+s1], $0x2800, $0x38;
	[tilespmem:$0x1C880] =	vst v63  }
0x2c: {  	_ =	swait.ge [sflag:s4], $0x2800  }
0x2d: {  	[sflag:s4] =	ssyncset.done $0x0  }
0x2e: {  	[sflag:s4] =	ssyncadd.s32 $0xFFFFD800  }
0x2f: {  	[spmem:s18] =	stream.linear.scatter [tilespmem:s3], [sflag:$0x2], $0x2800, $0x38;
	[tilespmem:$0x1C880] =	vst v63  }
0x30: {  	_ =	swait.ge [sflag:s4], $0x2800  }
0x31: {  	[sflag:s4] =	ssyncset.done $0x0  }
0x32: {  	[sflag:s4] =	ssyncadd.s32 $0xFFFFD800  }
0x33: {  	[tilespmem:s3], [sflag:$0x2] =	stream.linear.gather [hbm4b:s19+s1], $0x2800, $0x38;
	[tilespmem:$0x1C880] =	vst v63  }
0x34: {  	_ =	swait.ge [sflag:s4], $0x2800  }
0x35: {  	[sflag:s4] =	ssyncset.done $0x0  }
0x36: {  	[sflag:s4] =	ssyncadd.s32 $0xFFFFD800  }
0x37: {  	[spmem:s20] =	stream.linear.scatter [tilespmem:s3], [sflag:$0x2], $0x2800, $0x38;
	[tilespmem:$0x1C880] =	vst v63  }
0x38: {  	_ =	swait.ge [sflag:s4], $0x2800  }
0x39: {  	[sflag:s4] =	ssyncset.done $0x0  }
0x3a: {  	[sflag:s4] =	ssyncadd.s32 $0xFFFFD800  }
0x3b: {  	[tilespmem:s3], [sflag:$0x2] =	stream.linear.gather [hbm4b:s21+s1], $0x2800, $0x38;
	[tilespmem:$0x1C880] =	vst v63  }
0x3c: {  	_ =	swait.ge [sflag:s4], $0x2800  }
0x3d: {  	[sflag:s4] =	ssyncset.done $0x0  }
0x3e: {  	[sflag:s4] =	ssyncadd.s32 $0xFFFFD800  }
0x3f: {  	[spmem:s22] =	stream.linear.scatter [tilespmem:s3], [sflag:$0x2], $0x2800, $0x38;
	[tilespmem:$0x1C880] =	vst v63  }
0x40: {  	_ =	swait.ge [sflag:s4], $0x2800  }
0x41: {  	[sflag:s4] =	ssyncset.done $0x0  }
0x42: {  	[sflag:s4] =	ssyncadd.s32 $0xFFFFD800  }
0x43: {  	[tilespmem:s3], [sflag:$0x2] =	stream.linear.gather [hbm4b:s23+s1], $0x2800, $0x38;
	[tilespmem:$0x1C880] =	vst v63  }
0x44: {  	_ =	swait.ge [sflag:s4], $0x2800  }
0x45: {  	[sflag:s4] =	ssyncset.done $0x0  }
0x46: {  	[sflag:s4] =	ssyncadd.s32 $0xFFFFD800  }
0x47: {  	[spmem:s24] =	stream.linear.scatter [tilespmem:s3], [sflag:$0x2], $0x2800, $0x38;
	[tilespmem:$0x1C880] =	vst v63  }
0x48: {  	_ =	swait.ge [sflag:s4], $0x2800  }
0x49: {  	[sflag:s4] =	ssyncset.done $0x0  }
0x4a: {  	[sflag:s4] =	ssyncadd.s32 $0xFFFFD800  }
0x4b: {  	[tilespmem:s3], [sflag:$0x2] =	stream.linear.gather [hbm4b:s25+s1], $0x2800, $0x38;
	[tilespmem:$0x1C880] =	vst v63  }
0x4c: {  	_ =	swait.ge [sflag:s4], $0x2800  }
0x4d: {  	[sflag:s4] =	ssyncset.done $0x0  }
0x4e: {  	[sflag:s4] =	ssyncadd.s32 $0xFFFFD800  }
0x4f: {  	[spmem:s26] =	stream.linear.scatter [tilespmem:s3], [sflag:$0x2], $0x2800, $0x38;
	[tilespmem:$0x1C880] =	vst v63  }
0x50: {  	_ =	swait.ge [sflag:s4], $0x2800  }
0x51: {  	[sflag:s4] =	ssyncset.done $0x0  }
0x52: {  	[sflag:s4] =	ssyncadd.s32 $0xFFFFD800  }
0x53: {  	[tilespmem:s3], [sflag:$0x2] =	stream.linear.gather [hbm4b:s28+s1], $0x2800, $0x38;
	[tilespmem:$0x1C880] =	vst v63  }
0x54: {  	_ =	swait.ge [sflag:s4], $0x2800  }
0x55: {  	[sflag:s4] =	ssyncset.done $0x0  }
0x56: {  	[sflag:s4] =	ssyncadd.s32 $0xFFFFD800  }
0x57: {  	[spmem:s29] =	stream.linear.scatter [tilespmem:s3], [sflag:$0x2], $0x2800, $0x38;
	[tilespmem:$0x1C880] =	vst v63  }
0x58: {  	_ =	swait.ge [sflag:s4], $0x2800  }
0x59: {  	[sflag:s4] =	ssyncset.done $0x0  }
0x5a: {  	[sflag:s4] =	ssyncadd.s32 $0xFFFFD800  }
0x5b: {  	[tilespmem:s3], [sflag:$0x2] =	stream.linear.gather [hbm4b:s30+s1], $0x2800, $0x38;
	[tilespmem:$0x1C880] =	vst v63  }
0x5c: {  	_ =	swait.ge [sflag:s4], $0x2800  }
0x5d: {  	[sflag:s4] =	ssyncset.done $0x0  }
0x5e: {  	[sflag:s4] =	ssyncadd.s32 $0xFFFFD800  }
0x5f: {  	[spmem:s31] =	stream.linear.scatter [tilespmem:s3], [sflag:$0x2], $0x2800, $0x38;
	[tilespmem:$0x1C880] =	vst v63  }
0x60: {  	_ =	swait.ge [sflag:s4], $0x2800  }
0x61: {  	[sflag:s4] =	ssyncset.done $0x0  }
0x62: {  	s9 =	simm.s32 @!p0 $0x4000;
	s8 =	simm.s32 @!p0 $0x0;
	[sflag:s4] =	ssyncadd.s32 $0xFFFFD800  }
0x63: {  	[tilespmem:s9], [sflag:$0x2] =	stream.linear.gather @!p0 [hbm4b:s11+s8], $0x2800, $0x38;
	[tilespmem:$0x1C880] =	vst v63  }
0x64: {  	s8 =	simm.s32 @!p0 $0x2  }
0x65: {  	_ =	swait.ge @!p0 [sflag:s8], $0x2800  }
0x66: {  	[sflag:s8] =	ssyncset.done @!p0 $0x0  }
0x67: {  	[sflag:s8] =	ssyncadd.s32 @!p0 $0xFFFFD800  }
0x68: {  	[spmem:s0] =	stream.linear.scatter @!p0 [tilespmem:s9], [sflag:$0x2], $0x2800, $0x38;
	[tilespmem:$0x1C880] =	vst v63  }
0x69: {  	_ =	swait.ge @!p0 [sflag:s8], $0x2800  }
0x6a: {  	[sflag:s8] =	ssyncset.done @!p0 $0x0  }
0x6b: {  	[sflag:s8] =	ssyncadd.s32 @!p0 $0xFFFFD800  }
0x6c: {  	[bflag:$0x0] =	sbarrier.arrive $0xFFFF  }
0x6d: {  	s15 =	rddreg [dreg:$0x3]  }
0x6e: {  	[tilespmem:s1], [sflag:$0x2] =	stream.linear.gather [hbm4b:s15+s1], $0x2000, $0x38;
	[tilespmem:$0x1C880] =	vst v63  }
0x6f: {  	_ =	swait.ge [sflag:s4], $0x2000  }
0x70: {  	[sflag:s4] =	ssyncset.done $0x0  }
0x71: {  	s17 =	simm.s32 $0x2000;
	s13 =	rddreg [dreg:$0x4];
	[sflag:s4] =	ssyncadd.s32 $0xFFFFE000  }
0x72: {  	[tilespmem:s17], [sflag:$0x2] =	stream.linear.gather [hbm4b:s13+s1], $0x2000, $0x38;
	[tilespmem:$0x1C880] =	vst v63  }
0x73: {  	s15 =	sand.u32 $0x1, s1;
	_ =	swait.ge [sflag:s4], $0x2000  }
0x74: {  	s10 =	sxor.u32 $0x1, s15;
	[sflag:s4] =	ssyncset.done $0x0  }
0x75: {  	s10 =	smul.u32 $0xA000, s10;
	[sflag:s4] =	ssyncadd.s32 $0xFFFFE000  }
0x76: {  	[tilespmem:s3], [sflag:$0x1] =	stream.indirect.gather [hbm4b:s16+s5], $0x80, s1, s5, $0xb8;
	[tilespmem:$0x1C880] =	vst v63  }
0x77: {  	s9 =	smul.u32 $0xA000, s15;
	_ =	swait.ge [sflag:s6], $0x2800  }
0x78: {  	s12 =	simm.s32 $0x80;
	s10 =	sshrl.u32 s10, $0x2;
	[sflag:s6] =	ssyncset.done $0x0  }
0x79: {  	s9 =	sshrl.u32 s9, $0x2;
	s10 =	sor.u32 $0x4000, s10;
	[sflag:s6] =	ssyncadd.s32 $0xFFFFD800  }
0x7a: {  	[tilespmem:s10], [sflag:$0x1] =	stream.indirect.gather [hbm4b:s16+s5], $0x80, s12, s5, $0xb8;
	[tilespmem:$0x1C880] =	vst v63  }
0x7b: {  	s9 =	sor.u32 $0x4000, s9  }
0x7c: {  	[spmem:s14] =	stream.indirect.scatter.add.f32 [tilespmem:s9], [sflag:$0x2], $0x80, s17, s5, $0xb8;
	[tilespmem:$0x1C880] =	vst v63  }
0x7d: {  	s8 =	simm.s32 $0x100;
	s12 =	simm.s32 $0x2;
	s17 =	simm.s32 $0x1  }
0x7e: {  	s9 =	simm.s32 $0x2080;
	s10 =	sand.u32 $0x1, s17;
	_ =	swait.ge [sflag:s4], $0x2800  }
.LBB2_2:
0x7f: {  	s13 =	sxor.u32 $0x1, s10  }
0x80: {  	[sflag:s4] =	ssyncset.done $0x0;
	s15 =	smov.u32 s12;
	s17 =	sadd.s32 $0x1, s12  }
0x81: {  	p1 =	sne.s32 s12, $0x3E;
	s12 =	smul.u32 $0xA000, s13;
	[sflag:s4] =	ssyncadd.s32 $0xFFFFD800  }
0x82: {  	_ =	swait.ge [sflag:s6], $0x2800  }
0x83: {  	s10 =	smul.u32 $0xA000, s10;
	[sflag:s6] =	ssyncset.done $0x0;
	s12 =	sshrl.u32 s12, $0x2  }
0x84: {  	[sflag:s6] =	ssyncadd.s32 $0xFFFFD800;
	s12 =	sor.u32 $0x4000, s12  }
0x85: {  	[tilespmem:s12], [sflag:$0x1] =	stream.indirect.gather [hbm4b:s16+s5], $0x80, s8, s5, $0xb8;
	[tilespmem:$0x1C880] =	vst v63  }
.Ltmp0:
0x86: {  	_ = 	snop;
	(pc) =	sbr.rel @p1 .LBB2_2-.Ltmp0, $4  }
0x87: {  	s10 =	sshrl.u32 s10, $0x2  }
0x88: {  	s10 =	sor.u32 $0x4000, s10;
	s8 =	sadd.s32 $0x80, s8;
	s12 =	smov.u32 s17  }
0x89: {  	[spmem:s14] =	stream.indirect.scatter.add.f32 [tilespmem:s10], [sflag:$0x2], $0x80, s9, s5, $0xb8;
	[tilespmem:$0x1C880] =	vst v63  }
0x8a: {  	s10 =	sand.u32 $0x1, s15;
	s9 =	sadd.s32 $0x80, s9;
	_ =	swait.ge [sflag:s4], $0x2800  }
0x8b: {  	s12 =	sxor.u32 $0x1, s10;
	[sflag:s4] =	ssyncset.done $0x0  }
0x8c: {  	s12 =	smul.u32 $0xA000, s12;
	[sflag:s4] =	ssyncadd.s32 $0xFFFFD800  }
0x8d: {  	s15 =	smul.u32 $0xA000, s10;
	_ =	swait.ge [sflag:s6], $0x2800  }
0x8e: {  	[sflag:s6] =	ssyncset.done $0x0;
	s12 =	sshrl.u32 s12, $0x2  }
0x8f: {  	s17 =	sshrl.u32 s15, $0x2;
	[sflag:s6] =	ssyncadd.s32 $0xFFFFD800;
	s12 =	sor.u32 $0x4000, s12  }
0x90: {  	[tilespmem:s12], [sflag:$0x1] =	stream.indirect.gather [hbm4b:s16+s5], $0x80, s8, s5, $0xb8;
	[tilespmem:$0x1C880] =	vst v63  }
0x91: {  	s8 =	sor.u32 $0x4000, s17  }
0x92: {  	[spmem:s14] =	stream.indirect.scatter.add.f32 [tilespmem:s8], [sflag:$0x2], $0x80, s9, s5, $0xb8;
	[tilespmem:$0x1C880] =	vst v63  }
0x93: {  	_ =	swait.ge [sflag:s4], $0x2800  }
0x94: {  	[sflag:s4] =	ssyncset.done $0x0  }
0x95: {  	[sflag:s4] =	ssyncadd.s32 $0xFFFFD800  }
0x96: {  	_ =	swait.ge [sflag:s6], $0x2800  }
0x97: {  	[sflag:s6] =	ssyncset.done $0x0  }
0x98: {  	s10 =	simm.s32 $0x3F80;
	s12 =	simm.s32 $0x6800;
	[sflag:s6] =	ssyncadd.s32 $0xFFFFD800  }
0x99: {  	[spmem:s14] =	stream.indirect.scatter.add.f32 [tilespmem:s12], [sflag:$0x2], $0x80, s10, s5, $0xb8;
	[tilespmem:$0x1C880] =	vst v63  }
0x9a: {  	_ =	swait.ge [sflag:s4], $0x2800  }
0x9b: {  	[sflag:s4] =	ssyncset.done $0x0  }
0x9c: {  	s13 =	simm.s32 $0x0;
	s15 =	rddreg [dreg:$0x5];
	[sflag:s4] =	ssyncadd.s32 $0xFFFFD800  }
0x9d: {  	[tilespmem:s13], [sflag:$0x2] =	stream.linear.gather [hbm4b:s15+s13], $0x1E80, $0x38;
	[tilespmem:$0x1C880] =	vst v63  }
0x9e: {  	_ =	swait.ge [sflag:s4], $0x1E80  }
0x9f: {  	[sflag:s4] =	ssyncset.done $0x0  }
0xa0: {  	s17 =	simm.s32 $0x2000;
	s12 =	rddreg [dreg:$0x6];
	[sflag:s4] =	ssyncadd.s32 $0xFFFFE180  }
0xa1: {  	[tilespmem:s17], [sflag:$0x2] =	stream.linear.gather [hbm4b:s12+s13], $0x1E80, $0x38;
	[tilespmem:$0x1C880] =	vst v63  }
0xa2: {  	_ =	swait.ge [sflag:s4], $0x1E80  }
0xa3: {  	[sflag:s4] =	ssyncset.done $0x0  }
0xa4: {  	s8 =	sand.u32 $0x1, s13;
	[sflag:s4] =	ssyncadd.s32 $0xFFFFE180  }
0xa5: {  	[tilespmem:s3], [sflag:$0x1] =	stream.indirect.gather [hbm4b:s16+s5], $0x80, s13, s5, $0xb8;
	[tilespmem:$0x1C880] =	vst v63  }
0xa6: {  	s13 =	sxor.u32 $0x1, s8  }
0xa7: {  	s10 =	smul.u32 $0xA000, s13  }
0xa8: {  	s8 =	smul.u32 $0xA000, s8;
	_ =	swait.ge [sflag:s6], $0x2800  }
0xa9: {  	s15 =	simm.s32 $0x80;
	[sflag:s6] =	ssyncset.done $0x0;
	s10 =	sshrl.u32 s10, $0x2  }
0xaa: {  	s8 =	sshrl.u32 s8, $0x2;
	[sflag:s6] =	ssyncadd.s32 $0xFFFFD800;
	s10 =	sor.u32 $0x4000, s10  }
0xab: {  	[tilespmem:s10], [sflag:$0x1] =	stream.indirect.gather [hbm4b:s16+s5], $0x80, s15, s5, $0xb8;
	[tilespmem:$0x1C880] =	vst v63  }
0xac: {  	s8 =	sor.u32 $0x4000, s8  }
0xad: {  	[spmem:s14] =	stream.indirect.scatter.add.f32 [tilespmem:s8], [sflag:$0x2], $0x80, s17, s5, $0xb8;
	[tilespmem:$0x1C880] =	vst v63  }
0xae: {  	s9 =	simm.s32 $0x2080;
	s12 =	simm.s32 $0x2;
	s17 =	simm.s32 $0x1  }
0xaf: {  	s8 =	simm.s32 $0x100;
	s10 =	sand.u32 $0x1, s17;
	_ =	swait.ge [sflag:s4], $0x2800  }
.LBB2_4:
0xb0: {  	s13 =	sxor.u32 $0x1, s10  }
0xb1: {  	[sflag:s4] =	ssyncset.done $0x0;
	s15 =	smov.u32 s12;
	s17 =	sadd.s32 $0x1, s12  }
0xb2: {  	p1 =	sne.s32 s12, $0x3B;
	s12 =	smul.u32 $0xA000, s13;
	[sflag:s4] =	ssyncadd.s32 $0xFFFFD800  }
0xb3: {  	_ =	swait.ge [sflag:s6], $0x2800  }
0xb4: {  	s10 =	smul.u32 $0xA000, s10;
	[sflag:s6] =	ssyncset.done $0x0;
	s12 =	sshrl.u32 s12, $0x2  }
0xb5: {  	[sflag:s6] =	ssyncadd.s32 $0xFFFFD800;
	s12 =	sor.u32 $0x4000, s12  }
0xb6: {  	[tilespmem:s12], [sflag:$0x1] =	stream.indirect.gather [hbm4b:s16+s5], $0x80, s8, s5, $0xb8;
	[tilespmem:$0x1C880] =	vst v63  }
.Ltmp1:
0xb7: {  	_ = 	snop;
	(pc) =	sbr.rel @p1 .LBB2_4-.Ltmp1, $4  }
0xb8: {  	s10 =	sshrl.u32 s10, $0x2  }
0xb9: {  	s10 =	sor.u32 $0x4000, s10;
	s8 =	sadd.s32 $0x80, s8;
	s12 =	smov.u32 s17  }
0xba: {  	[spmem:s14] =	stream.indirect.scatter.add.f32 [tilespmem:s10], [sflag:$0x2], $0x80, s9, s5, $0xb8;
	[tilespmem:$0x1C880] =	vst v63  }
0xbb: {  	s10 =	sand.u32 $0x1, s15;
	s9 =	sadd.s32 $0x80, s9;
	_ =	swait.ge [sflag:s4], $0x2800  }
0xbc: {  	s12 =	sxor.u32 $0x1, s10;
	[sflag:s4] =	ssyncset.done $0x0  }
0xbd: {  	s12 =	smul.u32 $0xA000, s12;
	[sflag:s4] =	ssyncadd.s32 $0xFFFFD800  }
0xbe: {  	s17 =	smul.u32 $0xA000, s10;
	_ =	swait.ge [sflag:s6], $0x2800  }
0xbf: {  	[sflag:s6] =	ssyncset.done $0x0;
	s12 =	sshrl.u32 s12, $0x2  }
0xc0: {  	s13 =	sshrl.u32 s17, $0x2;
	[sflag:s6] =	ssyncadd.s32 $0xFFFFD800;
	s12 =	sor.u32 $0x4000, s12  }
0xc1: {  	[tilespmem:s12], [sflag:$0x1] =	stream.indirect.gather [hbm4b:s16+s5], $0x80, s8, s5, $0xb8;
	[tilespmem:$0x1C880] =	vst v63  }
0xc2: {  	s8 =	sor.u32 $0x4000, s13  }
0xc3: {  	[spmem:s14] =	stream.indirect.scatter.add.f32 [tilespmem:s8], [sflag:$0x2], $0x80, s9, s5, $0xb8;
	[tilespmem:$0x1C880] =	vst v63  }
0xc4: {  	_ =	swait.ge [sflag:s4], $0x2800  }
0xc5: {  	[sflag:s4] =	ssyncset.done $0x0  }
0xc6: {  	[sflag:s4] =	ssyncadd.s32 $0xFFFFD800  }
0xc7: {  	_ =	swait.ge [sflag:s6], $0x2800  }
0xc8: {  	[sflag:s6] =	ssyncset.done $0x0  }
0xc9: {  	s15 =	simm.s32 $0x3E00;
	[sflag:s6] =	ssyncadd.s32 $0xFFFFD800  }
0xca: {  	[spmem:s14] =	stream.indirect.scatter.add.f32 [tilespmem:s3], [sflag:$0x2], $0x80, s15, s5, $0xb8;
	[tilespmem:$0x1C880] =	vst v63  }
0xcb: {  	_ =	swait.ge [sflag:s4], $0x2800  }
0xcc: {  	[sflag:s4] =	ssyncset.done $0x0  }
0xcd: {  	[sflag:s4] =	ssyncadd.s32 $0xFFFFD800  }
0xce: {  	[bflag:$0x0] =	sbarrier.arrive $0xFFFF  }
0xcf: {  	[tilespmem:s3], [sflag:$0x2] =	stream.linear.gather [spmem:s18], $0x2800, $0x38;
	[tilespmem:$0x1C880] =	vst v63  }
0xd0: {  	_ =	swait.ge [sflag:s4], $0x2800  }
0xd1: {  	[sflag:s4] =	ssyncset.done $0x0  }
0xd2: {  	s17 =	rddreg [dreg:$0x7];
	[sflag:s4] =	ssyncadd.s32 $0xFFFFD800  }
0xd3: {  	[hbm4b:s17+s1] =	stream.linear.scatter [tilespmem:s3], [sflag:$0x2], $0x2800, $0x38;
	[tilespmem:$0x1C880] =	vst v63  }
0xd4: {  	_ =	swait.ge [sflag:s4], $0x2800  }
0xd5: {  	[sflag:s4] =	ssyncset.done $0x0  }
0xd6: {  	[sflag:s4] =	ssyncadd.s32 $0xFFFFD800  }
0xd7: {  	[tilespmem:s3], [sflag:$0x2] =	stream.linear.gather [spmem:s20], $0x2800, $0x38;
	[tilespmem:$0x1C880] =	vst v63  }
0xd8: {  	_ =	swait.ge [sflag:s4], $0x2800  }
0xd9: {  	[sflag:s4] =	ssyncset.done $0x0  }
0xda: {  	s9 =	rddreg [dreg:$0x8];
	[sflag:s4] =	ssyncadd.s32 $0xFFFFD800  }
0xdb: {  	[hbm4b:s9+s1] =	stream.linear.scatter [tilespmem:s3], [sflag:$0x2], $0x2800, $0x38;
	[tilespmem:$0x1C880] =	vst v63  }
0xdc: {  	_ =	swait.ge [sflag:s4], $0x2800  }
0xdd: {  	[sflag:s4] =	ssyncset.done $0x0  }
0xde: {  	[sflag:s4] =	ssyncadd.s32 $0xFFFFD800  }
0xdf: {  	[tilespmem:s3], [sflag:$0x2] =	stream.linear.gather [spmem:s22], $0x2800, $0x38;
	[tilespmem:$0x1C880] =	vst v63  }
0xe0: {  	_ =	swait.ge [sflag:s4], $0x2800  }
0xe1: {  	[sflag:s4] =	ssyncset.done $0x0  }
0xe2: {  	s10 =	rddreg [dreg:$0x9];
	[sflag:s4] =	ssyncadd.s32 $0xFFFFD800  }
0xe3: {  	[hbm4b:s10+s1] =	stream.linear.scatter [tilespmem:s3], [sflag:$0x2], $0x2800, $0x38;
	[tilespmem:$0x1C880] =	vst v63  }
0xe4: {  	_ =	swait.ge [sflag:s4], $0x2800  }
0xe5: {  	[sflag:s4] =	ssyncset.done $0x0  }
0xe6: {  	[sflag:s4] =	ssyncadd.s32 $0xFFFFD800  }
0xe7: {  	[tilespmem:s3], [sflag:$0x2] =	stream.linear.gather [spmem:s24], $0x2800, $0x38;
	[tilespmem:$0x1C880] =	vst v63  }
0xe8: {  	_ =	swait.ge [sflag:s4], $0x2800  }
0xe9: {  	[sflag:s4] =	ssyncset.done $0x0  }
0xea: {  	s12 =	rddreg [dreg:$0xa];
	[sflag:s4] =	ssyncadd.s32 $0xFFFFD800  }
0xeb: {  	[hbm4b:s12+s1] =	stream.linear.scatter [tilespmem:s3], [sflag:$0x2], $0x2800, $0x38;
	[tilespmem:$0x1C880] =	vst v63  }
0xec: {  	_ =	swait.ge [sflag:s4], $0x2800  }
0xed: {  	[sflag:s4] =	ssyncset.done $0x0  }
0xee: {  	[sflag:s4] =	ssyncadd.s32 $0xFFFFD800  }
0xef: {  	[tilespmem:s3], [sflag:$0x2] =	stream.linear.gather [spmem:s26], $0x2800, $0x38;
	[tilespmem:$0x1C880] =	vst v63  }
0xf0: {  	_ =	swait.ge [sflag:s4], $0x2800  }
0xf1: {  	[sflag:s4] =	ssyncset.done $0x0  }
0xf2: {  	s13 =	rddreg [dreg:$0xb];
	[sflag:s4] =	ssyncadd.s32 $0xFFFFD800  }
0xf3: {  	[hbm4b:s13+s1] =	stream.linear.scatter [tilespmem:s3], [sflag:$0x2], $0x2800, $0x38;
	[tilespmem:$0x1C880] =	vst v63  }
0xf4: {  	_ =	swait.ge [sflag:s4], $0x2800  }
0xf5: {  	[sflag:s4] =	ssyncset.done $0x0  }
0xf6: {  	[sflag:s4] =	ssyncadd.s32 $0xFFFFD800  }
0xf7: {  	[tilespmem:s3], [sflag:$0x2] =	stream.linear.gather [spmem:s29], $0x2800, $0x38;
	[tilespmem:$0x1C880] =	vst v63  }
0xf8: {  	_ =	swait.ge [sflag:s4], $0x2800  }
0xf9: {  	[sflag:s4] =	ssyncset.done $0x0  }
0xfa: {  	s15 =	rddreg [dreg:$0xc];
	[sflag:s4] =	ssyncadd.s32 $0xFFFFD800  }
0xfb: {  	[hbm4b:s15+s1] =	stream.linear.scatter [tilespmem:s3], [sflag:$0x2], $0x2800, $0x38;
	[tilespmem:$0x1C880] =	vst v63  }
0xfc: {  	_ =	swait.ge [sflag:s4], $0x2800  }
0xfd: {  	[sflag:s4] =	ssyncset.done $0x0  }
0xfe: {  	[sflag:s4] =	ssyncadd.s32 $0xFFFFD800  }
0xff: {  	[tilespmem:s3], [sflag:$0x2] =	stream.linear.gather [spmem:s31], $0x2800, $0x38;
	[tilespmem:$0x1C880] =	vst v63  }
0x100: {  	_ =	swait.ge [sflag:s4], $0x2800  }
0x101: {  	[sflag:s4] =	ssyncset.done $0x0  }
0x102: {  	s17 =	rddreg [dreg:$0xd];
	[sflag:s4] =	ssyncadd.s32 $0xFFFFD800  }
0x103: {  	[hbm4b:s17+s1] =	stream.linear.scatter [tilespmem:s3], [sflag:$0x2], $0x2800, $0x38;
	[tilespmem:$0x1C880] =	vst v63  }
0x104: {  	_ =	swait.ge [sflag:s4], $0x2800  }
0x105: {  	[sflag:s4] =	ssyncset.done $0x0  }
0x106: {  	s8 =	simm.s32 @!p0 $0x4000;
	s9 =	simm.s32 @!p0 $0x2;
	[sflag:s4] =	ssyncadd.s32 $0xFFFFD800  }
0x107: {  	[tilespmem:s8], [sflag:$0x2] =	stream.linear.gather @!p0 [spmem:s0], $0x2800, $0x38;
	[tilespmem:$0x1C880] =	vst v63  }
0x108: {  	s7 =	sadd.s32 $0x1, s7;
	_ =	swait.ge @!p0 [sflag:s9], $0x2800  }
0x109: {  	p1 =	sne.s32 s7, s2;
	s10 =	simm.s32 @!p0 $0x0;
	[sflag:s9] =	ssyncset.done @!p0 $0x0  }
.Ltmp2:
0x10a: {  	s12 =	rddreg [dreg:$0xe];
	[sflag:s9] =	ssyncadd.s32 @!p0 $0xFFFFD800;
	(pc) =	sbr.rel @p1 .LBB2_1-.Ltmp2, $4  }
0x10b: {  	[hbm4b:s12+s10] =	stream.linear.scatter @!p0 [tilespmem:s8], [sflag:$0x2], $0x2800, $0x38;
	[tilespmem:$0x1C880] =	vst v63  }
0x10c: {  	_ =	swait.ge @!p0 [sflag:s9], $0x2800  }
0x10d: {  	[sflag:s9] =	ssyncset.done @!p0 $0x0  }
0x10e: {  	[sflag:s9] =	ssyncadd.s32 @!p0 $0xFFFFD800  }
0x10f: {  	_ =	sfence.sel $0x180000  }
0x110: {  	[bflag:$0x0] =	sbarrier.arrive $0xFFFF  }
0x111: {  	_ =	strace $0x9000004A  }
0x112: {  	s0 =	stileid.u32;
	[bflag:$0x2] =	sbarrier.arrive $0xFFFF  }
0x113: {  	p0 =	sne.s32 s0, $0x0;
	s0 =	rddreg [dreg:$0x2]  }
0x114: {  	s0 =	sadd.s32 @!p0 $0x100000, s0  }
0x115: {  	[sflag:s0] =	ssyncadd.tile.s32 @!p0 $0x1;
	_ =	shalt  }
.Lfunc_end2:
_tile_overlayer_lowered:
.L_overlay_start_2:
0x116: {  	(tag) =	ssettag $0x2  }
0x117: {  	s0 =	rddreg [dreg:$0x0];
	s2 =	stileid.u32  }
0x118: {  	s1 =	rddreg [dreg:$0x1];
	p0 =	sne.s32 s2, $0x0  }
0x119: {  	s3 =	rddreg [dreg:$0x2];
	[bflag:$0x3] =	sbarrier.arrive $0xFFFF;
	s2 =	simm.s32 @!p0 $0x1C02  }
0x11a: {  	[timem:s3], [sflag:s2] =	dma.local @!p0 [hbm:s0], s1  }
0x11b: {  	s0 =	simm.s32 @!p0 $0x2  }
0x11c: {  	_ =	swait.ge @!p0 [sflag:s0], s1  }
0x11d: {  	s1 =	ssub.s32 @!p0 $0x0, s1;
	[sflag:s0] =	ssyncset.done @!p0 $0x0  }
0x11e: {  	[sflag:s0] =	ssyncadd.s32 @!p0 s1  }
0x11f: {  	[bflag:$0x3] =	sbarrier.arrive $0xFFFF  }
0x120: {  	_ =	shalt  }

// kernel: kernel.7.cloned.1.call-start
scs
__scs_entry_jumppad:
0x0: {  	(pc) =	sbr.rel $0x88, $3  }
0x1: {  	(tag) =	ssettag $0x0;
	lr =	simm.s32 $0x1  }
0x2: {  	[smem:$0x3F8F] =	sst lr;
	_ =	strace $0xD0000000  }
0x3: {  	_ = 	snop  }
0x4: {  	_ = 	snop  }
0x5: {  	_ = 	snop  }
0x6: {  	_ = 	snop  }
0x7: {  	_ = 	snop  }
__scs_overlays_trampoline_lowered:
0x8: {  	[smem:$0x3F9E] =	sst s0  }
0x9: {  	[smem:$0x3F9F] =	sst s1  }
0xa: {  	[smem:$0x3FA0] =	sst s2  }
0xb: {  	[smem:$0x3FA1] =	sst s3  }
0xc: {  	[smem:$0x3FA2] =	sst s4  }
0xd: {  	[smem:$0x3FA3] =	sst s5  }
0xe: {  	[smem:$0x3FA4] =	sst s6  }
0xf: {  	[smem:$0x3FA5] =	sst s7  }
0x10: {  	[smem:$0x3FA6] =	sst s8  }
0x11: {  	[smem:$0x3FA7] =	sst s9;
	s0 =	simm.s32 @!p0 $0x0  }
0x12: {  	s1 =	sld [smem:$0x3F8D];
	s0 =	simm.s32 @p0 $0x1  }
0x13: {  	[smem:$0x3FA8] =	sst s0;
	s0 =	simm.s32 @!p1 $0x0  }
0x14: {  	s2 =	sld [smem:$0x3F8C];
	s0 =	simm.s32 @p1 $0x1  }
0x15: {  	[smem:$0x3FA9] =	sst s0;
	s0 =	simm.s32 @!p2 $0x0  }
0x16: {  	s3 =	sld [smem:$0x3FDB];
	s0 =	simm.s32 @p2 $0x1  }
0x17: {  	s4 =	simm.s32 $0x1BF5;
	[smem:$0x3FAB] =	sst s0  }
0x18: {  	s0 =	sld [smem:$0x3F8E];
	_ =	swait.ge [sflag:s4], $0x0  }
0x19: {  	s7 =	sld [smem:$0x3F8F]  }
0x1a: {  	s8 =	sadd.s32 $0xFFFFE003, lr  }
0x1b: {  	s9 =	sadd.s32 $0xFFFFFEF7, lr;
	s5 =	simm.s32 $0xFFFFFFFF;
	p2 =	slt.u32 s8, $0xFFFFF086  }
0x1c: {  	p1 =	slt.u32 s9, $0xF7A;
	s5 =	simm.s32 @!p2 $0x0  }
0x1d: {  	s5 =	simm.s32 @p1 $0x1;
	p0 =	seq.s32 s7, s2  }
0x1e: {  	s7 =	smul.u32 @!p0 $0xF7A, s2;
	p2 =	seq.s32 @!p0 s5, $0x0  }
0x1f: {  	s9 =	smul.u32 $0xF7A, s1;
	s8 =	simm.s32 @!p0 $0x1BF5;
	p2 =	por !p2, p0  }
0x20: {  	[sflag:s8] =	ssyncset.s32 @!p0 $0xFFFFF086;
	s6 =	sadd.s32 @!p0 s3, s7;
	s7 =	simm.s32 @!p0 $0x108  }
0x21: {  	s3 =	sadd.s32 s3, s9;
	s6 =	sadd.s32 @!p0 $0x88, s6;
	s7 =	simm.s32 @p2 $0x1082  }
0x22: {  	[simem:s7], [sflag:s8] =	dma.local @!p0 [hbm:s6], $0xF7A  }
0x23: {  	s9 =	sor.u32 $0xD0000000, s2;
	s6 =	simm.s32 $0x108;
	_ =	swait.ge @!p0 [sflag:s8], $0x0  }
0x24: {  	s3 =	sadd.s32 $0x88, s3;
	s6 =	simm.s32 @!p1 $0x1082;
	[sflag:s4] =	ssyncset.s32 $0xFFFFF086  }
0x25: {  	[simem:s6], [sflag:s4] =	dma.local [hbm:s3], $0xF7A  }
0x26: {  	[smem:$0x3F8F] =	sst s1;
	(tag) =	ssettag s2;
	_ =	strace s9  }
0x27: {  	s1 =	sld [smem:$0x3F9F]  }
0x28: {  	s2 =	sld [smem:$0x3FA0]  }
0x29: {  	s4 =	sld [smem:$0x3FA2]  }
0x2a: {  	p0 =	seq.s32 s5, $0x0;
	s5 =	sld [smem:$0x3FA3]  }
0x2b: {  	s6 =	sld [smem:$0x3FA4]  }
0x2c: {  	s7 =	sld [smem:$0x3FA5]  }
0x2d: {  	s3 =	simm.s32 $0x108;
	s8 =	sld [smem:$0x3FA6]  }
0x2e: {  	s3 =	simm.s32 @!p0 $0x1082;
	s9 =	sld [smem:$0x3FA7]  }
0x2f: {  	lr =	sadd.s32 s0, s3;
	s0 =	sld [smem:$0x3F9E]  }
0x30: {  	s3 =	sld [smem:$0x3FA1]  }
0x31: {  	[smem:$0x3FAA] =	sst s10  }
0x32: {  	s10 =	sld [smem:$0x3FA8];
	_ =	sdelay $0x3  }
0x33: {  	p0 =	seq.s32 s10, $0x1;
	s10 =	sld [smem:$0x3FAA];
	_ =	sdelay $0x3  }
0x34: {  	[smem:$0x3FAA] =	sst s10  }
0x35: {  	s10 =	sld [smem:$0x3FA9];
	_ =	sdelay $0x3  }
0x36: {  	p1 =	seq.s32 s10, $0x1;
	s10 =	sld [smem:$0x3FAA];
	_ =	sdelay $0x3  }
0x37: {  	[smem:$0x3FAA] =	sst s10  }
0x38: {  	s10 =	sld [smem:$0x3FAB]  }
0x39: {  	_ = 	snop;
	(pc) =	sbr.ind lr, $3  }
0x3a: {  	_ = 	snop  }
0x3b: {  	_ = 	snop  }
0x3c: {  	p2 =	seq.s32 s10, $0x1;
	s10 =	sld [smem:$0x3FAA]  }
0x3d: {  	_ =	shalt  }
0x3e: {  	_ =	shalt  }
0x3f: {  	_ =	shalt  }
0x40: {  	_ =	shalt  }
0x41: {  	_ =	shalt  }
0x42: {  	_ =	shalt  }
0x43: {  	_ =	shalt  }
0x44: {  	_ =	shalt  }
0x45: {  	_ =	shalt  }
0x46: {  	_ =	shalt  }
0x47: {  	_ =	shalt  }
0x48: {  	_ =	shalt  }
0x49: {  	_ =	shalt  }
0x4a: {  	_ =	shalt  }
0x4b: {  	_ =	shalt  }
0x4c: {  	_ =	shalt  }
0x4d: {  	_ =	shalt  }
0x4e: {  	_ =	shalt  }
0x4f: {  	_ =	shalt  }
0x50: {  	_ =	shalt  }
0x51: {  	_ =	shalt  }
0x52: {  	_ =	shalt  }
0x53: {  	_ =	shalt  }
0x54: {  	_ =	shalt  }
0x55: {  	_ =	shalt  }
0x56: {  	_ =	shalt  }
0x57: {  	_ =	shalt  }
0x58: {  	_ =	shalt  }
0x59: {  	_ =	shalt  }
0x5a: {  	_ =	shalt  }
0x5b: {  	_ =	shalt  }
0x5c: {  	_ =	shalt  }
0x5d: {  	_ =	shalt  }
0x5e: {  	_ =	shalt  }
0x5f: {  	_ =	shalt  }
0x60: {  	_ =	shalt  }
0x61: {  	_ =	shalt  }
0x62: {  	_ =	shalt  }
0x63: {  	_ =	shalt  }
0x64: {  	_ =	shalt  }
0x65: {  	_ =	shalt  }
0x66: {  	_ =	shalt  }
0x67: {  	_ =	shalt  }
0x68: {  	_ =	shalt  }
0x69: {  	_ =	shalt  }
0x6a: {  	_ =	shalt  }
0x6b: {  	_ =	shalt  }
0x6c: {  	_ =	shalt  }
0x6d: {  	_ =	shalt  }
0x6e: {  	_ =	shalt  }
0x6f: {  	_ =	shalt  }
0x70: {  	_ =	shalt  }
0x71: {  	_ =	shalt  }
0x72: {  	_ =	shalt  }
0x73: {  	_ =	shalt  }
0x74: {  	_ =	shalt  }
0x75: {  	_ =	shalt  }
0x76: {  	_ =	shalt  }
0x77: {  	_ =	shalt  }
0x78: {  	_ =	shalt  }
0x79: {  	_ =	shalt  }
0x7a: {  	_ =	shalt  }
0x7b: {  	_ =	shalt  }
0x7c: {  	_ =	shalt  }
0x7d: {  	_ =	shalt  }
0x7e: {  	_ =	shalt  }
0x7f: {  	_ =	shalt  }
0x80: {  	_ =	shalt  }
0x81: {  	_ =	shalt  }
0x82: {  	_ =	shalt  }
0x83: {  	_ =	shalt  }
0x84: {  	_ =	shalt  }
0x85: {  	_ =	shalt  }
0x86: {  	_ =	shalt  }
0x87: {  	_ =	shalt  }
.Lfunc_end0:
.L_simem_size_0:
called_computation_lowered:
.L_overlay_start_0:
0x88: {  	s2 =	sld [smem:$0x3FD9]  }
0x89: {  	s3 =	sld [smem:$0x3FFE];
	_ =	sdelay $0x1  }
0x8a: {  	s1 =	srdreg.scid  }
0x8b: {  	s0 =	sand.u32 $0x1, s1  }
0x8c: {  	s16 =	sshll.u32 s0, $0xA;
	s2 =	sadd.s32 s3, s2  }
0x8d: {  	s2 =	sadd.s32 s2, s16  }
0x8e: {  	[smem:$0x3FB6] =	sst s2  }
0x8f: {  	_ = 	snop  }
0x90: {  	(tm) =	ssettm $0x1  }
0x91: {  	s17 =	sld [smem:$0x3FFB];
	_ =	sdelay $0x3  }
0x92: {  	_ =	strace s17  }
0x93: {  	s2 =	sld [smem:$0x3FFC];
	_ =	sdelay $0x3  }
0x94: {  	_ =	strace s2  }
0x95: {  	s2 =	sld [smem:$0x3FFD];
	_ =	sdelay $0x3  }
0x96: {  	_ =	strace s2  }
0x97: {  	_ =	strace $0x8FFFFFFF  }
0x98: {  	s18 =	sld [smem:$0x3FDB];
	_ =	sdelay $0x1  }
0x99: {  	s19 =	simm.s32 $_scs_section_size  }
0x9a: {  	s4 =	simm.s32 $_size__tile_overlayer_lowered;
	s5 =	simm.s32 $_tile_overlayer_lowered  }
0x9b: {  	s22 =	simm.s32 $0x1BFF;
	s21 =	sshll.u32 s5, $0x1;
	s2 =	sadd.s32 s19, s18  }
0x9c: {  	s6 =	simm.s32 $0x0;
	s20 =	sshll.u32 s4, $0x1;
	s4 =	sadd.s32 s21, s2  }
0x9d: {  	[timem:s6], [sflag:s22] =	dma.local [hbm:s4], s20  }
0x9e: {  	_ =	swait.ge [sflag:s22], s20  }
0x9f: {  	s3 =	ssub.s32 $0x0, s20;
	[sflag:s22] =	ssyncset.done $0x0  }
0xa0: {  	[sflag:s22] =	ssyncadd.s32 s3;
	_ =	sdelay $0x1  }
0xa1: {  	s23 =	simm.s32 $0x1B8B  }
0xa2: {  	_ =	swait.ge [sflag:s23], $0x1  }
0xa3: {  	[sflag:s23] =	ssyncset.done $0x0  }
0xa4: {  	s25 =	simm.s32 $0x1B8E;
	s24 =	sld [smem:$0x3FFE];
	[sflag:s23] =	ssyncadd.s32 $0xFFFFFFFF  }
0xa5: {  	s26 =	simm.s32 $execute0_lowered;
	[smem:$0x3FD2] =	sst s25  }
0xa6: {  	s4 =	sshll.u32 s26, $0x1;
	_ =	strace $0x80000046;
	[dreg:$0x1] =	wrdreg $0xFFFFFFFF  }
0xa7: {  	s28 =	simm.s32 $_size_execute0_lowered;
	s2 =	sadd.s32 s2, s4;
	[dreg:$0x0] =	wrdreg $0x0  }
0xa8: {  	s4 =	sshll.u32 s28, $0x1;
	[dreg:$0x2] =	wrdreg s2  }
0xa9: {  	[dreg:$0x3] =	wrdreg s4  }
0xaa: {  	[dreg:$0x4] =	wrdreg $0xC0  }
0xab: {  	_ =	task [dreg:s6], $0x5FFFF  }
0xac: {  	[dreg:$0x1] =	wrdreg $0xFFFFFFFF  }
0xad: {  	[dreg:$0x0] =	wrdreg $0x60  }
0xae: {  	[dreg:$0x2] =	wrdreg s24  }
0xaf: {  	[dreg:$0x3] =	wrdreg $0x43000  }
0xb0: {  	[dreg:$0x4] =	wrdreg $0x9  }
0xb1: {  	_ =	task.clear_ibuf [dreg:s6], $0x5FFFF;
	_ =	strace $0x90000046  }
0xb2: {  	s29 =	simm.s32 $0x9;
	_ =	strace $0x80000048  }
0xb3: {  	_ =	swait.ge [sflag:s29], $0x1  }
0xb4: {  	[sflag:s29] =	ssyncadd.s32 $0xFFFFFFFF  }
0xb5: {  	_ =	strace $0x90000048  }
0xb6: {  	_ =	sfence  }
0xb7: {  	s30 =	sld [smem:$0x0];
	_ =	sdelay $0x2  }
0xb8: {  	s31 =	sshll.u32 s1, $0xD;
	s1 =	sshrl.u32 s1, $0x2  }
0xb9: {  	s3 =	sand.u32 $0x4000, s31;
	s1 =	sadd.s32 s1, s30  }
0xba: {  	s0 =	sor.u32 s3, s0;
	s1 =	sshll.u32 s1, $0x11  }
0xbb: {  	s0 =	sor.u32 s1, s0  }
0xbc: {  	s0 =	sadd.s32 $0x8F2B, s0  }
0xbd: {  	[sflag:s0] =	ssyncadd.remote.s32 $0x1  }
0xbe: {  	_ =	sfence.sel $0xFFFF  }
0xbf: {  	[dreg:$0x0] =	wrdreg $0xFFFFFFFF;
	(pc) =	sbr.abs _section_cstart, $3  }
0xc0: {  	[dreg:$0x1] =	wrdreg $0xFFFFFFFF  }
0xc1: {  	_ =	task.clear_ibuf [dreg:s6], $0x2FFFF;
	_ =	strace $0x9FFFFFFF  }
0xc2: {  	(tm) =	ssettm $0x7FFFFFFF  }
0xc3: {  	_ =	shalt  }
tec
execute0_lowered:
.L_overlay_start_1:
0x0: {  	(tag) =	ssettag $0x1  }
0x1: {  	s4 =	rddreg [dreg:$0x0]  }
0x2: {  	s2 =	rddreg [dreg:$0x1]  }
0x3: {  	s0 =	rddreg [dreg:$0x2]  }
0x4: {  	s5 =	srdreg.scid;
	s1 =	stileid.u32;
	s3 =	simm.s32 $0x0  }
0x5: {  	s11 =	simm.s32 $0x4000;
	s12 =	simm.s32 $0x0;
	s5 =	sand.u32 $0x1, s5  }
0x6: {  	s6 =	smul.u32 $0x278, s1;
	[smem:$0x7FF] =	sst s3;
	s10 =	sshll.u32 s1, $0xC  }
0x7: {  	s7 =	smul.u32 $0x2780, s5;
	s8 =	sshll.u32 s5, $0xB;
	s5 =	ssub.s32 $0x2, s5  }
0x8: {  	_ =	strace $0x80000047;
	s8 =	sadd.s32 s8, s4;
	s9 =	sshrl.u32 s5, $0x1  }
0x9: {  	s7 =	sadd.s32 s6, s7;
	s9 =	ssub.s32 s5, s9;
	s31 =	sadd.s32 s10, s8  }
0xa: {  	s8 =	simm.s32 $0x4080;
	s10 =	simm.s32 $0x50;
	s7 =	sshrl.u32 s7, $0x3  }
0xb: {  	s5 =	sadd.s32 $0x2800, s31;
	s7 =	sadd.s32 s7, s4;
	s4 =	sadd.s32 s6, s2  }
0xc: {  	v0 =	vimm.f32 $0.0e+00;
	v1 =	vimm.f32 $1.000000000e+00;
	s6 =	sadd.s32 $0x12800, s7;
	s7 =	smax.u32 s9, $0x1;
	s9 =	simm.s32 $0x1  }
.LBB2_1:
0xd: {  	[tilespmem:$0x4080] =	vst v0  }
0xe: {  	[tilespmem:$0x4090] =	vst v0  }
0xf: {  	[tilespmem:$0x40A0] =	vst v0  }
0x10: {  	[tilespmem:$0x40B0] =	vst v0  }
0x11: {  	[tilespmem:$0x40C0] =	vst v0  }
0x12: {  	[tilespmem:$0x40D0] =	vst v0  }
0x13: {  	[tilespmem:$0x40E0] =	vst v0  }
0x14: {  	[tilespmem:$0x40F0] =	vst v0  }
0x15: {  	[tilespmem:$0x4100] =	vst v0  }
0x16: {  	[tilespmem:$0x4110] =	vst v0  }
0x17: {  	[tilespmem:$0x4120] =	vst v0  }
0x18: {  	[tilespmem:$0x4130] =	vst v0  }
0x19: {  	[tilespmem:$0x4140] =	vst v0  }
0x1a: {  	[tilespmem:$0x4150] =	vst v0  }
0x1b: {  	[tilespmem:$0x4160] =	vst v0  }
0x1c: {  	[tilespmem:$0x4170] =	vst v0  }
0x1d: {  	[tilespmem:$0x4180] =	vst v0  }
0x1e: {  	[tilespmem:$0x4190] =	vst v0  }
0x1f: {  	[tilespmem:$0x41A0] =	vst v0  }
0x20: {  	[tilespmem:$0x41B0] =	vst v0  }
0x21: {  	[tilespmem:$0x41C0] =	vst v0  }
0x22: {  	[tilespmem:$0x41D0] =	vst v0  }
0x23: {  	[tilespmem:$0x41E0] =	vst v0  }
0x24: {  	[tilespmem:$0x41F0] =	vst v0  }
0x25: {  	[tilespmem:$0x4200] =	vst v0  }
0x26: {  	[tilespmem:$0x4210] =	vst v0  }
0x27: {  	[tilespmem:$0x4220] =	vst v0  }
0x28: {  	[tilespmem:$0x4230] =	vst v0  }
0x29: {  	[tilespmem:$0x4240] =	vst v0  }
0x2a: {  	[tilespmem:$0x4250] =	vst v0  }
0x2b: {  	[tilespmem:$0x4260] =	vst v0  }
0x2c: {  	[tilespmem:$0x4270] =	vst v0  }
0x2d: {  	[tilespmem:$0x4280] =	vst v0  }
0x2e: {  	[tilespmem:$0x4290] =	vst v0  }
0x2f: {  	[tilespmem:$0x42A0] =	vst v0  }
0x30: {  	[tilespmem:$0x42B0] =	vst v0  }
0x31: {  	[tilespmem:$0x42C0] =	vst v0  }
0x32: {  	[tilespmem:$0x42D0] =	vst v0  }
0x33: {  	[tilespmem:$0x42E0] =	vst v0  }
0x34: {  	[tilespmem:$0x42F0] =	vst v0  }
0x35: {  	[spmem:s4] =	stream.linear.scatter [tilespmem:s8], [sflag:$0x1], $0x278, $0x38;
	[tilespmem:$0x4578] =	vst v63  }
0x36: {  	_ =	swait.ge [sflag:s9], $0x278  }
0x37: {  	[sflag:s9] =	ssyncset.done $0x0  }
0x38: {  	[sflag:s9] =	ssyncadd.s32 $0xFFFFFD88  }
0x39: {  	[tilespmem:s3], [sflag:$0x1] =	stream.linear.gather [hbm4b:s5+s3], $0x3E80, $0x38;
	[tilespmem:$0x4578] =	vst v63  }
0x3a: {  	_ =	swait.ge [sflag:s9], $0x3E80  }
0x3b: {  	[sflag:s9] =	ssyncset.done $0x0  }
0x3c: {  	[sflag:s9] =	ssyncadd.s32 $0xFFFFC180  }
0x3d: {  	[tilespmem:$0x4000] =	vst v1  }
0x3e: {  	[tilespmem:$0x4010] =	vst v1  }
0x3f: {  	[tilespmem:$0x4020] =	vst v1  }
0x40: {  	[tilespmem:$0x4030] =	vst v1  }
0x41: {  	[tilespmem:$0x4040] =	vst v1  }
0x42: {  	s13 =	simm.s32 $0x0;
	[bflag:$0x0] =	sbarrier.arrive $0xFFFF  }
0x43: {  	[spmem:s2] =	stream.indirect.scatter.add.f32 [tilespmem:s11], [sflag:$0x1], $0x1, s13, s10, $0xb8;
	[tilespmem:$0x4578] =	vst v63  }
0x44: {  	_ =	swait.ge [sflag:s9], $0x50  }
0x45: {  	s13 =	simm.s32 $0x200;
	[sflag:s9] =	ssyncset.done $0x0  }
.LBB2_2:
0x46: {  	s14 =	sshra.s32 s13, $0x2;
	[sflag:s9] =	ssyncadd.s32 $0xFFFFFFB0;
	p0 =	sne.s32 s13, $0xF800  }
0x47: {  	[spmem:s2] =	stream.indirect.scatter.add.f32 [tilespmem:s11], [sflag:$0x1], $0x1, s14, s10, $0xb8;
	[tilespmem:$0x4578] =	vst v63  }
.Ltmp0:
0x48: {  	_ = 	snop;
	(pc) =	sbr.rel @p0 .LBB2_2-.Ltmp0, $4  }
0x49: {  	_ = 	snop  }
0x4a: {  	s13 =	sadd.s32 $0x200, s13  }
0x4b: {  	_ =	swait.ge [sflag:s9], $0x50  }
0x4c: {  	[sflag:s9] =	ssyncset.done $0x0  }
0x4d: {  	[sflag:s9] =	ssyncadd.s32 $0xFFFFFFB0  }
0x4e: {  	[bflag:$0x0] =	sbarrier.arrive $0xFFFF  }
0x4f: {  	[tilespmem:s8], [sflag:$0x1] =	stream.linear.gather [spmem:s4], $0x278, $0x38;
	[tilespmem:$0x4578] =	vst v63  }
0x50: {  	s12 =	sadd.s32 $0x1, s12;
	_ =	swait.ge [sflag:s9], $0x278  }
0x51: {  	p0 =	sne.s32 s12, s7;
	[sflag:s9] =	ssyncset.done $0x0  }
.Ltmp1:
0x52: {  	[sflag:s9] =	ssyncadd.s32 $0xFFFFFD88;
	(pc) =	sbr.rel @p0 .LBB2_1-.Ltmp1, $4  }
0x53: {  	[hbm4b:s6+s3] =	stream.linear.scatter [tilespmem:s8], [sflag:$0x1], $0x278, $0x38;
	[tilespmem:$0x4578] =	vst v63  }
0x54: {  	_ =	swait.ge [sflag:s9], $0x278  }
0x55: {  	[sflag:s9] =	ssyncset.done $0x0  }
0x56: {  	[sflag:s9] =	ssyncadd.s32 $0xFFFFFD88  }
0x57: {  	_ =	sfence.sel $0x180000  }
0x58: {  	[bflag:$0x0] =	sbarrier.arrive $0xFFFF  }
0x59: {  	p0 =	sne.s32 s1, $0x0;
	_ =	strace $0x90000047  }
0x5a: {  	s0 =	sadd.s32 @!p0 $0x100000, s0;
	[bflag:$0x2] =	sbarrier.arrive $0xFFFF  }
0x5b: {  	[sflag:s0] =	ssyncadd.tile.s32 @!p0 $0x1;
	_ =	shalt  }
.Lfunc_end2:
_tile_overlayer_lowered:
.L_overlay_start_2:
0x5c: {  	(tag) =	ssettag $0x2  }
0x5d: {  	s0 =	rddreg [dreg:$0x0];
	s2 =	stileid.u32  }
0x5e: {  	s1 =	rddreg [dreg:$0x1];
	p0 =	sne.s32 s2, $0x0  }
0x5f: {  	s3 =	rddreg [dreg:$0x2];
	[bflag:$0x3] =	sbarrier.arrive $0xFFFF;
	s2 =	simm.s32 @!p0 $0x1C01  }
0x60: {  	[timem:s3], [sflag:s2] =	dma.local @!p0 [hbm:s0], s1  }
0x61: {  	s0 =	simm.s32 @!p0 $0x1  }
0x62: {  	_ =	swait.ge @!p0 [sflag:s0], s1  }
0x63: {  	s1 =	ssub.s32 @!p0 $0x0, s1;
	[sflag:s0] =	ssyncset.done @!p0 $0x0  }
0x64: {  	[sflag:s0] =	ssyncadd.s32 @!p0 s1  }
0x65: {  	[bflag:$0x3] =	sbarrier.arrive $0xFFFF  }
0x66: {  	_ =	shalt  }

</sc_bundles>
